<compile_context>
chip_gen: v7x
topology: tpu7x:2x2x1
jax: 0.10.2.dev20260603
libtpu: 0.0.44.dev20260713+nightly
codegen_flags: <defaults>
</compile_context>

<pallas_src>
import functools

import jax
import jax.numpy as jnp
from jax import lax
from jax.experimental import pallas as pl
from jax.experimental.pallas import tpu as pltpu
from jax.experimental.pallas import tpu_sc as plsc

N = 10000
E = 320000
D = 128

NW = 32
NSUB = 16
EPW = E // NW
CH = 128
ECH = 128
NCHUNK = 80
EPW_PAD = NCHUNK * ECH
NCH_D = NCHUNK
GSC = 8
N_PAD = 10112
RPT = N_PAD // NSUB

_mesh = plsc.VectorSubcoreMesh(core_axis_name="c", subcore_axis_name="s")


@functools.partial(
    pl.kernel,
    mesh=_mesh,
    out_type=tuple(jax.ShapeDtypeStruct((N_PAD,), jnp.float32)
                   for _ in range(4)),
    scratch_types=[
        pltpu.VMEM((NCH_D, CH), jnp.int32),
        pltpu.VMEM((NCH_D, CH), jnp.int32),
        pltpu.VMEM((CH,), jnp.float32),
        pltpu.VMEM((RPT,), jnp.float32),
        pltpu.VMEM_SHARED((N_PAD,), jnp.float32),
        pltpu.VMEM_SHARED((N_PAD,), jnp.float32),
        pltpu.SemaphoreType.DMA,
    ],
)
def _deg_kernel(src_hbm, dst_hbm, ones_hbm, zrow_hbm,
                dego0_hbm, degi0_hbm, dego1_hbm, degi1_hbm,
                sidx, didx, ones_v, vbuf, dego, degi, dsem):
    c = lax.axis_index("c")
    s = lax.axis_index("s")
    wid = c * NSUB + s
    base = s * RPT
    pltpu.sync_copy(ones_hbm, ones_v)
    pltpu.sync_copy(zrow_hbm, vbuf)
    pltpu.sync_copy(vbuf, dego.at[pl.ds(base, RPT)])
    pltpu.sync_copy(vbuf, degi.at[pl.ds(base, RPT)])
    plsc.subcore_barrier()

    pltpu.sync_copy(src_hbm.at[wid], sidx)
    pltpu.sync_copy(dst_hbm.at[wid], didx)

    @pl.loop(0, NCH_D, step=4)
    def _(j0):
        hs = []
        for u in range(4):
            hs.append(pltpu.async_copy(ones_v, dego.at[sidx.at[j0 + u]],
                                       dsem, add=True))
            hs.append(pltpu.async_copy(ones_v, degi.at[didx.at[j0 + u]],
                                       dsem, add=True))
        for h in hs:
            h.wait()

    plsc.subcore_barrier()

    @pl.when(c == 0)
    def _():
        pltpu.sync_copy(dego.at[pl.ds(base, RPT)], vbuf)
        pltpu.sync_copy(vbuf, dego0_hbm.at[pl.ds(base, RPT)])
        pltpu.sync_copy(degi.at[pl.ds(base, RPT)], vbuf)
        pltpu.sync_copy(vbuf, degi0_hbm.at[pl.ds(base, RPT)])

    @pl.when(c == 1)
    def _():
        pltpu.sync_copy(dego.at[pl.ds(base, RPT)], vbuf)
        pltpu.sync_copy(vbuf, dego1_hbm.at[pl.ds(base, RPT)])
        pltpu.sync_copy(degi.at[pl.ds(base, RPT)], vbuf)
        pltpu.sync_copy(vbuf, degi1_hbm.at[pl.ds(base, RPT)])


@functools.partial(
    pl.kernel,
    mesh=_mesh,
    out_type=jax.ShapeDtypeStruct((2, N_PAD, D), jnp.float32),
    scratch_types=[
        pltpu.VMEM((GSC, ECH), jnp.int32),
        pltpu.VMEM((GSC, ECH), jnp.int32),
        pltpu.VMEM((2, ECH, D), jnp.float32),
        pltpu.VMEM_SHARED((N_PAD, D), jnp.float32),
        pltpu.SemaphoreType.DMA((2,)),
        pltpu.SemaphoreType.DMA((2,)),
        pltpu.SemaphoreType.DMA((2,)),
    ],
)
def _agg_kernel(h_hbm, src_hbm, dst_hbm, zrows_hbm, out_hbm,
                sidx, didx, rows, acc, gsem, ssem, xsem):
    c = lax.axis_index("c")
    s = lax.axis_index("s")
    wid = c * NSUB + s
    base = s * RPT
    pltpu.sync_copy(zrows_hbm, rows.at[0])
    zs = []
    for k in range(-(-RPT // ECH)):
        sz = min(ECH, RPT - k * ECH)
        zs.append(pltpu.async_copy(rows.at[0, pl.ds(0, sz)],
                                   acc.at[pl.ds(base + k * ECH, sz)],
                                   xsem.at[0]))
    for z in zs:
        z.wait()
    plsc.subcore_barrier()

    @pl.loop(0, NCHUNK, step=GSC)
    def _(j0):
        i0 = pltpu.async_copy(src_hbm.at[wid, pl.ds(j0, GSC)], sidx,
                              xsem.at[0])
        i1 = pltpu.async_copy(dst_hbm.at[wid, pl.ds(j0, GSC)], didx,
                              xsem.at[1])
        i0.wait()
        i1.wait()
        for v in range(GSC // 2):
            u0, u1 = 2 * v, 2 * v + 1
            g0 = pltpu.async_copy(h_hbm.at[sidx.at[u0]], rows.at[0],
                                  gsem.at[0])
            g1 = pltpu.async_copy(h_hbm.at[sidx.at[u1]], rows.at[1],
                                  gsem.at[1])
            g0.wait()
            s0 = pltpu.async_copy(rows.at[0], acc.at[didx.at[u0]],
                                  ssem.at[0], add=True)
            g1.wait()
            s1 = pltpu.async_copy(rows.at[1], acc.at[didx.at[u1]],
                                  ssem.at[1], add=True)
            s0.wait()
            s1.wait()

    plsc.subcore_barrier()
    for k in range(-(-RPT // ECH)):
        sz = min(ECH, RPT - k * ECH)
        pltpu.sync_copy(acc.at[pl.ds(base + k * ECH, sz)],
                        rows.at[0, pl.ds(0, sz)])
        pltpu.sync_copy(rows.at[0, pl.ds(0, sz)],
                        out_hbm.at[c, pl.ds(base + k * ECH, sz)])


def _norm_body(do0, di0, do1, di1, no_ref, ni_ref):
    no_ref[...] = lax.rsqrt(jnp.maximum(do0[...] + do1[...], 1.0))
    ni_ref[...] = lax.rsqrt(jnp.maximum(di0[...] + di1[...], 1.0))


_norm = pl.pallas_call(
    _norm_body,
    out_shape=(jax.ShapeDtypeStruct((N_PAD,), jnp.float32),
               jax.ShapeDtypeStruct((N_PAD,), jnp.float32)),
)


def _mm1_body(x_ref, w_ref, no_ref, o_ref):
    h = jnp.dot(x_ref[...], w_ref[...], preferred_element_type=jnp.float32)
    o_ref[...] = h * no_ref[...]


_mm1 = pl.pallas_call(
    _mm1_body,
    out_shape=jax.ShapeDtypeStruct((N_PAD, D), jnp.float32),
)


def _mm2_body(p_ref, ni_ref, b_ref, w_ref, no_ref, o_ref):
    x = (p_ref[0] + p_ref[1]) * ni_ref[...] + b_ref[...]
    h = jnp.dot(x, w_ref[...], preferred_element_type=jnp.float32)
    o_ref[...] = h * no_ref[...]


_mm2 = pl.pallas_call(
    _mm2_body,
    out_shape=jax.ShapeDtypeStruct((N_PAD, D), jnp.float32),
)


def _fin_body(p_ref, ni_ref, b_ref, o_ref):
    o_ref[...] = (p_ref[0] + p_ref[1]) * ni_ref[...] + b_ref[...]


_fin = pl.pallas_call(
    _fin_body,
    out_shape=jax.ShapeDtypeStruct((N_PAD, D), jnp.float32),
)


def kernel(feat, edge_index, W1, b1, W2, b2):
    src = edge_index[0]
    dst = edge_index[1]
    pad = EPW_PAD - EPW
    padv = jnp.broadcast_to(
        N + (jnp.arange(pad, dtype=jnp.int32) % (N_PAD - N)), (NW, pad))
    s3 = jnp.concatenate([src.reshape(NW, EPW), padv],
                         axis=1).reshape(NW, NCH_D, CH)
    d3 = jnp.concatenate([dst.reshape(NW, EPW), padv],
                         axis=1).reshape(NW, NCH_D, CH)
    ones_row = jnp.ones((CH,), jnp.float32)
    zrow = jnp.zeros((RPT,), jnp.float32)
    zrows = jnp.zeros((ECH, D), jnp.float32)
    featp = jnp.pad(feat, ((0, N_PAD - N), (0, 0)))

    do0, di0, do1, di1 = _deg_kernel(s3, d3, ones_row, zrow)
    no, ni = _norm(do0, di0, do1, di1)
    no = no.reshape(N_PAD, 1)
    ni = ni.reshape(N_PAD, 1)

    h1 = _mm1(featp, W1, no)
    p1 = _agg_kernel(h1, s3, d3, zrows)
    h2 = _mm2(p1, ni, b1.reshape(1, D), W2, no)
    p2 = _agg_kernel(h2, s3, d3, zrows)
    outp = _fin(p2, ni, b2.reshape(1, D))
    return outp[:N]

# --- scband reference (transcript-rebuilt; emitter-appended) ---
"""Pipeline reference for scband-gcn-28406913695763 (READ-ONLY COPY).

The authoritative reference and input builder live on the scoring server;
editing this copy changes nothing except your own understanding.
"""

import jax, jax.numpy as jnp
import numpy as np

N = 10000
E = 320000
D_IN = 128
D_H = 128
D_OUT = 128


def setup_inputs(seed: int = 0) -> dict:
    key = jax.random.key(seed)
    k1, k2, k3, k4, k5, k6 = jax.random.split(key, 6)
    feat = jax.random.normal(k1, (N, D_IN), dtype=jnp.float32)
    edge_index = jax.random.randint(k2, (2, E), 0, N, dtype=jnp.int32)
    W1 = jax.random.normal(k3, (D_IN, D_H), dtype=jnp.float32) * 0.05
    b1 = jnp.zeros((D_H,), dtype=jnp.float32)
    W2 = jax.random.normal(k4, (D_H, D_OUT), dtype=jnp.float32) * 0.05
    b2 = jnp.zeros((D_OUT,), dtype=jnp.float32)
    return {"feat": feat, "edge_index": edge_index, "W1": W1, "b1": b1, "W2": W2, "b2": b2}


def _graph_conv(x, src, dst, W, b):
    # DGL GraphConv with norm='both': h = D_dst^{-1/2} A (D_src^{-1/2} x) W + b
    ones = jnp.ones((src.shape[0],), dtype=jnp.float32)
    deg_out = jnp.zeros((N,), dtype=jnp.float32).at[src].add(ones)
    deg_in = jnp.zeros((N,), dtype=jnp.float32).at[dst].add(ones)
    norm_out = jnp.power(jnp.clip(deg_out, 1.0, None), -0.5)
    norm_in = jnp.power(jnp.clip(deg_in, 1.0, None), -0.5)
    h = x @ W                      # apply weight first (same math as DGL)
    h = h * norm_out[:, None]      # source-side normalization
    msg = h[src]                   # gather over edges
    agg = jnp.zeros((N, h.shape[1]), dtype=h.dtype).at[dst].add(msg)  # scatter-add
    out = agg * norm_in[:, None]   # dest-side normalization
    return out + b


def reference(feat, edge_index, W1, b1, W2, b2):
    src = edge_index[0]
    dst = edge_index[1]
    h = _graph_conv(feat, src, dst, W1, b1)
    out = _graph_conv(h, src, dst, W2, b2)
    return out

if __name__ == "__main__":
    import jax
    _d = setup_inputs()
    print(jax.jit(kernel)(*tuple(_d.values())))

</pallas_src>

<mosaic_0001>
#map = affine_map<(d0, d1) -> (0, 0, 0)>
#map1 = affine_map<(d0, d1) -> (0)>
module attributes {stable_mosaic.version = 14 : i64} {
  func.func @_deg_kernel(%arg0: i32, %arg1: i32, %arg2: memref<32x80x128xi32, #tpu.memory_space<hbm>>, %arg3: memref<32x80x128xi32, #tpu.memory_space<hbm>>, %arg4: memref<128xf32, #tpu.memory_space<hbm>>, %arg5: memref<632xf32, #tpu.memory_space<hbm>>, %arg6: memref<10112xf32, #tpu.memory_space<hbm>>, %arg7: memref<10112xf32, #tpu.memory_space<hbm>>, %arg8: memref<10112xf32, #tpu.memory_space<hbm>>, %arg9: memref<10112xf32, #tpu.memory_space<hbm>>, %arg10: memref<80x128xi32, #tpu.memory_space<vmem>>, %arg11: memref<80x128xi32, #tpu.memory_space<vmem>>, %arg12: memref<128xf32, #tpu.memory_space<vmem>>, %arg13: memref<632xf32, #tpu.memory_space<vmem>>, %arg14: memref<10112xf32, #tpu.memory_space<vmem_shared>>, %arg15: memref<10112xf32, #tpu.memory_space<vmem_shared>>, %arg16: memref<!tpu.dma_semaphore, #tpu.memory_space<semaphore_mem>>) attributes {dimension_semantics = [#tpu.dimension_semantics<core_parallel>, #tpu.dimension_semantics<subcore_parallel>], iteration_bounds = array<i64: 2, 16>, scalar_prefetch = 0 : i64, scratch_operands = 7 : i64, tpu.core_type = #tpu.core_type<sc_vector_subcore>, window_params = [{transform_indices = #map}, {transform_indices = #map}, {transform_indices = #map1}, {transform_indices = #map1}, {transform_indices = #map1}, {transform_indices = #map1}, {transform_indices = #map1}, {transform_indices = #map1}]} {
    %mul3A = arith.constant 16 : i32
    %mul3A_0 = arith.muli %arg0, %mul3A : i32
    %add3A = arith.addi %mul3A_0, %arg1 : i32
    %mul3A_1 = arith.constant 632 : i32
    %mul3A_2 = arith.muli %arg1, %mul3A_1 : i32
    "tpu.region"() ({
      %run_scoped3A = tpu.sem_alloc : memref<!tpu.dma_semaphore, #tpu.memory_space<semaphore_mem>>
      tpu.enqueue_dma source(%arg4 : memref<128xf32, #tpu.memory_space<hbm>>) target(%arg12 : memref<128xf32, #tpu.memory_space<vmem>>) target_semaphore(%run_scoped3A : memref<!tpu.dma_semaphore, #tpu.memory_space<semaphore_mem>>)
      tpu.wait_dma2 semaphore(%run_scoped3A : memref<!tpu.dma_semaphore, #tpu.memory_space<semaphore_mem>>) src(%arg4 : memref<128xf32, #tpu.memory_space<hbm>>) dst(%arg12 : memref<128xf32, #tpu.memory_space<vmem>>)
      tpu.yield
    }) : () -> ()
    "tpu.region"() ({
      %run_scoped3A = tpu.sem_alloc : memref<!tpu.dma_semaphore, #tpu.memory_space<semaphore_mem>>
      tpu.enqueue_dma source(%arg5 : memref<632xf32, #tpu.memory_space<hbm>>) target(%arg13 : memref<632xf32, #tpu.memory_space<vmem>>) target_semaphore(%run_scoped3A : memref<!tpu.dma_semaphore, #tpu.memory_space<semaphore_mem>>)
      tpu.wait_dma2 semaphore(%run_scoped3A : memref<!tpu.dma_semaphore, #tpu.memory_space<semaphore_mem>>) src(%arg5 : memref<632xf32, #tpu.memory_space<hbm>>) dst(%arg13 : memref<632xf32, #tpu.memory_space<vmem>>)
      tpu.yield
    }) : () -> ()
    "tpu.region"() ({
      %run_scoped3A = tpu.sem_alloc : memref<!tpu.dma_semaphore, #tpu.memory_space<semaphore_mem>>
      %dma_start3A = tpu.memref_slice %arg14[%mul3A_2] : memref<10112xf32, #tpu.memory_space<vmem_shared>> -> memref<632xf32, #tpu.memory_space<vmem_shared>>
      %dma_start3A_15 = tpu.memref_slice %arg14[%mul3A_2] : memref<10112xf32, #tpu.memory_space<vmem_shared>> -> memref<632xf32, #tpu.memory_space<vmem_shared>>
      tpu.enqueue_dma source(%arg13 : memref<632xf32, #tpu.memory_space<vmem>>) target(%dma_start3A_15 : memref<632xf32, #tpu.memory_space<vmem_shared>>) target_semaphore(%run_scoped3A : memref<!tpu.dma_semaphore, #tpu.memory_space<semaphore_mem>>)
      %dma_wait3A = tpu.memref_slice %arg14[%mul3A_2] : memref<10112xf32, #tpu.memory_space<vmem_shared>> -> memref<632xf32, #tpu.memory_space<vmem_shared>>
      %dma_wait3A_16 = tpu.memref_slice %arg14[%mul3A_2] : memref<10112xf32, #tpu.memory_space<vmem_shared>> -> memref<632xf32, #tpu.memory_space<vmem_shared>>
      tpu.wait_dma2 semaphore(%run_scoped3A : memref<!tpu.dma_semaphore, #tpu.memory_space<semaphore_mem>>) src(%arg13 : memref<632xf32, #tpu.memory_space<vmem>>) dst(%dma_wait3A_16 : memref<632xf32, #tpu.memory_space<vmem_shared>>)
      tpu.yield
    }) : () -> ()
    "tpu.region"() ({
      %run_scoped3A = tpu.sem_alloc : memref<!tpu.dma_semaphore, #tpu.memory_space<semaphore_mem>>
      %dma_start3A = tpu.memref_slice %arg15[%mul3A_2] : memref<10112xf32, #tpu.memory_space<vmem_shared>> -> memref<632xf32, #tpu.memory_space<vmem_shared>>
      %dma_start3A_15 = tpu.memref_slice %arg15[%mul3A_2] : memref<10112xf32, #tpu.memory_space<vmem_shared>> -> memref<632xf32, #tpu.memory_space<vmem_shared>>
      tpu.enqueue_dma source(%arg13 : memref<632xf32, #tpu.memory_space<vmem>>) target(%dma_start3A_15 : memref<632xf32, #tpu.memory_space<vmem_shared>>) target_semaphore(%run_scoped3A : memref<!tpu.dma_semaphore, #tpu.memory_space<semaphore_mem>>)
      %dma_wait3A = tpu.memref_slice %arg15[%mul3A_2] : memref<10112xf32, #tpu.memory_space<vmem_shared>> -> memref<632xf32, #tpu.memory_space<vmem_shared>>
      %dma_wait3A_16 = tpu.memref_slice %arg15[%mul3A_2] : memref<10112xf32, #tpu.memory_space<vmem_shared>> -> memref<632xf32, #tpu.memory_space<vmem_shared>>
      tpu.wait_dma2 semaphore(%run_scoped3A : memref<!tpu.dma_semaphore, #tpu.memory_space<semaphore_mem>>) src(%arg13 : memref<632xf32, #tpu.memory_space<vmem>>) dst(%dma_wait3A_16 : memref<632xf32, #tpu.memory_space<vmem_shared>>)
      tpu.yield
    }) : () -> ()
    %barrier3A = arith.constant 0 : index
    tpu.barrier barrier_id(%barrier3A)
    "tpu.region"() ({
      %run_scoped3A = tpu.sem_alloc : memref<!tpu.dma_semaphore, #tpu.memory_space<semaphore_mem>>
      %dma_start3A = arith.constant 0 : i32
      %dma_start3A_15 = arith.constant 0 : i32
      %dma_start3A_16 = tpu.memref_slice %arg2[%add3A, %dma_start3A, %dma_start3A_15] : memref<32x80x128xi32, #tpu.memory_space<hbm>> -> memref<1x80x128xi32, #tpu.memory_space<hbm>>
      %dma_start3A_17 = tpu.memref_squeeze %dma_start3A_16 : memref<1x80x128xi32, #tpu.memory_space<hbm>> -> memref<80x128xi32, #tpu.memory_space<hbm>>
      %dma_start3A_18 = arith.constant 0 : i32
      %dma_start3A_19 = arith.constant 0 : i32
      %dma_start3A_20 = tpu.memref_slice %arg2[%add3A, %dma_start3A_18, %dma_start3A_19] : memref<32x80x128xi32, #tpu.memory_space<hbm>> -> memref<1x80x128xi32, #tpu.memory_space<hbm>>
      %dma_start3A_21 = tpu.memref_squeeze %dma_start3A_20 : memref<1x80x128xi32, #tpu.memory_space<hbm>> -> memref<80x128xi32, #tpu.memory_space<hbm>>
      tpu.enqueue_dma source(%dma_start3A_21 : memref<80x128xi32, #tpu.memory_space<hbm>>) target(%arg10 : memref<80x128xi32, #tpu.memory_space<vmem>>) target_semaphore(%run_scoped3A : memref<!tpu.dma_semaphore, #tpu.memory_space<semaphore_mem>>)
      %dma_wait3A = arith.constant 0 : i32
      %dma_wait3A_22 = arith.constant 0 : i32
      %dma_wait3A_23 = tpu.memref_slice %arg2[%add3A, %dma_wait3A, %dma_wait3A_22] : memref<32x80x128xi32, #tpu.memory_space<hbm>> -> memref<1x80x128xi32, #tpu.memory_space<hbm>>
      %dma_wait3A_24 = tpu.memref_squeeze %dma_wait3A_23 : memref<1x80x128xi32, #tpu.memory_space<hbm>> -> memref<80x128xi32, #tpu.memory_space<hbm>>
      %dma_wait3A_25 = arith.constant 0 : i32
      %dma_wait3A_26 = arith.constant 0 : i32
      %dma_wait3A_27 = tpu.memref_slice %arg2[%add3A, %dma_wait3A_25, %dma_wait3A_26] : memref<32x80x128xi32, #tpu.memory_space<hbm>> -> memref<1x80x128xi32, #tpu.memory_space<hbm>>
      %dma_wait3A_28 = tpu.memref_squeeze %dma_wait3A_27 : memref<1x80x128xi32, #tpu.memory_space<hbm>> -> memref<80x128xi32, #tpu.memory_space<hbm>>
      tpu.wait_dma2 semaphore(%run_scoped3A : memref<!tpu.dma_semaphore, #tpu.memory_space<semaphore_mem>>) src(%dma_wait3A_28 : memref<80x128xi32, #tpu.memory_space<hbm>>) dst(%arg10 : memref<80x128xi32, #tpu.memory_space<vmem>>)
      tpu.yield
    }) : () -> ()
    "tpu.region"() ({
      %run_scoped3A = tpu.sem_alloc : memref<!tpu.dma_semaphore, #tpu.memory_space<semaphore_mem>>
      %dma_start3A = arith.constant 0 : i32
      %dma_start3A_15 = arith.constant 0 : i32
      %dma_start3A_16 = tpu.memref_slice %arg3[%add3A, %dma_start3A, %dma_start3A_15] : memref<32x80x128xi32, #tpu.memory_space<hbm>> -> memref<1x80x128xi32, #tpu.memory_space<hbm>>
      %dma_start3A_17 = tpu.memref_squeeze %dma_start3A_16 : memref<1x80x128xi32, #tpu.memory_space<hbm>> -> memref<80x128xi32, #tpu.memory_space<hbm>>
      %dma_start3A_18 = arith.constant 0 : i32
      %dma_start3A_19 = arith.constant 0 : i32
      %dma_start3A_20 = tpu.memref_slice %arg3[%add3A, %dma_start3A_18, %dma_start3A_19] : memref<32x80x128xi32, #tpu.memory_space<hbm>> -> memref<1x80x128xi32, #tpu.memory_space<hbm>>
      %dma_start3A_21 = tpu.memref_squeeze %dma_start3A_20 : memref<1x80x128xi32, #tpu.memory_space<hbm>> -> memref<80x128xi32, #tpu.memory_space<hbm>>
      tpu.enqueue_dma source(%dma_start3A_21 : memref<80x128xi32, #tpu.memory_space<hbm>>) target(%arg11 : memref<80x128xi32, #tpu.memory_space<vmem>>) target_semaphore(%run_scoped3A : memref<!tpu.dma_semaphore, #tpu.memory_space<semaphore_mem>>)
      %dma_wait3A = arith.constant 0 : i32
      %dma_wait3A_22 = arith.constant 0 : i32
      %dma_wait3A_23 = tpu.memref_slice %arg3[%add3A, %dma_wait3A, %dma_wait3A_22] : memref<32x80x128xi32, #tpu.memory_space<hbm>> -> memref<1x80x128xi32, #tpu.memory_space<hbm>>
      %dma_wait3A_24 = tpu.memref_squeeze %dma_wait3A_23 : memref<1x80x128xi32, #tpu.memory_space<hbm>> -> memref<80x128xi32, #tpu.memory_space<hbm>>
      %dma_wait3A_25 = arith.constant 0 : i32
      %dma_wait3A_26 = arith.constant 0 : i32
      %dma_wait3A_27 = tpu.memref_slice %arg3[%add3A, %dma_wait3A_25, %dma_wait3A_26] : memref<32x80x128xi32, #tpu.memory_space<hbm>> -> memref<1x80x128xi32, #tpu.memory_space<hbm>>
      %dma_wait3A_28 = tpu.memref_squeeze %dma_wait3A_27 : memref<1x80x128xi32, #tpu.memory_space<hbm>> -> memref<80x128xi32, #tpu.memory_space<hbm>>
      tpu.wait_dma2 semaphore(%run_scoped3A : memref<!tpu.dma_semaphore, #tpu.memory_space<semaphore_mem>>) src(%dma_wait3A_28 : memref<80x128xi32, #tpu.memory_space<hbm>>) dst(%arg11 : memref<80x128xi32, #tpu.memory_space<vmem>>)
      tpu.yield
    }) : () -> ()
    %scan3A = arith.constant 0 : i32
    %scan3A_3 = arith.constant 20 : i32
    %scan3A_4 = arith.addi %scan3A, %scan3A_3 : i32
    %scan3A_5 = arith.constant 1 : i32
    scf.for %scan3A_15 = %scan3A to %scan3A_4 step %scan3A_5  : i32 {
      %mul3A_16 = arith.constant 4 : i32
      %mul3A_17 = arith.muli %scan3A_15, %mul3A_16 : i32
      %add3A_18 = arith.constant 0 : i32
      %add3A_19 = arith.addi %add3A_18, %mul3A_17 : i32
      %add3A_20 = arith.constant 0 : i32
      %add3A_21 = arith.addi %add3A_19, %add3A_20 : i32
      %dma_start3A = arith.constant 0 : i32
      %dma_start3A_22 = tpu.memref_slice %arg10[%add3A_21, %dma_start3A] : memref<80x128xi32, #tpu.memory_space<vmem>> -> memref<1x128xi32, #tpu.memory_space<vmem>>
      %dma_start3A_23 = tpu.memref_squeeze %dma_start3A_22 : memref<1x128xi32, #tpu.memory_space<vmem>> -> memref<128xi32, #tpu.memory_space<vmem>>
      %dma_start3A_24 = arith.constant 0 : i32
      %dma_start3A_25 = tpu.memref_slice %arg14[%dma_start3A_24] : memref<10112xf32, #tpu.memory_space<vmem_shared>> -> memref<10112xf32, #tpu.memory_space<vmem_shared>>
      tpu.enqueue_indirect_dma source(%arg12 : memref<128xf32, #tpu.memory_space<vmem>>) target(%dma_start3A_25 : memref<10112xf32, #tpu.memory_space<vmem_shared>>) offsets(%dma_start3A_23 : memref<128xi32, #tpu.memory_space<vmem>>) semaphore(%arg16 : memref<!tpu.dma_semaphore, #tpu.memory_space<semaphore_mem>>) {add = true}
      %add3A_26 = arith.constant 0 : i32
      %add3A_27 = arith.addi %add3A_19, %add3A_26 : i32
      %dma_start3A_28 = arith.constant 0 : i32
      %dma_start3A_29 = tpu.memref_slice %arg11[%add3A_27, %dma_start3A_28] : memref<80x128xi32, #tpu.memory_space<vmem>> -> memref<1x128xi32, #tpu.memory_space<vmem>>
      %dma_start3A_30 = tpu.memref_squeeze %dma_start3A_29 : memref<1x128xi32, #tpu.memory_space<vmem>> -> memref<128xi32, #tpu.memory_space<vmem>>
      %dma_start3A_31 = arith.constant 0 : i32
      %dma_start3A_32 = tpu.memref_slice %arg15[%dma_start3A_31] : memref<10112xf32, #tpu.memory_space<vmem_shared>> -> memref<10112xf32, #tpu.memory_space<vmem_shared>>
      tpu.enqueue_indirect_dma source(%arg12 : memref<128xf32, #tpu.memory_space<vmem>>) target(%dma_start3A_32 : memref<10112xf32, #tpu.memory_space<vmem_shared>>) offsets(%dma_start3A_30 : memref<128xi32, #tpu.memory_space<vmem>>) semaphore(%arg16 : memref<!tpu.dma_semaphore, #tpu.memory_space<semaphore_mem>>) {add = true}
      %add3A_33 = arith.constant 1 : i32
      %add3A_34 = arith.addi %add3A_19, %add3A_33 : i32
      %dma_start3A_35 = arith.constant 0 : i32
      %dma_start3A_36 = tpu.memref_slice %arg10[%add3A_34, %dma_start3A_35] : memref<80x128xi32, #tpu.memory_space<vmem>> -> memref<1x128xi32, #tpu.memory_space<vmem>>
      %dma_start3A_37 = tpu.memref_squeeze %dma_start3A_36 : memref<1x128xi32, #tpu.memory_space<vmem>> -> memref<128xi32, #tpu.memory_space<vmem>>
      %dma_start3A_38 = arith.constant 0 : i32
      %dma_start3A_39 = tpu.memref_slice %arg14[%dma_start3A_38] : memref<10112xf32, #tpu.memory_space<vmem_shared>> -> memref<10112xf32, #tpu.memory_space<vmem_shared>>
      tpu.enqueue_indirect_dma source(%arg12 : memref<128xf32, #tpu.memory_space<vmem>>) target(%dma_start3A_39 : memref<10112xf32, #tpu.memory_space<vmem_shared>>) offsets(%dma_start3A_37 : memref<128xi32, #tpu.memory_space<vmem>>) semaphore(%arg16 : memref<!tpu.dma_semaphore, #tpu.memory_space<semaphore_mem>>) {add = true}
      %add3A_40 = arith.constant 1 : i32
      %add3A_41 = arith.addi %add3A_19, %add3A_40 : i32
      %dma_start3A_42 = arith.constant 0 : i32
      %dma_start3A_43 = tpu.memref_slice %arg11[%add3A_41, %dma_start3A_42] : memref<80x128xi32, #tpu.memory_space<vmem>> -> memref<1x128xi32, #tpu.memory_space<vmem>>
      %dma_start3A_44 = tpu.memref_squeeze %dma_start3A_43 : memref<1x128xi32, #tpu.memory_space<vmem>> -> memref<128xi32, #tpu.memory_space<vmem>>
      %dma_start3A_45 = arith.constant 0 : i32
      %dma_start3A_46 = tpu.memref_slice %arg15[%dma_start3A_45] : memref<10112xf32, #tpu.memory_space<vmem_shared>> -> memref<10112xf32, #tpu.memory_space<vmem_shared>>
      tpu.enqueue_indirect_dma source(%arg12 : memref<128xf32, #tpu.memory_space<vmem>>) target(%dma_start3A_46 : memref<10112xf32, #tpu.memory_space<vmem_shared>>) offsets(%dma_start3A_44 : memref<128xi32, #tpu.memory_space<vmem>>) semaphore(%arg16 : memref<!tpu.dma_semaphore, #tpu.memory_space<semaphore_mem>>) {add = true}
      %add3A_47 = arith.constant 2 : i32
      %add3A_48 = arith.addi %add3A_19, %add3A_47 : i32
      %dma_start3A_49 = arith.constant 0 : i32
      %dma_start3A_50 = tpu.memref_slice %arg10[%add3A_48, %dma_start3A_49] : memref<80x128xi32, #tpu.memory_space<vmem>> -> memref<1x128xi32, #tpu.memory_space<vmem>>
      %dma_start3A_51 = tpu.memref_squeeze %dma_start3A_50 : memref<1x128xi32, #tpu.memory_space<vmem>> -> memref<128xi32, #tpu.memory_space<vmem>>
      %dma_start3A_52 = arith.constant 0 : i32
      %dma_start3A_53 = tpu.memref_slice %arg14[%dma_start3A_52] : memref<10112xf32, #tpu.memory_space<vmem_shared>> -> memref<10112xf32, #tpu.memory_space<vmem_shared>>
      tpu.enqueue_indirect_dma source(%arg12 : memref<128xf32, #tpu.memory_space<vmem>>) target(%dma_start3A_53 : memref<10112xf32, #tpu.memory_space<vmem_shared>>) offsets(%dma_start3A_51 : memref<128xi32, #tpu.memory_space<vmem>>) semaphore(%arg16 : memref<!tpu.dma_semaphore, #tpu.memory_space<semaphore_mem>>) {add = true}
      %add3A_54 = arith.constant 2 : i32
      %add3A_55 = arith.addi %add3A_19, %add3A_54 : i32
      %dma_start3A_56 = arith.constant 0 : i32
      %dma_start3A_57 = tpu.memref_slice %arg11[%add3A_55, %dma_start3A_56] : memref<80x128xi32, #tpu.memory_space<vmem>> -> memref<1x128xi32, #tpu.memory_space<vmem>>
      %dma_start3A_58 = tpu.memref_squeeze %dma_start3A_57 : memref<1x128xi32, #tpu.memory_space<vmem>> -> memref<128xi32, #tpu.memory_space<vmem>>
      %dma_start3A_59 = arith.constant 0 : i32
      %dma_start3A_60 = tpu.memref_slice %arg15[%dma_start3A_59] : memref<10112xf32, #tpu.memory_space<vmem_shared>> -> memref<10112xf32, #tpu.memory_space<vmem_shared>>
      tpu.enqueue_indirect_dma source(%arg12 : memref<128xf32, #tpu.memory_space<vmem>>) target(%dma_start3A_60 : memref<10112xf32, #tpu.memory_space<vmem_shared>>) offsets(%dma_start3A_58 : memref<128xi32, #tpu.memory_space<vmem>>) semaphore(%arg16 : memref<!tpu.dma_semaphore, #tpu.memory_space<semaphore_mem>>) {add = true}
      %add3A_61 = arith.constant 3 : i32
      %add3A_62 = arith.addi %add3A_19, %add3A_61 : i32
      %dma_start3A_63 = arith.constant 0 : i32
      %dma_start3A_64 = tpu.memref_slice %arg10[%add3A_62, %dma_start3A_63] : memref<80x128xi32, #tpu.memory_space<vmem>> -> memref<1x128xi32, #tpu.memory_space<vmem>>
      %dma_start3A_65 = tpu.memref_squeeze %dma_start3A_64 : memref<1x128xi32, #tpu.memory_space<vmem>> -> memref<128xi32, #tpu.memory_space<vmem>>
      %dma_start3A_66 = arith.constant 0 : i32
      %dma_start3A_67 = tpu.memref_slice %arg14[%dma_start3A_66] : memref<10112xf32, #tpu.memory_space<vmem_shared>> -> memref<10112xf32, #tpu.memory_space<vmem_shared>>
      tpu.enqueue_indirect_dma source(%arg12 : memref<128xf32, #tpu.memory_space<vmem>>) target(%dma_start3A_67 : memref<10112xf32, #tpu.memory_space<vmem_shared>>) offsets(%dma_start3A_65 : memref<128xi32, #tpu.memory_space<vmem>>) semaphore(%arg16 : memref<!tpu.dma_semaphore, #tpu.memory_space<semaphore_mem>>) {add = true}
      %add3A_68 = arith.constant 3 : i32
      %add3A_69 = arith.addi %add3A_19, %add3A_68 : i32
      %dma_start3A_70 = arith.constant 0 : i32
      %dma_start3A_71 = tpu.memref_slice %arg11[%add3A_69, %dma_start3A_70] : memref<80x128xi32, #tpu.memory_space<vmem>> -> memref<1x128xi32, #tpu.memory_space<vmem>>
      %dma_start3A_72 = tpu.memref_squeeze %dma_start3A_71 : memref<1x128xi32, #tpu.memory_space<vmem>> -> memref<128xi32, #tpu.memory_space<vmem>>
      %dma_start3A_73 = arith.constant 0 : i32
      %dma_start3A_74 = tpu.memref_slice %arg15[%dma_start3A_73] : memref<10112xf32, #tpu.memory_space<vmem_shared>> -> memref<10112xf32, #tpu.memory_space<vmem_shared>>
      tpu.enqueue_indirect_dma source(%arg12 : memref<128xf32, #tpu.memory_space<vmem>>) target(%dma_start3A_74 : memref<10112xf32, #tpu.memory_space<vmem_shared>>) offsets(%dma_start3A_72 : memref<128xi32, #tpu.memory_space<vmem>>) semaphore(%arg16 : memref<!tpu.dma_semaphore, #tpu.memory_space<semaphore_mem>>) {add = true}
      %dma_wait3A = arith.constant 0 : i32
      %dma_wait3A_75 = tpu.memref_slice %arg10[%add3A_21, %dma_wait3A] : memref<80x128xi32, #tpu.memory_space<vmem>> -> memref<1x128xi32, #tpu.memory_space<vmem>>
      %dma_wait3A_76 = tpu.memref_squeeze %dma_wait3A_75 : memref<1x128xi32, #tpu.memory_space<vmem>> -> memref<128xi32, #tpu.memory_space<vmem>>
      %dma_wait3A_77 = arith.constant 0 : i32
      %dma_wait3A_78 = tpu.memref_slice %arg14[%dma_wait3A_77] : memref<10112xf32, #tpu.memory_space<vmem_shared>> -> memref<10112xf32, #tpu.memory_space<vmem_shared>>
      tpu.wait_indirect_dma semaphore(%arg16 : memref<!tpu.dma_semaphore, #tpu.memory_space<semaphore_mem>>) src(%arg12 : memref<128xf32, #tpu.memory_space<vmem>>) dst(%dma_wait3A_78 : memref<10112xf32, #tpu.memory_space<vmem_shared>>)
      %dma_wait3A_79 = arith.constant 0 : i32
      %dma_wait3A_80 = tpu.memref_slice %arg11[%add3A_27, %dma_wait3A_79] : memref<80x128xi32, #tpu.memory_space<vmem>> -> memref<1x128xi32, #tpu.memory_space<vmem>>
      %dma_wait3A_81 = tpu.memref_squeeze %dma_wait3A_80 : memref<1x128xi32, #tpu.memory_space<vmem>> -> memref<128xi32, #tpu.memory_space<vmem>>
      %dma_wait3A_82 = arith.constant 0 : i32
      %dma_wait3A_83 = tpu.memref_slice %arg15[%dma_wait3A_82] : memref<10112xf32, #tpu.memory_space<vmem_shared>> -> memref<10112xf32, #tpu.memory_space<vmem_shared>>
      tpu.wait_indirect_dma semaphore(%arg16 : memref<!tpu.dma_semaphore, #tpu.memory_space<semaphore_mem>>) src(%arg12 : memref<128xf32, #tpu.memory_space<vmem>>) dst(%dma_wait3A_83 : memref<10112xf32, #tpu.memory_space<vmem_shared>>)
      %dma_wait3A_84 = arith.constant 0 : i32
      %dma_wait3A_85 = tpu.memref_slice %arg10[%add3A_34, %dma_wait3A_84] : memref<80x128xi32, #tpu.memory_space<vmem>> -> memref<1x128xi32, #tpu.memory_space<vmem>>
      %dma_wait3A_86 = tpu.memref_squeeze %dma_wait3A_85 : memref<1x128xi32, #tpu.memory_space<vmem>> -> memref<128xi32, #tpu.memory_space<vmem>>
      %dma_wait3A_87 = arith.constant 0 : i32
      %dma_wait3A_88 = tpu.memref_slice %arg14[%dma_wait3A_87] : memref<10112xf32, #tpu.memory_space<vmem_shared>> -> memref<10112xf32, #tpu.memory_space<vmem_shared>>
      tpu.wait_indirect_dma semaphore(%arg16 : memref<!tpu.dma_semaphore, #tpu.memory_space<semaphore_mem>>) src(%arg12 : memref<128xf32, #tpu.memory_space<vmem>>) dst(%dma_wait3A_88 : memref<10112xf32, #tpu.memory_space<vmem_shared>>)
      %dma_wait3A_89 = arith.constant 0 : i32
      %dma_wait3A_90 = tpu.memref_slice %arg11[%add3A_41, %dma_wait3A_89] : memref<80x128xi32, #tpu.memory_space<vmem>> -> memref<1x128xi32, #tpu.memory_space<vmem>>
      %dma_wait3A_91 = tpu.memref_squeeze %dma_wait3A_90 : memref<1x128xi32, #tpu.memory_space<vmem>> -> memref<128xi32, #tpu.memory_space<vmem>>
      %dma_wait3A_92 = arith.constant 0 : i32
      %dma_wait3A_93 = tpu.memref_slice %arg15[%dma_wait3A_92] : memref<10112xf32, #tpu.memory_space<vmem_shared>> -> memref<10112xf32, #tpu.memory_space<vmem_shared>>
      tpu.wait_indirect_dma semaphore(%arg16 : memref<!tpu.dma_semaphore, #tpu.memory_space<semaphore_mem>>) src(%arg12 : memref<128xf32, #tpu.memory_space<vmem>>) dst(%dma_wait3A_93 : memref<10112xf32, #tpu.memory_space<vmem_shared>>)
      %dma_wait3A_94 = arith.constant 0 : i32
      %dma_wait3A_95 = tpu.memref_slice %arg10[%add3A_48, %dma_wait3A_94] : memref<80x128xi32, #tpu.memory_space<vmem>> -> memref<1x128xi32, #tpu.memory_space<vmem>>
      %dma_wait3A_96 = tpu.memref_squeeze %dma_wait3A_95 : memref<1x128xi32, #tpu.memory_space<vmem>> -> memref<128xi32, #tpu.memory_space<vmem>>
      %dma_wait3A_97 = arith.constant 0 : i32
      %dma_wait3A_98 = tpu.memref_slice %arg14[%dma_wait3A_97] : memref<10112xf32, #tpu.memory_space<vmem_shared>> -> memref<10112xf32, #tpu.memory_space<vmem_shared>>
      tpu.wait_indirect_dma semaphore(%arg16 : memref<!tpu.dma_semaphore, #tpu.memory_space<semaphore_mem>>) src(%arg12 : memref<128xf32, #tpu.memory_space<vmem>>) dst(%dma_wait3A_98 : memref<10112xf32, #tpu.memory_space<vmem_shared>>)
      %dma_wait3A_99 = arith.constant 0 : i32
      %dma_wait3A_100 = tpu.memref_slice %arg11[%add3A_55, %dma_wait3A_99] : memref<80x128xi32, #tpu.memory_space<vmem>> -> memref<1x128xi32, #tpu.memory_space<vmem>>
      %dma_wait3A_101 = tpu.memref_squeeze %dma_wait3A_100 : memref<1x128xi32, #tpu.memory_space<vmem>> -> memref<128xi32, #tpu.memory_space<vmem>>
      %dma_wait3A_102 = arith.constant 0 : i32
      %dma_wait3A_103 = tpu.memref_slice %arg15[%dma_wait3A_102] : memref<10112xf32, #tpu.memory_space<vmem_shared>> -> memref<10112xf32, #tpu.memory_space<vmem_shared>>
      tpu.wait_indirect_dma semaphore(%arg16 : memref<!tpu.dma_semaphore, #tpu.memory_space<semaphore_mem>>) src(%arg12 : memref<128xf32, #tpu.memory_space<vmem>>) dst(%dma_wait3A_103 : memref<10112xf32, #tpu.memory_space<vmem_shared>>)
      %dma_wait3A_104 = arith.constant 0 : i32
      %dma_wait3A_105 = tpu.memref_slice %arg10[%add3A_62, %dma_wait3A_104] : memref<80x128xi32, #tpu.memory_space<vmem>> -> memref<1x128xi32, #tpu.memory_space<vmem>>
      %dma_wait3A_106 = tpu.memref_squeeze %dma_wait3A_105 : memref<1x128xi32, #tpu.memory_space<vmem>> -> memref<128xi32, #tpu.memory_space<vmem>>
      %dma_wait3A_107 = arith.constant 0 : i32
      %dma_wait3A_108 = tpu.memref_slice %arg14[%dma_wait3A_107] : memref<10112xf32, #tpu.memory_space<vmem_shared>> -> memref<10112xf32, #tpu.memory_space<vmem_shared>>
      tpu.wait_indirect_dma semaphore(%arg16 : memref<!tpu.dma_semaphore, #tpu.memory_space<semaphore_mem>>) src(%arg12 : memref<128xf32, #tpu.memory_space<vmem>>) dst(%dma_wait3A_108 : memref<10112xf32, #tpu.memory_space<vmem_shared>>)
      %dma_wait3A_109 = arith.constant 0 : i32
      %dma_wait3A_110 = tpu.memref_slice %arg11[%add3A_69, %dma_wait3A_109] : memref<80x128xi32, #tpu.memory_space<vmem>> -> memref<1x128xi32, #tpu.memory_space<vmem>>
      %dma_wait3A_111 = tpu.memref_squeeze %dma_wait3A_110 : memref<1x128xi32, #tpu.memory_space<vmem>> -> memref<128xi32, #tpu.memory_space<vmem>>
      %dma_wait3A_112 = arith.constant 0 : i32
      %dma_wait3A_113 = tpu.memref_slice %arg15[%dma_wait3A_112] : memref<10112xf32, #tpu.memory_space<vmem_shared>> -> memref<10112xf32, #tpu.memory_space<vmem_shared>>
      tpu.wait_indirect_dma semaphore(%arg16 : memref<!tpu.dma_semaphore, #tpu.memory_space<semaphore_mem>>) src(%arg12 : memref<128xf32, #tpu.memory_space<vmem>>) dst(%dma_wait3A_113 : memref<10112xf32, #tpu.memory_space<vmem_shared>>)
    }
    %scan3A_6 = arith.constant 20 : i32
    %barrier3A_7 = arith.constant 0 : index
    tpu.barrier barrier_id(%barrier3A_7)
    %eq3A = arith.constant 0 : i32
    %eq3A_8 = arith.cmpi eq, %arg0, %eq3A : i32
    %convert_element_type3A = arith.extui %eq3A_8 : i1 to i32
    %cond3A = arith.constant 0 : i32
    %cond3A_9 = arith.cmpi ne, %convert_element_type3A, %cond3A : i32
    scf.if %cond3A_9 {
      "tpu.region"() ({
        %run_scoped3A = tpu.sem_alloc : memref<!tpu.dma_semaphore, #tpu.memory_space<semaphore_mem>>
        %dma_start3A = tpu.memref_slice %arg14[%mul3A_2] : memref<10112xf32, #tpu.memory_space<vmem_shared>> -> memref<632xf32, #tpu.memory_space<vmem_shared>>
        %dma_start3A_15 = tpu.memref_slice %arg14[%mul3A_2] : memref<10112xf32, #tpu.memory_space<vmem_shared>> -> memref<632xf32, #tpu.memory_space<vmem_shared>>
        tpu.enqueue_dma source(%dma_start3A_15 : memref<632xf32, #tpu.memory_space<vmem_shared>>) target(%arg13 : memref<632xf32, #tpu.memory_space<vmem>>) target_semaphore(%run_scoped3A : memref<!tpu.dma_semaphore, #tpu.memory_space<semaphore_mem>>)
        %dma_wait3A = tpu.memref_slice %arg14[%mul3A_2] : memref<10112xf32, #tpu.memory_space<vmem_shared>> -> memref<632xf32, #tpu.memory_space<vmem_shared>>
        %dma_wait3A_16 = tpu.memref_slice %arg14[%mul3A_2] : memref<10112xf32, #tpu.memory_space<vmem_shared>> -> memref<632xf32, #tpu.memory_space<vmem_shared>>
        tpu.wait_dma2 semaphore(%run_scoped3A : memref<!tpu.dma_semaphore, #tpu.memory_space<semaphore_mem>>) src(%dma_wait3A_16 : memref<632xf32, #tpu.memory_space<vmem_shared>>) dst(%arg13 : memref<632xf32, #tpu.memory_space<vmem>>)
        tpu.yield
      }) : () -> ()
      "tpu.region"() ({
        %run_scoped3A = tpu.sem_alloc : memref<!tpu.dma_semaphore, #tpu.memory_space<semaphore_mem>>
        %dma_start3A = tpu.memref_slice %arg6[%mul3A_2] : memref<10112xf32, #tpu.memory_space<hbm>> -> memref<632xf32, #tpu.memory_space<hbm>>
        %dma_start3A_15 = tpu.memref_slice %arg6[%mul3A_2] : memref<10112xf32, #tpu.memory_space<hbm>> -> memref<632xf32, #tpu.memory_space<hbm>>
        tpu.enqueue_dma source(%arg13 : memref<632xf32, #tpu.memory_space<vmem>>) target(%dma_start3A_15 : memref<632xf32, #tpu.memory_space<hbm>>) target_semaphore(%run_scoped3A : memref<!tpu.dma_semaphore, #tpu.memory_space<semaphore_mem>>)
        %dma_wait3A = tpu.memref_slice %arg6[%mul3A_2] : memref<10112xf32, #tpu.memory_space<hbm>> -> memref<632xf32, #tpu.memory_space<hbm>>
        %dma_wait3A_16 = tpu.memref_slice %arg6[%mul3A_2] : memref<10112xf32, #tpu.memory_space<hbm>> -> memref<632xf32, #tpu.memory_space<hbm>>
        tpu.wait_dma2 semaphore(%run_scoped3A : memref<!tpu.dma_semaphore, #tpu.memory_space<semaphore_mem>>) src(%arg13 : memref<632xf32, #tpu.memory_space<vmem>>) dst(%dma_wait3A_16 : memref<632xf32, #tpu.memory_space<hbm>>)
        tpu.yield
      }) : () -> ()
      "tpu.region"() ({
        %run_scoped3A = tpu.sem_alloc : memref<!tpu.dma_semaphore, #tpu.memory_space<semaphore_mem>>
        %dma_start3A = tpu.memref_slice %arg15[%mul3A_2] : memref<10112xf32, #tpu.memory_space<vmem_shared>> -> memref<632xf32, #tpu.memory_space<vmem_shared>>
        %dma_start3A_15 = tpu.memref_slice %arg15[%mul3A_2] : memref<10112xf32, #tpu.memory_space<vmem_shared>> -> memref<632xf32, #tpu.memory_space<vmem_shared>>
        tpu.enqueue_dma source(%dma_start3A_15 : memref<632xf32, #tpu.memory_space<vmem_shared>>) target(%arg13 : memref<632xf32, #tpu.memory_space<vmem>>) target_semaphore(%run_scoped3A : memref<!tpu.dma_semaphore, #tpu.memory_space<semaphore_mem>>)
        %dma_wait3A = tpu.memref_slice %arg15[%mul3A_2] : memref<10112xf32, #tpu.memory_space<vmem_shared>> -> memref<632xf32, #tpu.memory_space<vmem_shared>>
        %dma_wait3A_16 = tpu.memref_slice %arg15[%mul3A_2] : memref<10112xf32, #tpu.memory_space<vmem_shared>> -> memref<632xf32, #tpu.memory_space<vmem_shared>>
        tpu.wait_dma2 semaphore(%run_scoped3A : memref<!tpu.dma_semaphore, #tpu.memory_space<semaphore_mem>>) src(%dma_wait3A_16 : memref<632xf32, #tpu.memory_space<vmem_shared>>) dst(%arg13 : memref<632xf32, #tpu.memory_space<vmem>>)
        tpu.yield
      }) : () -> ()
      "tpu.region"() ({
        %run_scoped3A = tpu.sem_alloc : memref<!tpu.dma_semaphore, #tpu.memory_space<semaphore_mem>>
        %dma_start3A = tpu.memref_slice %arg7[%mul3A_2] : memref<10112xf32, #tpu.memory_space<hbm>> -> memref<632xf32, #tpu.memory_space<hbm>>
        %dma_start3A_15 = tpu.memref_slice %arg7[%mul3A_2] : memref<10112xf32, #tpu.memory_space<hbm>> -> memref<632xf32, #tpu.memory_space<hbm>>
        tpu.enqueue_dma source(%arg13 : memref<632xf32, #tpu.memory_space<vmem>>) target(%dma_start3A_15 : memref<632xf32, #tpu.memory_space<hbm>>) target_semaphore(%run_scoped3A : memref<!tpu.dma_semaphore, #tpu.memory_space<semaphore_mem>>)
        %dma_wait3A = tpu.memref_slice %arg7[%mul3A_2] : memref<10112xf32, #tpu.memory_space<hbm>> -> memref<632xf32, #tpu.memory_space<hbm>>
        %dma_wait3A_16 = tpu.memref_slice %arg7[%mul3A_2] : memref<10112xf32, #tpu.memory_space<hbm>> -> memref<632xf32, #tpu.memory_space<hbm>>
        tpu.wait_dma2 semaphore(%run_scoped3A : memref<!tpu.dma_semaphore, #tpu.memory_space<semaphore_mem>>) src(%arg13 : memref<632xf32, #tpu.memory_space<vmem>>) dst(%dma_wait3A_16 : memref<632xf32, #tpu.memory_space<hbm>>)
        tpu.yield
      }) : () -> ()
    } else {
    }
    %eq3A_10 = arith.constant 1 : i32
    %eq3A_11 = arith.cmpi eq, %arg0, %eq3A_10 : i32
    %convert_element_type3A_12 = arith.extui %eq3A_11 : i1 to i32
    %cond3A_13 = arith.constant 0 : i32
    %cond3A_14 = arith.cmpi ne, %convert_element_type3A_12, %cond3A_13 : i32
    scf.if %cond3A_14 {
      "tpu.region"() ({
        %run_scoped3A = tpu.sem_alloc : memref<!tpu.dma_semaphore, #tpu.memory_space<semaphore_mem>>
        %dma_start3A = tpu.memref_slice %arg14[%mul3A_2] : memref<10112xf32, #tpu.memory_space<vmem_shared>> -> memref<632xf32, #tpu.memory_space<vmem_shared>>
        %dma_start3A_15 = tpu.memref_slice %arg14[%mul3A_2] : memref<10112xf32, #tpu.memory_space<vmem_shared>> -> memref<632xf32, #tpu.memory_space<vmem_shared>>
        tpu.enqueue_dma source(%dma_start3A_15 : memref<632xf32, #tpu.memory_space<vmem_shared>>) target(%arg13 : memref<632xf32, #tpu.memory_space<vmem>>) target_semaphore(%run_scoped3A : memref<!tpu.dma_semaphore, #tpu.memory_space<semaphore_mem>>)
        %dma_wait3A = tpu.memref_slice %arg14[%mul3A_2] : memref<10112xf32, #tpu.memory_space<vmem_shared>> -> memref<632xf32, #tpu.memory_space<vmem_shared>>
        %dma_wait3A_16 = tpu.memref_slice %arg14[%mul3A_2] : memref<10112xf32, #tpu.memory_space<vmem_shared>> -> memref<632xf32, #tpu.memory_space<vmem_shared>>
        tpu.wait_dma2 semaphore(%run_scoped3A : memref<!tpu.dma_semaphore, #tpu.memory_space<semaphore_mem>>) src(%dma_wait3A_16 : memref<632xf32, #tpu.memory_space<vmem_shared>>) dst(%arg13 : memref<632xf32, #tpu.memory_space<vmem>>)
        tpu.yield
      }) : () -> ()
      "tpu.region"() ({
        %run_scoped3A = tpu.sem_alloc : memref<!tpu.dma_semaphore, #tpu.memory_space<semaphore_mem>>
        %dma_start3A = tpu.memref_slice %arg8[%mul3A_2] : memref<10112xf32, #tpu.memory_space<hbm>> -> memref<632xf32, #tpu.memory_space<hbm>>
        %dma_start3A_15 = tpu.memref_slice %arg8[%mul3A_2] : memref<10112xf32, #tpu.memory_space<hbm>> -> memref<632xf32, #tpu.memory_space<hbm>>
        tpu.enqueue_dma source(%arg13 : memref<632xf32, #tpu.memory_space<vmem>>) target(%dma_start3A_15 : memref<632xf32, #tpu.memory_space<hbm>>) target_semaphore(%run_scoped3A : memref<!tpu.dma_semaphore, #tpu.memory_space<semaphore_mem>>)
        %dma_wait3A = tpu.memref_slice %arg8[%mul3A_2] : memref<10112xf32, #tpu.memory_space<hbm>> -> memref<632xf32, #tpu.memory_space<hbm>>
        %dma_wait3A_16 = tpu.memref_slice %arg8[%mul3A_2] : memref<10112xf32, #tpu.memory_space<hbm>> -> memref<632xf32, #tpu.memory_space<hbm>>
        tpu.wait_dma2 semaphore(%run_scoped3A : memref<!tpu.dma_semaphore, #tpu.memory_space<semaphore_mem>>) src(%arg13 : memref<632xf32, #tpu.memory_space<vmem>>) dst(%dma_wait3A_16 : memref<632xf32, #tpu.memory_space<hbm>>)
        tpu.yield
      }) : () -> ()
      "tpu.region"() ({
        %run_scoped3A = tpu.sem_alloc : memref<!tpu.dma_semaphore, #tpu.memory_space<semaphore_mem>>
        %dma_start3A = tpu.memref_slice %arg15[%mul3A_2] : memref<10112xf32, #tpu.memory_space<vmem_shared>> -> memref<632xf32, #tpu.memory_space<vmem_shared>>
        %dma_start3A_15 = tpu.memref_slice %arg15[%mul3A_2] : memref<10112xf32, #tpu.memory_space<vmem_shared>> -> memref<632xf32, #tpu.memory_space<vmem_shared>>
        tpu.enqueue_dma source(%dma_start3A_15 : memref<632xf32, #tpu.memory_space<vmem_shared>>) target(%arg13 : memref<632xf32, #tpu.memory_space<vmem>>) target_semaphore(%run_scoped3A : memref<!tpu.dma_semaphore, #tpu.memory_space<semaphore_mem>>)
        %dma_wait3A = tpu.memref_slice %arg15[%mul3A_2] : memref<10112xf32, #tpu.memory_space<vmem_shared>> -> memref<632xf32, #tpu.memory_space<vmem_shared>>
        %dma_wait3A_16 = tpu.memref_slice %arg15[%mul3A_2] : memref<10112xf32, #tpu.memory_space<vmem_shared>> -> memref<632xf32, #tpu.memory_space<vmem_shared>>
        tpu.wait_dma2 semaphore(%run_scoped3A : memref<!tpu.dma_semaphore, #tpu.memory_space<semaphore_mem>>) src(%dma_wait3A_16 : memref<632xf32, #tpu.memory_space<vmem_shared>>) dst(%arg13 : memref<632xf32, #tpu.memory_space<vmem>>)
        tpu.yield
      }) : () -> ()
      "tpu.region"() ({
        %run_scoped3A = tpu.sem_alloc : memref<!tpu.dma_semaphore, #tpu.memory_space<semaphore_mem>>
        %dma_start3A = tpu.memref_slice %arg9[%mul3A_2] : memref<10112xf32, #tpu.memory_space<hbm>> -> memref<632xf32, #tpu.memory_space<hbm>>
        %dma_start3A_15 = tpu.memref_slice %arg9[%mul3A_2] : memref<10112xf32, #tpu.memory_space<hbm>> -> memref<632xf32, #tpu.memory_space<hbm>>
        tpu.enqueue_dma source(%arg13 : memref<632xf32, #tpu.memory_space<vmem>>) target(%dma_start3A_15 : memref<632xf32, #tpu.memory_space<hbm>>) target_semaphore(%run_scoped3A : memref<!tpu.dma_semaphore, #tpu.memory_space<semaphore_mem>>)
        %dma_wait3A = tpu.memref_slice %arg9[%mul3A_2] : memref<10112xf32, #tpu.memory_space<hbm>> -> memref<632xf32, #tpu.memory_space<hbm>>
        %dma_wait3A_16 = tpu.memref_slice %arg9[%mul3A_2] : memref<10112xf32, #tpu.memory_space<hbm>> -> memref<632xf32, #tpu.memory_space<hbm>>
        tpu.wait_dma2 semaphore(%run_scoped3A : memref<!tpu.dma_semaphore, #tpu.memory_space<semaphore_mem>>) src(%arg13 : memref<632xf32, #tpu.memory_space<vmem>>) dst(%dma_wait3A_16 : memref<632xf32, #tpu.memory_space<hbm>>)
        tpu.yield
      }) : () -> ()
    } else {
    }
    return
  }
}

#map = affine_map<(d0, d1) -> (0, 0)>
#map1 = affine_map<(d0, d1) -> (0, 0, 0)>
module attributes {stable_mosaic.version = 14 : i64} {
  func.func @_agg_kernel(%arg0: i32, %arg1: i32, %arg2: memref<10112x128xf32, #tpu.memory_space<hbm>>, %arg3: memref<32x80x128xi32, #tpu.memory_space<hbm>>, %arg4: memref<32x80x128xi32, #tpu.memory_space<hbm>>, %arg5: memref<128x128xf32, #tpu.memory_space<hbm>>, %arg6: memref<2x10112x128xf32, #tpu.memory_space<hbm>>, %arg7: memref<8x128xi32, #tpu.memory_space<vmem>>, %arg8: memref<8x128xi32, #tpu.memory_space<vmem>>, %arg9: memref<2x128x128xf32, #tpu.memory_space<vmem>>, %arg10: memref<10112x128xf32, #tpu.memory_space<vmem_shared>>, %arg11: memref<2x!tpu.dma_semaphore, #tpu.memory_space<semaphore_mem>>, %arg12: memref<2x!tpu.dma_semaphore, #tpu.memory_space<semaphore_mem>>, %arg13: memref<2x!tpu.dma_semaphore, #tpu.memory_space<semaphore_mem>>) attributes {dimension_semantics = [#tpu.dimension_semantics<core_parallel>, #tpu.dimension_semantics<subcore_parallel>], iteration_bounds = array<i64: 2, 16>, scalar_prefetch = 0 : i64, scratch_operands = 7 : i64, tpu.core_type = #tpu.core_type<sc_vector_subcore>, window_params = [{transform_indices = #map}, {transform_indices = #map1}, {transform_indices = #map1}, {transform_indices = #map}, {transform_indices = #map1}]} {
    %mul3A = arith.constant 16 : i32
    %mul3A_0 = arith.muli %arg0, %mul3A : i32
    %add3A = arith.addi %mul3A_0, %arg1 : i32
    %mul3A_1 = arith.constant 632 : i32
    %mul3A_2 = arith.muli %arg1, %mul3A_1 : i32
    %run_scoped3A = arith.constant 0 : i32
    "tpu.region"() ({
      %run_scoped3A_206 = tpu.sem_alloc : memref<!tpu.dma_semaphore, #tpu.memory_space<semaphore_mem>>
      %dma_start3A_207 = arith.constant 0 : i32
      %dma_start3A_208 = arith.constant 0 : i32
      %dma_start3A_209 = tpu.memref_slice %arg9[%run_scoped3A, %dma_start3A_207, %dma_start3A_208] : memref<2x128x128xf32, #tpu.memory_space<vmem>> -> memref<1x128x128xf32, #tpu.memory_space<vmem>>
      %dma_start3A_210 = tpu.memref_squeeze %dma_start3A_209 : memref<1x128x128xf32, #tpu.memory_space<vmem>> -> memref<128x128xf32, #tpu.memory_space<vmem>>
      %dma_start3A_211 = arith.constant 0 : i32
      %dma_start3A_212 = arith.constant 0 : i32
      %dma_start3A_213 = tpu.memref_slice %arg9[%run_scoped3A, %dma_start3A_211, %dma_start3A_212] : memref<2x128x128xf32, #tpu.memory_space<vmem>> -> memref<1x128x128xf32, #tpu.memory_space<vmem>>
      %dma_start3A_214 = tpu.memref_squeeze %dma_start3A_213 : memref<1x128x128xf32, #tpu.memory_space<vmem>> -> memref<128x128xf32, #tpu.memory_space<vmem>>
      tpu.enqueue_dma source(%arg5 : memref<128x128xf32, #tpu.memory_space<hbm>>) target(%dma_start3A_214 : memref<128x128xf32, #tpu.memory_space<vmem>>) target_semaphore(%run_scoped3A_206 : memref<!tpu.dma_semaphore, #tpu.memory_space<semaphore_mem>>)
      %dma_wait3A_215 = arith.constant 0 : i32
      %dma_wait3A_216 = arith.constant 0 : i32
      %dma_wait3A_217 = tpu.memref_slice %arg9[%run_scoped3A, %dma_wait3A_215, %dma_wait3A_216] : memref<2x128x128xf32, #tpu.memory_space<vmem>> -> memref<1x128x128xf32, #tpu.memory_space<vmem>>
      %dma_wait3A_218 = tpu.memref_squeeze %dma_wait3A_217 : memref<1x128x128xf32, #tpu.memory_space<vmem>> -> memref<128x128xf32, #tpu.memory_space<vmem>>
      %dma_wait3A_219 = arith.constant 0 : i32
      %dma_wait3A_220 = arith.constant 0 : i32
      %dma_wait3A_221 = tpu.memref_slice %arg9[%run_scoped3A, %dma_wait3A_219, %dma_wait3A_220] : memref<2x128x128xf32, #tpu.memory_space<vmem>> -> memref<1x128x128xf32, #tpu.memory_space<vmem>>
      %dma_wait3A_222 = tpu.memref_squeeze %dma_wait3A_221 : memref<1x128x128xf32, #tpu.memory_space<vmem>> -> memref<128x128xf32, #tpu.memory_space<vmem>>
      tpu.wait_dma2 semaphore(%run_scoped3A_206 : memref<!tpu.dma_semaphore, #tpu.memory_space<semaphore_mem>>) src(%arg5 : memref<128x128xf32, #tpu.memory_space<hbm>>) dst(%dma_wait3A_222 : memref<128x128xf32, #tpu.memory_space<vmem>>)
      tpu.yield
    }) : () -> ()
    %add3A_3 = arith.constant 0 : i32
    %add3A_4 = arith.addi %mul3A_2, %add3A_3 : i32
    %dma_start3A = arith.constant 0 : i32
    %dma_start3A_5 = arith.constant 0 : i32
    %dma_start3A_6 = arith.constant 0 : i32
    %dma_start3A_7 = arith.constant 0 : i32
    %dma_start3A_8 = tpu.memref_slice %arg9[%dma_start3A, %dma_start3A_6, %dma_start3A_7] : memref<2x128x128xf32, #tpu.memory_space<vmem>> -> memref<1x128x128xf32, #tpu.memory_space<vmem>>
    %dma_start3A_9 = tpu.memref_squeeze %dma_start3A_8 : memref<1x128x128xf32, #tpu.memory_space<vmem>> -> memref<128x128xf32, #tpu.memory_space<vmem>>
    %dma_start3A_10 = arith.constant 0 : i32
    %dma_start3A_11 = tpu.memref_slice %arg10[%add3A_4, %dma_start3A_10] : memref<10112x128xf32, #tpu.memory_space<vmem_shared>> -> memref<128x128xf32, #tpu.memory_space<vmem_shared>>
    %dma_start3A_12 = tpu.memref_slice %arg13[%dma_start3A_5] : memref<2x!tpu.dma_semaphore, #tpu.memory_space<semaphore_mem>> -> memref<1x!tpu.dma_semaphore, #tpu.memory_space<semaphore_mem>>
    %dma_start3A_13 = tpu.memref_squeeze %dma_start3A_12 : memref<1x!tpu.dma_semaphore, #tpu.memory_space<semaphore_mem>> -> memref<!tpu.dma_semaphore, #tpu.memory_space<semaphore_mem>>
    %dma_start3A_14 = arith.constant 0 : i32
    %dma_start3A_15 = tpu.memref_slice %arg10[%add3A_4, %dma_start3A_14] : memref<10112x128xf32, #tpu.memory_space<vmem_shared>> -> memref<128x128xf32, #tpu.memory_space<vmem_shared>>
    %dma_start3A_16 = arith.constant 0 : i32
    %dma_start3A_17 = arith.constant 0 : i32
    %dma_start3A_18 = tpu.memref_slice %arg9[%dma_start3A, %dma_start3A_16, %dma_start3A_17] : memref<2x128x128xf32, #tpu.memory_space<vmem>> -> memref<1x128x128xf32, #tpu.memory_space<vmem>>
    %dma_start3A_19 = tpu.memref_squeeze %dma_start3A_18 : memref<1x128x128xf32, #tpu.memory_space<vmem>> -> memref<128x128xf32, #tpu.memory_space<vmem>>
    tpu.enqueue_dma source(%dma_start3A_19 : memref<128x128xf32, #tpu.memory_space<vmem>>) target(%dma_start3A_15 : memref<128x128xf32, #tpu.memory_space<vmem_shared>>) target_semaphore(%dma_start3A_13 : memref<!tpu.dma_semaphore, #tpu.memory_space<semaphore_mem>>)
    %add3A_20 = arith.constant 128 : i32
    %add3A_21 = arith.addi %mul3A_2, %add3A_20 : i32
    %dma_start3A_22 = arith.constant 0 : i32
    %dma_start3A_23 = arith.constant 0 : i32
    %dma_start3A_24 = arith.constant 0 : i32
    %dma_start3A_25 = arith.constant 0 : i32
    %dma_start3A_26 = tpu.memref_slice %arg9[%dma_start3A_22, %dma_start3A_24, %dma_start3A_25] : memref<2x128x128xf32, #tpu.memory_space<vmem>> -> memref<1x128x128xf32, #tpu.memory_space<vmem>>
    %dma_start3A_27 = tpu.memref_squeeze %dma_start3A_26 : memref<1x128x128xf32, #tpu.memory_space<vmem>> -> memref<128x128xf32, #tpu.memory_space<vmem>>
    %dma_start3A_28 = arith.constant 0 : i32
    %dma_start3A_29 = tpu.memref_slice %arg10[%add3A_21, %dma_start3A_28] : memref<10112x128xf32, #tpu.memory_space<vmem_shared>> -> memref<128x128xf32, #tpu.memory_space<vmem_shared>>
    %dma_start3A_30 = tpu.memref_slice %arg13[%dma_start3A_23] : memref<2x!tpu.dma_semaphore, #tpu.memory_space<semaphore_mem>> -> memref<1x!tpu.dma_semaphore, #tpu.memory_space<semaphore_mem>>
    %dma_start3A_31 = tpu.memref_squeeze %dma_start3A_30 : memref<1x!tpu.dma_semaphore, #tpu.memory_space<semaphore_mem>> -> memref<!tpu.dma_semaphore, #tpu.memory_space<semaphore_mem>>
    %dma_start3A_32 = arith.constant 0 : i32
    %dma_start3A_33 = tpu.memref_slice %arg10[%add3A_21, %dma_start3A_32] : memref<10112x128xf32, #tpu.memory_space<vmem_shared>> -> memref<128x128xf32, #tpu.memory_space<vmem_shared>>
    %dma_start3A_34 = arith.constant 0 : i32
    %dma_start3A_35 = arith.constant 0 : i32
    %dma_start3A_36 = tpu.memref_slice %arg9[%dma_start3A_22, %dma_start3A_34, %dma_start3A_35] : memref<2x128x128xf32, #tpu.memory_space<vmem>> -> memref<1x128x128xf32, #tpu.memory_space<vmem>>
    %dma_start3A_37 = tpu.memref_squeeze %dma_start3A_36 : memref<1x128x128xf32, #tpu.memory_space<vmem>> -> memref<128x128xf32, #tpu.memory_space<vmem>>
    tpu.enqueue_dma source(%dma_start3A_37 : memref<128x128xf32, #tpu.memory_space<vmem>>) target(%dma_start3A_33 : memref<128x128xf32, #tpu.memory_space<vmem_shared>>) target_semaphore(%dma_start3A_31 : memref<!tpu.dma_semaphore, #tpu.memory_space<semaphore_mem>>)
    %add3A_38 = arith.constant 256 : i32
    %add3A_39 = arith.addi %mul3A_2, %add3A_38 : i32
    %dma_start3A_40 = arith.constant 0 : i32
    %dma_start3A_41 = arith.constant 0 : i32
    %dma_start3A_42 = arith.constant 0 : i32
    %dma_start3A_43 = arith.constant 0 : i32
    %dma_start3A_44 = tpu.memref_slice %arg9[%dma_start3A_40, %dma_start3A_42, %dma_start3A_43] : memref<2x128x128xf32, #tpu.memory_space<vmem>> -> memref<1x128x128xf32, #tpu.memory_space<vmem>>
    %dma_start3A_45 = tpu.memref_squeeze %dma_start3A_44 : memref<1x128x128xf32, #tpu.memory_space<vmem>> -> memref<128x128xf32, #tpu.memory_space<vmem>>
    %dma_start3A_46 = arith.constant 0 : i32
    %dma_start3A_47 = tpu.memref_slice %arg10[%add3A_39, %dma_start3A_46] : memref<10112x128xf32, #tpu.memory_space<vmem_shared>> -> memref<128x128xf32, #tpu.memory_space<vmem_shared>>
    %dma_start3A_48 = tpu.memref_slice %arg13[%dma_start3A_41] : memref<2x!tpu.dma_semaphore, #tpu.memory_space<semaphore_mem>> -> memref<1x!tpu.dma_semaphore, #tpu.memory_space<semaphore_mem>>
    %dma_start3A_49 = tpu.memref_squeeze %dma_start3A_48 : memref<1x!tpu.dma_semaphore, #tpu.memory_space<semaphore_mem>> -> memref<!tpu.dma_semaphore, #tpu.memory_space<semaphore_mem>>
    %dma_start3A_50 = arith.constant 0 : i32
    %dma_start3A_51 = tpu.memref_slice %arg10[%add3A_39, %dma_start3A_50] : memref<10112x128xf32, #tpu.memory_space<vmem_shared>> -> memref<128x128xf32, #tpu.memory_space<vmem_shared>>
    %dma_start3A_52 = arith.constant 0 : i32
    %dma_start3A_53 = arith.constant 0 : i32
    %dma_start3A_54 = tpu.memref_slice %arg9[%dma_start3A_40, %dma_start3A_52, %dma_start3A_53] : memref<2x128x128xf32, #tpu.memory_space<vmem>> -> memref<1x128x128xf32, #tpu.memory_space<vmem>>
    %dma_start3A_55 = tpu.memref_squeeze %dma_start3A_54 : memref<1x128x128xf32, #tpu.memory_space<vmem>> -> memref<128x128xf32, #tpu.memory_space<vmem>>
    tpu.enqueue_dma source(%dma_start3A_55 : memref<128x128xf32, #tpu.memory_space<vmem>>) target(%dma_start3A_51 : memref<128x128xf32, #tpu.memory_space<vmem_shared>>) target_semaphore(%dma_start3A_49 : memref<!tpu.dma_semaphore, #tpu.memory_space<semaphore_mem>>)
    %add3A_56 = arith.constant 384 : i32
    %add3A_57 = arith.addi %mul3A_2, %add3A_56 : i32
    %dma_start3A_58 = arith.constant 0 : i32
    %dma_start3A_59 = arith.constant 0 : i32
    %dma_start3A_60 = arith.constant 0 : i32
    %dma_start3A_61 = arith.constant 0 : i32
    %dma_start3A_62 = tpu.memref_slice %arg9[%dma_start3A_58, %dma_start3A_60, %dma_start3A_61] : memref<2x128x128xf32, #tpu.memory_space<vmem>> -> memref<1x128x128xf32, #tpu.memory_space<vmem>>
    %dma_start3A_63 = tpu.memref_squeeze %dma_start3A_62 : memref<1x128x128xf32, #tpu.memory_space<vmem>> -> memref<128x128xf32, #tpu.memory_space<vmem>>
    %dma_start3A_64 = arith.constant 0 : i32
    %dma_start3A_65 = tpu.memref_slice %arg10[%add3A_57, %dma_start3A_64] : memref<10112x128xf32, #tpu.memory_space<vmem_shared>> -> memref<128x128xf32, #tpu.memory_space<vmem_shared>>
    %dma_start3A_66 = tpu.memref_slice %arg13[%dma_start3A_59] : memref<2x!tpu.dma_semaphore, #tpu.memory_space<semaphore_mem>> -> memref<1x!tpu.dma_semaphore, #tpu.memory_space<semaphore_mem>>
    %dma_start3A_67 = tpu.memref_squeeze %dma_start3A_66 : memref<1x!tpu.dma_semaphore, #tpu.memory_space<semaphore_mem>> -> memref<!tpu.dma_semaphore, #tpu.memory_space<semaphore_mem>>
    %dma_start3A_68 = arith.constant 0 : i32
    %dma_start3A_69 = tpu.memref_slice %arg10[%add3A_57, %dma_start3A_68] : memref<10112x128xf32, #tpu.memory_space<vmem_shared>> -> memref<128x128xf32, #tpu.memory_space<vmem_shared>>
    %dma_start3A_70 = arith.constant 0 : i32
    %dma_start3A_71 = arith.constant 0 : i32
    %dma_start3A_72 = tpu.memref_slice %arg9[%dma_start3A_58, %dma_start3A_70, %dma_start3A_71] : memref<2x128x128xf32, #tpu.memory_space<vmem>> -> memref<1x128x128xf32, #tpu.memory_space<vmem>>
    %dma_start3A_73 = tpu.memref_squeeze %dma_start3A_72 : memref<1x128x128xf32, #tpu.memory_space<vmem>> -> memref<128x128xf32, #tpu.memory_space<vmem>>
    tpu.enqueue_dma source(%dma_start3A_73 : memref<128x128xf32, #tpu.memory_space<vmem>>) target(%dma_start3A_69 : memref<128x128xf32, #tpu.memory_space<vmem_shared>>) target_semaphore(%dma_start3A_67 : memref<!tpu.dma_semaphore, #tpu.memory_space<semaphore_mem>>)
    %add3A_74 = arith.constant 512 : i32
    %add3A_75 = arith.addi %mul3A_2, %add3A_74 : i32
    %dma_start3A_76 = arith.constant 0 : i32
    %dma_start3A_77 = arith.constant 0 : i32
    %dma_start3A_78 = arith.constant 0 : i32
    %dma_start3A_79 = arith.constant 0 : i32
    %dma_start3A_80 = tpu.memref_slice %arg9[%dma_start3A_76, %dma_start3A_78, %dma_start3A_79] : memref<2x128x128xf32, #tpu.memory_space<vmem>> -> memref<1x120x128xf32, #tpu.memory_space<vmem>>
    %dma_start3A_81 = tpu.memref_squeeze %dma_start3A_80 : memref<1x120x128xf32, #tpu.memory_space<vmem>> -> memref<120x128xf32, #tpu.memory_space<vmem>>
    %dma_start3A_82 = arith.constant 0 : i32
    %dma_start3A_83 = tpu.memref_slice %arg10[%add3A_75, %dma_start3A_82] : memref<10112x128xf32, #tpu.memory_space<vmem_shared>> -> memref<120x128xf32, #tpu.memory_space<vmem_shared>>
    %dma_start3A_84 = tpu.memref_slice %arg13[%dma_start3A_77] : memref<2x!tpu.dma_semaphore, #tpu.memory_space<semaphore_mem>> -> memref<1x!tpu.dma_semaphore, #tpu.memory_space<semaphore_mem>>
    %dma_start3A_85 = tpu.memref_squeeze %dma_start3A_84 : memref<1x!tpu.dma_semaphore, #tpu.memory_space<semaphore_mem>> -> memref<!tpu.dma_semaphore, #tpu.memory_space<semaphore_mem>>
    %dma_start3A_86 = arith.constant 0 : i32
    %dma_start3A_87 = tpu.memref_slice %arg10[%add3A_75, %dma_start3A_86] : memref<10112x128xf32, #tpu.memory_space<vmem_shared>> -> memref<120x128xf32, #tpu.memory_space<vmem_shared>>
    %dma_start3A_88 = arith.constant 0 : i32
    %dma_start3A_89 = arith.constant 0 : i32
    %dma_start3A_90 = tpu.memref_slice %arg9[%dma_start3A_76, %dma_start3A_88, %dma_start3A_89] : memref<2x128x128xf32, #tpu.memory_space<vmem>> -> memref<1x120x128xf32, #tpu.memory_space<vmem>>
    %dma_start3A_91 = tpu.memref_squeeze %dma_start3A_90 : memref<1x120x128xf32, #tpu.memory_space<vmem>> -> memref<120x128xf32, #tpu.memory_space<vmem>>
    tpu.enqueue_dma source(%dma_start3A_91 : memref<120x128xf32, #tpu.memory_space<vmem>>) target(%dma_start3A_87 : memref<120x128xf32, #tpu.memory_space<vmem_shared>>) target_semaphore(%dma_start3A_85 : memref<!tpu.dma_semaphore, #tpu.memory_space<semaphore_mem>>)
    %dma_wait3A = arith.constant 0 : i32
    %dma_wait3A_92 = arith.constant 0 : i32
    %dma_wait3A_93 = arith.constant 0 : i32
    %dma_wait3A_94 = arith.constant 0 : i32
    %dma_wait3A_95 = tpu.memref_slice %arg9[%dma_wait3A, %dma_wait3A_93, %dma_wait3A_94] : memref<2x128x128xf32, #tpu.memory_space<vmem>> -> memref<1x128x128xf32, #tpu.memory_space<vmem>>
    %dma_wait3A_96 = tpu.memref_squeeze %dma_wait3A_95 : memref<1x128x128xf32, #tpu.memory_space<vmem>> -> memref<128x128xf32, #tpu.memory_space<vmem>>
    %dma_wait3A_97 = arith.constant 0 : i32
    %dma_wait3A_98 = tpu.memref_slice %arg10[%add3A_4, %dma_wait3A_97] : memref<10112x128xf32, #tpu.memory_space<vmem_shared>> -> memref<128x128xf32, #tpu.memory_space<vmem_shared>>
    %dma_wait3A_99 = tpu.memref_slice %arg13[%dma_wait3A_92] : memref<2x!tpu.dma_semaphore, #tpu.memory_space<semaphore_mem>> -> memref<1x!tpu.dma_semaphore, #tpu.memory_space<semaphore_mem>>
    %dma_wait3A_100 = tpu.memref_squeeze %dma_wait3A_99 : memref<1x!tpu.dma_semaphore, #tpu.memory_space<semaphore_mem>> -> memref<!tpu.dma_semaphore, #tpu.memory_space<semaphore_mem>>
    %dma_wait3A_101 = arith.constant 0 : i32
    %dma_wait3A_102 = tpu.memref_slice %arg10[%add3A_4, %dma_wait3A_101] : memref<10112x128xf32, #tpu.memory_space<vmem_shared>> -> memref<128x128xf32, #tpu.memory_space<vmem_shared>>
    %dma_wait3A_103 = arith.constant 0 : i32
    %dma_wait3A_104 = arith.constant 0 : i32
    %dma_wait3A_105 = tpu.memref_slice %arg9[%dma_wait3A, %dma_wait3A_103, %dma_wait3A_104] : memref<2x128x128xf32, #tpu.memory_space<vmem>> -> memref<1x128x128xf32, #tpu.memory_space<vmem>>
    %dma_wait3A_106 = tpu.memref_squeeze %dma_wait3A_105 : memref<1x128x128xf32, #tpu.memory_space<vmem>> -> memref<128x128xf32, #tpu.memory_space<vmem>>
    tpu.wait_dma2 semaphore(%dma_wait3A_100 : memref<!tpu.dma_semaphore, #tpu.memory_space<semaphore_mem>>) src(%dma_wait3A_106 : memref<128x128xf32, #tpu.memory_space<vmem>>) dst(%dma_wait3A_102 : memref<128x128xf32, #tpu.memory_space<vmem_shared>>)
    %dma_wait3A_107 = arith.constant 0 : i32
    %dma_wait3A_108 = arith.constant 0 : i32
    %dma_wait3A_109 = arith.constant 0 : i32
    %dma_wait3A_110 = arith.constant 0 : i32
    %dma_wait3A_111 = tpu.memref_slice %arg9[%dma_wait3A_107, %dma_wait3A_109, %dma_wait3A_110] : memref<2x128x128xf32, #tpu.memory_space<vmem>> -> memref<1x128x128xf32, #tpu.memory_space<vmem>>
    %dma_wait3A_112 = tpu.memref_squeeze %dma_wait3A_111 : memref<1x128x128xf32, #tpu.memory_space<vmem>> -> memref<128x128xf32, #tpu.memory_space<vmem>>
    %dma_wait3A_113 = arith.constant 0 : i32
    %dma_wait3A_114 = tpu.memref_slice %arg10[%add3A_21, %dma_wait3A_113] : memref<10112x128xf32, #tpu.memory_space<vmem_shared>> -> memref<128x128xf32, #tpu.memory_space<vmem_shared>>
    %dma_wait3A_115 = tpu.memref_slice %arg13[%dma_wait3A_108] : memref<2x!tpu.dma_semaphore, #tpu.memory_space<semaphore_mem>> -> memref<1x!tpu.dma_semaphore, #tpu.memory_space<semaphore_mem>>
    %dma_wait3A_116 = tpu.memref_squeeze %dma_wait3A_115 : memref<1x!tpu.dma_semaphore, #tpu.memory_space<semaphore_mem>> -> memref<!tpu.dma_semaphore, #tpu.memory_space<semaphore_mem>>
    %dma_wait3A_117 = arith.constant 0 : i32
    %dma_wait3A_118 = tpu.memref_slice %arg10[%add3A_21, %dma_wait3A_117] : memref<10112x128xf32, #tpu.memory_space<vmem_shared>> -> memref<128x128xf32, #tpu.memory_space<vmem_shared>>
    %dma_wait3A_119 = arith.constant 0 : i32
    %dma_wait3A_120 = arith.constant 0 : i32
    %dma_wait3A_121 = tpu.memref_slice %arg9[%dma_wait3A_107, %dma_wait3A_119, %dma_wait3A_120] : memref<2x128x128xf32, #tpu.memory_space<vmem>> -> memref<1x128x128xf32, #tpu.memory_space<vmem>>
    %dma_wait3A_122 = tpu.memref_squeeze %dma_wait3A_121 : memref<1x128x128xf32, #tpu.memory_space<vmem>> -> memref<128x128xf32, #tpu.memory_space<vmem>>
    tpu.wait_dma2 semaphore(%dma_wait3A_116 : memref<!tpu.dma_semaphore, #tpu.memory_space<semaphore_mem>>) src(%dma_wait3A_122 : memref<128x128xf32, #tpu.memory_space<vmem>>) dst(%dma_wait3A_118 : memref<128x128xf32, #tpu.memory_space<vmem_shared>>)
    %dma_wait3A_123 = arith.constant 0 : i32
    %dma_wait3A_124 = arith.constant 0 : i32
    %dma_wait3A_125 = arith.constant 0 : i32
    %dma_wait3A_126 = arith.constant 0 : i32
    %dma_wait3A_127 = tpu.memref_slice %arg9[%dma_wait3A_123, %dma_wait3A_125, %dma_wait3A_126] : memref<2x128x128xf32, #tpu.memory_space<vmem>> -> memref<1x128x128xf32, #tpu.memory_space<vmem>>
    %dma_wait3A_128 = tpu.memref_squeeze %dma_wait3A_127 : memref<1x128x128xf32, #tpu.memory_space<vmem>> -> memref<128x128xf32, #tpu.memory_space<vmem>>
    %dma_wait3A_129 = arith.constant 0 : i32
    %dma_wait3A_130 = tpu.memref_slice %arg10[%add3A_39, %dma_wait3A_129] : memref<10112x128xf32, #tpu.memory_space<vmem_shared>> -> memref<128x128xf32, #tpu.memory_space<vmem_shared>>
    %dma_wait3A_131 = tpu.memref_slice %arg13[%dma_wait3A_124] : memref<2x!tpu.dma_semaphore, #tpu.memory_space<semaphore_mem>> -> memref<1x!tpu.dma_semaphore, #tpu.memory_space<semaphore_mem>>
    %dma_wait3A_132 = tpu.memref_squeeze %dma_wait3A_131 : memref<1x!tpu.dma_semaphore, #tpu.memory_space<semaphore_mem>> -> memref<!tpu.dma_semaphore, #tpu.memory_space<semaphore_mem>>
    %dma_wait3A_133 = arith.constant 0 : i32
    %dma_wait3A_134 = tpu.memref_slice %arg10[%add3A_39, %dma_wait3A_133] : memref<10112x128xf32, #tpu.memory_space<vmem_shared>> -> memref<128x128xf32, #tpu.memory_space<vmem_shared>>
    %dma_wait3A_135 = arith.constant 0 : i32
    %dma_wait3A_136 = arith.constant 0 : i32
    %dma_wait3A_137 = tpu.memref_slice %arg9[%dma_wait3A_123, %dma_wait3A_135, %dma_wait3A_136] : memref<2x128x128xf32, #tpu.memory_space<vmem>> -> memref<1x128x128xf32, #tpu.memory_space<vmem>>
    %dma_wait3A_138 = tpu.memref_squeeze %dma_wait3A_137 : memref<1x128x128xf32, #tpu.memory_space<vmem>> -> memref<128x128xf32, #tpu.memory_space<vmem>>
    tpu.wait_dma2 semaphore(%dma_wait3A_132 : memref<!tpu.dma_semaphore, #tpu.memory_space<semaphore_mem>>) src(%dma_wait3A_138 : memref<128x128xf32, #tpu.memory_space<vmem>>) dst(%dma_wait3A_134 : memref<128x128xf32, #tpu.memory_space<vmem_shared>>)
    %dma_wait3A_139 = arith.constant 0 : i32
    %dma_wait3A_140 = arith.constant 0 : i32
    %dma_wait3A_141 = arith.constant 0 : i32
    %dma_wait3A_142 = arith.constant 0 : i32
    %dma_wait3A_143 = tpu.memref_slice %arg9[%dma_wait3A_139, %dma_wait3A_141, %dma_wait3A_142] : memref<2x128x128xf32, #tpu.memory_space<vmem>> -> memref<1x128x128xf32, #tpu.memory_space<vmem>>
    %dma_wait3A_144 = tpu.memref_squeeze %dma_wait3A_143 : memref<1x128x128xf32, #tpu.memory_space<vmem>> -> memref<128x128xf32, #tpu.memory_space<vmem>>
    %dma_wait3A_145 = arith.constant 0 : i32
    %dma_wait3A_146 = tpu.memref_slice %arg10[%add3A_57, %dma_wait3A_145] : memref<10112x128xf32, #tpu.memory_space<vmem_shared>> -> memref<128x128xf32, #tpu.memory_space<vmem_shared>>
    %dma_wait3A_147 = tpu.memref_slice %arg13[%dma_wait3A_140] : memref<2x!tpu.dma_semaphore, #tpu.memory_space<semaphore_mem>> -> memref<1x!tpu.dma_semaphore, #tpu.memory_space<semaphore_mem>>
    %dma_wait3A_148 = tpu.memref_squeeze %dma_wait3A_147 : memref<1x!tpu.dma_semaphore, #tpu.memory_space<semaphore_mem>> -> memref<!tpu.dma_semaphore, #tpu.memory_space<semaphore_mem>>
    %dma_wait3A_149 = arith.constant 0 : i32
    %dma_wait3A_150 = tpu.memref_slice %arg10[%add3A_57, %dma_wait3A_149] : memref<10112x128xf32, #tpu.memory_space<vmem_shared>> -> memref<128x128xf32, #tpu.memory_space<vmem_shared>>
    %dma_wait3A_151 = arith.constant 0 : i32
    %dma_wait3A_152 = arith.constant 0 : i32
    %dma_wait3A_153 = tpu.memref_slice %arg9[%dma_wait3A_139, %dma_wait3A_151, %dma_wait3A_152] : memref<2x128x128xf32, #tpu.memory_space<vmem>> -> memref<1x128x128xf32, #tpu.memory_space<vmem>>
    %dma_wait3A_154 = tpu.memref_squeeze %dma_wait3A_153 : memref<1x128x128xf32, #tpu.memory_space<vmem>> -> memref<128x128xf32, #tpu.memory_space<vmem>>
    tpu.wait_dma2 semaphore(%dma_wait3A_148 : memref<!tpu.dma_semaphore, #tpu.memory_space<semaphore_mem>>) src(%dma_wait3A_154 : memref<128x128xf32, #tpu.memory_space<vmem>>) dst(%dma_wait3A_150 : memref<128x128xf32, #tpu.memory_space<vmem_shared>>)
    %dma_wait3A_155 = arith.constant 0 : i32
    %dma_wait3A_156 = arith.constant 0 : i32
    %dma_wait3A_157 = arith.constant 0 : i32
    %dma_wait3A_158 = arith.constant 0 : i32
    %dma_wait3A_159 = tpu.memref_slice %arg9[%dma_wait3A_155, %dma_wait3A_157, %dma_wait3A_158] : memref<2x128x128xf32, #tpu.memory_space<vmem>> -> memref<1x120x128xf32, #tpu.memory_space<vmem>>
    %dma_wait3A_160 = tpu.memref_squeeze %dma_wait3A_159 : memref<1x120x128xf32, #tpu.memory_space<vmem>> -> memref<120x128xf32, #tpu.memory_space<vmem>>
    %dma_wait3A_161 = arith.constant 0 : i32
    %dma_wait3A_162 = tpu.memref_slice %arg10[%add3A_75, %dma_wait3A_161] : memref<10112x128xf32, #tpu.memory_space<vmem_shared>> -> memref<120x128xf32, #tpu.memory_space<vmem_shared>>
    %dma_wait3A_163 = tpu.memref_slice %arg13[%dma_wait3A_156] : memref<2x!tpu.dma_semaphore, #tpu.memory_space<semaphore_mem>> -> memref<1x!tpu.dma_semaphore, #tpu.memory_space<semaphore_mem>>
    %dma_wait3A_164 = tpu.memref_squeeze %dma_wait3A_163 : memref<1x!tpu.dma_semaphore, #tpu.memory_space<semaphore_mem>> -> memref<!tpu.dma_semaphore, #tpu.memory_space<semaphore_mem>>
    %dma_wait3A_165 = arith.constant 0 : i32
    %dma_wait3A_166 = tpu.memref_slice %arg10[%add3A_75, %dma_wait3A_165] : memref<10112x128xf32, #tpu.memory_space<vmem_shared>> -> memref<120x128xf32, #tpu.memory_space<vmem_shared>>
    %dma_wait3A_167 = arith.constant 0 : i32
    %dma_wait3A_168 = arith.constant 0 : i32
    %dma_wait3A_169 = tpu.memref_slice %arg9[%dma_wait3A_155, %dma_wait3A_167, %dma_wait3A_168] : memref<2x128x128xf32, #tpu.memory_space<vmem>> -> memref<1x120x128xf32, #tpu.memory_space<vmem>>
    %dma_wait3A_170 = tpu.memref_squeeze %dma_wait3A_169 : memref<1x120x128xf32, #tpu.memory_space<vmem>> -> memref<120x128xf32, #tpu.memory_space<vmem>>
    tpu.wait_dma2 semaphore(%dma_wait3A_164 : memref<!tpu.dma_semaphore, #tpu.memory_space<semaphore_mem>>) src(%dma_wait3A_170 : memref<120x128xf32, #tpu.memory_space<vmem>>) dst(%dma_wait3A_166 : memref<120x128xf32, #tpu.memory_space<vmem_shared>>)
    %barrier3A = arith.constant 0 : index
    tpu.barrier barrier_id(%barrier3A)
    %scan3A = arith.constant 0 : i32
    %scan3A_171 = arith.constant 10 : i32
    %scan3A_172 = arith.addi %scan3A, %scan3A_171 : i32
    %scan3A_173 = arith.constant 1 : i32
    scf.for %scan3A_206 = %scan3A to %scan3A_172 step %scan3A_173  : i32 {
      %mul3A_207 = arith.constant 8 : i32
      %mul3A_208 = arith.muli %scan3A_206, %mul3A_207 : i32
      %add3A_209 = arith.constant 0 : i32
      %add3A_210 = arith.addi %add3A_209, %mul3A_208 : i32
      %dma_start3A_211 = arith.constant 0 : i32
      %dma_start3A_212 = arith.constant 0 : i32
      %dma_start3A_213 = tpu.memref_slice %arg3[%add3A, %add3A_210, %dma_start3A_212] : memref<32x80x128xi32, #tpu.memory_space<hbm>> -> memref<1x8x128xi32, #tpu.memory_space<hbm>>
      %dma_start3A_214 = tpu.memref_squeeze %dma_start3A_213 : memref<1x8x128xi32, #tpu.memory_space<hbm>> -> memref<8x128xi32, #tpu.memory_space<hbm>>
      %dma_start3A_215 = tpu.memref_slice %arg13[%dma_start3A_211] : memref<2x!tpu.dma_semaphore, #tpu.memory_space<semaphore_mem>> -> memref<1x!tpu.dma_semaphore, #tpu.memory_space<semaphore_mem>>
      %dma_start3A_216 = tpu.memref_squeeze %dma_start3A_215 : memref<1x!tpu.dma_semaphore, #tpu.memory_space<semaphore_mem>> -> memref<!tpu.dma_semaphore, #tpu.memory_space<semaphore_mem>>
      %dma_start3A_217 = arith.constant 0 : i32
      %dma_start3A_218 = tpu.memref_slice %arg3[%add3A, %add3A_210, %dma_start3A_217] : memref<32x80x128xi32, #tpu.memory_space<hbm>> -> memref<1x8x128xi32, #tpu.memory_space<hbm>>
      %dma_start3A_219 = tpu.memref_squeeze %dma_start3A_218 : memref<1x8x128xi32, #tpu.memory_space<hbm>> -> memref<8x128xi32, #tpu.memory_space<hbm>>
      tpu.enqueue_dma source(%dma_start3A_219 : memref<8x128xi32, #tpu.memory_space<hbm>>) target(%arg7 : memref<8x128xi32, #tpu.memory_space<vmem>>) target_semaphore(%dma_start3A_216 : memref<!tpu.dma_semaphore, #tpu.memory_space<semaphore_mem>>)
      %dma_start3A_220 = arith.constant 1 : i32
      %dma_start3A_221 = arith.constant 0 : i32
      %dma_start3A_222 = tpu.memref_slice %arg4[%add3A, %add3A_210, %dma_start3A_221] : memref<32x80x128xi32, #tpu.memory_space<hbm>> -> memref<1x8x128xi32, #tpu.memory_space<hbm>>
      %dma_start3A_223 = tpu.memref_squeeze %dma_start3A_222 : memref<1x8x128xi32, #tpu.memory_space<hbm>> -> memref<8x128xi32, #tpu.memory_space<hbm>>
      %dma_start3A_224 = tpu.memref_slice %arg13[%dma_start3A_220] : memref<2x!tpu.dma_semaphore, #tpu.memory_space<semaphore_mem>> -> memref<1x!tpu.dma_semaphore, #tpu.memory_space<semaphore_mem>>
      %dma_start3A_225 = tpu.memref_squeeze %dma_start3A_224 : memref<1x!tpu.dma_semaphore, #tpu.memory_space<semaphore_mem>> -> memref<!tpu.dma_semaphore, #tpu.memory_space<semaphore_mem>>
      %dma_start3A_226 = arith.constant 0 : i32
      %dma_start3A_227 = tpu.memref_slice %arg4[%add3A, %add3A_210, %dma_start3A_226] : memref<32x80x128xi32, #tpu.memory_space<hbm>> -> memref<1x8x128xi32, #tpu.memory_space<hbm>>
      %dma_start3A_228 = tpu.memref_squeeze %dma_start3A_227 : memref<1x8x128xi32, #tpu.memory_space<hbm>> -> memref<8x128xi32, #tpu.memory_space<hbm>>
      tpu.enqueue_dma source(%dma_start3A_228 : memref<8x128xi32, #tpu.memory_space<hbm>>) target(%arg8 : memref<8x128xi32, #tpu.memory_space<vmem>>) target_semaphore(%dma_start3A_225 : memref<!tpu.dma_semaphore, #tpu.memory_space<semaphore_mem>>)
      %dma_wait3A_229 = arith.constant 0 : i32
      %dma_wait3A_230 = arith.constant 0 : i32
      %dma_wait3A_231 = tpu.memref_slice %arg3[%add3A, %add3A_210, %dma_wait3A_230] : memref<32x80x128xi32, #tpu.memory_space<hbm>> -> memref<1x8x128xi32, #tpu.memory_space<hbm>>
      %dma_wait3A_232 = tpu.memref_squeeze %dma_wait3A_231 : memref<1x8x128xi32, #tpu.memory_space<hbm>> -> memref<8x128xi32, #tpu.memory_space<hbm>>
      %dma_wait3A_233 = tpu.memref_slice %arg13[%dma_wait3A_229] : memref<2x!tpu.dma_semaphore, #tpu.memory_space<semaphore_mem>> -> memref<1x!tpu.dma_semaphore, #tpu.memory_space<semaphore_mem>>
      %dma_wait3A_234 = tpu.memref_squeeze %dma_wait3A_233 : memref<1x!tpu.dma_semaphore, #tpu.memory_space<semaphore_mem>> -> memref<!tpu.dma_semaphore, #tpu.memory_space<semaphore_mem>>
      %dma_wait3A_235 = arith.constant 0 : i32
      %dma_wait3A_236 = tpu.memref_slice %arg3[%add3A, %add3A_210, %dma_wait3A_235] : memref<32x80x128xi32, #tpu.memory_space<hbm>> -> memref<1x8x128xi32, #tpu.memory_space<hbm>>
      %dma_wait3A_237 = tpu.memref_squeeze %dma_wait3A_236 : memref<1x8x128xi32, #tpu.memory_space<hbm>> -> memref<8x128xi32, #tpu.memory_space<hbm>>
      tpu.wait_dma2 semaphore(%dma_wait3A_234 : memref<!tpu.dma_semaphore, #tpu.memory_space<semaphore_mem>>) src(%dma_wait3A_237 : memref<8x128xi32, #tpu.memory_space<hbm>>) dst(%arg7 : memref<8x128xi32, #tpu.memory_space<vmem>>)
      %dma_wait3A_238 = arith.constant 1 : i32
      %dma_wait3A_239 = arith.constant 0 : i32
      %dma_wait3A_240 = tpu.memref_slice %arg4[%add3A, %add3A_210, %dma_wait3A_239] : memref<32x80x128xi32, #tpu.memory_space<hbm>> -> memref<1x8x128xi32, #tpu.memory_space<hbm>>
      %dma_wait3A_241 = tpu.memref_squeeze %dma_wait3A_240 : memref<1x8x128xi32, #tpu.memory_space<hbm>> -> memref<8x128xi32, #tpu.memory_space<hbm>>
      %dma_wait3A_242 = tpu.memref_slice %arg13[%dma_wait3A_238] : memref<2x!tpu.dma_semaphore, #tpu.memory_space<semaphore_mem>> -> memref<1x!tpu.dma_semaphore, #tpu.memory_space<semaphore_mem>>
      %dma_wait3A_243 = tpu.memref_squeeze %dma_wait3A_242 : memref<1x!tpu.dma_semaphore, #tpu.memory_space<semaphore_mem>> -> memref<!tpu.dma_semaphore, #tpu.memory_space<semaphore_mem>>
      %dma_wait3A_244 = arith.constant 0 : i32
      %dma_wait3A_245 = tpu.memref_slice %arg4[%add3A, %add3A_210, %dma_wait3A_244] : memref<32x80x128xi32, #tpu.memory_space<hbm>> -> memref<1x8x128xi32, #tpu.memory_space<hbm>>
      %dma_wait3A_246 = tpu.memref_squeeze %dma_wait3A_245 : memref<1x8x128xi32, #tpu.memory_space<hbm>> -> memref<8x128xi32, #tpu.memory_space<hbm>>
      tpu.wait_dma2 semaphore(%dma_wait3A_243 : memref<!tpu.dma_semaphore, #tpu.memory_space<semaphore_mem>>) src(%dma_wait3A_246 : memref<8x128xi32, #tpu.memory_space<hbm>>) dst(%arg8 : memref<8x128xi32, #tpu.memory_space<vmem>>)
      %dma_start3A_247 = arith.constant 0 : i32
      %dma_start3A_248 = arith.constant 0 : i32
      %dma_start3A_249 = arith.constant 0 : i32
      %dma_start3A_250 = arith.constant 0 : i32
      %dma_start3A_251 = arith.constant 0 : i32
      %dma_start3A_252 = tpu.memref_slice %arg9[%dma_start3A_248, %dma_start3A_250, %dma_start3A_251] : memref<2x128x128xf32, #tpu.memory_space<vmem>> -> memref<1x128x128xf32, #tpu.memory_space<vmem>>
      %dma_start3A_253 = tpu.memref_squeeze %dma_start3A_252 : memref<1x128x128xf32, #tpu.memory_space<vmem>> -> memref<128x128xf32, #tpu.memory_space<vmem>>
      %dma_start3A_254 = arith.constant 0 : i32
      %dma_start3A_255 = tpu.memref_slice %arg7[%dma_start3A_247, %dma_start3A_254] : memref<8x128xi32, #tpu.memory_space<vmem>> -> memref<1x128xi32, #tpu.memory_space<vmem>>
      %dma_start3A_256 = tpu.memref_squeeze %dma_start3A_255 : memref<1x128xi32, #tpu.memory_space<vmem>> -> memref<128xi32, #tpu.memory_space<vmem>>
      %dma_start3A_257 = arith.constant 0 : i32
      %dma_start3A_258 = arith.constant 0 : i32
      %dma_start3A_259 = tpu.memref_slice %arg2[%dma_start3A_257, %dma_start3A_258] : memref<10112x128xf32, #tpu.memory_space<hbm>> -> memref<10112x128xf32, #tpu.memory_space<hbm>>
      %dma_start3A_260 = tpu.memref_slice %arg11[%dma_start3A_249] : memref<2x!tpu.dma_semaphore, #tpu.memory_space<semaphore_mem>> -> memref<1x!tpu.dma_semaphore, #tpu.memory_space<semaphore_mem>>
      %dma_start3A_261 = tpu.memref_squeeze %dma_start3A_260 : memref<1x!tpu.dma_semaphore, #tpu.memory_space<semaphore_mem>> -> memref<!tpu.dma_semaphore, #tpu.memory_space<semaphore_mem>>
      tpu.enqueue_indirect_dma source(%dma_start3A_259 : memref<10112x128xf32, #tpu.memory_space<hbm>>) target(%dma_start3A_253 : memref<128x128xf32, #tpu.memory_space<vmem>>) offsets(%dma_start3A_256 : memref<128xi32, #tpu.memory_space<vmem>>) semaphore(%dma_start3A_261 : memref<!tpu.dma_semaphore, #tpu.memory_space<semaphore_mem>>)
      %dma_start3A_262 = arith.constant 1 : i32
      %dma_start3A_263 = arith.constant 1 : i32
      %dma_start3A_264 = arith.constant 1 : i32
      %dma_start3A_265 = arith.constant 0 : i32
      %dma_start3A_266 = arith.constant 0 : i32
      %dma_start3A_267 = tpu.memref_slice %arg9[%dma_start3A_263, %dma_start3A_265, %dma_start3A_266] : memref<2x128x128xf32, #tpu.memory_space<vmem>> -> memref<1x128x128xf32, #tpu.memory_space<vmem>>
      %dma_start3A_268 = tpu.memref_squeeze %dma_start3A_267 : memref<1x128x128xf32, #tpu.memory_space<vmem>> -> memref<128x128xf32, #tpu.memory_space<vmem>>
      %dma_start3A_269 = arith.constant 0 : i32
      %dma_start3A_270 = tpu.memref_slice %arg7[%dma_start3A_262, %dma_start3A_269] : memref<8x128xi32, #tpu.memory_space<vmem>> -> memref<1x128xi32, #tpu.memory_space<vmem>>
      %dma_start3A_271 = tpu.memref_squeeze %dma_start3A_270 : memref<1x128xi32, #tpu.memory_space<vmem>> -> memref<128xi32, #tpu.memory_space<vmem>>
      %dma_start3A_272 = arith.constant 0 : i32
      %dma_start3A_273 = arith.constant 0 : i32
      %dma_start3A_274 = tpu.memref_slice %arg2[%dma_start3A_272, %dma_start3A_273] : memref<10112x128xf32, #tpu.memory_space<hbm>> -> memref<10112x128xf32, #tpu.memory_space<hbm>>
      %dma_start3A_275 = tpu.memref_slice %arg11[%dma_start3A_264] : memref<2x!tpu.dma_semaphore, #tpu.memory_space<semaphore_mem>> -> memref<1x!tpu.dma_semaphore, #tpu.memory_space<semaphore_mem>>
      %dma_start3A_276 = tpu.memref_squeeze %dma_start3A_275 : memref<1x!tpu.dma_semaphore, #tpu.memory_space<semaphore_mem>> -> memref<!tpu.dma_semaphore, #tpu.memory_space<semaphore_mem>>
      tpu.enqueue_indirect_dma source(%dma_start3A_274 : memref<10112x128xf32, #tpu.memory_space<hbm>>) target(%dma_start3A_268 : memref<128x128xf32, #tpu.memory_space<vmem>>) offsets(%dma_start3A_271 : memref<128xi32, #tpu.memory_space<vmem>>) semaphore(%dma_start3A_276 : memref<!tpu.dma_semaphore, #tpu.memory_space<semaphore_mem>>)
      %dma_wait3A_277 = arith.constant 0 : i32
      %dma_wait3A_278 = arith.constant 0 : i32
      %dma_wait3A_279 = arith.constant 0 : i32
      %dma_wait3A_280 = arith.constant 0 : i32
      %dma_wait3A_281 = arith.constant 0 : i32
      %dma_wait3A_282 = tpu.memref_slice %arg9[%dma_wait3A_278, %dma_wait3A_280, %dma_wait3A_281] : memref<2x128x128xf32, #tpu.memory_space<vmem>> -> memref<1x128x128xf32, #tpu.memory_space<vmem>>
      %dma_wait3A_283 = tpu.memref_squeeze %dma_wait3A_282 : memref<1x128x128xf32, #tpu.memory_space<vmem>> -> memref<128x128xf32, #tpu.memory_space<vmem>>
      %dma_wait3A_284 = arith.constant 0 : i32
      %dma_wait3A_285 = tpu.memref_slice %arg7[%dma_wait3A_277, %dma_wait3A_284] : memref<8x128xi32, #tpu.memory_space<vmem>> -> memref<1x128xi32, #tpu.memory_space<vmem>>
      %dma_wait3A_286 = tpu.memref_squeeze %dma_wait3A_285 : memref<1x128xi32, #tpu.memory_space<vmem>> -> memref<128xi32, #tpu.memory_space<vmem>>
      %dma_wait3A_287 = arith.constant 0 : i32
      %dma_wait3A_288 = arith.constant 0 : i32
      %dma_wait3A_289 = tpu.memref_slice %arg2[%dma_wait3A_287, %dma_wait3A_288] : memref<10112x128xf32, #tpu.memory_space<hbm>> -> memref<10112x128xf32, #tpu.memory_space<hbm>>
      %dma_wait3A_290 = tpu.memref_slice %arg11[%dma_wait3A_279] : memref<2x!tpu.dma_semaphore, #tpu.memory_space<semaphore_mem>> -> memref<1x!tpu.dma_semaphore, #tpu.memory_space<semaphore_mem>>
      %dma_wait3A_291 = tpu.memref_squeeze %dma_wait3A_290 : memref<1x!tpu.dma_semaphore, #tpu.memory_space<semaphore_mem>> -> memref<!tpu.dma_semaphore, #tpu.memory_space<semaphore_mem>>
      tpu.wait_indirect_dma semaphore(%dma_wait3A_291 : memref<!tpu.dma_semaphore, #tpu.memory_space<semaphore_mem>>) src(%dma_wait3A_289 : memref<10112x128xf32, #tpu.memory_space<hbm>>) dst(%dma_wait3A_283 : memref<128x128xf32, #tpu.memory_space<vmem>>)
      %dma_start3A_292 = arith.constant 0 : i32
      %dma_start3A_293 = arith.constant 0 : i32
      %dma_start3A_294 = arith.constant 0 : i32
      %dma_start3A_295 = arith.constant 0 : i32
      %dma_start3A_296 = arith.constant 0 : i32
      %dma_start3A_297 = tpu.memref_slice %arg9[%dma_start3A_292, %dma_start3A_295, %dma_start3A_296] : memref<2x128x128xf32, #tpu.memory_space<vmem>> -> memref<1x128x128xf32, #tpu.memory_space<vmem>>
      %dma_start3A_298 = tpu.memref_squeeze %dma_start3A_297 : memref<1x128x128xf32, #tpu.memory_space<vmem>> -> memref<128x128xf32, #tpu.memory_space<vmem>>
      %dma_start3A_299 = arith.constant 0 : i32
      %dma_start3A_300 = tpu.memref_slice %arg8[%dma_start3A_293, %dma_start3A_299] : memref<8x128xi32, #tpu.memory_space<vmem>> -> memref<1x128xi32, #tpu.memory_space<vmem>>
      %dma_start3A_301 = tpu.memref_squeeze %dma_start3A_300 : memref<1x128xi32, #tpu.memory_space<vmem>> -> memref<128xi32, #tpu.memory_space<vmem>>
      %dma_start3A_302 = arith.constant 0 : i32
      %dma_start3A_303 = arith.constant 0 : i32
      %dma_start3A_304 = tpu.memref_slice %arg10[%dma_start3A_302, %dma_start3A_303] : memref<10112x128xf32, #tpu.memory_space<vmem_shared>> -> memref<10112x128xf32, #tpu.memory_space<vmem_shared>>
      %dma_start3A_305 = tpu.memref_slice %arg12[%dma_start3A_294] : memref<2x!tpu.dma_semaphore, #tpu.memory_space<semaphore_mem>> -> memref<1x!tpu.dma_semaphore, #tpu.memory_space<semaphore_mem>>
      %dma_start3A_306 = tpu.memref_squeeze %dma_start3A_305 : memref<1x!tpu.dma_semaphore, #tpu.memory_space<semaphore_mem>> -> memref<!tpu.dma_semaphore, #tpu.memory_space<semaphore_mem>>
      tpu.enqueue_indirect_dma source(%dma_start3A_298 : memref<128x128xf32, #tpu.memory_space<vmem>>) target(%dma_start3A_304 : memref<10112x128xf32, #tpu.memory_space<vmem_shared>>) offsets(%dma_start3A_301 : memref<128xi32, #tpu.memory_space<vmem>>) semaphore(%dma_start3A_306 : memref<!tpu.dma_semaphore, #tpu.memory_space<semaphore_mem>>) {add = true}
      %dma_wait3A_307 = arith.constant 1 : i32
      %dma_wait3A_308 = arith.constant 1 : i32
      %dma_wait3A_309 = arith.constant 1 : i32
      %dma_wait3A_310 = arith.constant 0 : i32
      %dma_wait3A_311 = arith.constant 0 : i32
      %dma_wait3A_312 = tpu.memref_slice %arg9[%dma_wait3A_308, %dma_wait3A_310, %dma_wait3A_311] : memref<2x128x128xf32, #tpu.memory_space<vmem>> -> memref<1x128x128xf32, #tpu.memory_space<vmem>>
      %dma_wait3A_313 = tpu.memref_squeeze %dma_wait3A_312 : memref<1x128x128xf32, #tpu.memory_space<vmem>> -> memref<128x128xf32, #tpu.memory_space<vmem>>
      %dma_wait3A_314 = arith.constant 0 : i32
      %dma_wait3A_315 = tpu.memref_slice %arg7[%dma_wait3A_307, %dma_wait3A_314] : memref<8x128xi32, #tpu.memory_space<vmem>> -> memref<1x128xi32, #tpu.memory_space<vmem>>
      %dma_wait3A_316 = tpu.memref_squeeze %dma_wait3A_315 : memref<1x128xi32, #tpu.memory_space<vmem>> -> memref<128xi32, #tpu.memory_space<vmem>>
      %dma_wait3A_317 = arith.constant 0 : i32
      %dma_wait3A_318 = arith.constant 0 : i32
      %dma_wait3A_319 = tpu.memref_slice %arg2[%dma_wait3A_317, %dma_wait3A_318] : memref<10112x128xf32, #tpu.memory_space<hbm>> -> memref<10112x128xf32, #tpu.memory_space<hbm>>
      %dma_wait3A_320 = tpu.memref_slice %arg11[%dma_wait3A_309] : memref<2x!tpu.dma_semaphore, #tpu.memory_space<semaphore_mem>> -> memref<1x!tpu.dma_semaphore, #tpu.memory_space<semaphore_mem>>
      %dma_wait3A_321 = tpu.memref_squeeze %dma_wait3A_320 : memref<1x!tpu.dma_semaphore, #tpu.memory_space<semaphore_mem>> -> memref<!tpu.dma_semaphore, #tpu.memory_space<semaphore_mem>>
      tpu.wait_indirect_dma semaphore(%dma_wait3A_321 : memref<!tpu.dma_semaphore, #tpu.memory_space<semaphore_mem>>) src(%dma_wait3A_319 : memref<10112x128xf32, #tpu.memory_space<hbm>>) dst(%dma_wait3A_313 : memref<128x128xf32, #tpu.memory_space<vmem>>)
      %dma_start3A_322 = arith.constant 1 : i32
      %dma_start3A_323 = arith.constant 1 : i32
      %dma_start3A_324 = arith.constant 1 : i32
      %dma_start3A_325 = arith.constant 0 : i32
      %dma_start3A_326 = arith.constant 0 : i32
      %dma_start3A_327 = tpu.memref_slice %arg9[%dma_start3A_322, %dma_start3A_325, %dma_start3A_326] : memref<2x128x128xf32, #tpu.memory_space<vmem>> -> memref<1x128x128xf32, #tpu.memory_space<vmem>>
      %dma_start3A_328 = tpu.memref_squeeze %dma_start3A_327 : memref<1x128x128xf32, #tpu.memory_space<vmem>> -> memref<128x128xf32, #tpu.memory_space<vmem>>
      %dma_start3A_329 = arith.constant 0 : i32
      %dma_start3A_330 = tpu.memref_slice %arg8[%dma_start3A_323, %dma_start3A_329] : memref<8x128xi32, #tpu.memory_space<vmem>> -> memref<1x128xi32, #tpu.memory_space<vmem>>
      %dma_start3A_331 = tpu.memref_squeeze %dma_start3A_330 : memref<1x128xi32, #tpu.memory_space<vmem>> -> memref<128xi32, #tpu.memory_space<vmem>>
      %dma_start3A_332 = arith.constant 0 : i32
      %dma_start3A_333 = arith.constant 0 : i32
      %dma_start3A_334 = tpu.memref_slice %arg10[%dma_start3A_332, %dma_start3A_333] : memref<10112x128xf32, #tpu.memory_space<vmem_shared>> -> memref<10112x128xf32, #tpu.memory_space<vmem_shared>>
      %dma_start3A_335 = tpu.memref_slice %arg12[%dma_start3A_324] : memref<2x!tpu.dma_semaphore, #tpu.memory_space<semaphore_mem>> -> memref<1x!tpu.dma_semaphore, #tpu.memory_space<semaphore_mem>>
      %dma_start3A_336 = tpu.memref_squeeze %dma_start3A_335 : memref<1x!tpu.dma_semaphore, #tpu.memory_space<semaphore_mem>> -> memref<!tpu.dma_semaphore, #tpu.memory_space<semaphore_mem>>
      tpu.enqueue_indirect_dma source(%dma_start3A_328 : memref<128x128xf32, #tpu.memory_space<vmem>>) target(%dma_start3A_334 : memref<10112x128xf32, #tpu.memory_space<vmem_shared>>) offsets(%dma_start3A_331 : memref<128xi32, #tpu.memory_space<vmem>>) semaphore(%dma_start3A_336 : memref<!tpu.dma_semaphore, #tpu.memory_space<semaphore_mem>>) {add = true}
      %dma_wait3A_337 = arith.constant 0 : i32
      %dma_wait3A_338 = arith.constant 0 : i32
      %dma_wait3A_339 = arith.constant 0 : i32
      %dma_wait3A_340 = arith.constant 0 : i32
      %dma_wait3A_341 = arith.constant 0 : i32
      %dma_wait3A_342 = tpu.memref_slice %arg9[%dma_wait3A_337, %dma_wait3A_340, %dma_wait3A_341] : memref<2x128x128xf32, #tpu.memory_space<vmem>> -> memref<1x128x128xf32, #tpu.memory_space<vmem>>
      %dma_wait3A_343 = tpu.memref_squeeze %dma_wait3A_342 : memref<1x128x128xf32, #tpu.memory_space<vmem>> -> memref<128x128xf32, #tpu.memory_space<vmem>>
      %dma_wait3A_344 = arith.constant 0 : i32
      %dma_wait3A_345 = tpu.memref_slice %arg8[%dma_wait3A_338, %dma_wait3A_344] : memref<8x128xi32, #tpu.memory_space<vmem>> -> memref<1x128xi32, #tpu.memory_space<vmem>>
      %dma_wait3A_346 = tpu.memref_squeeze %dma_wait3A_345 : memref<1x128xi32, #tpu.memory_space<vmem>> -> memref<128xi32, #tpu.memory_space<vmem>>
      %dma_wait3A_347 = arith.constant 0 : i32
      %dma_wait3A_348 = arith.constant 0 : i32
      %dma_wait3A_349 = tpu.memref_slice %arg10[%dma_wait3A_347, %dma_wait3A_348] : memref<10112x128xf32, #tpu.memory_space<vmem_shared>> -> memref<10112x128xf32, #tpu.memory_space<vmem_shared>>
      %dma_wait3A_350 = tpu.memref_slice %arg12[%dma_wait3A_339] : memref<2x!tpu.dma_semaphore, #tpu.memory_space<semaphore_mem>> -> memref<1x!tpu.dma_semaphore, #tpu.memory_space<semaphore_mem>>
      %dma_wait3A_351 = tpu.memref_squeeze %dma_wait3A_350 : memref<1x!tpu.dma_semaphore, #tpu.memory_space<semaphore_mem>> -> memref<!tpu.dma_semaphore, #tpu.memory_space<semaphore_mem>>
      tpu.wait_indirect_dma semaphore(%dma_wait3A_351 : memref<!tpu.dma_semaphore, #tpu.memory_space<semaphore_mem>>) src(%dma_wait3A_343 : memref<128x128xf32, #tpu.memory_space<vmem>>) dst(%dma_wait3A_349 : memref<10112x128xf32, #tpu.memory_space<vmem_shared>>)
      %dma_wait3A_352 = arith.constant 1 : i32
      %dma_wait3A_353 = arith.constant 1 : i32
      %dma_wait3A_354 = arith.constant 1 : i32
      %dma_wait3A_355 = arith.constant 0 : i32
      %dma_wait3A_356 = arith.constant 0 : i32
      %dma_wait3A_357 = tpu.memref_slice %arg9[%dma_wait3A_352, %dma_wait3A_355, %dma_wait3A_356] : memref<2x128x128xf32, #tpu.memory_space<vmem>> -> memref<1x128x128xf32, #tpu.memory_space<vmem>>
      %dma_wait3A_358 = tpu.memref_squeeze %dma_wait3A_357 : memref<1x128x128xf32, #tpu.memory_space<vmem>> -> memref<128x128xf32, #tpu.memory_space<vmem>>
      %dma_wait3A_359 = arith.constant 0 : i32
      %dma_wait3A_360 = tpu.memref_slice %arg8[%dma_wait3A_353, %dma_wait3A_359] : memref<8x128xi32, #tpu.memory_space<vmem>> -> memref<1x128xi32, #tpu.memory_space<vmem>>
      %dma_wait3A_361 = tpu.memref_squeeze %dma_wait3A_360 : memref<1x128xi32, #tpu.memory_space<vmem>> -> memref<128xi32, #tpu.memory_space<vmem>>
      %dma_wait3A_362 = arith.constant 0 : i32
      %dma_wait3A_363 = arith.constant 0 : i32
      %dma_wait3A_364 = tpu.memref_slice %arg10[%dma_wait3A_362, %dma_wait3A_363] : memref<10112x128xf32, #tpu.memory_space<vmem_shared>> -> memref<10112x128xf32, #tpu.memory_space<vmem_shared>>
      %dma_wait3A_365 = tpu.memref_slice %arg12[%dma_wait3A_354] : memref<2x!tpu.dma_semaphore, #tpu.memory_space<semaphore_mem>> -> memref<1x!tpu.dma_semaphore, #tpu.memory_space<semaphore_mem>>
      %dma_wait3A_366 = tpu.memref_squeeze %dma_wait3A_365 : memref<1x!tpu.dma_semaphore, #tpu.memory_space<semaphore_mem>> -> memref<!tpu.dma_semaphore, #tpu.memory_space<semaphore_mem>>
      tpu.wait_indirect_dma semaphore(%dma_wait3A_366 : memref<!tpu.dma_semaphore, #tpu.memory_space<semaphore_mem>>) src(%dma_wait3A_358 : memref<128x128xf32, #tpu.memory_space<vmem>>) dst(%dma_wait3A_364 : memref<10112x128xf32, #tpu.memory_space<vmem_shared>>)
      %dma_start3A_367 = arith.constant 2 : i32
      %dma_start3A_368 = arith.constant 0 : i32
      %dma_start3A_369 = arith.constant 0 : i32
      %dma_start3A_370 = arith.constant 0 : i32
      %dma_start3A_371 = arith.constant 0 : i32
      %dma_start3A_372 = tpu.memref_slice %arg9[%dma_start3A_368, %dma_start3A_370, %dma_start3A_371] : memref<2x128x128xf32, #tpu.memory_space<vmem>> -> memref<1x128x128xf32, #tpu.memory_space<vmem>>
      %dma_start3A_373 = tpu.memref_squeeze %dma_start3A_372 : memref<1x128x128xf32, #tpu.memory_space<vmem>> -> memref<128x128xf32, #tpu.memory_space<vmem>>
      %dma_start3A_374 = arith.constant 0 : i32
      %dma_start3A_375 = tpu.memref_slice %arg7[%dma_start3A_367, %dma_start3A_374] : memref<8x128xi32, #tpu.memory_space<vmem>> -> memref<1x128xi32, #tpu.memory_space<vmem>>
      %dma_start3A_376 = tpu.memref_squeeze %dma_start3A_375 : memref<1x128xi32, #tpu.memory_space<vmem>> -> memref<128xi32, #tpu.memory_space<vmem>>
      %dma_start3A_377 = arith.constant 0 : i32
      %dma_start3A_378 = arith.constant 0 : i32
      %dma_start3A_379 = tpu.memref_slice %arg2[%dma_start3A_377, %dma_start3A_378] : memref<10112x128xf32, #tpu.memory_space<hbm>> -> memref<10112x128xf32, #tpu.memory_space<hbm>>
      %dma_start3A_380 = tpu.memref_slice %arg11[%dma_start3A_369] : memref<2x!tpu.dma_semaphore, #tpu.memory_space<semaphore_mem>> -> memref<1x!tpu.dma_semaphore, #tpu.memory_space<semaphore_mem>>
      %dma_start3A_381 = tpu.memref_squeeze %dma_start3A_380 : memref<1x!tpu.dma_semaphore, #tpu.memory_space<semaphore_mem>> -> memref<!tpu.dma_semaphore, #tpu.memory_space<semaphore_mem>>
      tpu.enqueue_indirect_dma source(%dma_start3A_379 : memref<10112x128xf32, #tpu.memory_space<hbm>>) target(%dma_start3A_373 : memref<128x128xf32, #tpu.memory_space<vmem>>) offsets(%dma_start3A_376 : memref<128xi32, #tpu.memory_space<vmem>>) semaphore(%dma_start3A_381 : memref<!tpu.dma_semaphore, #tpu.memory_space<semaphore_mem>>)
      %dma_start3A_382 = arith.constant 3 : i32
      %dma_start3A_383 = arith.constant 1 : i32
      %dma_start3A_384 = arith.constant 1 : i32
      %dma_start3A_385 = arith.constant 0 : i32
      %dma_start3A_386 = arith.constant 0 : i32
      %dma_start3A_387 = tpu.memref_slice %arg9[%dma_start3A_383, %dma_start3A_385, %dma_start3A_386] : memref<2x128x128xf32, #tpu.memory_space<vmem>> -> memref<1x128x128xf32, #tpu.memory_space<vmem>>
      %dma_start3A_388 = tpu.memref_squeeze %dma_start3A_387 : memref<1x128x128xf32, #tpu.memory_space<vmem>> -> memref<128x128xf32, #tpu.memory_space<vmem>>
      %dma_start3A_389 = arith.constant 0 : i32
      %dma_start3A_390 = tpu.memref_slice %arg7[%dma_start3A_382, %dma_start3A_389] : memref<8x128xi32, #tpu.memory_space<vmem>> -> memref<1x128xi32, #tpu.memory_space<vmem>>
      %dma_start3A_391 = tpu.memref_squeeze %dma_start3A_390 : memref<1x128xi32, #tpu.memory_space<vmem>> -> memref<128xi32, #tpu.memory_space<vmem>>
      %dma_start3A_392 = arith.constant 0 : i32
      %dma_start3A_393 = arith.constant 0 : i32
      %dma_start3A_394 = tpu.memref_slice %arg2[%dma_start3A_392, %dma_start3A_393] : memref<10112x128xf32, #tpu.memory_space<hbm>> -> memref<10112x128xf32, #tpu.memory_space<hbm>>
      %dma_start3A_395 = tpu.memref_slice %arg11[%dma_start3A_384] : memref<2x!tpu.dma_semaphore, #tpu.memory_space<semaphore_mem>> -> memref<1x!tpu.dma_semaphore, #tpu.memory_space<semaphore_mem>>
      %dma_start3A_396 = tpu.memref_squeeze %dma_start3A_395 : memref<1x!tpu.dma_semaphore, #tpu.memory_space<semaphore_mem>> -> memref<!tpu.dma_semaphore, #tpu.memory_space<semaphore_mem>>
      tpu.enqueue_indirect_dma source(%dma_start3A_394 : memref<10112x128xf32, #tpu.memory_space<hbm>>) target(%dma_start3A_388 : memref<128x128xf32, #tpu.memory_space<vmem>>) offsets(%dma_start3A_391 : memref<128xi32, #tpu.memory_space<vmem>>) semaphore(%dma_start3A_396 : memref<!tpu.dma_semaphore, #tpu.memory_space<semaphore_mem>>)
      %dma_wait3A_397 = arith.constant 2 : i32
      %dma_wait3A_398 = arith.constant 0 : i32
      %dma_wait3A_399 = arith.constant 0 : i32
      %dma_wait3A_400 = arith.constant 0 : i32
      %dma_wait3A_401 = arith.constant 0 : i32
      %dma_wait3A_402 = tpu.memref_slice %arg9[%dma_wait3A_398, %dma_wait3A_400, %dma_wait3A_401] : memref<2x128x128xf32, #tpu.memory_space<vmem>> -> memref<1x128x128xf32, #tpu.memory_space<vmem>>
      %dma_wait3A_403 = tpu.memref_squeeze %dma_wait3A_402 : memref<1x128x128xf32, #tpu.memory_space<vmem>> -> memref<128x128xf32, #tpu.memory_space<vmem>>
      %dma_wait3A_404 = arith.constant 0 : i32
      %dma_wait3A_405 = tpu.memref_slice %arg7[%dma_wait3A_397, %dma_wait3A_404] : memref<8x128xi32, #tpu.memory_space<vmem>> -> memref<1x128xi32, #tpu.memory_space<vmem>>
      %dma_wait3A_406 = tpu.memref_squeeze %dma_wait3A_405 : memref<1x128xi32, #tpu.memory_space<vmem>> -> memref<128xi32, #tpu.memory_space<vmem>>
      %dma_wait3A_407 = arith.constant 0 : i32
      %dma_wait3A_408 = arith.constant 0 : i32
      %dma_wait3A_409 = tpu.memref_slice %arg2[%dma_wait3A_407, %dma_wait3A_408] : memref<10112x128xf32, #tpu.memory_space<hbm>> -> memref<10112x128xf32, #tpu.memory_space<hbm>>
      %dma_wait3A_410 = tpu.memref_slice %arg11[%dma_wait3A_399] : memref<2x!tpu.dma_semaphore, #tpu.memory_space<semaphore_mem>> -> memref<1x!tpu.dma_semaphore, #tpu.memory_space<semaphore_mem>>
      %dma_wait3A_411 = tpu.memref_squeeze %dma_wait3A_410 : memref<1x!tpu.dma_semaphore, #tpu.memory_space<semaphore_mem>> -> memref<!tpu.dma_semaphore, #tpu.memory_space<semaphore_mem>>
      tpu.wait_indirect_dma semaphore(%dma_wait3A_411 : memref<!tpu.dma_semaphore, #tpu.memory_space<semaphore_mem>>) src(%dma_wait3A_409 : memref<10112x128xf32, #tpu.memory_space<hbm>>) dst(%dma_wait3A_403 : memref<128x128xf32, #tpu.memory_space<vmem>>)
      %dma_start3A_412 = arith.constant 0 : i32
      %dma_start3A_413 = arith.constant 2 : i32
      %dma_start3A_414 = arith.constant 0 : i32
      %dma_start3A_415 = arith.constant 0 : i32
      %dma_start3A_416 = arith.constant 0 : i32
      %dma_start3A_417 = tpu.memref_slice %arg9[%dma_start3A_412, %dma_start3A_415, %dma_start3A_416] : memref<2x128x128xf32, #tpu.memory_space<vmem>> -> memref<1x128x128xf32, #tpu.memory_space<vmem>>
      %dma_start3A_418 = tpu.memref_squeeze %dma_start3A_417 : memref<1x128x128xf32, #tpu.memory_space<vmem>> -> memref<128x128xf32, #tpu.memory_space<vmem>>
      %dma_start3A_419 = arith.constant 0 : i32
      %dma_start3A_420 = tpu.memref_slice %arg8[%dma_start3A_413, %dma_start3A_419] : memref<8x128xi32, #tpu.memory_space<vmem>> -> memref<1x128xi32, #tpu.memory_space<vmem>>
      %dma_start3A_421 = tpu.memref_squeeze %dma_start3A_420 : memref<1x128xi32, #tpu.memory_space<vmem>> -> memref<128xi32, #tpu.memory_space<vmem>>
      %dma_start3A_422 = arith.constant 0 : i32
      %dma_start3A_423 = arith.constant 0 : i32
      %dma_start3A_424 = tpu.memref_slice %arg10[%dma_start3A_422, %dma_start3A_423] : memref<10112x128xf32, #tpu.memory_space<vmem_shared>> -> memref<10112x128xf32, #tpu.memory_space<vmem_shared>>
      %dma_start3A_425 = tpu.memref_slice %arg12[%dma_start3A_414] : memref<2x!tpu.dma_semaphore, #tpu.memory_space<semaphore_mem>> -> memref<1x!tpu.dma_semaphore, #tpu.memory_space<semaphore_mem>>
      %dma_start3A_426 = tpu.memref_squeeze %dma_start3A_425 : memref<1x!tpu.dma_semaphore, #tpu.memory_space<semaphore_mem>> -> memref<!tpu.dma_semaphore, #tpu.memory_space<semaphore_mem>>
      tpu.enqueue_indirect_dma source(%dma_start3A_418 : memref<128x128xf32, #tpu.memory_space<vmem>>) target(%dma_start3A_424 : memref<10112x128xf32, #tpu.memory_space<vmem_shared>>) offsets(%dma_start3A_421 : memref<128xi32, #tpu.memory_space<vmem>>) semaphore(%dma_start3A_426 : memref<!tpu.dma_semaphore, #tpu.memory_space<semaphore_mem>>) {add = true}
      %dma_wait3A_427 = arith.constant 3 : i32
      %dma_wait3A_428 = arith.constant 1 : i32
      %dma_wait3A_429 = arith.constant 1 : i32
      %dma_wait3A_430 = arith.constant 0 : i32
      %dma_wait3A_431 = arith.constant 0 : i32
      %dma_wait3A_432 = tpu.memref_slice %arg9[%dma_wait3A_428, %dma_wait3A_430, %dma_wait3A_431] : memref<2x128x128xf32, #tpu.memory_space<vmem>> -> memref<1x128x128xf32, #tpu.memory_space<vmem>>
      %dma_wait3A_433 = tpu.memref_squeeze %dma_wait3A_432 : memref<1x128x128xf32, #tpu.memory_space<vmem>> -> memref<128x128xf32, #tpu.memory_space<vmem>>
      %dma_wait3A_434 = arith.constant 0 : i32
      %dma_wait3A_435 = tpu.memref_slice %arg7[%dma_wait3A_427, %dma_wait3A_434] : memref<8x128xi32, #tpu.memory_space<vmem>> -> memref<1x128xi32, #tpu.memory_space<vmem>>
      %dma_wait3A_436 = tpu.memref_squeeze %dma_wait3A_435 : memref<1x128xi32, #tpu.memory_space<vmem>> -> memref<128xi32, #tpu.memory_space<vmem>>
      %dma_wait3A_437 = arith.constant 0 : i32
      %dma_wait3A_438 = arith.constant 0 : i32
      %dma_wait3A_439 = tpu.memref_slice %arg2[%dma_wait3A_437, %dma_wait3A_438] : memref<10112x128xf32, #tpu.memory_space<hbm>> -> memref<10112x128xf32, #tpu.memory_space<hbm>>
      %dma_wait3A_440 = tpu.memref_slice %arg11[%dma_wait3A_429] : memref<2x!tpu.dma_semaphore, #tpu.memory_space<semaphore_mem>> -> memref<1x!tpu.dma_semaphore, #tpu.memory_space<semaphore_mem>>
      %dma_wait3A_441 = tpu.memref_squeeze %dma_wait3A_440 : memref<1x!tpu.dma_semaphore, #tpu.memory_space<semaphore_mem>> -> memref<!tpu.dma_semaphore, #tpu.memory_space<semaphore_mem>>
      tpu.wait_indirect_dma semaphore(%dma_wait3A_441 : memref<!tpu.dma_semaphore, #tpu.memory_space<semaphore_mem>>) src(%dma_wait3A_439 : memref<10112x128xf32, #tpu.memory_space<hbm>>) dst(%dma_wait3A_433 : memref<128x128xf32, #tpu.memory_space<vmem>>)
      %dma_start3A_442 = arith.constant 1 : i32
      %dma_start3A_443 = arith.constant 3 : i32
      %dma_start3A_444 = arith.constant 1 : i32
      %dma_start3A_445 = arith.constant 0 : i32
      %dma_start3A_446 = arith.constant 0 : i32
      %dma_start3A_447 = tpu.memref_slice %arg9[%dma_start3A_442, %dma_start3A_445, %dma_start3A_446] : memref<2x128x128xf32, #tpu.memory_space<vmem>> -> memref<1x128x128xf32, #tpu.memory_space<vmem>>
      %dma_start3A_448 = tpu.memref_squeeze %dma_start3A_447 : memref<1x128x128xf32, #tpu.memory_space<vmem>> -> memref<128x128xf32, #tpu.memory_space<vmem>>
      %dma_start3A_449 = arith.constant 0 : i32
      %dma_start3A_450 = tpu.memref_slice %arg8[%dma_start3A_443, %dma_start3A_449] : memref<8x128xi32, #tpu.memory_space<vmem>> -> memref<1x128xi32, #tpu.memory_space<vmem>>
      %dma_start3A_451 = tpu.memref_squeeze %dma_start3A_450 : memref<1x128xi32, #tpu.memory_space<vmem>> -> memref<128xi32, #tpu.memory_space<vmem>>
      %dma_start3A_452 = arith.constant 0 : i32
      %dma_start3A_453 = arith.constant 0 : i32
      %dma_start3A_454 = tpu.memref_slice %arg10[%dma_start3A_452, %dma_start3A_453] : memref<10112x128xf32, #tpu.memory_space<vmem_shared>> -> memref<10112x128xf32, #tpu.memory_space<vmem_shared>>
      %dma_start3A_455 = tpu.memref_slice %arg12[%dma_start3A_444] : memref<2x!tpu.dma_semaphore, #tpu.memory_space<semaphore_mem>> -> memref<1x!tpu.dma_semaphore, #tpu.memory_space<semaphore_mem>>
      %dma_start3A_456 = tpu.memref_squeeze %dma_start3A_455 : memref<1x!tpu.dma_semaphore, #tpu.memory_space<semaphore_mem>> -> memref<!tpu.dma_semaphore, #tpu.memory_space<semaphore_mem>>
      tpu.enqueue_indirect_dma source(%dma_start3A_448 : memref<128x128xf32, #tpu.memory_space<vmem>>) target(%dma_start3A_454 : memref<10112x128xf32, #tpu.memory_space<vmem_shared>>) offsets(%dma_start3A_451 : memref<128xi32, #tpu.memory_space<vmem>>) semaphore(%dma_start3A_456 : memref<!tpu.dma_semaphore, #tpu.memory_space<semaphore_mem>>) {add = true}
      %dma_wait3A_457 = arith.constant 0 : i32
      %dma_wait3A_458 = arith.constant 2 : i32
      %dma_wait3A_459 = arith.constant 0 : i32
      %dma_wait3A_460 = arith.constant 0 : i32
      %dma_wait3A_461 = arith.constant 0 : i32
      %dma_wait3A_462 = tpu.memref_slice %arg9[%dma_wait3A_457, %dma_wait3A_460, %dma_wait3A_461] : memref<2x128x128xf32, #tpu.memory_space<vmem>> -> memref<1x128x128xf32, #tpu.memory_space<vmem>>
      %dma_wait3A_463 = tpu.memref_squeeze %dma_wait3A_462 : memref<1x128x128xf32, #tpu.memory_space<vmem>> -> memref<128x128xf32, #tpu.memory_space<vmem>>
      %dma_wait3A_464 = arith.constant 0 : i32
      %dma_wait3A_465 = tpu.memref_slice %arg8[%dma_wait3A_458, %dma_wait3A_464] : memref<8x128xi32, #tpu.memory_space<vmem>> -> memref<1x128xi32, #tpu.memory_space<vmem>>
      %dma_wait3A_466 = tpu.memref_squeeze %dma_wait3A_465 : memref<1x128xi32, #tpu.memory_space<vmem>> -> memref<128xi32, #tpu.memory_space<vmem>>
      %dma_wait3A_467 = arith.constant 0 : i32
      %dma_wait3A_468 = arith.constant 0 : i32
      %dma_wait3A_469 = tpu.memref_slice %arg10[%dma_wait3A_467, %dma_wait3A_468] : memref<10112x128xf32, #tpu.memory_space<vmem_shared>> -> memref<10112x128xf32, #tpu.memory_space<vmem_shared>>
      %dma_wait3A_470 = tpu.memref_slice %arg12[%dma_wait3A_459] : memref<2x!tpu.dma_semaphore, #tpu.memory_space<semaphore_mem>> -> memref<1x!tpu.dma_semaphore, #tpu.memory_space<semaphore_mem>>
      %dma_wait3A_471 = tpu.memref_squeeze %dma_wait3A_470 : memref<1x!tpu.dma_semaphore, #tpu.memory_space<semaphore_mem>> -> memref<!tpu.dma_semaphore, #tpu.memory_space<semaphore_mem>>
      tpu.wait_indirect_dma semaphore(%dma_wait3A_471 : memref<!tpu.dma_semaphore, #tpu.memory_space<semaphore_mem>>) src(%dma_wait3A_463 : memref<128x128xf32, #tpu.memory_space<vmem>>) dst(%dma_wait3A_469 : memref<10112x128xf32, #tpu.memory_space<vmem_shared>>)
      %dma_wait3A_472 = arith.constant 1 : i32
      %dma_wait3A_473 = arith.constant 3 : i32
      %dma_wait3A_474 = arith.constant 1 : i32
      %dma_wait3A_475 = arith.constant 0 : i32
      %dma_wait3A_476 = arith.constant 0 : i32
      %dma_wait3A_477 = tpu.memref_slice %arg9[%dma_wait3A_472, %dma_wait3A_475, %dma_wait3A_476] : memref<2x128x128xf32, #tpu.memory_space<vmem>> -> memref<1x128x128xf32, #tpu.memory_space<vmem>>
      %dma_wait3A_478 = tpu.memref_squeeze %dma_wait3A_477 : memref<1x128x128xf32, #tpu.memory_space<vmem>> -> memref<128x128xf32, #tpu.memory_space<vmem>>
      %dma_wait3A_479 = arith.constant 0 : i32
      %dma_wait3A_480 = tpu.memref_slice %arg8[%dma_wait3A_473, %dma_wait3A_479] : memref<8x128xi32, #tpu.memory_space<vmem>> -> memref<1x128xi32, #tpu.memory_space<vmem>>
      %dma_wait3A_481 = tpu.memref_squeeze %dma_wait3A_480 : memref<1x128xi32, #tpu.memory_space<vmem>> -> memref<128xi32, #tpu.memory_space<vmem>>
      %dma_wait3A_482 = arith.constant 0 : i32
      %dma_wait3A_483 = arith.constant 0 : i32
      %dma_wait3A_484 = tpu.memref_slice %arg10[%dma_wait3A_482, %dma_wait3A_483] : memref<10112x128xf32, #tpu.memory_space<vmem_shared>> -> memref<10112x128xf32, #tpu.memory_space<vmem_shared>>
      %dma_wait3A_485 = tpu.memref_slice %arg12[%dma_wait3A_474] : memref<2x!tpu.dma_semaphore, #tpu.memory_space<semaphore_mem>> -> memref<1x!tpu.dma_semaphore, #tpu.memory_space<semaphore_mem>>
      %dma_wait3A_486 = tpu.memref_squeeze %dma_wait3A_485 : memref<1x!tpu.dma_semaphore, #tpu.memory_space<semaphore_mem>> -> memref<!tpu.dma_semaphore, #tpu.memory_space<semaphore_mem>>
      tpu.wait_indirect_dma semaphore(%dma_wait3A_486 : memref<!tpu.dma_semaphore, #tpu.memory_space<semaphore_mem>>) src(%dma_wait3A_478 : memref<128x128xf32, #tpu.memory_space<vmem>>) dst(%dma_wait3A_484 : memref<10112x128xf32, #tpu.memory_space<vmem_shared>>)
      %dma_start3A_487 = arith.constant 4 : i32
      %dma_start3A_488 = arith.constant 0 : i32
      %dma_start3A_489 = arith.constant 0 : i32
      %dma_start3A_490 = arith.constant 0 : i32
      %dma_start3A_491 = arith.constant 0 : i32
      %dma_start3A_492 = tpu.memref_slice %arg9[%dma_start3A_488, %dma_start3A_490, %dma_start3A_491] : memref<2x128x128xf32, #tpu.memory_space<vmem>> -> memref<1x128x128xf32, #tpu.memory_space<vmem>>
      %dma_start3A_493 = tpu.memref_squeeze %dma_start3A_492 : memref<1x128x128xf32, #tpu.memory_space<vmem>> -> memref<128x128xf32, #tpu.memory_space<vmem>>
      %dma_start3A_494 = arith.constant 0 : i32
      %dma_start3A_495 = tpu.memref_slice %arg7[%dma_start3A_487, %dma_start3A_494] : memref<8x128xi32, #tpu.memory_space<vmem>> -> memref<1x128xi32, #tpu.memory_space<vmem>>
      %dma_start3A_496 = tpu.memref_squeeze %dma_start3A_495 : memref<1x128xi32, #tpu.memory_space<vmem>> -> memref<128xi32, #tpu.memory_space<vmem>>
      %dma_start3A_497 = arith.constant 0 : i32
      %dma_start3A_498 = arith.constant 0 : i32
      %dma_start3A_499 = tpu.memref_slice %arg2[%dma_start3A_497, %dma_start3A_498] : memref<10112x128xf32, #tpu.memory_space<hbm>> -> memref<10112x128xf32, #tpu.memory_space<hbm>>
      %dma_start3A_500 = tpu.memref_slice %arg11[%dma_start3A_489] : memref<2x!tpu.dma_semaphore, #tpu.memory_space<semaphore_mem>> -> memref<1x!tpu.dma_semaphore, #tpu.memory_space<semaphore_mem>>
      %dma_start3A_501 = tpu.memref_squeeze %dma_start3A_500 : memref<1x!tpu.dma_semaphore, #tpu.memory_space<semaphore_mem>> -> memref<!tpu.dma_semaphore, #tpu.memory_space<semaphore_mem>>
      tpu.enqueue_indirect_dma source(%dma_start3A_499 : memref<10112x128xf32, #tpu.memory_space<hbm>>) target(%dma_start3A_493 : memref<128x128xf32, #tpu.memory_space<vmem>>) offsets(%dma_start3A_496 : memref<128xi32, #tpu.memory_space<vmem>>) semaphore(%dma_start3A_501 : memref<!tpu.dma_semaphore, #tpu.memory_space<semaphore_mem>>)
      %dma_start3A_502 = arith.constant 5 : i32
      %dma_start3A_503 = arith.constant 1 : i32
      %dma_start3A_504 = arith.constant 1 : i32
      %dma_start3A_505 = arith.constant 0 : i32
      %dma_start3A_506 = arith.constant 0 : i32
      %dma_start3A_507 = tpu.memref_slice %arg9[%dma_start3A_503, %dma_start3A_505, %dma_start3A_506] : memref<2x128x128xf32, #tpu.memory_space<vmem>> -> memref<1x128x128xf32, #tpu.memory_space<vmem>>
      %dma_start3A_508 = tpu.memref_squeeze %dma_start3A_507 : memref<1x128x128xf32, #tpu.memory_space<vmem>> -> memref<128x128xf32, #tpu.memory_space<vmem>>
      %dma_start3A_509 = arith.constant 0 : i32
      %dma_start3A_510 = tpu.memref_slice %arg7[%dma_start3A_502, %dma_start3A_509] : memref<8x128xi32, #tpu.memory_space<vmem>> -> memref<1x128xi32, #tpu.memory_space<vmem>>
      %dma_start3A_511 = tpu.memref_squeeze %dma_start3A_510 : memref<1x128xi32, #tpu.memory_space<vmem>> -> memref<128xi32, #tpu.memory_space<vmem>>
      %dma_start3A_512 = arith.constant 0 : i32
      %dma_start3A_513 = arith.constant 0 : i32
      %dma_start3A_514 = tpu.memref_slice %arg2[%dma_start3A_512, %dma_start3A_513] : memref<10112x128xf32, #tpu.memory_space<hbm>> -> memref<10112x128xf32, #tpu.memory_space<hbm>>
      %dma_start3A_515 = tpu.memref_slice %arg11[%dma_start3A_504] : memref<2x!tpu.dma_semaphore, #tpu.memory_space<semaphore_mem>> -> memref<1x!tpu.dma_semaphore, #tpu.memory_space<semaphore_mem>>
      %dma_start3A_516 = tpu.memref_squeeze %dma_start3A_515 : memref<1x!tpu.dma_semaphore, #tpu.memory_space<semaphore_mem>> -> memref<!tpu.dma_semaphore, #tpu.memory_space<semaphore_mem>>
      tpu.enqueue_indirect_dma source(%dma_start3A_514 : memref<10112x128xf32, #tpu.memory_space<hbm>>) target(%dma_start3A_508 : memref<128x128xf32, #tpu.memory_space<vmem>>) offsets(%dma_start3A_511 : memref<128xi32, #tpu.memory_space<vmem>>) semaphore(%dma_start3A_516 : memref<!tpu.dma_semaphore, #tpu.memory_space<semaphore_mem>>)
      %dma_wait3A_517 = arith.constant 4 : i32
      %dma_wait3A_518 = arith.constant 0 : i32
      %dma_wait3A_519 = arith.constant 0 : i32
      %dma_wait3A_520 = arith.constant 0 : i32
      %dma_wait3A_521 = arith.constant 0 : i32
      %dma_wait3A_522 = tpu.memref_slice %arg9[%dma_wait3A_518, %dma_wait3A_520, %dma_wait3A_521] : memref<2x128x128xf32, #tpu.memory_space<vmem>> -> memref<1x128x128xf32, #tpu.memory_space<vmem>>
      %dma_wait3A_523 = tpu.memref_squeeze %dma_wait3A_522 : memref<1x128x128xf32, #tpu.memory_space<vmem>> -> memref<128x128xf32, #tpu.memory_space<vmem>>
      %dma_wait3A_524 = arith.constant 0 : i32
      %dma_wait3A_525 = tpu.memref_slice %arg7[%dma_wait3A_517, %dma_wait3A_524] : memref<8x128xi32, #tpu.memory_space<vmem>> -> memref<1x128xi32, #tpu.memory_space<vmem>>
      %dma_wait3A_526 = tpu.memref_squeeze %dma_wait3A_525 : memref<1x128xi32, #tpu.memory_space<vmem>> -> memref<128xi32, #tpu.memory_space<vmem>>
      %dma_wait3A_527 = arith.constant 0 : i32
      %dma_wait3A_528 = arith.constant 0 : i32
      %dma_wait3A_529 = tpu.memref_slice %arg2[%dma_wait3A_527, %dma_wait3A_528] : memref<10112x128xf32, #tpu.memory_space<hbm>> -> memref<10112x128xf32, #tpu.memory_space<hbm>>
      %dma_wait3A_530 = tpu.memref_slice %arg11[%dma_wait3A_519] : memref<2x!tpu.dma_semaphore, #tpu.memory_space<semaphore_mem>> -> memref<1x!tpu.dma_semaphore, #tpu.memory_space<semaphore_mem>>
      %dma_wait3A_531 = tpu.memref_squeeze %dma_wait3A_530 : memref<1x!tpu.dma_semaphore, #tpu.memory_space<semaphore_mem>> -> memref<!tpu.dma_semaphore, #tpu.memory_space<semaphore_mem>>
      tpu.wait_indirect_dma semaphore(%dma_wait3A_531 : memref<!tpu.dma_semaphore, #tpu.memory_space<semaphore_mem>>) src(%dma_wait3A_529 : memref<10112x128xf32, #tpu.memory_space<hbm>>) dst(%dma_wait3A_523 : memref<128x128xf32, #tpu.memory_space<vmem>>)
      %dma_start3A_532 = arith.constant 0 : i32
      %dma_start3A_533 = arith.constant 4 : i32
      %dma_start3A_534 = arith.constant 0 : i32
      %dma_start3A_535 = arith.constant 0 : i32
      %dma_start3A_536 = arith.constant 0 : i32
      %dma_start3A_537 = tpu.memref_slice %arg9[%dma_start3A_532, %dma_start3A_535, %dma_start3A_536] : memref<2x128x128xf32, #tpu.memory_space<vmem>> -> memref<1x128x128xf32, #tpu.memory_space<vmem>>
      %dma_start3A_538 = tpu.memref_squeeze %dma_start3A_537 : memref<1x128x128xf32, #tpu.memory_space<vmem>> -> memref<128x128xf32, #tpu.memory_space<vmem>>
      %dma_start3A_539 = arith.constant 0 : i32
      %dma_start3A_540 = tpu.memref_slice %arg8[%dma_start3A_533, %dma_start3A_539] : memref<8x128xi32, #tpu.memory_space<vmem>> -> memref<1x128xi32, #tpu.memory_space<vmem>>
      %dma_start3A_541 = tpu.memref_squeeze %dma_start3A_540 : memref<1x128xi32, #tpu.memory_space<vmem>> -> memref<128xi32, #tpu.memory_space<vmem>>
      %dma_start3A_542 = arith.constant 0 : i32
      %dma_start3A_543 = arith.constant 0 : i32
      %dma_start3A_544 = tpu.memref_slice %arg10[%dma_start3A_542, %dma_start3A_543] : memref<10112x128xf32, #tpu.memory_space<vmem_shared>> -> memref<10112x128xf32, #tpu.memory_space<vmem_shared>>
      %dma_start3A_545 = tpu.memref_slice %arg12[%dma_start3A_534] : memref<2x!tpu.dma_semaphore, #tpu.memory_space<semaphore_mem>> -> memref<1x!tpu.dma_semaphore, #tpu.memory_space<semaphore_mem>>
      %dma_start3A_546 = tpu.memref_squeeze %dma_start3A_545 : memref<1x!tpu.dma_semaphore, #tpu.memory_space<semaphore_mem>> -> memref<!tpu.dma_semaphore, #tpu.memory_space<semaphore_mem>>
      tpu.enqueue_indirect_dma source(%dma_start3A_538 : memref<128x128xf32, #tpu.memory_space<vmem>>) target(%dma_start3A_544 : memref<10112x128xf32, #tpu.memory_space<vmem_shared>>) offsets(%dma_start3A_541 : memref<128xi32, #tpu.memory_space<vmem>>) semaphore(%dma_start3A_546 : memref<!tpu.dma_semaphore, #tpu.memory_space<semaphore_mem>>) {add = true}
      %dma_wait3A_547 = arith.constant 5 : i32
      %dma_wait3A_548 = arith.constant 1 : i32
      %dma_wait3A_549 = arith.constant 1 : i32
      %dma_wait3A_550 = arith.constant 0 : i32
      %dma_wait3A_551 = arith.constant 0 : i32
      %dma_wait3A_552 = tpu.memref_slice %arg9[%dma_wait3A_548, %dma_wait3A_550, %dma_wait3A_551] : memref<2x128x128xf32, #tpu.memory_space<vmem>> -> memref<1x128x128xf32, #tpu.memory_space<vmem>>
      %dma_wait3A_553 = tpu.memref_squeeze %dma_wait3A_552 : memref<1x128x128xf32, #tpu.memory_space<vmem>> -> memref<128x128xf32, #tpu.memory_space<vmem>>
      %dma_wait3A_554 = arith.constant 0 : i32
      %dma_wait3A_555 = tpu.memref_slice %arg7[%dma_wait3A_547, %dma_wait3A_554] : memref<8x128xi32, #tpu.memory_space<vmem>> -> memref<1x128xi32, #tpu.memory_space<vmem>>
      %dma_wait3A_556 = tpu.memref_squeeze %dma_wait3A_555 : memref<1x128xi32, #tpu.memory_space<vmem>> -> memref<128xi32, #tpu.memory_space<vmem>>
      %dma_wait3A_557 = arith.constant 0 : i32
      %dma_wait3A_558 = arith.constant 0 : i32
      %dma_wait3A_559 = tpu.memref_slice %arg2[%dma_wait3A_557, %dma_wait3A_558] : memref<10112x128xf32, #tpu.memory_space<hbm>> -> memref<10112x128xf32, #tpu.memory_space<hbm>>
      %dma_wait3A_560 = tpu.memref_slice %arg11[%dma_wait3A_549] : memref<2x!tpu.dma_semaphore, #tpu.memory_space<semaphore_mem>> -> memref<1x!tpu.dma_semaphore, #tpu.memory_space<semaphore_mem>>
      %dma_wait3A_561 = tpu.memref_squeeze %dma_wait3A_560 : memref<1x!tpu.dma_semaphore, #tpu.memory_space<semaphore_mem>> -> memref<!tpu.dma_semaphore, #tpu.memory_space<semaphore_mem>>
      tpu.wait_indirect_dma semaphore(%dma_wait3A_561 : memref<!tpu.dma_semaphore, #tpu.memory_space<semaphore_mem>>) src(%dma_wait3A_559 : memref<10112x128xf32, #tpu.memory_space<hbm>>) dst(%dma_wait3A_553 : memref<128x128xf32, #tpu.memory_space<vmem>>)
      %dma_start3A_562 = arith.constant 1 : i32
      %dma_start3A_563 = arith.constant 5 : i32
      %dma_start3A_564 = arith.constant 1 : i32
      %dma_start3A_565 = arith.constant 0 : i32
      %dma_start3A_566 = arith.constant 0 : i32
      %dma_start3A_567 = tpu.memref_slice %arg9[%dma_start3A_562, %dma_start3A_565, %dma_start3A_566] : memref<2x128x128xf32, #tpu.memory_space<vmem>> -> memref<1x128x128xf32, #tpu.memory_space<vmem>>
      %dma_start3A_568 = tpu.memref_squeeze %dma_start3A_567 : memref<1x128x128xf32, #tpu.memory_space<vmem>> -> memref<128x128xf32, #tpu.memory_space<vmem>>
      %dma_start3A_569 = arith.constant 0 : i32
      %dma_start3A_570 = tpu.memref_slice %arg8[%dma_start3A_563, %dma_start3A_569] : memref<8x128xi32, #tpu.memory_space<vmem>> -> memref<1x128xi32, #tpu.memory_space<vmem>>
      %dma_start3A_571 = tpu.memref_squeeze %dma_start3A_570 : memref<1x128xi32, #tpu.memory_space<vmem>> -> memref<128xi32, #tpu.memory_space<vmem>>
      %dma_start3A_572 = arith.constant 0 : i32
      %dma_start3A_573 = arith.constant 0 : i32
      %dma_start3A_574 = tpu.memref_slice %arg10[%dma_start3A_572, %dma_start3A_573] : memref<10112x128xf32, #tpu.memory_space<vmem_shared>> -> memref<10112x128xf32, #tpu.memory_space<vmem_shared>>
      %dma_start3A_575 = tpu.memref_slice %arg12[%dma_start3A_564] : memref<2x!tpu.dma_semaphore, #tpu.memory_space<semaphore_mem>> -> memref<1x!tpu.dma_semaphore, #tpu.memory_space<semaphore_mem>>
      %dma_start3A_576 = tpu.memref_squeeze %dma_start3A_575 : memref<1x!tpu.dma_semaphore, #tpu.memory_space<semaphore_mem>> -> memref<!tpu.dma_semaphore, #tpu.memory_space<semaphore_mem>>
      tpu.enqueue_indirect_dma source(%dma_start3A_568 : memref<128x128xf32, #tpu.memory_space<vmem>>) target(%dma_start3A_574 : memref<10112x128xf32, #tpu.memory_space<vmem_shared>>) offsets(%dma_start3A_571 : memref<128xi32, #tpu.memory_space<vmem>>) semaphore(%dma_start3A_576 : memref<!tpu.dma_semaphore, #tpu.memory_space<semaphore_mem>>) {add = true}
      %dma_wait3A_577 = arith.constant 0 : i32
      %dma_wait3A_578 = arith.constant 4 : i32
      %dma_wait3A_579 = arith.constant 0 : i32
      %dma_wait3A_580 = arith.constant 0 : i32
      %dma_wait3A_581 = arith.constant 0 : i32
      %dma_wait3A_582 = tpu.memref_slice %arg9[%dma_wait3A_577, %dma_wait3A_580, %dma_wait3A_581] : memref<2x128x128xf32, #tpu.memory_space<vmem>> -> memref<1x128x128xf32, #tpu.memory_space<vmem>>
      %dma_wait3A_583 = tpu.memref_squeeze %dma_wait3A_582 : memref<1x128x128xf32, #tpu.memory_space<vmem>> -> memref<128x128xf32, #tpu.memory_space<vmem>>
      %dma_wait3A_584 = arith.constant 0 : i32
      %dma_wait3A_585 = tpu.memref_slice %arg8[%dma_wait3A_578, %dma_wait3A_584] : memref<8x128xi32, #tpu.memory_space<vmem>> -> memref<1x128xi32, #tpu.memory_space<vmem>>
      %dma_wait3A_586 = tpu.memref_squeeze %dma_wait3A_585 : memref<1x128xi32, #tpu.memory_space<vmem>> -> memref<128xi32, #tpu.memory_space<vmem>>
      %dma_wait3A_587 = arith.constant 0 : i32
      %dma_wait3A_588 = arith.constant 0 : i32
      %dma_wait3A_589 = tpu.memref_slice %arg10[%dma_wait3A_587, %dma_wait3A_588] : memref<10112x128xf32, #tpu.memory_space<vmem_shared>> -> memref<10112x128xf32, #tpu.memory_space<vmem_shared>>
      %dma_wait3A_590 = tpu.memref_slice %arg12[%dma_wait3A_579] : memref<2x!tpu.dma_semaphore, #tpu.memory_space<semaphore_mem>> -> memref<1x!tpu.dma_semaphore, #tpu.memory_space<semaphore_mem>>
      %dma_wait3A_591 = tpu.memref_squeeze %dma_wait3A_590 : memref<1x!tpu.dma_semaphore, #tpu.memory_space<semaphore_mem>> -> memref<!tpu.dma_semaphore, #tpu.memory_space<semaphore_mem>>
      tpu.wait_indirect_dma semaphore(%dma_wait3A_591 : memref<!tpu.dma_semaphore, #tpu.memory_space<semaphore_mem>>) src(%dma_wait3A_583 : memref<128x128xf32, #tpu.memory_space<vmem>>) dst(%dma_wait3A_589 : memref<10112x128xf32, #tpu.memory_space<vmem_shared>>)
      %dma_wait3A_592 = arith.constant 1 : i32
      %dma_wait3A_593 = arith.constant 5 : i32
      %dma_wait3A_594 = arith.constant 1 : i32
      %dma_wait3A_595 = arith.constant 0 : i32
      %dma_wait3A_596 = arith.constant 0 : i32
      %dma_wait3A_597 = tpu.memref_slice %arg9[%dma_wait3A_592, %dma_wait3A_595, %dma_wait3A_596] : memref<2x128x128xf32, #tpu.memory_space<vmem>> -> memref<1x128x128xf32, #tpu.memory_space<vmem>>
      %dma_wait3A_598 = tpu.memref_squeeze %dma_wait3A_597 : memref<1x128x128xf32, #tpu.memory_space<vmem>> -> memref<128x128xf32, #tpu.memory_space<vmem>>
      %dma_wait3A_599 = arith.constant 0 : i32
      %dma_wait3A_600 = tpu.memref_slice %arg8[%dma_wait3A_593, %dma_wait3A_599] : memref<8x128xi32, #tpu.memory_space<vmem>> -> memref<1x128xi32, #tpu.memory_space<vmem>>
      %dma_wait3A_601 = tpu.memref_squeeze %dma_wait3A_600 : memref<1x128xi32, #tpu.memory_space<vmem>> -> memref<128xi32, #tpu.memory_space<vmem>>
      %dma_wait3A_602 = arith.constant 0 : i32
      %dma_wait3A_603 = arith.constant 0 : i32
      %dma_wait3A_604 = tpu.memref_slice %arg10[%dma_wait3A_602, %dma_wait3A_603] : memref<10112x128xf32, #tpu.memory_space<vmem_shared>> -> memref<10112x128xf32, #tpu.memory_space<vmem_shared>>
      %dma_wait3A_605 = tpu.memref_slice %arg12[%dma_wait3A_594] : memref<2x!tpu.dma_semaphore, #tpu.memory_space<semaphore_mem>> -> memref<1x!tpu.dma_semaphore, #tpu.memory_space<semaphore_mem>>
      %dma_wait3A_606 = tpu.memref_squeeze %dma_wait3A_605 : memref<1x!tpu.dma_semaphore, #tpu.memory_space<semaphore_mem>> -> memref<!tpu.dma_semaphore, #tpu.memory_space<semaphore_mem>>
      tpu.wait_indirect_dma semaphore(%dma_wait3A_606 : memref<!tpu.dma_semaphore, #tpu.memory_space<semaphore_mem>>) src(%dma_wait3A_598 : memref<128x128xf32, #tpu.memory_space<vmem>>) dst(%dma_wait3A_604 : memref<10112x128xf32, #tpu.memory_space<vmem_shared>>)
      %dma_start3A_607 = arith.constant 6 : i32
      %dma_start3A_608 = arith.constant 0 : i32
      %dma_start3A_609 = arith.constant 0 : i32
      %dma_start3A_610 = arith.constant 0 : i32
      %dma_start3A_611 = arith.constant 0 : i32
      %dma_start3A_612 = tpu.memref_slice %arg9[%dma_start3A_608, %dma_start3A_610, %dma_start3A_611] : memref<2x128x128xf32, #tpu.memory_space<vmem>> -> memref<1x128x128xf32, #tpu.memory_space<vmem>>
      %dma_start3A_613 = tpu.memref_squeeze %dma_start3A_612 : memref<1x128x128xf32, #tpu.memory_space<vmem>> -> memref<128x128xf32, #tpu.memory_space<vmem>>
      %dma_start3A_614 = arith.constant 0 : i32
      %dma_start3A_615 = tpu.memref_slice %arg7[%dma_start3A_607, %dma_start3A_614] : memref<8x128xi32, #tpu.memory_space<vmem>> -> memref<1x128xi32, #tpu.memory_space<vmem>>
      %dma_start3A_616 = tpu.memref_squeeze %dma_start3A_615 : memref<1x128xi32, #tpu.memory_space<vmem>> -> memref<128xi32, #tpu.memory_space<vmem>>
      %dma_start3A_617 = arith.constant 0 : i32
      %dma_start3A_618 = arith.constant 0 : i32
      %dma_start3A_619 = tpu.memref_slice %arg2[%dma_start3A_617, %dma_start3A_618] : memref<10112x128xf32, #tpu.memory_space<hbm>> -> memref<10112x128xf32, #tpu.memory_space<hbm>>
      %dma_start3A_620 = tpu.memref_slice %arg11[%dma_start3A_609] : memref<2x!tpu.dma_semaphore, #tpu.memory_space<semaphore_mem>> -> memref<1x!tpu.dma_semaphore, #tpu.memory_space<semaphore_mem>>
      %dma_start3A_621 = tpu.memref_squeeze %dma_start3A_620 : memref<1x!tpu.dma_semaphore, #tpu.memory_space<semaphore_mem>> -> memref<!tpu.dma_semaphore, #tpu.memory_space<semaphore_mem>>
      tpu.enqueue_indirect_dma source(%dma_start3A_619 : memref<10112x128xf32, #tpu.memory_space<hbm>>) target(%dma_start3A_613 : memref<128x128xf32, #tpu.memory_space<vmem>>) offsets(%dma_start3A_616 : memref<128xi32, #tpu.memory_space<vmem>>) semaphore(%dma_start3A_621 : memref<!tpu.dma_semaphore, #tpu.memory_space<semaphore_mem>>)
      %dma_start3A_622 = arith.constant 7 : i32
      %dma_start3A_623 = arith.constant 1 : i32
      %dma_start3A_624 = arith.constant 1 : i32
      %dma_start3A_625 = arith.constant 0 : i32
      %dma_start3A_626 = arith.constant 0 : i32
      %dma_start3A_627 = tpu.memref_slice %arg9[%dma_start3A_623, %dma_start3A_625, %dma_start3A_626] : memref<2x128x128xf32, #tpu.memory_space<vmem>> -> memref<1x128x128xf32, #tpu.memory_space<vmem>>
      %dma_start3A_628 = tpu.memref_squeeze %dma_start3A_627 : memref<1x128x128xf32, #tpu.memory_space<vmem>> -> memref<128x128xf32, #tpu.memory_space<vmem>>
      %dma_start3A_629 = arith.constant 0 : i32
      %dma_start3A_630 = tpu.memref_slice %arg7[%dma_start3A_622, %dma_start3A_629] : memref<8x128xi32, #tpu.memory_space<vmem>> -> memref<1x128xi32, #tpu.memory_space<vmem>>
      %dma_start3A_631 = tpu.memref_squeeze %dma_start3A_630 : memref<1x128xi32, #tpu.memory_space<vmem>> -> memref<128xi32, #tpu.memory_space<vmem>>
      %dma_start3A_632 = arith.constant 0 : i32
      %dma_start3A_633 = arith.constant 0 : i32
      %dma_start3A_634 = tpu.memref_slice %arg2[%dma_start3A_632, %dma_start3A_633] : memref<10112x128xf32, #tpu.memory_space<hbm>> -> memref<10112x128xf32, #tpu.memory_space<hbm>>
      %dma_start3A_635 = tpu.memref_slice %arg11[%dma_start3A_624] : memref<2x!tpu.dma_semaphore, #tpu.memory_space<semaphore_mem>> -> memref<1x!tpu.dma_semaphore, #tpu.memory_space<semaphore_mem>>
      %dma_start3A_636 = tpu.memref_squeeze %dma_start3A_635 : memref<1x!tpu.dma_semaphore, #tpu.memory_space<semaphore_mem>> -> memref<!tpu.dma_semaphore, #tpu.memory_space<semaphore_mem>>
      tpu.enqueue_indirect_dma source(%dma_start3A_634 : memref<10112x128xf32, #tpu.memory_space<hbm>>) target(%dma_start3A_628 : memref<128x128xf32, #tpu.memory_space<vmem>>) offsets(%dma_start3A_631 : memref<128xi32, #tpu.memory_space<vmem>>) semaphore(%dma_start3A_636 : memref<!tpu.dma_semaphore, #tpu.memory_space<semaphore_mem>>)
      %dma_wait3A_637 = arith.constant 6 : i32
      %dma_wait3A_638 = arith.constant 0 : i32
      %dma_wait3A_639 = arith.constant 0 : i32
      %dma_wait3A_640 = arith.constant 0 : i32
      %dma_wait3A_641 = arith.constant 0 : i32
      %dma_wait3A_642 = tpu.memref_slice %arg9[%dma_wait3A_638, %dma_wait3A_640, %dma_wait3A_641] : memref<2x128x128xf32, #tpu.memory_space<vmem>> -> memref<1x128x128xf32, #tpu.memory_space<vmem>>
      %dma_wait3A_643 = tpu.memref_squeeze %dma_wait3A_642 : memref<1x128x128xf32, #tpu.memory_space<vmem>> -> memref<128x128xf32, #tpu.memory_space<vmem>>
      %dma_wait3A_644 = arith.constant 0 : i32
      %dma_wait3A_645 = tpu.memref_slice %arg7[%dma_wait3A_637, %dma_wait3A_644] : memref<8x128xi32, #tpu.memory_space<vmem>> -> memref<1x128xi32, #tpu.memory_space<vmem>>
      %dma_wait3A_646 = tpu.memref_squeeze %dma_wait3A_645 : memref<1x128xi32, #tpu.memory_space<vmem>> -> memref<128xi32, #tpu.memory_space<vmem>>
      %dma_wait3A_647 = arith.constant 0 : i32
      %dma_wait3A_648 = arith.constant 0 : i32
      %dma_wait3A_649 = tpu.memref_slice %arg2[%dma_wait3A_647, %dma_wait3A_648] : memref<10112x128xf32, #tpu.memory_space<hbm>> -> memref<10112x128xf32, #tpu.memory_space<hbm>>
      %dma_wait3A_650 = tpu.memref_slice %arg11[%dma_wait3A_639] : memref<2x!tpu.dma_semaphore, #tpu.memory_space<semaphore_mem>> -> memref<1x!tpu.dma_semaphore, #tpu.memory_space<semaphore_mem>>
      %dma_wait3A_651 = tpu.memref_squeeze %dma_wait3A_650 : memref<1x!tpu.dma_semaphore, #tpu.memory_space<semaphore_mem>> -> memref<!tpu.dma_semaphore, #tpu.memory_space<semaphore_mem>>
      tpu.wait_indirect_dma semaphore(%dma_wait3A_651 : memref<!tpu.dma_semaphore, #tpu.memory_space<semaphore_mem>>) src(%dma_wait3A_649 : memref<10112x128xf32, #tpu.memory_space<hbm>>) dst(%dma_wait3A_643 : memref<128x128xf32, #tpu.memory_space<vmem>>)
      %dma_start3A_652 = arith.constant 0 : i32
      %dma_start3A_653 = arith.constant 6 : i32
      %dma_start3A_654 = arith.constant 0 : i32
      %dma_start3A_655 = arith.constant 0 : i32
      %dma_start3A_656 = arith.constant 0 : i32
      %dma_start3A_657 = tpu.memref_slice %arg9[%dma_start3A_652, %dma_start3A_655, %dma_start3A_656] : memref<2x128x128xf32, #tpu.memory_space<vmem>> -> memref<1x128x128xf32, #tpu.memory_space<vmem>>
      %dma_start3A_658 = tpu.memref_squeeze %dma_start3A_657 : memref<1x128x128xf32, #tpu.memory_space<vmem>> -> memref<128x128xf32, #tpu.memory_space<vmem>>
      %dma_start3A_659 = arith.constant 0 : i32
      %dma_start3A_660 = tpu.memref_slice %arg8[%dma_start3A_653, %dma_start3A_659] : memref<8x128xi32, #tpu.memory_space<vmem>> -> memref<1x128xi32, #tpu.memory_space<vmem>>
      %dma_start3A_661 = tpu.memref_squeeze %dma_start3A_660 : memref<1x128xi32, #tpu.memory_space<vmem>> -> memref<128xi32, #tpu.memory_space<vmem>>
      %dma_start3A_662 = arith.constant 0 : i32
      %dma_start3A_663 = arith.constant 0 : i32
      %dma_start3A_664 = tpu.memref_slice %arg10[%dma_start3A_662, %dma_start3A_663] : memref<10112x128xf32, #tpu.memory_space<vmem_shared>> -> memref<10112x128xf32, #tpu.memory_space<vmem_shared>>
      %dma_start3A_665 = tpu.memref_slice %arg12[%dma_start3A_654] : memref<2x!tpu.dma_semaphore, #tpu.memory_space<semaphore_mem>> -> memref<1x!tpu.dma_semaphore, #tpu.memory_space<semaphore_mem>>
      %dma_start3A_666 = tpu.memref_squeeze %dma_start3A_665 : memref<1x!tpu.dma_semaphore, #tpu.memory_space<semaphore_mem>> -> memref<!tpu.dma_semaphore, #tpu.memory_space<semaphore_mem>>
      tpu.enqueue_indirect_dma source(%dma_start3A_658 : memref<128x128xf32, #tpu.memory_space<vmem>>) target(%dma_start3A_664 : memref<10112x128xf32, #tpu.memory_space<vmem_shared>>) offsets(%dma_start3A_661 : memref<128xi32, #tpu.memory_space<vmem>>) semaphore(%dma_start3A_666 : memref<!tpu.dma_semaphore, #tpu.memory_space<semaphore_mem>>) {add = true}
      %dma_wait3A_667 = arith.constant 7 : i32
      %dma_wait3A_668 = arith.constant 1 : i32
      %dma_wait3A_669 = arith.constant 1 : i32
      %dma_wait3A_670 = arith.constant 0 : i32
      %dma_wait3A_671 = arith.constant 0 : i32
      %dma_wait3A_672 = tpu.memref_slice %arg9[%dma_wait3A_668, %dma_wait3A_670, %dma_wait3A_671] : memref<2x128x128xf32, #tpu.memory_space<vmem>> -> memref<1x128x128xf32, #tpu.memory_space<vmem>>
      %dma_wait3A_673 = tpu.memref_squeeze %dma_wait3A_672 : memref<1x128x128xf32, #tpu.memory_space<vmem>> -> memref<128x128xf32, #tpu.memory_space<vmem>>
      %dma_wait3A_674 = arith.constant 0 : i32
      %dma_wait3A_675 = tpu.memref_slice %arg7[%dma_wait3A_667, %dma_wait3A_674] : memref<8x128xi32, #tpu.memory_space<vmem>> -> memref<1x128xi32, #tpu.memory_space<vmem>>
      %dma_wait3A_676 = tpu.memref_squeeze %dma_wait3A_675 : memref<1x128xi32, #tpu.memory_space<vmem>> -> memref<128xi32, #tpu.memory_space<vmem>>
      %dma_wait3A_677 = arith.constant 0 : i32
      %dma_wait3A_678 = arith.constant 0 : i32
      %dma_wait3A_679 = tpu.memref_slice %arg2[%dma_wait3A_677, %dma_wait3A_678] : memref<10112x128xf32, #tpu.memory_space<hbm>> -> memref<10112x128xf32, #tpu.memory_space<hbm>>
      %dma_wait3A_680 = tpu.memref_slice %arg11[%dma_wait3A_669] : memref<2x!tpu.dma_semaphore, #tpu.memory_space<semaphore_mem>> -> memref<1x!tpu.dma_semaphore, #tpu.memory_space<semaphore_mem>>
      %dma_wait3A_681 = tpu.memref_squeeze %dma_wait3A_680 : memref<1x!tpu.dma_semaphore, #tpu.memory_space<semaphore_mem>> -> memref<!tpu.dma_semaphore, #tpu.memory_space<semaphore_mem>>
      tpu.wait_indirect_dma semaphore(%dma_wait3A_681 : memref<!tpu.dma_semaphore, #tpu.memory_space<semaphore_mem>>) src(%dma_wait3A_679 : memref<10112x128xf32, #tpu.memory_space<hbm>>) dst(%dma_wait3A_673 : memref<128x128xf32, #tpu.memory_space<vmem>>)
      %dma_start3A_682 = arith.constant 1 : i32
      %dma_start3A_683 = arith.constant 7 : i32
      %dma_start3A_684 = arith.constant 1 : i32
      %dma_start3A_685 = arith.constant 0 : i32
      %dma_start3A_686 = arith.constant 0 : i32
      %dma_start3A_687 = tpu.memref_slice %arg9[%dma_start3A_682, %dma_start3A_685, %dma_start3A_686] : memref<2x128x128xf32, #tpu.memory_space<vmem>> -> memref<1x128x128xf32, #tpu.memory_space<vmem>>
      %dma_start3A_688 = tpu.memref_squeeze %dma_start3A_687 : memref<1x128x128xf32, #tpu.memory_space<vmem>> -> memref<128x128xf32, #tpu.memory_space<vmem>>
      %dma_start3A_689 = arith.constant 0 : i32
      %dma_start3A_690 = tpu.memref_slice %arg8[%dma_start3A_683, %dma_start3A_689] : memref<8x128xi32, #tpu.memory_space<vmem>> -> memref<1x128xi32, #tpu.memory_space<vmem>>
      %dma_start3A_691 = tpu.memref_squeeze %dma_start3A_690 : memref<1x128xi32, #tpu.memory_space<vmem>> -> memref<128xi32, #tpu.memory_space<vmem>>
      %dma_start3A_692 = arith.constant 0 : i32
      %dma_start3A_693 = arith.constant 0 : i32
      %dma_start3A_694 = tpu.memref_slice %arg10[%dma_start3A_692, %dma_start3A_693] : memref<10112x128xf32, #tpu.memory_space<vmem_shared>> -> memref<10112x128xf32, #tpu.memory_space<vmem_shared>>
      %dma_start3A_695 = tpu.memref_slice %arg12[%dma_start3A_684] : memref<2x!tpu.dma_semaphore, #tpu.memory_space<semaphore_mem>> -> memref<1x!tpu.dma_semaphore, #tpu.memory_space<semaphore_mem>>
      %dma_start3A_696 = tpu.memref_squeeze %dma_start3A_695 : memref<1x!tpu.dma_semaphore, #tpu.memory_space<semaphore_mem>> -> memref<!tpu.dma_semaphore, #tpu.memory_space<semaphore_mem>>
      tpu.enqueue_indirect_dma source(%dma_start3A_688 : memref<128x128xf32, #tpu.memory_space<vmem>>) target(%dma_start3A_694 : memref<10112x128xf32, #tpu.memory_space<vmem_shared>>) offsets(%dma_start3A_691 : memref<128xi32, #tpu.memory_space<vmem>>) semaphore(%dma_start3A_696 : memref<!tpu.dma_semaphore, #tpu.memory_space<semaphore_mem>>) {add = true}
      %dma_wait3A_697 = arith.constant 0 : i32
      %dma_wait3A_698 = arith.constant 6 : i32
      %dma_wait3A_699 = arith.constant 0 : i32
      %dma_wait3A_700 = arith.constant 0 : i32
      %dma_wait3A_701 = arith.constant 0 : i32
      %dma_wait3A_702 = tpu.memref_slice %arg9[%dma_wait3A_697, %dma_wait3A_700, %dma_wait3A_701] : memref<2x128x128xf32, #tpu.memory_space<vmem>> -> memref<1x128x128xf32, #tpu.memory_space<vmem>>
      %dma_wait3A_703 = tpu.memref_squeeze %dma_wait3A_702 : memref<1x128x128xf32, #tpu.memory_space<vmem>> -> memref<128x128xf32, #tpu.memory_space<vmem>>
      %dma_wait3A_704 = arith.constant 0 : i32
      %dma_wait3A_705 = tpu.memref_slice %arg8[%dma_wait3A_698, %dma_wait3A_704] : memref<8x128xi32, #tpu.memory_space<vmem>> -> memref<1x128xi32, #tpu.memory_space<vmem>>
      %dma_wait3A_706 = tpu.memref_squeeze %dma_wait3A_705 : memref<1x128xi32, #tpu.memory_space<vmem>> -> memref<128xi32, #tpu.memory_space<vmem>>
      %dma_wait3A_707 = arith.constant 0 : i32
      %dma_wait3A_708 = arith.constant 0 : i32
      %dma_wait3A_709 = tpu.memref_slice %arg10[%dma_wait3A_707, %dma_wait3A_708] : memref<10112x128xf32, #tpu.memory_space<vmem_shared>> -> memref<10112x128xf32, #tpu.memory_space<vmem_shared>>
      %dma_wait3A_710 = tpu.memref_slice %arg12[%dma_wait3A_699] : memref<2x!tpu.dma_semaphore, #tpu.memory_space<semaphore_mem>> -> memref<1x!tpu.dma_semaphore, #tpu.memory_space<semaphore_mem>>
      %dma_wait3A_711 = tpu.memref_squeeze %dma_wait3A_710 : memref<1x!tpu.dma_semaphore, #tpu.memory_space<semaphore_mem>> -> memref<!tpu.dma_semaphore, #tpu.memory_space<semaphore_mem>>
      tpu.wait_indirect_dma semaphore(%dma_wait3A_711 : memref<!tpu.dma_semaphore, #tpu.memory_space<semaphore_mem>>) src(%dma_wait3A_703 : memref<128x128xf32, #tpu.memory_space<vmem>>) dst(%dma_wait3A_709 : memref<10112x128xf32, #tpu.memory_space<vmem_shared>>)
      %dma_wait3A_712 = arith.constant 1 : i32
      %dma_wait3A_713 = arith.constant 7 : i32
      %dma_wait3A_714 = arith.constant 1 : i32
      %dma_wait3A_715 = arith.constant 0 : i32
      %dma_wait3A_716 = arith.constant 0 : i32
      %dma_wait3A_717 = tpu.memref_slice %arg9[%dma_wait3A_712, %dma_wait3A_715, %dma_wait3A_716] : memref<2x128x128xf32, #tpu.memory_space<vmem>> -> memref<1x128x128xf32, #tpu.memory_space<vmem>>
      %dma_wait3A_718 = tpu.memref_squeeze %dma_wait3A_717 : memref<1x128x128xf32, #tpu.memory_space<vmem>> -> memref<128x128xf32, #tpu.memory_space<vmem>>
      %dma_wait3A_719 = arith.constant 0 : i32
      %dma_wait3A_720 = tpu.memref_slice %arg8[%dma_wait3A_713, %dma_wait3A_719] : memref<8x128xi32, #tpu.memory_space<vmem>> -> memref<1x128xi32, #tpu.memory_space<vmem>>
      %dma_wait3A_721 = tpu.memref_squeeze %dma_wait3A_720 : memref<1x128xi32, #tpu.memory_space<vmem>> -> memref<128xi32, #tpu.memory_space<vmem>>
      %dma_wait3A_722 = arith.constant 0 : i32
      %dma_wait3A_723 = arith.constant 0 : i32
      %dma_wait3A_724 = tpu.memref_slice %arg10[%dma_wait3A_722, %dma_wait3A_723] : memref<10112x128xf32, #tpu.memory_space<vmem_shared>> -> memref<10112x128xf32, #tpu.memory_space<vmem_shared>>
      %dma_wait3A_725 = tpu.memref_slice %arg12[%dma_wait3A_714] : memref<2x!tpu.dma_semaphore, #tpu.memory_space<semaphore_mem>> -> memref<1x!tpu.dma_semaphore, #tpu.memory_space<semaphore_mem>>
      %dma_wait3A_726 = tpu.memref_squeeze %dma_wait3A_725 : memref<1x!tpu.dma_semaphore, #tpu.memory_space<semaphore_mem>> -> memref<!tpu.dma_semaphore, #tpu.memory_space<semaphore_mem>>
      tpu.wait_indirect_dma semaphore(%dma_wait3A_726 : memref<!tpu.dma_semaphore, #tpu.memory_space<semaphore_mem>>) src(%dma_wait3A_718 : memref<128x128xf32, #tpu.memory_space<vmem>>) dst(%dma_wait3A_724 : memref<10112x128xf32, #tpu.memory_space<vmem_shared>>)
    }
    %scan3A_174 = arith.constant 10 : i32
    %barrier3A_175 = arith.constant 0 : index
    tpu.barrier barrier_id(%barrier3A_175)
    %add3A_176 = arith.constant 0 : i32
    %add3A_177 = arith.addi %mul3A_2, %add3A_176 : i32
    %run_scoped3A_178 = arith.constant 0 : i32
    "tpu.region"() ({
      %run_scoped3A_206 = tpu.sem_alloc : memref<!tpu.dma_semaphore, #tpu.memory_space<semaphore_mem>>
      %dma_start3A_207 = arith.constant 0 : i32
      %dma_start3A_208 = arith.constant 0 : i32
      %dma_start3A_209 = tpu.memref_slice %arg9[%run_scoped3A_178, %dma_start3A_207, %dma_start3A_208] : memref<2x128x128xf32, #tpu.memory_space<vmem>> -> memref<1x128x128xf32, #tpu.memory_space<vmem>>
      %dma_start3A_210 = tpu.memref_squeeze %dma_start3A_209 : memref<1x128x128xf32, #tpu.memory_space<vmem>> -> memref<128x128xf32, #tpu.memory_space<vmem>>
      %dma_start3A_211 = arith.constant 0 : i32
      %dma_start3A_212 = tpu.memref_slice %arg10[%add3A_177, %dma_start3A_211] : memref<10112x128xf32, #tpu.memory_space<vmem_shared>> -> memref<128x128xf32, #tpu.memory_space<vmem_shared>>
      %dma_start3A_213 = arith.constant 0 : i32
      %dma_start3A_214 = arith.constant 0 : i32
      %dma_start3A_215 = tpu.memref_slice %arg9[%run_scoped3A_178, %dma_start3A_213, %dma_start3A_214] : memref<2x128x128xf32, #tpu.memory_space<vmem>> -> memref<1x128x128xf32, #tpu.memory_space<vmem>>
      %dma_start3A_216 = tpu.memref_squeeze %dma_start3A_215 : memref<1x128x128xf32, #tpu.memory_space<vmem>> -> memref<128x128xf32, #tpu.memory_space<vmem>>
      %dma_start3A_217 = arith.constant 0 : i32
      %dma_start3A_218 = tpu.memref_slice %arg10[%add3A_177, %dma_start3A_217] : memref<10112x128xf32, #tpu.memory_space<vmem_shared>> -> memref<128x128xf32, #tpu.memory_space<vmem_shared>>
      tpu.enqueue_dma source(%dma_start3A_218 : memref<128x128xf32, #tpu.memory_space<vmem_shared>>) target(%dma_start3A_216 : memref<128x128xf32, #tpu.memory_space<vmem>>) target_semaphore(%run_scoped3A_206 : memref<!tpu.dma_semaphore, #tpu.memory_space<semaphore_mem>>)
      %dma_wait3A_219 = arith.constant 0 : i32
      %dma_wait3A_220 = arith.constant 0 : i32
      %dma_wait3A_221 = tpu.memref_slice %arg9[%run_scoped3A_178, %dma_wait3A_219, %dma_wait3A_220] : memref<2x128x128xf32, #tpu.memory_space<vmem>> -> memref<1x128x128xf32, #tpu.memory_space<vmem>>
      %dma_wait3A_222 = tpu.memref_squeeze %dma_wait3A_221 : memref<1x128x128xf32, #tpu.memory_space<vmem>> -> memref<128x128xf32, #tpu.memory_space<vmem>>
      %dma_wait3A_223 = arith.constant 0 : i32
      %dma_wait3A_224 = tpu.memref_slice %arg10[%add3A_177, %dma_wait3A_223] : memref<10112x128xf32, #tpu.memory_space<vmem_shared>> -> memref<128x128xf32, #tpu.memory_space<vmem_shared>>
      %dma_wait3A_225 = arith.constant 0 : i32
      %dma_wait3A_226 = arith.constant 0 : i32
      %dma_wait3A_227 = tpu.memref_slice %arg9[%run_scoped3A_178, %dma_wait3A_225, %dma_wait3A_226] : memref<2x128x128xf32, #tpu.memory_space<vmem>> -> memref<1x128x128xf32, #tpu.memory_space<vmem>>
      %dma_wait3A_228 = tpu.memref_squeeze %dma_wait3A_227 : memref<1x128x128xf32, #tpu.memory_space<vmem>> -> memref<128x128xf32, #tpu.memory_space<vmem>>
      %dma_wait3A_229 = arith.constant 0 : i32
      %dma_wait3A_230 = tpu.memref_slice %arg10[%add3A_177, %dma_wait3A_229] : memref<10112x128xf32, #tpu.memory_space<vmem_shared>> -> memref<128x128xf32, #tpu.memory_space<vmem_shared>>
      tpu.wait_dma2 semaphore(%run_scoped3A_206 : memref<!tpu.dma_semaphore, #tpu.memory_space<semaphore_mem>>) src(%dma_wait3A_230 : memref<128x128xf32, #tpu.memory_space<vmem_shared>>) dst(%dma_wait3A_228 : memref<128x128xf32, #tpu.memory_space<vmem>>)
      tpu.yield
    }) : () -> ()
    %add3A_179 = arith.constant 0 : i32
    %add3A_180 = arith.addi %mul3A_2, %add3A_179 : i32
    %run_scoped3A_181 = arith.constant 0 : i32
    "tpu.region"() ({
      %run_scoped3A_206 = tpu.sem_alloc : memref<!tpu.dma_semaphore, #tpu.memory_space<semaphore_mem>>
      %dma_start3A_207 = arith.constant 0 : i32
      %dma_start3A_208 = arith.constant 0 : i32
      %dma_start3A_209 = tpu.memref_slice %arg9[%run_scoped3A_181, %dma_start3A_207, %dma_start3A_208] : memref<2x128x128xf32, #tpu.memory_space<vmem>> -> memref<1x128x128xf32, #tpu.memory_space<vmem>>
      %dma_start3A_210 = tpu.memref_squeeze %dma_start3A_209 : memref<1x128x128xf32, #tpu.memory_space<vmem>> -> memref<128x128xf32, #tpu.memory_space<vmem>>
      %dma_start3A_211 = arith.constant 0 : i32
      %dma_start3A_212 = tpu.memref_slice %arg6[%arg0, %add3A_180, %dma_start3A_211] : memref<2x10112x128xf32, #tpu.memory_space<hbm>> -> memref<1x128x128xf32, #tpu.memory_space<hbm>>
      %dma_start3A_213 = tpu.memref_squeeze %dma_start3A_212 : memref<1x128x128xf32, #tpu.memory_space<hbm>> -> memref<128x128xf32, #tpu.memory_space<hbm>>
      %dma_start3A_214 = arith.constant 0 : i32
      %dma_start3A_215 = tpu.memref_slice %arg6[%arg0, %add3A_180, %dma_start3A_214] : memref<2x10112x128xf32, #tpu.memory_space<hbm>> -> memref<1x128x128xf32, #tpu.memory_space<hbm>>
      %dma_start3A_216 = tpu.memref_squeeze %dma_start3A_215 : memref<1x128x128xf32, #tpu.memory_space<hbm>> -> memref<128x128xf32, #tpu.memory_space<hbm>>
      %dma_start3A_217 = arith.constant 0 : i32
      %dma_start3A_218 = arith.constant 0 : i32
      %dma_start3A_219 = tpu.memref_slice %arg9[%run_scoped3A_181, %dma_start3A_217, %dma_start3A_218] : memref<2x128x128xf32, #tpu.memory_space<vmem>> -> memref<1x128x128xf32, #tpu.memory_space<vmem>>
      %dma_start3A_220 = tpu.memref_squeeze %dma_start3A_219 : memref<1x128x128xf32, #tpu.memory_space<vmem>> -> memref<128x128xf32, #tpu.memory_space<vmem>>
      tpu.enqueue_dma source(%dma_start3A_220 : memref<128x128xf32, #tpu.memory_space<vmem>>) target(%dma_start3A_216 : memref<128x128xf32, #tpu.memory_space<hbm>>) target_semaphore(%run_scoped3A_206 : memref<!tpu.dma_semaphore, #tpu.memory_space<semaphore_mem>>)
      %dma_wait3A_221 = arith.constant 0 : i32
      %dma_wait3A_222 = arith.constant 0 : i32
      %dma_wait3A_223 = tpu.memref_slice %arg9[%run_scoped3A_181, %dma_wait3A_221, %dma_wait3A_222] : memref<2x128x128xf32, #tpu.memory_space<vmem>> -> memref<1x128x128xf32, #tpu.memory_space<vmem>>
      %dma_wait3A_224 = tpu.memref_squeeze %dma_wait3A_223 : memref<1x128x128xf32, #tpu.memory_space<vmem>> -> memref<128x128xf32, #tpu.memory_space<vmem>>
      %dma_wait3A_225 = arith.constant 0 : i32
      %dma_wait3A_226 = tpu.memref_slice %arg6[%arg0, %add3A_180, %dma_wait3A_225] : memref<2x10112x128xf32, #tpu.memory_space<hbm>> -> memref<1x128x128xf32, #tpu.memory_space<hbm>>
      %dma_wait3A_227 = tpu.memref_squeeze %dma_wait3A_226 : memref<1x128x128xf32, #tpu.memory_space<hbm>> -> memref<128x128xf32, #tpu.memory_space<hbm>>
      %dma_wait3A_228 = arith.constant 0 : i32
      %dma_wait3A_229 = tpu.memref_slice %arg6[%arg0, %add3A_180, %dma_wait3A_228] : memref<2x10112x128xf32, #tpu.memory_space<hbm>> -> memref<1x128x128xf32, #tpu.memory_space<hbm>>
      %dma_wait3A_230 = tpu.memref_squeeze %dma_wait3A_229 : memref<1x128x128xf32, #tpu.memory_space<hbm>> -> memref<128x128xf32, #tpu.memory_space<hbm>>
      %dma_wait3A_231 = arith.constant 0 : i32
      %dma_wait3A_232 = arith.constant 0 : i32
      %dma_wait3A_233 = tpu.memref_slice %arg9[%run_scoped3A_181, %dma_wait3A_231, %dma_wait3A_232] : memref<2x128x128xf32, #tpu.memory_space<vmem>> -> memref<1x128x128xf32, #tpu.memory_space<vmem>>
      %dma_wait3A_234 = tpu.memref_squeeze %dma_wait3A_233 : memref<1x128x128xf32, #tpu.memory_space<vmem>> -> memref<128x128xf32, #tpu.memory_space<vmem>>
      tpu.wait_dma2 semaphore(%run_scoped3A_206 : memref<!tpu.dma_semaphore, #tpu.memory_space<semaphore_mem>>) src(%dma_wait3A_234 : memref<128x128xf32, #tpu.memory_space<vmem>>) dst(%dma_wait3A_230 : memref<128x128xf32, #tpu.memory_space<hbm>>)
      tpu.yield
    }) : () -> ()
    %add3A_182 = arith.constant 128 : i32
    %add3A_183 = arith.addi %mul3A_2, %add3A_182 : i32
    %run_scoped3A_184 = arith.constant 0 : i32
    "tpu.region"() ({
      %run_scoped3A_206 = tpu.sem_alloc : memref<!tpu.dma_semaphore, #tpu.memory_space<semaphore_mem>>
      %dma_start3A_207 = arith.constant 0 : i32
      %dma_start3A_208 = arith.constant 0 : i32
      %dma_start3A_209 = tpu.memref_slice %arg9[%run_scoped3A_184, %dma_start3A_207, %dma_start3A_208] : memref<2x128x128xf32, #tpu.memory_space<vmem>> -> memref<1x128x128xf32, #tpu.memory_space<vmem>>
      %dma_start3A_210 = tpu.memref_squeeze %dma_start3A_209 : memref<1x128x128xf32, #tpu.memory_space<vmem>> -> memref<128x128xf32, #tpu.memory_space<vmem>>
      %dma_start3A_211 = arith.constant 0 : i32
      %dma_start3A_212 = tpu.memref_slice %arg10[%add3A_183, %dma_start3A_211] : memref<10112x128xf32, #tpu.memory_space<vmem_shared>> -> memref<128x128xf32, #tpu.memory_space<vmem_shared>>
      %dma_start3A_213 = arith.constant 0 : i32
      %dma_start3A_214 = arith.constant 0 : i32
      %dma_start3A_215 = tpu.memref_slice %arg9[%run_scoped3A_184, %dma_start3A_213, %dma_start3A_214] : memref<2x128x128xf32, #tpu.memory_space<vmem>> -> memref<1x128x128xf32, #tpu.memory_space<vmem>>
      %dma_start3A_216 = tpu.memref_squeeze %dma_start3A_215 : memref<1x128x128xf32, #tpu.memory_space<vmem>> -> memref<128x128xf32, #tpu.memory_space<vmem>>
      %dma_start3A_217 = arith.constant 0 : i32
      %dma_start3A_218 = tpu.memref_slice %arg10[%add3A_183, %dma_start3A_217] : memref<10112x128xf32, #tpu.memory_space<vmem_shared>> -> memref<128x128xf32, #tpu.memory_space<vmem_shared>>
      tpu.enqueue_dma source(%dma_start3A_218 : memref<128x128xf32, #tpu.memory_space<vmem_shared>>) target(%dma_start3A_216 : memref<128x128xf32, #tpu.memory_space<vmem>>) target_semaphore(%run_scoped3A_206 : memref<!tpu.dma_semaphore, #tpu.memory_space<semaphore_mem>>)
      %dma_wait3A_219 = arith.constant 0 : i32
      %dma_wait3A_220 = arith.constant 0 : i32
      %dma_wait3A_221 = tpu.memref_slice %arg9[%run_scoped3A_184, %dma_wait3A_219, %dma_wait3A_220] : memref<2x128x128xf32, #tpu.memory_space<vmem>> -> memref<1x128x128xf32, #tpu.memory_space<vmem>>
      %dma_wait3A_222 = tpu.memref_squeeze %dma_wait3A_221 : memref<1x128x128xf32, #tpu.memory_space<vmem>> -> memref<128x128xf32, #tpu.memory_space<vmem>>
      %dma_wait3A_223 = arith.constant 0 : i32
      %dma_wait3A_224 = tpu.memref_slice %arg10[%add3A_183, %dma_wait3A_223] : memref<10112x128xf32, #tpu.memory_space<vmem_shared>> -> memref<128x128xf32, #tpu.memory_space<vmem_shared>>
      %dma_wait3A_225 = arith.constant 0 : i32
      %dma_wait3A_226 = arith.constant 0 : i32
      %dma_wait3A_227 = tpu.memref_slice %arg9[%run_scoped3A_184, %dma_wait3A_225, %dma_wait3A_226] : memref<2x128x128xf32, #tpu.memory_space<vmem>> -> memref<1x128x128xf32, #tpu.memory_space<vmem>>
      %dma_wait3A_228 = tpu.memref_squeeze %dma_wait3A_227 : memref<1x128x128xf32, #tpu.memory_space<vmem>> -> memref<128x128xf32, #tpu.memory_space<vmem>>
      %dma_wait3A_229 = arith.constant 0 : i32
      %dma_wait3A_230 = tpu.memref_slice %arg10[%add3A_183, %dma_wait3A_229] : memref<10112x128xf32, #tpu.memory_space<vmem_shared>> -> memref<128x128xf32, #tpu.memory_space<vmem_shared>>
      tpu.wait_dma2 semaphore(%run_scoped3A_206 : memref<!tpu.dma_semaphore, #tpu.memory_space<semaphore_mem>>) src(%dma_wait3A_230 : memref<128x128xf32, #tpu.memory_space<vmem_shared>>) dst(%dma_wait3A_228 : memref<128x128xf32, #tpu.memory_space<vmem>>)
      tpu.yield
    }) : () -> ()
    %add3A_185 = arith.constant 128 : i32
    %add3A_186 = arith.addi %mul3A_2, %add3A_185 : i32
    %run_scoped3A_187 = arith.constant 0 : i32
    "tpu.region"() ({
      %run_scoped3A_206 = tpu.sem_alloc : memref<!tpu.dma_semaphore, #tpu.memory_space<semaphore_mem>>
      %dma_start3A_207 = arith.constant 0 : i32
      %dma_start3A_208 = arith.constant 0 : i32
      %dma_start3A_209 = tpu.memref_slice %arg9[%run_scoped3A_187, %dma_start3A_207, %dma_start3A_208] : memref<2x128x128xf32, #tpu.memory_space<vmem>> -> memref<1x128x128xf32, #tpu.memory_space<vmem>>
      %dma_start3A_210 = tpu.memref_squeeze %dma_start3A_209 : memref<1x128x128xf32, #tpu.memory_space<vmem>> -> memref<128x128xf32, #tpu.memory_space<vmem>>
      %dma_start3A_211 = arith.constant 0 : i32
      %dma_start3A_212 = tpu.memref_slice %arg6[%arg0, %add3A_186, %dma_start3A_211] : memref<2x10112x128xf32, #tpu.memory_space<hbm>> -> memref<1x128x128xf32, #tpu.memory_space<hbm>>
      %dma_start3A_213 = tpu.memref_squeeze %dma_start3A_212 : memref<1x128x128xf32, #tpu.memory_space<hbm>> -> memref<128x128xf32, #tpu.memory_space<hbm>>
      %dma_start3A_214 = arith.constant 0 : i32
      %dma_start3A_215 = tpu.memref_slice %arg6[%arg0, %add3A_186, %dma_start3A_214] : memref<2x10112x128xf32, #tpu.memory_space<hbm>> -> memref<1x128x128xf32, #tpu.memory_space<hbm>>
      %dma_start3A_216 = tpu.memref_squeeze %dma_start3A_215 : memref<1x128x128xf32, #tpu.memory_space<hbm>> -> memref<128x128xf32, #tpu.memory_space<hbm>>
      %dma_start3A_217 = arith.constant 0 : i32
      %dma_start3A_218 = arith.constant 0 : i32
      %dma_start3A_219 = tpu.memref_slice %arg9[%run_scoped3A_187, %dma_start3A_217, %dma_start3A_218] : memref<2x128x128xf32, #tpu.memory_space<vmem>> -> memref<1x128x128xf32, #tpu.memory_space<vmem>>
      %dma_start3A_220 = tpu.memref_squeeze %dma_start3A_219 : memref<1x128x128xf32, #tpu.memory_space<vmem>> -> memref<128x128xf32, #tpu.memory_space<vmem>>
      tpu.enqueue_dma source(%dma_start3A_220 : memref<128x128xf32, #tpu.memory_space<vmem>>) target(%dma_start3A_216 : memref<128x128xf32, #tpu.memory_space<hbm>>) target_semaphore(%run_scoped3A_206 : memref<!tpu.dma_semaphore, #tpu.memory_space<semaphore_mem>>)
      %dma_wait3A_221 = arith.constant 0 : i32
      %dma_wait3A_222 = arith.constant 0 : i32
      %dma_wait3A_223 = tpu.memref_slice %arg9[%run_scoped3A_187, %dma_wait3A_221, %dma_wait3A_222] : memref<2x128x128xf32, #tpu.memory_space<vmem>> -> memref<1x128x128xf32, #tpu.memory_space<vmem>>
      %dma_wait3A_224 = tpu.memref_squeeze %dma_wait3A_223 : memref<1x128x128xf32, #tpu.memory_space<vmem>> -> memref<128x128xf32, #tpu.memory_space<vmem>>
      %dma_wait3A_225 = arith.constant 0 : i32
      %dma_wait3A_226 = tpu.memref_slice %arg6[%arg0, %add3A_186, %dma_wait3A_225] : memref<2x10112x128xf32, #tpu.memory_space<hbm>> -> memref<1x128x128xf32, #tpu.memory_space<hbm>>
      %dma_wait3A_227 = tpu.memref_squeeze %dma_wait3A_226 : memref<1x128x128xf32, #tpu.memory_space<hbm>> -> memref<128x128xf32, #tpu.memory_space<hbm>>
      %dma_wait3A_228 = arith.constant 0 : i32
      %dma_wait3A_229 = tpu.memref_slice %arg6[%arg0, %add3A_186, %dma_wait3A_228] : memref<2x10112x128xf32, #tpu.memory_space<hbm>> -> memref<1x128x128xf32, #tpu.memory_space<hbm>>
      %dma_wait3A_230 = tpu.memref_squeeze %dma_wait3A_229 : memref<1x128x128xf32, #tpu.memory_space<hbm>> -> memref<128x128xf32, #tpu.memory_space<hbm>>
      %dma_wait3A_231 = arith.constant 0 : i32
      %dma_wait3A_232 = arith.constant 0 : i32
      %dma_wait3A_233 = tpu.memref_slice %arg9[%run_scoped3A_187, %dma_wait3A_231, %dma_wait3A_232] : memref<2x128x128xf32, #tpu.memory_space<vmem>> -> memref<1x128x128xf32, #tpu.memory_space<vmem>>
      %dma_wait3A_234 = tpu.memref_squeeze %dma_wait3A_233 : memref<1x128x128xf32, #tpu.memory_space<vmem>> -> memref<128x128xf32, #tpu.memory_space<vmem>>
      tpu.wait_dma2 semaphore(%run_scoped3A_206 : memref<!tpu.dma_semaphore, #tpu.memory_space<semaphore_mem>>) src(%dma_wait3A_234 : memref<128x128xf32, #tpu.memory_space<vmem>>) dst(%dma_wait3A_230 : memref<128x128xf32, #tpu.memory_space<hbm>>)
      tpu.yield
    }) : () -> ()
    %add3A_188 = arith.constant 256 : i32
    %add3A_189 = arith.addi %mul3A_2, %add3A_188 : i32
    %run_scoped3A_190 = arith.constant 0 : i32
    "tpu.region"() ({
      %run_scoped3A_206 = tpu.sem_alloc : memref<!tpu.dma_semaphore, #tpu.memory_space<semaphore_mem>>
      %dma_start3A_207 = arith.constant 0 : i32
      %dma_start3A_208 = arith.constant 0 : i32
      %dma_start3A_209 = tpu.memref_slice %arg9[%run_scoped3A_190, %dma_start3A_207, %dma_start3A_208] : memref<2x128x128xf32, #tpu.memory_space<vmem>> -> memref<1x128x128xf32, #tpu.memory_space<vmem>>
      %dma_start3A_210 = tpu.memref_squeeze %dma_start3A_209 : memref<1x128x128xf32, #tpu.memory_space<vmem>> -> memref<128x128xf32, #tpu.memory_space<vmem>>
      %dma_start3A_211 = arith.constant 0 : i32
      %dma_start3A_212 = tpu.memref_slice %arg10[%add3A_189, %dma_start3A_211] : memref<10112x128xf32, #tpu.memory_space<vmem_shared>> -> memref<128x128xf32, #tpu.memory_space<vmem_shared>>
      %dma_start3A_213 = arith.constant 0 : i32
      %dma_start3A_214 = arith.constant 0 : i32
      %dma_start3A_215 = tpu.memref_slice %arg9[%run_scoped3A_190, %dma_start3A_213, %dma_start3A_214] : memref<2x128x128xf32, #tpu.memory_space<vmem>> -> memref<1x128x128xf32, #tpu.memory_space<vmem>>
      %dma_start3A_216 = tpu.memref_squeeze %dma_start3A_215 : memref<1x128x128xf32, #tpu.memory_space<vmem>> -> memref<128x128xf32, #tpu.memory_space<vmem>>
      %dma_start3A_217 = arith.constant 0 : i32
      %dma_start3A_218 = tpu.memref_slice %arg10[%add3A_189, %dma_start3A_217] : memref<10112x128xf32, #tpu.memory_space<vmem_shared>> -> memref<128x128xf32, #tpu.memory_space<vmem_shared>>
      tpu.enqueue_dma source(%dma_start3A_218 : memref<128x128xf32, #tpu.memory_space<vmem_shared>>) target(%dma_start3A_216 : memref<128x128xf32, #tpu.memory_space<vmem>>) target_semaphore(%run_scoped3A_206 : memref<!tpu.dma_semaphore, #tpu.memory_space<semaphore_mem>>)
      %dma_wait3A_219 = arith.constant 0 : i32
      %dma_wait3A_220 = arith.constant 0 : i32
      %dma_wait3A_221 = tpu.memref_slice %arg9[%run_scoped3A_190, %dma_wait3A_219, %dma_wait3A_220] : memref<2x128x128xf32, #tpu.memory_space<vmem>> -> memref<1x128x128xf32, #tpu.memory_space<vmem>>
      %dma_wait3A_222 = tpu.memref_squeeze %dma_wait3A_221 : memref<1x128x128xf32, #tpu.memory_space<vmem>> -> memref<128x128xf32, #tpu.memory_space<vmem>>
      %dma_wait3A_223 = arith.constant 0 : i32
      %dma_wait3A_224 = tpu.memref_slice %arg10[%add3A_189, %dma_wait3A_223] : memref<10112x128xf32, #tpu.memory_space<vmem_shared>> -> memref<128x128xf32, #tpu.memory_space<vmem_shared>>
      %dma_wait3A_225 = arith.constant 0 : i32
      %dma_wait3A_226 = arith.constant 0 : i32
      %dma_wait3A_227 = tpu.memref_slice %arg9[%run_scoped3A_190, %dma_wait3A_225, %dma_wait3A_226] : memref<2x128x128xf32, #tpu.memory_space<vmem>> -> memref<1x128x128xf32, #tpu.memory_space<vmem>>
      %dma_wait3A_228 = tpu.memref_squeeze %dma_wait3A_227 : memref<1x128x128xf32, #tpu.memory_space<vmem>> -> memref<128x128xf32, #tpu.memory_space<vmem>>
      %dma_wait3A_229 = arith.constant 0 : i32
      %dma_wait3A_230 = tpu.memref_slice %arg10[%add3A_189, %dma_wait3A_229] : memref<10112x128xf32, #tpu.memory_space<vmem_shared>> -> memref<128x128xf32, #tpu.memory_space<vmem_shared>>
      tpu.wait_dma2 semaphore(%run_scoped3A_206 : memref<!tpu.dma_semaphore, #tpu.memory_space<semaphore_mem>>) src(%dma_wait3A_230 : memref<128x128xf32, #tpu.memory_space<vmem_shared>>) dst(%dma_wait3A_228 : memref<128x128xf32, #tpu.memory_space<vmem>>)
      tpu.yield
    }) : () -> ()
    %add3A_191 = arith.constant 256 : i32
    %add3A_192 = arith.addi %mul3A_2, %add3A_191 : i32
    %run_scoped3A_193 = arith.constant 0 : i32
    "tpu.region"() ({
      %run_scoped3A_206 = tpu.sem_alloc : memref<!tpu.dma_semaphore, #tpu.memory_space<semaphore_mem>>
      %dma_start3A_207 = arith.constant 0 : i32
      %dma_start3A_208 = arith.constant 0 : i32
      %dma_start3A_209 = tpu.memref_slice %arg9[%run_scoped3A_193, %dma_start3A_207, %dma_start3A_208] : memref<2x128x128xf32, #tpu.memory_space<vmem>> -> memref<1x128x128xf32, #tpu.memory_space<vmem>>
      %dma_start3A_210 = tpu.memref_squeeze %dma_start3A_209 : memref<1x128x128xf32, #tpu.memory_space<vmem>> -> memref<128x128xf32, #tpu.memory_space<vmem>>
      %dma_start3A_211 = arith.constant 0 : i32
      %dma_start3A_212 = tpu.memref_slice %arg6[%arg0, %add3A_192, %dma_start3A_211] : memref<2x10112x128xf32, #tpu.memory_space<hbm>> -> memref<1x128x128xf32, #tpu.memory_space<hbm>>
      %dma_start3A_213 = tpu.memref_squeeze %dma_start3A_212 : memref<1x128x128xf32, #tpu.memory_space<hbm>> -> memref<128x128xf32, #tpu.memory_space<hbm>>
      %dma_start3A_214 = arith.constant 0 : i32
      %dma_start3A_215 = tpu.memref_slice %arg6[%arg0, %add3A_192, %dma_start3A_214] : memref<2x10112x128xf32, #tpu.memory_space<hbm>> -> memref<1x128x128xf32, #tpu.memory_space<hbm>>
      %dma_start3A_216 = tpu.memref_squeeze %dma_start3A_215 : memref<1x128x128xf32, #tpu.memory_space<hbm>> -> memref<128x128xf32, #tpu.memory_space<hbm>>
      %dma_start3A_217 = arith.constant 0 : i32
      %dma_start3A_218 = arith.constant 0 : i32
      %dma_start3A_219 = tpu.memref_slice %arg9[%run_scoped3A_193, %dma_start3A_217, %dma_start3A_218] : memref<2x128x128xf32, #tpu.memory_space<vmem>> -> memref<1x128x128xf32, #tpu.memory_space<vmem>>
      %dma_start3A_220 = tpu.memref_squeeze %dma_start3A_219 : memref<1x128x128xf32, #tpu.memory_space<vmem>> -> memref<128x128xf32, #tpu.memory_space<vmem>>
      tpu.enqueue_dma source(%dma_start3A_220 : memref<128x128xf32, #tpu.memory_space<vmem>>) target(%dma_start3A_216 : memref<128x128xf32, #tpu.memory_space<hbm>>) target_semaphore(%run_scoped3A_206 : memref<!tpu.dma_semaphore, #tpu.memory_space<semaphore_mem>>)
      %dma_wait3A_221 = arith.constant 0 : i32
      %dma_wait3A_222 = arith.constant 0 : i32
      %dma_wait3A_223 = tpu.memref_slice %arg9[%run_scoped3A_193, %dma_wait3A_221, %dma_wait3A_222] : memref<2x128x128xf32, #tpu.memory_space<vmem>> -> memref<1x128x128xf32, #tpu.memory_space<vmem>>
      %dma_wait3A_224 = tpu.memref_squeeze %dma_wait3A_223 : memref<1x128x128xf32, #tpu.memory_space<vmem>> -> memref<128x128xf32, #tpu.memory_space<vmem>>
      %dma_wait3A_225 = arith.constant 0 : i32
      %dma_wait3A_226 = tpu.memref_slice %arg6[%arg0, %add3A_192, %dma_wait3A_225] : memref<2x10112x128xf32, #tpu.memory_space<hbm>> -> memref<1x128x128xf32, #tpu.memory_space<hbm>>
      %dma_wait3A_227 = tpu.memref_squeeze %dma_wait3A_226 : memref<1x128x128xf32, #tpu.memory_space<hbm>> -> memref<128x128xf32, #tpu.memory_space<hbm>>
      %dma_wait3A_228 = arith.constant 0 : i32
      %dma_wait3A_229 = tpu.memref_slice %arg6[%arg0, %add3A_192, %dma_wait3A_228] : memref<2x10112x128xf32, #tpu.memory_space<hbm>> -> memref<1x128x128xf32, #tpu.memory_space<hbm>>
      %dma_wait3A_230 = tpu.memref_squeeze %dma_wait3A_229 : memref<1x128x128xf32, #tpu.memory_space<hbm>> -> memref<128x128xf32, #tpu.memory_space<hbm>>
      %dma_wait3A_231 = arith.constant 0 : i32
      %dma_wait3A_232 = arith.constant 0 : i32
      %dma_wait3A_233 = tpu.memref_slice %arg9[%run_scoped3A_193, %dma_wait3A_231, %dma_wait3A_232] : memref<2x128x128xf32, #tpu.memory_space<vmem>> -> memref<1x128x128xf32, #tpu.memory_space<vmem>>
      %dma_wait3A_234 = tpu.memref_squeeze %dma_wait3A_233 : memref<1x128x128xf32, #tpu.memory_space<vmem>> -> memref<128x128xf32, #tpu.memory_space<vmem>>
      tpu.wait_dma2 semaphore(%run_scoped3A_206 : memref<!tpu.dma_semaphore, #tpu.memory_space<semaphore_mem>>) src(%dma_wait3A_234 : memref<128x128xf32, #tpu.memory_space<vmem>>) dst(%dma_wait3A_230 : memref<128x128xf32, #tpu.memory_space<hbm>>)
      tpu.yield
    }) : () -> ()
    %add3A_194 = arith.constant 384 : i32
    %add3A_195 = arith.addi %mul3A_2, %add3A_194 : i32
    %run_scoped3A_196 = arith.constant 0 : i32
    "tpu.region"() ({
      %run_scoped3A_206 = tpu.sem_alloc : memref<!tpu.dma_semaphore, #tpu.memory_space<semaphore_mem>>
      %dma_start3A_207 = arith.constant 0 : i32
      %dma_start3A_208 = arith.constant 0 : i32
      %dma_start3A_209 = tpu.memref_slice %arg9[%run_scoped3A_196, %dma_start3A_207, %dma_start3A_208] : memref<2x128x128xf32, #tpu.memory_space<vmem>> -> memref<1x128x128xf32, #tpu.memory_space<vmem>>
      %dma_start3A_210 = tpu.memref_squeeze %dma_start3A_209 : memref<1x128x128xf32, #tpu.memory_space<vmem>> -> memref<128x128xf32, #tpu.memory_space<vmem>>
      %dma_start3A_211 = arith.constant 0 : i32
      %dma_start3A_212 = tpu.memref_slice %arg10[%add3A_195, %dma_start3A_211] : memref<10112x128xf32, #tpu.memory_space<vmem_shared>> -> memref<128x128xf32, #tpu.memory_space<vmem_shared>>
      %dma_start3A_213 = arith.constant 0 : i32
      %dma_start3A_214 = arith.constant 0 : i32
      %dma_start3A_215 = tpu.memref_slice %arg9[%run_scoped3A_196, %dma_start3A_213, %dma_start3A_214] : memref<2x128x128xf32, #tpu.memory_space<vmem>> -> memref<1x128x128xf32, #tpu.memory_space<vmem>>
      %dma_start3A_216 = tpu.memref_squeeze %dma_start3A_215 : memref<1x128x128xf32, #tpu.memory_space<vmem>> -> memref<128x128xf32, #tpu.memory_space<vmem>>
      %dma_start3A_217 = arith.constant 0 : i32
      %dma_start3A_218 = tpu.memref_slice %arg10[%add3A_195, %dma_start3A_217] : memref<10112x128xf32, #tpu.memory_space<vmem_shared>> -> memref<128x128xf32, #tpu.memory_space<vmem_shared>>
      tpu.enqueue_dma source(%dma_start3A_218 : memref<128x128xf32, #tpu.memory_space<vmem_shared>>) target(%dma_start3A_216 : memref<128x128xf32, #tpu.memory_space<vmem>>) target_semaphore(%run_scoped3A_206 : memref<!tpu.dma_semaphore, #tpu.memory_space<semaphore_mem>>)
      %dma_wait3A_219 = arith.constant 0 : i32
      %dma_wait3A_220 = arith.constant 0 : i32
      %dma_wait3A_221 = tpu.memref_slice %arg9[%run_scoped3A_196, %dma_wait3A_219, %dma_wait3A_220] : memref<2x128x128xf32, #tpu.memory_space<vmem>> -> memref<1x128x128xf32, #tpu.memory_space<vmem>>
      %dma_wait3A_222 = tpu.memref_squeeze %dma_wait3A_221 : memref<1x128x128xf32, #tpu.memory_space<vmem>> -> memref<128x128xf32, #tpu.memory_space<vmem>>
      %dma_wait3A_223 = arith.constant 0 : i32
      %dma_wait3A_224 = tpu.memref_slice %arg10[%add3A_195, %dma_wait3A_223] : memref<10112x128xf32, #tpu.memory_space<vmem_shared>> -> memref<128x128xf32, #tpu.memory_space<vmem_shared>>
      %dma_wait3A_225 = arith.constant 0 : i32
      %dma_wait3A_226 = arith.constant 0 : i32
      %dma_wait3A_227 = tpu.memref_slice %arg9[%run_scoped3A_196, %dma_wait3A_225, %dma_wait3A_226] : memref<2x128x128xf32, #tpu.memory_space<vmem>> -> memref<1x128x128xf32, #tpu.memory_space<vmem>>
      %dma_wait3A_228 = tpu.memref_squeeze %dma_wait3A_227 : memref<1x128x128xf32, #tpu.memory_space<vmem>> -> memref<128x128xf32, #tpu.memory_space<vmem>>
      %dma_wait3A_229 = arith.constant 0 : i32
      %dma_wait3A_230 = tpu.memref_slice %arg10[%add3A_195, %dma_wait3A_229] : memref<10112x128xf32, #tpu.memory_space<vmem_shared>> -> memref<128x128xf32, #tpu.memory_space<vmem_shared>>
      tpu.wait_dma2 semaphore(%run_scoped3A_206 : memref<!tpu.dma_semaphore, #tpu.memory_space<semaphore_mem>>) src(%dma_wait3A_230 : memref<128x128xf32, #tpu.memory_space<vmem_shared>>) dst(%dma_wait3A_228 : memref<128x128xf32, #tpu.memory_space<vmem>>)
      tpu.yield
    }) : () -> ()
    %add3A_197 = arith.constant 384 : i32
    %add3A_198 = arith.addi %mul3A_2, %add3A_197 : i32
    %run_scoped3A_199 = arith.constant 0 : i32
    "tpu.region"() ({
      %run_scoped3A_206 = tpu.sem_alloc : memref<!tpu.dma_semaphore, #tpu.memory_space<semaphore_mem>>
      %dma_start3A_207 = arith.constant 0 : i32
      %dma_start3A_208 = arith.constant 0 : i32
      %dma_start3A_209 = tpu.memref_slice %arg9[%run_scoped3A_199, %dma_start3A_207, %dma_start3A_208] : memref<2x128x128xf32, #tpu.memory_space<vmem>> -> memref<1x128x128xf32, #tpu.memory_space<vmem>>
      %dma_start3A_210 = tpu.memref_squeeze %dma_start3A_209 : memref<1x128x128xf32, #tpu.memory_space<vmem>> -> memref<128x128xf32, #tpu.memory_space<vmem>>
      %dma_start3A_211 = arith.constant 0 : i32
      %dma_start3A_212 = tpu.memref_slice %arg6[%arg0, %add3A_198, %dma_start3A_211] : memref<2x10112x128xf32, #tpu.memory_space<hbm>> -> memref<1x128x128xf32, #tpu.memory_space<hbm>>
      %dma_start3A_213 = tpu.memref_squeeze %dma_start3A_212 : memref<1x128x128xf32, #tpu.memory_space<hbm>> -> memref<128x128xf32, #tpu.memory_space<hbm>>
      %dma_start3A_214 = arith.constant 0 : i32
      %dma_start3A_215 = tpu.memref_slice %arg6[%arg0, %add3A_198, %dma_start3A_214] : memref<2x10112x128xf32, #tpu.memory_space<hbm>> -> memref<1x128x128xf32, #tpu.memory_space<hbm>>
      %dma_start3A_216 = tpu.memref_squeeze %dma_start3A_215 : memref<1x128x128xf32, #tpu.memory_space<hbm>> -> memref<128x128xf32, #tpu.memory_space<hbm>>
      %dma_start3A_217 = arith.constant 0 : i32
      %dma_start3A_218 = arith.constant 0 : i32
      %dma_start3A_219 = tpu.memref_slice %arg9[%run_scoped3A_199, %dma_start3A_217, %dma_start3A_218] : memref<2x128x128xf32, #tpu.memory_space<vmem>> -> memref<1x128x128xf32, #tpu.memory_space<vmem>>
      %dma_start3A_220 = tpu.memref_squeeze %dma_start3A_219 : memref<1x128x128xf32, #tpu.memory_space<vmem>> -> memref<128x128xf32, #tpu.memory_space<vmem>>
      tpu.enqueue_dma source(%dma_start3A_220 : memref<128x128xf32, #tpu.memory_space<vmem>>) target(%dma_start3A_216 : memref<128x128xf32, #tpu.memory_space<hbm>>) target_semaphore(%run_scoped3A_206 : memref<!tpu.dma_semaphore, #tpu.memory_space<semaphore_mem>>)
      %dma_wait3A_221 = arith.constant 0 : i32
      %dma_wait3A_222 = arith.constant 0 : i32
      %dma_wait3A_223 = tpu.memref_slice %arg9[%run_scoped3A_199, %dma_wait3A_221, %dma_wait3A_222] : memref<2x128x128xf32, #tpu.memory_space<vmem>> -> memref<1x128x128xf32, #tpu.memory_space<vmem>>
      %dma_wait3A_224 = tpu.memref_squeeze %dma_wait3A_223 : memref<1x128x128xf32, #tpu.memory_space<vmem>> -> memref<128x128xf32, #tpu.memory_space<vmem>>
      %dma_wait3A_225 = arith.constant 0 : i32
      %dma_wait3A_226 = tpu.memref_slice %arg6[%arg0, %add3A_198, %dma_wait3A_225] : memref<2x10112x128xf32, #tpu.memory_space<hbm>> -> memref<1x128x128xf32, #tpu.memory_space<hbm>>
      %dma_wait3A_227 = tpu.memref_squeeze %dma_wait3A_226 : memref<1x128x128xf32, #tpu.memory_space<hbm>> -> memref<128x128xf32, #tpu.memory_space<hbm>>
      %dma_wait3A_228 = arith.constant 0 : i32
      %dma_wait3A_229 = tpu.memref_slice %arg6[%arg0, %add3A_198, %dma_wait3A_228] : memref<2x10112x128xf32, #tpu.memory_space<hbm>> -> memref<1x128x128xf32, #tpu.memory_space<hbm>>
      %dma_wait3A_230 = tpu.memref_squeeze %dma_wait3A_229 : memref<1x128x128xf32, #tpu.memory_space<hbm>> -> memref<128x128xf32, #tpu.memory_space<hbm>>
      %dma_wait3A_231 = arith.constant 0 : i32
      %dma_wait3A_232 = arith.constant 0 : i32
      %dma_wait3A_233 = tpu.memref_slice %arg9[%run_scoped3A_199, %dma_wait3A_231, %dma_wait3A_232] : memref<2x128x128xf32, #tpu.memory_space<vmem>> -> memref<1x128x128xf32, #tpu.memory_space<vmem>>
      %dma_wait3A_234 = tpu.memref_squeeze %dma_wait3A_233 : memref<1x128x128xf32, #tpu.memory_space<vmem>> -> memref<128x128xf32, #tpu.memory_space<vmem>>
      tpu.wait_dma2 semaphore(%run_scoped3A_206 : memref<!tpu.dma_semaphore, #tpu.memory_space<semaphore_mem>>) src(%dma_wait3A_234 : memref<128x128xf32, #tpu.memory_space<vmem>>) dst(%dma_wait3A_230 : memref<128x128xf32, #tpu.memory_space<hbm>>)
      tpu.yield
    }) : () -> ()
    %add3A_200 = arith.constant 512 : i32
    %add3A_201 = arith.addi %mul3A_2, %add3A_200 : i32
    %run_scoped3A_202 = arith.constant 0 : i32
    "tpu.region"() ({
      %run_scoped3A_206 = tpu.sem_alloc : memref<!tpu.dma_semaphore, #tpu.memory_space<semaphore_mem>>
      %dma_start3A_207 = arith.constant 0 : i32
      %dma_start3A_208 = arith.constant 0 : i32
      %dma_start3A_209 = tpu.memref_slice %arg9[%run_scoped3A_202, %dma_start3A_207, %dma_start3A_208] : memref<2x128x128xf32, #tpu.memory_space<vmem>> -> memref<1x120x128xf32, #tpu.memory_space<vmem>>
      %dma_start3A_210 = tpu.memref_squeeze %dma_start3A_209 : memref<1x120x128xf32, #tpu.memory_space<vmem>> -> memref<120x128xf32, #tpu.memory_space<vmem>>
      %dma_start3A_211 = arith.constant 0 : i32
      %dma_start3A_212 = tpu.memref_slice %arg10[%add3A_201, %dma_start3A_211] : memref<10112x128xf32, #tpu.memory_space<vmem_shared>> -> memref<120x128xf32, #tpu.memory_space<vmem_shared>>
      %dma_start3A_213 = arith.constant 0 : i32
      %dma_start3A_214 = arith.constant 0 : i32
      %dma_start3A_215 = tpu.memref_slice %arg9[%run_scoped3A_202, %dma_start3A_213, %dma_start3A_214] : memref<2x128x128xf32, #tpu.memory_space<vmem>> -> memref<1x120x128xf32, #tpu.memory_space<vmem>>
      %dma_start3A_216 = tpu.memref_squeeze %dma_start3A_215 : memref<1x120x128xf32, #tpu.memory_space<vmem>> -> memref<120x128xf32, #tpu.memory_space<vmem>>
      %dma_start3A_217 = arith.constant 0 : i32
      %dma_start3A_218 = tpu.memref_slice %arg10[%add3A_201, %dma_start3A_217] : memref<10112x128xf32, #tpu.memory_space<vmem_shared>> -> memref<120x128xf32, #tpu.memory_space<vmem_shared>>
      tpu.enqueue_dma source(%dma_start3A_218 : memref<120x128xf32, #tpu.memory_space<vmem_shared>>) target(%dma_start3A_216 : memref<120x128xf32, #tpu.memory_space<vmem>>) target_semaphore(%run_scoped3A_206 : memref<!tpu.dma_semaphore, #tpu.memory_space<semaphore_mem>>)
      %dma_wait3A_219 = arith.constant 0 : i32
      %dma_wait3A_220 = arith.constant 0 : i32
      %dma_wait3A_221 = tpu.memref_slice %arg9[%run_scoped3A_202, %dma_wait3A_219, %dma_wait3A_220] : memref<2x128x128xf32, #tpu.memory_space<vmem>> -> memref<1x120x128xf32, #tpu.memory_space<vmem>>
      %dma_wait3A_222 = tpu.memref_squeeze %dma_wait3A_221 : memref<1x120x128xf32, #tpu.memory_space<vmem>> -> memref<120x128xf32, #tpu.memory_space<vmem>>
      %dma_wait3A_223 = arith.constant 0 : i32
      %dma_wait3A_224 = tpu.memref_slice %arg10[%add3A_201, %dma_wait3A_223] : memref<10112x128xf32, #tpu.memory_space<vmem_shared>> -> memref<120x128xf32, #tpu.memory_space<vmem_shared>>
      %dma_wait3A_225 = arith.constant 0 : i32
      %dma_wait3A_226 = arith.constant 0 : i32
      %dma_wait3A_227 = tpu.memref_slice %arg9[%run_scoped3A_202, %dma_wait3A_225, %dma_wait3A_226] : memref<2x128x128xf32, #tpu.memory_space<vmem>> -> memref<1x120x128xf32, #tpu.memory_space<vmem>>
      %dma_wait3A_228 = tpu.memref_squeeze %dma_wait3A_227 : memref<1x120x128xf32, #tpu.memory_space<vmem>> -> memref<120x128xf32, #tpu.memory_space<vmem>>
      %dma_wait3A_229 = arith.constant 0 : i32
      %dma_wait3A_230 = tpu.memref_slice %arg10[%add3A_201, %dma_wait3A_229] : memref<10112x128xf32, #tpu.memory_space<vmem_shared>> -> memref<120x128xf32, #tpu.memory_space<vmem_shared>>
      tpu.wait_dma2 semaphore(%run_scoped3A_206 : memref<!tpu.dma_semaphore, #tpu.memory_space<semaphore_mem>>) src(%dma_wait3A_230 : memref<120x128xf32, #tpu.memory_space<vmem_shared>>) dst(%dma_wait3A_228 : memref<120x128xf32, #tpu.memory_space<vmem>>)
      tpu.yield
    }) : () -> ()
    %add3A_203 = arith.constant 512 : i32
    %add3A_204 = arith.addi %mul3A_2, %add3A_203 : i32
    %run_scoped3A_205 = arith.constant 0 : i32
    "tpu.region"() ({
      %run_scoped3A_206 = tpu.sem_alloc : memref<!tpu.dma_semaphore, #tpu.memory_space<semaphore_mem>>
      %dma_start3A_207 = arith.constant 0 : i32
      %dma_start3A_208 = arith.constant 0 : i32
      %dma_start3A_209 = tpu.memref_slice %arg9[%run_scoped3A_205, %dma_start3A_207, %dma_start3A_208] : memref<2x128x128xf32, #tpu.memory_space<vmem>> -> memref<1x120x128xf32, #tpu.memory_space<vmem>>
      %dma_start3A_210 = tpu.memref_squeeze %dma_start3A_209 : memref<1x120x128xf32, #tpu.memory_space<vmem>> -> memref<120x128xf32, #tpu.memory_space<vmem>>
      %dma_start3A_211 = arith.constant 0 : i32
      %dma_start3A_212 = tpu.memref_slice %arg6[%arg0, %add3A_204, %dma_start3A_211] : memref<2x10112x128xf32, #tpu.memory_space<hbm>> -> memref<1x120x128xf32, #tpu.memory_space<hbm>>
      %dma_start3A_213 = tpu.memref_squeeze %dma_start3A_212 : memref<1x120x128xf32, #tpu.memory_space<hbm>> -> memref<120x128xf32, #tpu.memory_space<hbm>>
      %dma_start3A_214 = arith.constant 0 : i32
      %dma_start3A_215 = tpu.memref_slice %arg6[%arg0, %add3A_204, %dma_start3A_214] : memref<2x10112x128xf32, #tpu.memory_space<hbm>> -> memref<1x120x128xf32, #tpu.memory_space<hbm>>
      %dma_start3A_216 = tpu.memref_squeeze %dma_start3A_215 : memref<1x120x128xf32, #tpu.memory_space<hbm>> -> memref<120x128xf32, #tpu.memory_space<hbm>>
      %dma_start3A_217 = arith.constant 0 : i32
      %dma_start3A_218 = arith.constant 0 : i32
      %dma_start3A_219 = tpu.memref_slice %arg9[%run_scoped3A_205, %dma_start3A_217, %dma_start3A_218] : memref<2x128x128xf32, #tpu.memory_space<vmem>> -> memref<1x120x128xf32, #tpu.memory_space<vmem>>
      %dma_start3A_220 = tpu.memref_squeeze %dma_start3A_219 : memref<1x120x128xf32, #tpu.memory_space<vmem>> -> memref<120x128xf32, #tpu.memory_space<vmem>>
      tpu.enqueue_dma source(%dma_start3A_220 : memref<120x128xf32, #tpu.memory_space<vmem>>) target(%dma_start3A_216 : memref<120x128xf32, #tpu.memory_space<hbm>>) target_semaphore(%run_scoped3A_206 : memref<!tpu.dma_semaphore, #tpu.memory_space<semaphore_mem>>)
      %dma_wait3A_221 = arith.constant 0 : i32
      %dma_wait3A_222 = arith.constant 0 : i32
      %dma_wait3A_223 = tpu.memref_slice %arg9[%run_scoped3A_205, %dma_wait3A_221, %dma_wait3A_222] : memref<2x128x128xf32, #tpu.memory_space<vmem>> -> memref<1x120x128xf32, #tpu.memory_space<vmem>>
      %dma_wait3A_224 = tpu.memref_squeeze %dma_wait3A_223 : memref<1x120x128xf32, #tpu.memory_space<vmem>> -> memref<120x128xf32, #tpu.memory_space<vmem>>
      %dma_wait3A_225 = arith.constant 0 : i32
      %dma_wait3A_226 = tpu.memref_slice %arg6[%arg0, %add3A_204, %dma_wait3A_225] : memref<2x10112x128xf32, #tpu.memory_space<hbm>> -> memref<1x120x128xf32, #tpu.memory_space<hbm>>
      %dma_wait3A_227 = tpu.memref_squeeze %dma_wait3A_226 : memref<1x120x128xf32, #tpu.memory_space<hbm>> -> memref<120x128xf32, #tpu.memory_space<hbm>>
      %dma_wait3A_228 = arith.constant 0 : i32
      %dma_wait3A_229 = tpu.memref_slice %arg6[%arg0, %add3A_204, %dma_wait3A_228] : memref<2x10112x128xf32, #tpu.memory_space<hbm>> -> memref<1x120x128xf32, #tpu.memory_space<hbm>>
      %dma_wait3A_230 = tpu.memref_squeeze %dma_wait3A_229 : memref<1x120x128xf32, #tpu.memory_space<hbm>> -> memref<120x128xf32, #tpu.memory_space<hbm>>
      %dma_wait3A_231 = arith.constant 0 : i32
      %dma_wait3A_232 = arith.constant 0 : i32
      %dma_wait3A_233 = tpu.memref_slice %arg9[%run_scoped3A_205, %dma_wait3A_231, %dma_wait3A_232] : memref<2x128x128xf32, #tpu.memory_space<vmem>> -> memref<1x120x128xf32, #tpu.memory_space<vmem>>
      %dma_wait3A_234 = tpu.memref_squeeze %dma_wait3A_233 : memref<1x120x128xf32, #tpu.memory_space<vmem>> -> memref<120x128xf32, #tpu.memory_space<vmem>>
      tpu.wait_dma2 semaphore(%run_scoped3A_206 : memref<!tpu.dma_semaphore, #tpu.memory_space<semaphore_mem>>) src(%dma_wait3A_234 : memref<120x128xf32, #tpu.memory_space<vmem>>) dst(%dma_wait3A_230 : memref<120x128xf32, #tpu.memory_space<hbm>>)
      tpu.yield
    }) : () -> ()
    return
  }
}

#map = affine_map<(d0, d1) -> (0, 0)>
#map1 = affine_map<(d0, d1) -> (0, 0, 0)>
module attributes {stable_mosaic.version = 14 : i64} {
  func.func @_agg_kernel(%arg0: i32, %arg1: i32, %arg2: memref<10112x128xf32, #tpu.memory_space<hbm>>, %arg3: memref<32x80x128xi32, #tpu.memory_space<hbm>>, %arg4: memref<32x80x128xi32, #tpu.memory_space<hbm>>, %arg5: memref<128x128xf32, #tpu.memory_space<hbm>>, %arg6: memref<2x10112x128xf32, #tpu.memory_space<hbm>>, %arg7: memref<8x128xi32, #tpu.memory_space<vmem>>, %arg8: memref<8x128xi32, #tpu.memory_space<vmem>>, %arg9: memref<2x128x128xf32, #tpu.memory_space<vmem>>, %arg10: memref<10112x128xf32, #tpu.memory_space<vmem_shared>>, %arg11: memref<2x!tpu.dma_semaphore, #tpu.memory_space<semaphore_mem>>, %arg12: memref<2x!tpu.dma_semaphore, #tpu.memory_space<semaphore_mem>>, %arg13: memref<2x!tpu.dma_semaphore, #tpu.memory_space<semaphore_mem>>) attributes {dimension_semantics = [#tpu.dimension_semantics<core_parallel>, #tpu.dimension_semantics<subcore_parallel>], iteration_bounds = array<i64: 2, 16>, scalar_prefetch = 0 : i64, scratch_operands = 7 : i64, tpu.core_type = #tpu.core_type<sc_vector_subcore>, window_params = [{transform_indices = #map}, {transform_indices = #map1}, {transform_indices = #map1}, {transform_indices = #map}, {transform_indices = #map1}]} {
    %mul3A = arith.constant 16 : i32
    %mul3A_0 = arith.muli %arg0, %mul3A : i32
    %add3A = arith.addi %mul3A_0, %arg1 : i32
    %mul3A_1 = arith.constant 632 : i32
    %mul3A_2 = arith.muli %arg1, %mul3A_1 : i32
    %run_scoped3A = arith.constant 0 : i32
    "tpu.region"() ({
      %run_scoped3A_206 = tpu.sem_alloc : memref<!tpu.dma_semaphore, #tpu.memory_space<semaphore_mem>>
      %dma_start3A_207 = arith.constant 0 : i32
      %dma_start3A_208 = arith.constant 0 : i32
      %dma_start3A_209 = tpu.memref_slice %arg9[%run_scoped3A, %dma_start3A_207, %dma_start3A_208] : memref<2x128x128xf32, #tpu.memory_space<vmem>> -> memref<1x128x128xf32, #tpu.memory_space<vmem>>
      %dma_start3A_210 = tpu.memref_squeeze %dma_start3A_209 : memref<1x128x128xf32, #tpu.memory_space<vmem>> -> memref<128x128xf32, #tpu.memory_space<vmem>>
      %dma_start3A_211 = arith.constant 0 : i32
      %dma_start3A_212 = arith.constant 0 : i32
      %dma_start3A_213 = tpu.memref_slice %arg9[%run_scoped3A, %dma_start3A_211, %dma_start3A_212] : memref<2x128x128xf32, #tpu.memory_space<vmem>> -> memref<1x128x128xf32, #tpu.memory_space<vmem>>
      %dma_start3A_214 = tpu.memref_squeeze %dma_start3A_213 : memref<1x128x128xf32, #tpu.memory_space<vmem>> -> memref<128x128xf32, #tpu.memory_space<vmem>>
      tpu.enqueue_dma source(%arg5 : memref<128x128xf32, #tpu.memory_space<hbm>>) target(%dma_start3A_214 : memref<128x128xf32, #tpu.memory_space<vmem>>) target_semaphore(%run_scoped3A_206 : memref<!tpu.dma_semaphore, #tpu.memory_space<semaphore_mem>>)
      %dma_wait3A_215 = arith.constant 0 : i32
      %dma_wait3A_216 = arith.constant 0 : i32
      %dma_wait3A_217 = tpu.memref_slice %arg9[%run_scoped3A, %dma_wait3A_215, %dma_wait3A_216] : memref<2x128x128xf32, #tpu.memory_space<vmem>> -> memref<1x128x128xf32, #tpu.memory_space<vmem>>
      %dma_wait3A_218 = tpu.memref_squeeze %dma_wait3A_217 : memref<1x128x128xf32, #tpu.memory_space<vmem>> -> memref<128x128xf32, #tpu.memory_space<vmem>>
      %dma_wait3A_219 = arith.constant 0 : i32
      %dma_wait3A_220 = arith.constant 0 : i32
      %dma_wait3A_221 = tpu.memref_slice %arg9[%run_scoped3A, %dma_wait3A_219, %dma_wait3A_220] : memref<2x128x128xf32, #tpu.memory_space<vmem>> -> memref<1x128x128xf32, #tpu.memory_space<vmem>>
      %dma_wait3A_222 = tpu.memref_squeeze %dma_wait3A_221 : memref<1x128x128xf32, #tpu.memory_space<vmem>> -> memref<128x128xf32, #tpu.memory_space<vmem>>
      tpu.wait_dma2 semaphore(%run_scoped3A_206 : memref<!tpu.dma_semaphore, #tpu.memory_space<semaphore_mem>>) src(%arg5 : memref<128x128xf32, #tpu.memory_space<hbm>>) dst(%dma_wait3A_222 : memref<128x128xf32, #tpu.memory_space<vmem>>)
      tpu.yield
    }) : () -> ()
    %add3A_3 = arith.constant 0 : i32
    %add3A_4 = arith.addi %mul3A_2, %add3A_3 : i32
    %dma_start3A = arith.constant 0 : i32
    %dma_start3A_5 = arith.constant 0 : i32
    %dma_start3A_6 = arith.constant 0 : i32
    %dma_start3A_7 = arith.constant 0 : i32
    %dma_start3A_8 = tpu.memref_slice %arg9[%dma_start3A, %dma_start3A_6, %dma_start3A_7] : memref<2x128x128xf32, #tpu.memory_space<vmem>> -> memref<1x128x128xf32, #tpu.memory_space<vmem>>
    %dma_start3A_9 = tpu.memref_squeeze %dma_start3A_8 : memref<1x128x128xf32, #tpu.memory_space<vmem>> -> memref<128x128xf32, #tpu.memory_space<vmem>>
    %dma_start3A_10 = arith.constant 0 : i32
    %dma_start3A_11 = tpu.memref_slice %arg10[%add3A_4, %dma_start3A_10] : memref<10112x128xf32, #tpu.memory_space<vmem_shared>> -> memref<128x128xf32, #tpu.memory_space<vmem_shared>>
    %dma_start3A_12 = tpu.memref_slice %arg13[%dma_start3A_5] : memref<2x!tpu.dma_semaphore, #tpu.memory_space<semaphore_mem>> -> memref<1x!tpu.dma_semaphore, #tpu.memory_space<semaphore_mem>>
    %dma_start3A_13 = tpu.memref_squeeze %dma_start3A_12 : memref<1x!tpu.dma_semaphore, #tpu.memory_space<semaphore_mem>> -> memref<!tpu.dma_semaphore, #tpu.memory_space<semaphore_mem>>
    %dma_start3A_14 = arith.constant 0 : i32
    %dma_start3A_15 = tpu.memref_slice %arg10[%add3A_4, %dma_start3A_14] : memref<10112x128xf32, #tpu.memory_space<vmem_shared>> -> memref<128x128xf32, #tpu.memory_space<vmem_shared>>
    %dma_start3A_16 = arith.constant 0 : i32
    %dma_start3A_17 = arith.constant 0 : i32
    %dma_start3A_18 = tpu.memref_slice %arg9[%dma_start3A, %dma_start3A_16, %dma_start3A_17] : memref<2x128x128xf32, #tpu.memory_space<vmem>> -> memref<1x128x128xf32, #tpu.memory_space<vmem>>
    %dma_start3A_19 = tpu.memref_squeeze %dma_start3A_18 : memref<1x128x128xf32, #tpu.memory_space<vmem>> -> memref<128x128xf32, #tpu.memory_space<vmem>>
    tpu.enqueue_dma source(%dma_start3A_19 : memref<128x128xf32, #tpu.memory_space<vmem>>) target(%dma_start3A_15 : memref<128x128xf32, #tpu.memory_space<vmem_shared>>) target_semaphore(%dma_start3A_13 : memref<!tpu.dma_semaphore, #tpu.memory_space<semaphore_mem>>)
    %add3A_20 = arith.constant 128 : i32
    %add3A_21 = arith.addi %mul3A_2, %add3A_20 : i32
    %dma_start3A_22 = arith.constant 0 : i32
    %dma_start3A_23 = arith.constant 0 : i32
    %dma_start3A_24 = arith.constant 0 : i32
    %dma_start3A_25 = arith.constant 0 : i32
    %dma_start3A_26 = tpu.memref_slice %arg9[%dma_start3A_22, %dma_start3A_24, %dma_start3A_25] : memref<2x128x128xf32, #tpu.memory_space<vmem>> -> memref<1x128x128xf32, #tpu.memory_space<vmem>>
    %dma_start3A_27 = tpu.memref_squeeze %dma_start3A_26 : memref<1x128x128xf32, #tpu.memory_space<vmem>> -> memref<128x128xf32, #tpu.memory_space<vmem>>
    %dma_start3A_28 = arith.constant 0 : i32
    %dma_start3A_29 = tpu.memref_slice %arg10[%add3A_21, %dma_start3A_28] : memref<10112x128xf32, #tpu.memory_space<vmem_shared>> -> memref<128x128xf32, #tpu.memory_space<vmem_shared>>
    %dma_start3A_30 = tpu.memref_slice %arg13[%dma_start3A_23] : memref<2x!tpu.dma_semaphore, #tpu.memory_space<semaphore_mem>> -> memref<1x!tpu.dma_semaphore, #tpu.memory_space<semaphore_mem>>
    %dma_start3A_31 = tpu.memref_squeeze %dma_start3A_30 : memref<1x!tpu.dma_semaphore, #tpu.memory_space<semaphore_mem>> -> memref<!tpu.dma_semaphore, #tpu.memory_space<semaphore_mem>>
    %dma_start3A_32 = arith.constant 0 : i32
    %dma_start3A_33 = tpu.memref_slice %arg10[%add3A_21, %dma_start3A_32] : memref<10112x128xf32, #tpu.memory_space<vmem_shared>> -> memref<128x128xf32, #tpu.memory_space<vmem_shared>>
    %dma_start3A_34 = arith.constant 0 : i32
    %dma_start3A_35 = arith.constant 0 : i32
    %dma_start3A_36 = tpu.memref_slice %arg9[%dma_start3A_22, %dma_start3A_34, %dma_start3A_35] : memref<2x128x128xf32, #tpu.memory_space<vmem>> -> memref<1x128x128xf32, #tpu.memory_space<vmem>>
    %dma_start3A_37 = tpu.memref_squeeze %dma_start3A_36 : memref<1x128x128xf32, #tpu.memory_space<vmem>> -> memref<128x128xf32, #tpu.memory_space<vmem>>
    tpu.enqueue_dma source(%dma_start3A_37 : memref<128x128xf32, #tpu.memory_space<vmem>>) target(%dma_start3A_33 : memref<128x128xf32, #tpu.memory_space<vmem_shared>>) target_semaphore(%dma_start3A_31 : memref<!tpu.dma_semaphore, #tpu.memory_space<semaphore_mem>>)
    %add3A_38 = arith.constant 256 : i32
    %add3A_39 = arith.addi %mul3A_2, %add3A_38 : i32
    %dma_start3A_40 = arith.constant 0 : i32
    %dma_start3A_41 = arith.constant 0 : i32
    %dma_start3A_42 = arith.constant 0 : i32
    %dma_start3A_43 = arith.constant 0 : i32
    %dma_start3A_44 = tpu.memref_slice %arg9[%dma_start3A_40, %dma_start3A_42, %dma_start3A_43] : memref<2x128x128xf32, #tpu.memory_space<vmem>> -> memref<1x128x128xf32, #tpu.memory_space<vmem>>
    %dma_start3A_45 = tpu.memref_squeeze %dma_start3A_44 : memref<1x128x128xf32, #tpu.memory_space<vmem>> -> memref<128x128xf32, #tpu.memory_space<vmem>>
    %dma_start3A_46 = arith.constant 0 : i32
    %dma_start3A_47 = tpu.memref_slice %arg10[%add3A_39, %dma_start3A_46] : memref<10112x128xf32, #tpu.memory_space<vmem_shared>> -> memref<128x128xf32, #tpu.memory_space<vmem_shared>>
    %dma_start3A_48 = tpu.memref_slice %arg13[%dma_start3A_41] : memref<2x!tpu.dma_semaphore, #tpu.memory_space<semaphore_mem>> -> memref<1x!tpu.dma_semaphore, #tpu.memory_space<semaphore_mem>>
    %dma_start3A_49 = tpu.memref_squeeze %dma_start3A_48 : memref<1x!tpu.dma_semaphore, #tpu.memory_space<semaphore_mem>> -> memref<!tpu.dma_semaphore, #tpu.memory_space<semaphore_mem>>
    %dma_start3A_50 = arith.constant 0 : i32
    %dma_start3A_51 = tpu.memref_slice %arg10[%add3A_39, %dma_start3A_50] : memref<10112x128xf32, #tpu.memory_space<vmem_shared>> -> memref<128x128xf32, #tpu.memory_space<vmem_shared>>
    %dma_start3A_52 = arith.constant 0 : i32
    %dma_start3A_53 = arith.constant 0 : i32
    %dma_start3A_54 = tpu.memref_slice %arg9[%dma_start3A_40, %dma_start3A_52, %dma_start3A_53] : memref<2x128x128xf32, #tpu.memory_space<vmem>> -> memref<1x128x128xf32, #tpu.memory_space<vmem>>
    %dma_start3A_55 = tpu.memref_squeeze %dma_start3A_54 : memref<1x128x128xf32, #tpu.memory_space<vmem>> -> memref<128x128xf32, #tpu.memory_space<vmem>>
    tpu.enqueue_dma source(%dma_start3A_55 : memref<128x128xf32, #tpu.memory_space<vmem>>) target(%dma_start3A_51 : memref<128x128xf32, #tpu.memory_space<vmem_shared>>) target_semaphore(%dma_start3A_49 : memref<!tpu.dma_semaphore, #tpu.memory_space<semaphore_mem>>)
    %add3A_56 = arith.constant 384 : i32
    %add3A_57 = arith.addi %mul3A_2, %add3A_56 : i32
    %dma_start3A_58 = arith.constant 0 : i32
    %dma_start3A_59 = arith.constant 0 : i32
    %dma_start3A_60 = arith.constant 0 : i32
    %dma_start3A_61 = arith.constant 0 : i32
    %dma_start3A_62 = tpu.memref_slice %arg9[%dma_start3A_58, %dma_start3A_60, %dma_start3A_61] : memref<2x128x128xf32, #tpu.memory_space<vmem>> -> memref<1x128x128xf32, #tpu.memory_space<vmem>>
    %dma_start3A_63 = tpu.memref_squeeze %dma_start3A_62 : memref<1x128x128xf32, #tpu.memory_space<vmem>> -> memref<128x128xf32, #tpu.memory_space<vmem>>
    %dma_start3A_64 = arith.constant 0 : i32
    %dma_start3A_65 = tpu.memref_slice %arg10[%add3A_57, %dma_start3A_64] : memref<10112x128xf32, #tpu.memory_space<vmem_shared>> -> memref<128x128xf32, #tpu.memory_space<vmem_shared>>
    %dma_start3A_66 = tpu.memref_slice %arg13[%dma_start3A_59] : memref<2x!tpu.dma_semaphore, #tpu.memory_space<semaphore_mem>> -> memref<1x!tpu.dma_semaphore, #tpu.memory_space<semaphore_mem>>
    %dma_start3A_67 = tpu.memref_squeeze %dma_start3A_66 : memref<1x!tpu.dma_semaphore, #tpu.memory_space<semaphore_mem>> -> memref<!tpu.dma_semaphore, #tpu.memory_space<semaphore_mem>>
    %dma_start3A_68 = arith.constant 0 : i32
    %dma_start3A_69 = tpu.memref_slice %arg10[%add3A_57, %dma_start3A_68] : memref<10112x128xf32, #tpu.memory_space<vmem_shared>> -> memref<128x128xf32, #tpu.memory_space<vmem_shared>>
    %dma_start3A_70 = arith.constant 0 : i32
    %dma_start3A_71 = arith.constant 0 : i32
    %dma_start3A_72 = tpu.memref_slice %arg9[%dma_start3A_58, %dma_start3A_70, %dma_start3A_71] : memref<2x128x128xf32, #tpu.memory_space<vmem>> -> memref<1x128x128xf32, #tpu.memory_space<vmem>>
    %dma_start3A_73 = tpu.memref_squeeze %dma_start3A_72 : memref<1x128x128xf32, #tpu.memory_space<vmem>> -> memref<128x128xf32, #tpu.memory_space<vmem>>
    tpu.enqueue_dma source(%dma_start3A_73 : memref<128x128xf32, #tpu.memory_space<vmem>>) target(%dma_start3A_69 : memref<128x128xf32, #tpu.memory_space<vmem_shared>>) target_semaphore(%dma_start3A_67 : memref<!tpu.dma_semaphore, #tpu.memory_space<semaphore_mem>>)
    %add3A_74 = arith.constant 512 : i32
    %add3A_75 = arith.addi %mul3A_2, %add3A_74 : i32
    %dma_start3A_76 = arith.constant 0 : i32
    %dma_start3A_77 = arith.constant 0 : i32
    %dma_start3A_78 = arith.constant 0 : i32
    %dma_start3A_79 = arith.constant 0 : i32
    %dma_start3A_80 = tpu.memref_slice %arg9[%dma_start3A_76, %dma_start3A_78, %dma_start3A_79] : memref<2x128x128xf32, #tpu.memory_space<vmem>> -> memref<1x120x128xf32, #tpu.memory_space<vmem>>
    %dma_start3A_81 = tpu.memref_squeeze %dma_start3A_80 : memref<1x120x128xf32, #tpu.memory_space<vmem>> -> memref<120x128xf32, #tpu.memory_space<vmem>>
    %dma_start3A_82 = arith.constant 0 : i32
    %dma_start3A_83 = tpu.memref_slice %arg10[%add3A_75, %dma_start3A_82] : memref<10112x128xf32, #tpu.memory_space<vmem_shared>> -> memref<120x128xf32, #tpu.memory_space<vmem_shared>>
    %dma_start3A_84 = tpu.memref_slice %arg13[%dma_start3A_77] : memref<2x!tpu.dma_semaphore, #tpu.memory_space<semaphore_mem>> -> memref<1x!tpu.dma_semaphore, #tpu.memory_space<semaphore_mem>>
    %dma_start3A_85 = tpu.memref_squeeze %dma_start3A_84 : memref<1x!tpu.dma_semaphore, #tpu.memory_space<semaphore_mem>> -> memref<!tpu.dma_semaphore, #tpu.memory_space<semaphore_mem>>
    %dma_start3A_86 = arith.constant 0 : i32
    %dma_start3A_87 = tpu.memref_slice %arg10[%add3A_75, %dma_start3A_86] : memref<10112x128xf32, #tpu.memory_space<vmem_shared>> -> memref<120x128xf32, #tpu.memory_space<vmem_shared>>
    %dma_start3A_88 = arith.constant 0 : i32
    %dma_start3A_89 = arith.constant 0 : i32
    %dma_start3A_90 = tpu.memref_slice %arg9[%dma_start3A_76, %dma_start3A_88, %dma_start3A_89] : memref<2x128x128xf32, #tpu.memory_space<vmem>> -> memref<1x120x128xf32, #tpu.memory_space<vmem>>
    %dma_start3A_91 = tpu.memref_squeeze %dma_start3A_90 : memref<1x120x128xf32, #tpu.memory_space<vmem>> -> memref<120x128xf32, #tpu.memory_space<vmem>>
    tpu.enqueue_dma source(%dma_start3A_91 : memref<120x128xf32, #tpu.memory_space<vmem>>) target(%dma_start3A_87 : memref<120x128xf32, #tpu.memory_space<vmem_shared>>) target_semaphore(%dma_start3A_85 : memref<!tpu.dma_semaphore, #tpu.memory_space<semaphore_mem>>)
    %dma_wait3A = arith.constant 0 : i32
    %dma_wait3A_92 = arith.constant 0 : i32
    %dma_wait3A_93 = arith.constant 0 : i32
    %dma_wait3A_94 = arith.constant 0 : i32
    %dma_wait3A_95 = tpu.memref_slice %arg9[%dma_wait3A, %dma_wait3A_93, %dma_wait3A_94] : memref<2x128x128xf32, #tpu.memory_space<vmem>> -> memref<1x128x128xf32, #tpu.memory_space<vmem>>
    %dma_wait3A_96 = tpu.memref_squeeze %dma_wait3A_95 : memref<1x128x128xf32, #tpu.memory_space<vmem>> -> memref<128x128xf32, #tpu.memory_space<vmem>>
    %dma_wait3A_97 = arith.constant 0 : i32
    %dma_wait3A_98 = tpu.memref_slice %arg10[%add3A_4, %dma_wait3A_97] : memref<10112x128xf32, #tpu.memory_space<vmem_shared>> -> memref<128x128xf32, #tpu.memory_space<vmem_shared>>
    %dma_wait3A_99 = tpu.memref_slice %arg13[%dma_wait3A_92] : memref<2x!tpu.dma_semaphore, #tpu.memory_space<semaphore_mem>> -> memref<1x!tpu.dma_semaphore, #tpu.memory_space<semaphore_mem>>
    %dma_wait3A_100 = tpu.memref_squeeze %dma_wait3A_99 : memref<1x!tpu.dma_semaphore, #tpu.memory_space<semaphore_mem>> -> memref<!tpu.dma_semaphore, #tpu.memory_space<semaphore_mem>>
    %dma_wait3A_101 = arith.constant 0 : i32
    %dma_wait3A_102 = tpu.memref_slice %arg10[%add3A_4, %dma_wait3A_101] : memref<10112x128xf32, #tpu.memory_space<vmem_shared>> -> memref<128x128xf32, #tpu.memory_space<vmem_shared>>
    %dma_wait3A_103 = arith.constant 0 : i32
    %dma_wait3A_104 = arith.constant 0 : i32
    %dma_wait3A_105 = tpu.memref_slice %arg9[%dma_wait3A, %dma_wait3A_103, %dma_wait3A_104] : memref<2x128x128xf32, #tpu.memory_space<vmem>> -> memref<1x128x128xf32, #tpu.memory_space<vmem>>
    %dma_wait3A_106 = tpu.memref_squeeze %dma_wait3A_105 : memref<1x128x128xf32, #tpu.memory_space<vmem>> -> memref<128x128xf32, #tpu.memory_space<vmem>>
    tpu.wait_dma2 semaphore(%dma_wait3A_100 : memref<!tpu.dma_semaphore, #tpu.memory_space<semaphore_mem>>) src(%dma_wait3A_106 : memref<128x128xf32, #tpu.memory_space<vmem>>) dst(%dma_wait3A_102 : memref<128x128xf32, #tpu.memory_space<vmem_shared>>)
    %dma_wait3A_107 = arith.constant 0 : i32
    %dma_wait3A_108 = arith.constant 0 : i32
    %dma_wait3A_109 = arith.constant 0 : i32
    %dma_wait3A_110 = arith.constant 0 : i32
    %dma_wait3A_111 = tpu.memref_slice %arg9[%dma_wait3A_107, %dma_wait3A_109, %dma_wait3A_110] : memref<2x128x128xf32, #tpu.memory_space<vmem>> -> memref<1x128x128xf32, #tpu.memory_space<vmem>>
    %dma_wait3A_112 = tpu.memref_squeeze %dma_wait3A_111 : memref<1x128x128xf32, #tpu.memory_space<vmem>> -> memref<128x128xf32, #tpu.memory_space<vmem>>
    %dma_wait3A_113 = arith.constant 0 : i32
    %dma_wait3A_114 = tpu.memref_slice %arg10[%add3A_21, %dma_wait3A_113] : memref<10112x128xf32, #tpu.memory_space<vmem_shared>> -> memref<128x128xf32, #tpu.memory_space<vmem_shared>>
    %dma_wait3A_115 = tpu.memref_slice %arg13[%dma_wait3A_108] : memref<2x!tpu.dma_semaphore, #tpu.memory_space<semaphore_mem>> -> memref<1x!tpu.dma_semaphore, #tpu.memory_space<semaphore_mem>>
    %dma_wait3A_116 = tpu.memref_squeeze %dma_wait3A_115 : memref<1x!tpu.dma_semaphore, #tpu.memory_space<semaphore_mem>> -> memref<!tpu.dma_semaphore, #tpu.memory_space<semaphore_mem>>
    %dma_wait3A_117 = arith.constant 0 : i32
    %dma_wait3A_118 = tpu.memref_slice %arg10[%add3A_21, %dma_wait3A_117] : memref<10112x128xf32, #tpu.memory_space<vmem_shared>> -> memref<128x128xf32, #tpu.memory_space<vmem_shared>>
    %dma_wait3A_119 = arith.constant 0 : i32
    %dma_wait3A_120 = arith.constant 0 : i32
    %dma_wait3A_121 = tpu.memref_slice %arg9[%dma_wait3A_107, %dma_wait3A_119, %dma_wait3A_120] : memref<2x128x128xf32, #tpu.memory_space<vmem>> -> memref<1x128x128xf32, #tpu.memory_space<vmem>>
    %dma_wait3A_122 = tpu.memref_squeeze %dma_wait3A_121 : memref<1x128x128xf32, #tpu.memory_space<vmem>> -> memref<128x128xf32, #tpu.memory_space<vmem>>
    tpu.wait_dma2 semaphore(%dma_wait3A_116 : memref<!tpu.dma_semaphore, #tpu.memory_space<semaphore_mem>>) src(%dma_wait3A_122 : memref<128x128xf32, #tpu.memory_space<vmem>>) dst(%dma_wait3A_118 : memref<128x128xf32, #tpu.memory_space<vmem_shared>>)
    %dma_wait3A_123 = arith.constant 0 : i32
    %dma_wait3A_124 = arith.constant 0 : i32
    %dma_wait3A_125 = arith.constant 0 : i32
    %dma_wait3A_126 = arith.constant 0 : i32
    %dma_wait3A_127 = tpu.memref_slice %arg9[%dma_wait3A_123, %dma_wait3A_125, %dma_wait3A_126] : memref<2x128x128xf32, #tpu.memory_space<vmem>> -> memref<1x128x128xf32, #tpu.memory_space<vmem>>
    %dma_wait3A_128 = tpu.memref_squeeze %dma_wait3A_127 : memref<1x128x128xf32, #tpu.memory_space<vmem>> -> memref<128x128xf32, #tpu.memory_space<vmem>>
    %dma_wait3A_129 = arith.constant 0 : i32
    %dma_wait3A_130 = tpu.memref_slice %arg10[%add3A_39, %dma_wait3A_129] : memref<10112x128xf32, #tpu.memory_space<vmem_shared>> -> memref<128x128xf32, #tpu.memory_space<vmem_shared>>
    %dma_wait3A_131 = tpu.memref_slice %arg13[%dma_wait3A_124] : memref<2x!tpu.dma_semaphore, #tpu.memory_space<semaphore_mem>> -> memref<1x!tpu.dma_semaphore, #tpu.memory_space<semaphore_mem>>
    %dma_wait3A_132 = tpu.memref_squeeze %dma_wait3A_131 : memref<1x!tpu.dma_semaphore, #tpu.memory_space<semaphore_mem>> -> memref<!tpu.dma_semaphore, #tpu.memory_space<semaphore_mem>>
    %dma_wait3A_133 = arith.constant 0 : i32
    %dma_wait3A_134 = tpu.memref_slice %arg10[%add3A_39, %dma_wait3A_133] : memref<10112x128xf32, #tpu.memory_space<vmem_shared>> -> memref<128x128xf32, #tpu.memory_space<vmem_shared>>
    %dma_wait3A_135 = arith.constant 0 : i32
    %dma_wait3A_136 = arith.constant 0 : i32
    %dma_wait3A_137 = tpu.memref_slice %arg9[%dma_wait3A_123, %dma_wait3A_135, %dma_wait3A_136] : memref<2x128x128xf32, #tpu.memory_space<vmem>> -> memref<1x128x128xf32, #tpu.memory_space<vmem>>
    %dma_wait3A_138 = tpu.memref_squeeze %dma_wait3A_137 : memref<1x128x128xf32, #tpu.memory_space<vmem>> -> memref<128x128xf32, #tpu.memory_space<vmem>>
    tpu.wait_dma2 semaphore(%dma_wait3A_132 : memref<!tpu.dma_semaphore, #tpu.memory_space<semaphore_mem>>) src(%dma_wait3A_138 : memref<128x128xf32, #tpu.memory_space<vmem>>) dst(%dma_wait3A_134 : memref<128x128xf32, #tpu.memory_space<vmem_shared>>)
    %dma_wait3A_139 = arith.constant 0 : i32
    %dma_wait3A_140 = arith.constant 0 : i32
    %dma_wait3A_141 = arith.constant 0 : i32
    %dma_wait3A_142 = arith.constant 0 : i32
    %dma_wait3A_143 = tpu.memref_slice %arg9[%dma_wait3A_139, %dma_wait3A_141, %dma_wait3A_142] : memref<2x128x128xf32, #tpu.memory_space<vmem>> -> memref<1x128x128xf32, #tpu.memory_space<vmem>>
    %dma_wait3A_144 = tpu.memref_squeeze %dma_wait3A_143 : memref<1x128x128xf32, #tpu.memory_space<vmem>> -> memref<128x128xf32, #tpu.memory_space<vmem>>
    %dma_wait3A_145 = arith.constant 0 : i32
    %dma_wait3A_146 = tpu.memref_slice %arg10[%add3A_57, %dma_wait3A_145] : memref<10112x128xf32, #tpu.memory_space<vmem_shared>> -> memref<128x128xf32, #tpu.memory_space<vmem_shared>>
    %dma_wait3A_147 = tpu.memref_slice %arg13[%dma_wait3A_140] : memref<2x!tpu.dma_semaphore, #tpu.memory_space<semaphore_mem>> -> memref<1x!tpu.dma_semaphore, #tpu.memory_space<semaphore_mem>>
    %dma_wait3A_148 = tpu.memref_squeeze %dma_wait3A_147 : memref<1x!tpu.dma_semaphore, #tpu.memory_space<semaphore_mem>> -> memref<!tpu.dma_semaphore, #tpu.memory_space<semaphore_mem>>
    %dma_wait3A_149 = arith.constant 0 : i32
    %dma_wait3A_150 = tpu.memref_slice %arg10[%add3A_57, %dma_wait3A_149] : memref<10112x128xf32, #tpu.memory_space<vmem_shared>> -> memref<128x128xf32, #tpu.memory_space<vmem_shared>>
    %dma_wait3A_151 = arith.constant 0 : i32
    %dma_wait3A_152 = arith.constant 0 : i32
    %dma_wait3A_153 = tpu.memref_slice %arg9[%dma_wait3A_139, %dma_wait3A_151, %dma_wait3A_152] : memref<2x128x128xf32, #tpu.memory_space<vmem>> -> memref<1x128x128xf32, #tpu.memory_space<vmem>>
    %dma_wait3A_154 = tpu.memref_squeeze %dma_wait3A_153 : memref<1x128x128xf32, #tpu.memory_space<vmem>> -> memref<128x128xf32, #tpu.memory_space<vmem>>
    tpu.wait_dma2 semaphore(%dma_wait3A_148 : memref<!tpu.dma_semaphore, #tpu.memory_space<semaphore_mem>>) src(%dma_wait3A_154 : memref<128x128xf32, #tpu.memory_space<vmem>>) dst(%dma_wait3A_150 : memref<128x128xf32, #tpu.memory_space<vmem_shared>>)
    %dma_wait3A_155 = arith.constant 0 : i32
    %dma_wait3A_156 = arith.constant 0 : i32
    %dma_wait3A_157 = arith.constant 0 : i32
    %dma_wait3A_158 = arith.constant 0 : i32
    %dma_wait3A_159 = tpu.memref_slice %arg9[%dma_wait3A_155, %dma_wait3A_157, %dma_wait3A_158] : memref<2x128x128xf32, #tpu.memory_space<vmem>> -> memref<1x120x128xf32, #tpu.memory_space<vmem>>
    %dma_wait3A_160 = tpu.memref_squeeze %dma_wait3A_159 : memref<1x120x128xf32, #tpu.memory_space<vmem>> -> memref<120x128xf32, #tpu.memory_space<vmem>>
    %dma_wait3A_161 = arith.constant 0 : i32
    %dma_wait3A_162 = tpu.memref_slice %arg10[%add3A_75, %dma_wait3A_161] : memref<10112x128xf32, #tpu.memory_space<vmem_shared>> -> memref<120x128xf32, #tpu.memory_space<vmem_shared>>
    %dma_wait3A_163 = tpu.memref_slice %arg13[%dma_wait3A_156] : memref<2x!tpu.dma_semaphore, #tpu.memory_space<semaphore_mem>> -> memref<1x!tpu.dma_semaphore, #tpu.memory_space<semaphore_mem>>
    %dma_wait3A_164 = tpu.memref_squeeze %dma_wait3A_163 : memref<1x!tpu.dma_semaphore, #tpu.memory_space<semaphore_mem>> -> memref<!tpu.dma_semaphore, #tpu.memory_space<semaphore_mem>>
    %dma_wait3A_165 = arith.constant 0 : i32
    %dma_wait3A_166 = tpu.memref_slice %arg10[%add3A_75, %dma_wait3A_165] : memref<10112x128xf32, #tpu.memory_space<vmem_shared>> -> memref<120x128xf32, #tpu.memory_space<vmem_shared>>
    %dma_wait3A_167 = arith.constant 0 : i32
    %dma_wait3A_168 = arith.constant 0 : i32
    %dma_wait3A_169 = tpu.memref_slice %arg9[%dma_wait3A_155, %dma_wait3A_167, %dma_wait3A_168] : memref<2x128x128xf32, #tpu.memory_space<vmem>> -> memref<1x120x128xf32, #tpu.memory_space<vmem>>
    %dma_wait3A_170 = tpu.memref_squeeze %dma_wait3A_169 : memref<1x120x128xf32, #tpu.memory_space<vmem>> -> memref<120x128xf32, #tpu.memory_space<vmem>>
    tpu.wait_dma2 semaphore(%dma_wait3A_164 : memref<!tpu.dma_semaphore, #tpu.memory_space<semaphore_mem>>) src(%dma_wait3A_170 : memref<120x128xf32, #tpu.memory_space<vmem>>) dst(%dma_wait3A_166 : memref<120x128xf32, #tpu.memory_space<vmem_shared>>)
    %barrier3A = arith.constant 0 : index
    tpu.barrier barrier_id(%barrier3A)
    %scan3A = arith.constant 0 : i32
    %scan3A_171 = arith.constant 10 : i32
    %scan3A_172 = arith.addi %scan3A, %scan3A_171 : i32
    %scan3A_173 = arith.constant 1 : i32
    scf.for %scan3A_206 = %scan3A to %scan3A_172 step %scan3A_173  : i32 {
      %mul3A_207 = arith.constant 8 : i32
      %mul3A_208 = arith.muli %scan3A_206, %mul3A_207 : i32
      %add3A_209 = arith.constant 0 : i32
      %add3A_210 = arith.addi %add3A_209, %mul3A_208 : i32
      %dma_start3A_211 = arith.constant 0 : i32
      %dma_start3A_212 = arith.constant 0 : i32
      %dma_start3A_213 = tpu.memref_slice %arg3[%add3A, %add3A_210, %dma_start3A_212] : memref<32x80x128xi32, #tpu.memory_space<hbm>> -> memref<1x8x128xi32, #tpu.memory_space<hbm>>
      %dma_start3A_214 = tpu.memref_squeeze %dma_start3A_213 : memref<1x8x128xi32, #tpu.memory_space<hbm>> -> memref<8x128xi32, #tpu.memory_space<hbm>>
      %dma_start3A_215 = tpu.memref_slice %arg13[%dma_start3A_211] : memref<2x!tpu.dma_semaphore, #tpu.memory_space<semaphore_mem>> -> memref<1x!tpu.dma_semaphore, #tpu.memory_space<semaphore_mem>>
      %dma_start3A_216 = tpu.memref_squeeze %dma_start3A_215 : memref<1x!tpu.dma_semaphore, #tpu.memory_space<semaphore_mem>> -> memref<!tpu.dma_semaphore, #tpu.memory_space<semaphore_mem>>
      %dma_start3A_217 = arith.constant 0 : i32
      %dma_start3A_218 = tpu.memref_slice %arg3[%add3A, %add3A_210, %dma_start3A_217] : memref<32x80x128xi32, #tpu.memory_space<hbm>> -> memref<1x8x128xi32, #tpu.memory_space<hbm>>
      %dma_start3A_219 = tpu.memref_squeeze %dma_start3A_218 : memref<1x8x128xi32, #tpu.memory_space<hbm>> -> memref<8x128xi32, #tpu.memory_space<hbm>>
      tpu.enqueue_dma source(%dma_start3A_219 : memref<8x128xi32, #tpu.memory_space<hbm>>) target(%arg7 : memref<8x128xi32, #tpu.memory_space<vmem>>) target_semaphore(%dma_start3A_216 : memref<!tpu.dma_semaphore, #tpu.memory_space<semaphore_mem>>)
      %dma_start3A_220 = arith.constant 1 : i32
      %dma_start3A_221 = arith.constant 0 : i32
      %dma_start3A_222 = tpu.memref_slice %arg4[%add3A, %add3A_210, %dma_start3A_221] : memref<32x80x128xi32, #tpu.memory_space<hbm>> -> memref<1x8x128xi32, #tpu.memory_space<hbm>>
      %dma_start3A_223 = tpu.memref_squeeze %dma_start3A_222 : memref<1x8x128xi32, #tpu.memory_space<hbm>> -> memref<8x128xi32, #tpu.memory_space<hbm>>
      %dma_start3A_224 = tpu.memref_slice %arg13[%dma_start3A_220] : memref<2x!tpu.dma_semaphore, #tpu.memory_space<semaphore_mem>> -> memref<1x!tpu.dma_semaphore, #tpu.memory_space<semaphore_mem>>
      %dma_start3A_225 = tpu.memref_squeeze %dma_start3A_224 : memref<1x!tpu.dma_semaphore, #tpu.memory_space<semaphore_mem>> -> memref<!tpu.dma_semaphore, #tpu.memory_space<semaphore_mem>>
      %dma_start3A_226 = arith.constant 0 : i32
      %dma_start3A_227 = tpu.memref_slice %arg4[%add3A, %add3A_210, %dma_start3A_226] : memref<32x80x128xi32, #tpu.memory_space<hbm>> -> memref<1x8x128xi32, #tpu.memory_space<hbm>>
      %dma_start3A_228 = tpu.memref_squeeze %dma_start3A_227 : memref<1x8x128xi32, #tpu.memory_space<hbm>> -> memref<8x128xi32, #tpu.memory_space<hbm>>
      tpu.enqueue_dma source(%dma_start3A_228 : memref<8x128xi32, #tpu.memory_space<hbm>>) target(%arg8 : memref<8x128xi32, #tpu.memory_space<vmem>>) target_semaphore(%dma_start3A_225 : memref<!tpu.dma_semaphore, #tpu.memory_space<semaphore_mem>>)
      %dma_wait3A_229 = arith.constant 0 : i32
      %dma_wait3A_230 = arith.constant 0 : i32
      %dma_wait3A_231 = tpu.memref_slice %arg3[%add3A, %add3A_210, %dma_wait3A_230] : memref<32x80x128xi32, #tpu.memory_space<hbm>> -> memref<1x8x128xi32, #tpu.memory_space<hbm>>
      %dma_wait3A_232 = tpu.memref_squeeze %dma_wait3A_231 : memref<1x8x128xi32, #tpu.memory_space<hbm>> -> memref<8x128xi32, #tpu.memory_space<hbm>>
      %dma_wait3A_233 = tpu.memref_slice %arg13[%dma_wait3A_229] : memref<2x!tpu.dma_semaphore, #tpu.memory_space<semaphore_mem>> -> memref<1x!tpu.dma_semaphore, #tpu.memory_space<semaphore_mem>>
      %dma_wait3A_234 = tpu.memref_squeeze %dma_wait3A_233 : memref<1x!tpu.dma_semaphore, #tpu.memory_space<semaphore_mem>> -> memref<!tpu.dma_semaphore, #tpu.memory_space<semaphore_mem>>
      %dma_wait3A_235 = arith.constant 0 : i32
      %dma_wait3A_236 = tpu.memref_slice %arg3[%add3A, %add3A_210, %dma_wait3A_235] : memref<32x80x128xi32, #tpu.memory_space<hbm>> -> memref<1x8x128xi32, #tpu.memory_space<hbm>>
      %dma_wait3A_237 = tpu.memref_squeeze %dma_wait3A_236 : memref<1x8x128xi32, #tpu.memory_space<hbm>> -> memref<8x128xi32, #tpu.memory_space<hbm>>
      tpu.wait_dma2 semaphore(%dma_wait3A_234 : memref<!tpu.dma_semaphore, #tpu.memory_space<semaphore_mem>>) src(%dma_wait3A_237 : memref<8x128xi32, #tpu.memory_space<hbm>>) dst(%arg7 : memref<8x128xi32, #tpu.memory_space<vmem>>)
      %dma_wait3A_238 = arith.constant 1 : i32
      %dma_wait3A_239 = arith.constant 0 : i32
      %dma_wait3A_240 = tpu.memref_slice %arg4[%add3A, %add3A_210, %dma_wait3A_239] : memref<32x80x128xi32, #tpu.memory_space<hbm>> -> memref<1x8x128xi32, #tpu.memory_space<hbm>>
      %dma_wait3A_241 = tpu.memref_squeeze %dma_wait3A_240 : memref<1x8x128xi32, #tpu.memory_space<hbm>> -> memref<8x128xi32, #tpu.memory_space<hbm>>
      %dma_wait3A_242 = tpu.memref_slice %arg13[%dma_wait3A_238] : memref<2x!tpu.dma_semaphore, #tpu.memory_space<semaphore_mem>> -> memref<1x!tpu.dma_semaphore, #tpu.memory_space<semaphore_mem>>
      %dma_wait3A_243 = tpu.memref_squeeze %dma_wait3A_242 : memref<1x!tpu.dma_semaphore, #tpu.memory_space<semaphore_mem>> -> memref<!tpu.dma_semaphore, #tpu.memory_space<semaphore_mem>>
      %dma_wait3A_244 = arith.constant 0 : i32
      %dma_wait3A_245 = tpu.memref_slice %arg4[%add3A, %add3A_210, %dma_wait3A_244] : memref<32x80x128xi32, #tpu.memory_space<hbm>> -> memref<1x8x128xi32, #tpu.memory_space<hbm>>
      %dma_wait3A_246 = tpu.memref_squeeze %dma_wait3A_245 : memref<1x8x128xi32, #tpu.memory_space<hbm>> -> memref<8x128xi32, #tpu.memory_space<hbm>>
      tpu.wait_dma2 semaphore(%dma_wait3A_243 : memref<!tpu.dma_semaphore, #tpu.memory_space<semaphore_mem>>) src(%dma_wait3A_246 : memref<8x128xi32, #tpu.memory_space<hbm>>) dst(%arg8 : memref<8x128xi32, #tpu.memory_space<vmem>>)
      %dma_start3A_247 = arith.constant 0 : i32
      %dma_start3A_248 = arith.constant 0 : i32
      %dma_start3A_249 = arith.constant 0 : i32
      %dma_start3A_250 = arith.constant 0 : i32
      %dma_start3A_251 = arith.constant 0 : i32
      %dma_start3A_252 = tpu.memref_slice %arg9[%dma_start3A_248, %dma_start3A_250, %dma_start3A_251] : memref<2x128x128xf32, #tpu.memory_space<vmem>> -> memref<1x128x128xf32, #tpu.memory_space<vmem>>
      %dma_start3A_253 = tpu.memref_squeeze %dma_start3A_252 : memref<1x128x128xf32, #tpu.memory_space<vmem>> -> memref<128x128xf32, #tpu.memory_space<vmem>>
      %dma_start3A_254 = arith.constant 0 : i32
      %dma_start3A_255 = tpu.memref_slice %arg7[%dma_start3A_247, %dma_start3A_254] : memref<8x128xi32, #tpu.memory_space<vmem>> -> memref<1x128xi32, #tpu.memory_space<vmem>>
      %dma_start3A_256 = tpu.memref_squeeze %dma_start3A_255 : memref<1x128xi32, #tpu.memory_space<vmem>> -> memref<128xi32, #tpu.memory_space<vmem>>
      %dma_start3A_257 = arith.constant 0 : i32
      %dma_start3A_258 = arith.constant 0 : i32
      %dma_start3A_259 = tpu.memref_slice %arg2[%dma_start3A_257, %dma_start3A_258] : memref<10112x128xf32, #tpu.memory_space<hbm>> -> memref<10112x128xf32, #tpu.memory_space<hbm>>
      %dma_start3A_260 = tpu.memref_slice %arg11[%dma_start3A_249] : memref<2x!tpu.dma_semaphore, #tpu.memory_space<semaphore_mem>> -> memref<1x!tpu.dma_semaphore, #tpu.memory_space<semaphore_mem>>
      %dma_start3A_261 = tpu.memref_squeeze %dma_start3A_260 : memref<1x!tpu.dma_semaphore, #tpu.memory_space<semaphore_mem>> -> memref<!tpu.dma_semaphore, #tpu.memory_space<semaphore_mem>>
      tpu.enqueue_indirect_dma source(%dma_start3A_259 : memref<10112x128xf32, #tpu.memory_space<hbm>>) target(%dma_start3A_253 : memref<128x128xf32, #tpu.memory_space<vmem>>) offsets(%dma_start3A_256 : memref<128xi32, #tpu.memory_space<vmem>>) semaphore(%dma_start3A_261 : memref<!tpu.dma_semaphore, #tpu.memory_space<semaphore_mem>>)
      %dma_start3A_262 = arith.constant 1 : i32
      %dma_start3A_263 = arith.constant 1 : i32
      %dma_start3A_264 = arith.constant 1 : i32
      %dma_start3A_265 = arith.constant 0 : i32
      %dma_start3A_266 = arith.constant 0 : i32
      %dma_start3A_267 = tpu.memref_slice %arg9[%dma_start3A_263, %dma_start3A_265, %dma_start3A_266] : memref<2x128x128xf32, #tpu.memory_space<vmem>> -> memref<1x128x128xf32, #tpu.memory_space<vmem>>
      %dma_start3A_268 = tpu.memref_squeeze %dma_start3A_267 : memref<1x128x128xf32, #tpu.memory_space<vmem>> -> memref<128x128xf32, #tpu.memory_space<vmem>>
      %dma_start3A_269 = arith.constant 0 : i32
      %dma_start3A_270 = tpu.memref_slice %arg7[%dma_start3A_262, %dma_start3A_269] : memref<8x128xi32, #tpu.memory_space<vmem>> -> memref<1x128xi32, #tpu.memory_space<vmem>>
      %dma_start3A_271 = tpu.memref_squeeze %dma_start3A_270 : memref<1x128xi32, #tpu.memory_space<vmem>> -> memref<128xi32, #tpu.memory_space<vmem>>
      %dma_start3A_272 = arith.constant 0 : i32
      %dma_start3A_273 = arith.constant 0 : i32
      %dma_start3A_274 = tpu.memref_slice %arg2[%dma_start3A_272, %dma_start3A_273] : memref<10112x128xf32, #tpu.memory_space<hbm>> -> memref<10112x128xf32, #tpu.memory_space<hbm>>
      %dma_start3A_275 = tpu.memref_slice %arg11[%dma_start3A_264] : memref<2x!tpu.dma_semaphore, #tpu.memory_space<semaphore_mem>> -> memref<1x!tpu.dma_semaphore, #tpu.memory_space<semaphore_mem>>
      %dma_start3A_276 = tpu.memref_squeeze %dma_start3A_275 : memref<1x!tpu.dma_semaphore, #tpu.memory_space<semaphore_mem>> -> memref<!tpu.dma_semaphore, #tpu.memory_space<semaphore_mem>>
      tpu.enqueue_indirect_dma source(%dma_start3A_274 : memref<10112x128xf32, #tpu.memory_space<hbm>>) target(%dma_start3A_268 : memref<128x128xf32, #tpu.memory_space<vmem>>) offsets(%dma_start3A_271 : memref<128xi32, #tpu.memory_space<vmem>>) semaphore(%dma_start3A_276 : memref<!tpu.dma_semaphore, #tpu.memory_space<semaphore_mem>>)
      %dma_wait3A_277 = arith.constant 0 : i32
      %dma_wait3A_278 = arith.constant 0 : i32
      %dma_wait3A_279 = arith.constant 0 : i32
      %dma_wait3A_280 = arith.constant 0 : i32
      %dma_wait3A_281 = arith.constant 0 : i32
      %dma_wait3A_282 = tpu.memref_slice %arg9[%dma_wait3A_278, %dma_wait3A_280, %dma_wait3A_281] : memref<2x128x128xf32, #tpu.memory_space<vmem>> -> memref<1x128x128xf32, #tpu.memory_space<vmem>>
      %dma_wait3A_283 = tpu.memref_squeeze %dma_wait3A_282 : memref<1x128x128xf32, #tpu.memory_space<vmem>> -> memref<128x128xf32, #tpu.memory_space<vmem>>
      %dma_wait3A_284 = arith.constant 0 : i32
      %dma_wait3A_285 = tpu.memref_slice %arg7[%dma_wait3A_277, %dma_wait3A_284] : memref<8x128xi32, #tpu.memory_space<vmem>> -> memref<1x128xi32, #tpu.memory_space<vmem>>
      %dma_wait3A_286 = tpu.memref_squeeze %dma_wait3A_285 : memref<1x128xi32, #tpu.memory_space<vmem>> -> memref<128xi32, #tpu.memory_space<vmem>>
      %dma_wait3A_287 = arith.constant 0 : i32
      %dma_wait3A_288 = arith.constant 0 : i32
      %dma_wait3A_289 = tpu.memref_slice %arg2[%dma_wait3A_287, %dma_wait3A_288] : memref<10112x128xf32, #tpu.memory_space<hbm>> -> memref<10112x128xf32, #tpu.memory_space<hbm>>
      %dma_wait3A_290 = tpu.memref_slice %arg11[%dma_wait3A_279] : memref<2x!tpu.dma_semaphore, #tpu.memory_space<semaphore_mem>> -> memref<1x!tpu.dma_semaphore, #tpu.memory_space<semaphore_mem>>
      %dma_wait3A_291 = tpu.memref_squeeze %dma_wait3A_290 : memref<1x!tpu.dma_semaphore, #tpu.memory_space<semaphore_mem>> -> memref<!tpu.dma_semaphore, #tpu.memory_space<semaphore_mem>>
      tpu.wait_indirect_dma semaphore(%dma_wait3A_291 : memref<!tpu.dma_semaphore, #tpu.memory_space<semaphore_mem>>) src(%dma_wait3A_289 : memref<10112x128xf32, #tpu.memory_space<hbm>>) dst(%dma_wait3A_283 : memref<128x128xf32, #tpu.memory_space<vmem>>)
      %dma_start3A_292 = arith.constant 0 : i32
      %dma_start3A_293 = arith.constant 0 : i32
      %dma_start3A_294 = arith.constant 0 : i32
      %dma_start3A_295 = arith.constant 0 : i32
      %dma_start3A_296 = arith.constant 0 : i32
      %dma_start3A_297 = tpu.memref_slice %arg9[%dma_start3A_292, %dma_start3A_295, %dma_start3A_296] : memref<2x128x128xf32, #tpu.memory_space<vmem>> -> memref<1x128x128xf32, #tpu.memory_space<vmem>>
      %dma_start3A_298 = tpu.memref_squeeze %dma_start3A_297 : memref<1x128x128xf32, #tpu.memory_space<vmem>> -> memref<128x128xf32, #tpu.memory_space<vmem>>
      %dma_start3A_299 = arith.constant 0 : i32
      %dma_start3A_300 = tpu.memref_slice %arg8[%dma_start3A_293, %dma_start3A_299] : memref<8x128xi32, #tpu.memory_space<vmem>> -> memref<1x128xi32, #tpu.memory_space<vmem>>
      %dma_start3A_301 = tpu.memref_squeeze %dma_start3A_300 : memref<1x128xi32, #tpu.memory_space<vmem>> -> memref<128xi32, #tpu.memory_space<vmem>>
      %dma_start3A_302 = arith.constant 0 : i32
      %dma_start3A_303 = arith.constant 0 : i32
      %dma_start3A_304 = tpu.memref_slice %arg10[%dma_start3A_302, %dma_start3A_303] : memref<10112x128xf32, #tpu.memory_space<vmem_shared>> -> memref<10112x128xf32, #tpu.memory_space<vmem_shared>>
      %dma_start3A_305 = tpu.memref_slice %arg12[%dma_start3A_294] : memref<2x!tpu.dma_semaphore, #tpu.memory_space<semaphore_mem>> -> memref<1x!tpu.dma_semaphore, #tpu.memory_space<semaphore_mem>>
      %dma_start3A_306 = tpu.memref_squeeze %dma_start3A_305 : memref<1x!tpu.dma_semaphore, #tpu.memory_space<semaphore_mem>> -> memref<!tpu.dma_semaphore, #tpu.memory_space<semaphore_mem>>
      tpu.enqueue_indirect_dma source(%dma_start3A_298 : memref<128x128xf32, #tpu.memory_space<vmem>>) target(%dma_start3A_304 : memref<10112x128xf32, #tpu.memory_space<vmem_shared>>) offsets(%dma_start3A_301 : memref<128xi32, #tpu.memory_space<vmem>>) semaphore(%dma_start3A_306 : memref<!tpu.dma_semaphore, #tpu.memory_space<semaphore_mem>>) {add = true}
      %dma_wait3A_307 = arith.constant 1 : i32
      %dma_wait3A_308 = arith.constant 1 : i32
      %dma_wait3A_309 = arith.constant 1 : i32
      %dma_wait3A_310 = arith.constant 0 : i32
      %dma_wait3A_311 = arith.constant 0 : i32
      %dma_wait3A_312 = tpu.memref_slice %arg9[%dma_wait3A_308, %dma_wait3A_310, %dma_wait3A_311] : memref<2x128x128xf32, #tpu.memory_space<vmem>> -> memref<1x128x128xf32, #tpu.memory_space<vmem>>
      %dma_wait3A_313 = tpu.memref_squeeze %dma_wait3A_312 : memref<1x128x128xf32, #tpu.memory_space<vmem>> -> memref<128x128xf32, #tpu.memory_space<vmem>>
      %dma_wait3A_314 = arith.constant 0 : i32
      %dma_wait3A_315 = tpu.memref_slice %arg7[%dma_wait3A_307, %dma_wait3A_314] : memref<8x128xi32, #tpu.memory_space<vmem>> -> memref<1x128xi32, #tpu.memory_space<vmem>>
      %dma_wait3A_316 = tpu.memref_squeeze %dma_wait3A_315 : memref<1x128xi32, #tpu.memory_space<vmem>> -> memref<128xi32, #tpu.memory_space<vmem>>
      %dma_wait3A_317 = arith.constant 0 : i32
      %dma_wait3A_318 = arith.constant 0 : i32
      %dma_wait3A_319 = tpu.memref_slice %arg2[%dma_wait3A_317, %dma_wait3A_318] : memref<10112x128xf32, #tpu.memory_space<hbm>> -> memref<10112x128xf32, #tpu.memory_space<hbm>>
      %dma_wait3A_320 = tpu.memref_slice %arg11[%dma_wait3A_309] : memref<2x!tpu.dma_semaphore, #tpu.memory_space<semaphore_mem>> -> memref<1x!tpu.dma_semaphore, #tpu.memory_space<semaphore_mem>>
      %dma_wait3A_321 = tpu.memref_squeeze %dma_wait3A_320 : memref<1x!tpu.dma_semaphore, #tpu.memory_space<semaphore_mem>> -> memref<!tpu.dma_semaphore, #tpu.memory_space<semaphore_mem>>
      tpu.wait_indirect_dma semaphore(%dma_wait3A_321 : memref<!tpu.dma_semaphore, #tpu.memory_space<semaphore_mem>>) src(%dma_wait3A_319 : memref<10112x128xf32, #tpu.memory_space<hbm>>) dst(%dma_wait3A_313 : memref<128x128xf32, #tpu.memory_space<vmem>>)
      %dma_start3A_322 = arith.constant 1 : i32
      %dma_start3A_323 = arith.constant 1 : i32
      %dma_start3A_324 = arith.constant 1 : i32
      %dma_start3A_325 = arith.constant 0 : i32
      %dma_start3A_326 = arith.constant 0 : i32
      %dma_start3A_327 = tpu.memref_slice %arg9[%dma_start3A_322, %dma_start3A_325, %dma_start3A_326] : memref<2x128x128xf32, #tpu.memory_space<vmem>> -> memref<1x128x128xf32, #tpu.memory_space<vmem>>
      %dma_start3A_328 = tpu.memref_squeeze %dma_start3A_327 : memref<1x128x128xf32, #tpu.memory_space<vmem>> -> memref<128x128xf32, #tpu.memory_space<vmem>>
      %dma_start3A_329 = arith.constant 0 : i32
      %dma_start3A_330 = tpu.memref_slice %arg8[%dma_start3A_323, %dma_start3A_329] : memref<8x128xi32, #tpu.memory_space<vmem>> -> memref<1x128xi32, #tpu.memory_space<vmem>>
      %dma_start3A_331 = tpu.memref_squeeze %dma_start3A_330 : memref<1x128xi32, #tpu.memory_space<vmem>> -> memref<128xi32, #tpu.memory_space<vmem>>
      %dma_start3A_332 = arith.constant 0 : i32
      %dma_start3A_333 = arith.constant 0 : i32
      %dma_start3A_334 = tpu.memref_slice %arg10[%dma_start3A_332, %dma_start3A_333] : memref<10112x128xf32, #tpu.memory_space<vmem_shared>> -> memref<10112x128xf32, #tpu.memory_space<vmem_shared>>
      %dma_start3A_335 = tpu.memref_slice %arg12[%dma_start3A_324] : memref<2x!tpu.dma_semaphore, #tpu.memory_space<semaphore_mem>> -> memref<1x!tpu.dma_semaphore, #tpu.memory_space<semaphore_mem>>
      %dma_start3A_336 = tpu.memref_squeeze %dma_start3A_335 : memref<1x!tpu.dma_semaphore, #tpu.memory_space<semaphore_mem>> -> memref<!tpu.dma_semaphore, #tpu.memory_space<semaphore_mem>>
      tpu.enqueue_indirect_dma source(%dma_start3A_328 : memref<128x128xf32, #tpu.memory_space<vmem>>) target(%dma_start3A_334 : memref<10112x128xf32, #tpu.memory_space<vmem_shared>>) offsets(%dma_start3A_331 : memref<128xi32, #tpu.memory_space<vmem>>) semaphore(%dma_start3A_336 : memref<!tpu.dma_semaphore, #tpu.memory_space<semaphore_mem>>) {add = true}
      %dma_wait3A_337 = arith.constant 0 : i32
      %dma_wait3A_338 = arith.constant 0 : i32
      %dma_wait3A_339 = arith.constant 0 : i32
      %dma_wait3A_340 = arith.constant 0 : i32
      %dma_wait3A_341 = arith.constant 0 : i32
      %dma_wait3A_342 = tpu.memref_slice %arg9[%dma_wait3A_337, %dma_wait3A_340, %dma_wait3A_341] : memref<2x128x128xf32, #tpu.memory_space<vmem>> -> memref<1x128x128xf32, #tpu.memory_space<vmem>>
      %dma_wait3A_343 = tpu.memref_squeeze %dma_wait3A_342 : memref<1x128x128xf32, #tpu.memory_space<vmem>> -> memref<128x128xf32, #tpu.memory_space<vmem>>
      %dma_wait3A_344 = arith.constant 0 : i32
      %dma_wait3A_345 = tpu.memref_slice %arg8[%dma_wait3A_338, %dma_wait3A_344] : memref<8x128xi32, #tpu.memory_space<vmem>> -> memref<1x128xi32, #tpu.memory_space<vmem>>
      %dma_wait3A_346 = tpu.memref_squeeze %dma_wait3A_345 : memref<1x128xi32, #tpu.memory_space<vmem>> -> memref<128xi32, #tpu.memory_space<vmem>>
      %dma_wait3A_347 = arith.constant 0 : i32
      %dma_wait3A_348 = arith.constant 0 : i32
      %dma_wait3A_349 = tpu.memref_slice %arg10[%dma_wait3A_347, %dma_wait3A_348] : memref<10112x128xf32, #tpu.memory_space<vmem_shared>> -> memref<10112x128xf32, #tpu.memory_space<vmem_shared>>
      %dma_wait3A_350 = tpu.memref_slice %arg12[%dma_wait3A_339] : memref<2x!tpu.dma_semaphore, #tpu.memory_space<semaphore_mem>> -> memref<1x!tpu.dma_semaphore, #tpu.memory_space<semaphore_mem>>
      %dma_wait3A_351 = tpu.memref_squeeze %dma_wait3A_350 : memref<1x!tpu.dma_semaphore, #tpu.memory_space<semaphore_mem>> -> memref<!tpu.dma_semaphore, #tpu.memory_space<semaphore_mem>>
      tpu.wait_indirect_dma semaphore(%dma_wait3A_351 : memref<!tpu.dma_semaphore, #tpu.memory_space<semaphore_mem>>) src(%dma_wait3A_343 : memref<128x128xf32, #tpu.memory_space<vmem>>) dst(%dma_wait3A_349 : memref<10112x128xf32, #tpu.memory_space<vmem_shared>>)
      %dma_wait3A_352 = arith.constant 1 : i32
      %dma_wait3A_353 = arith.constant 1 : i32
      %dma_wait3A_354 = arith.constant 1 : i32
      %dma_wait3A_355 = arith.constant 0 : i32
      %dma_wait3A_356 = arith.constant 0 : i32
      %dma_wait3A_357 = tpu.memref_slice %arg9[%dma_wait3A_352, %dma_wait3A_355, %dma_wait3A_356] : memref<2x128x128xf32, #tpu.memory_space<vmem>> -> memref<1x128x128xf32, #tpu.memory_space<vmem>>
      %dma_wait3A_358 = tpu.memref_squeeze %dma_wait3A_357 : memref<1x128x128xf32, #tpu.memory_space<vmem>> -> memref<128x128xf32, #tpu.memory_space<vmem>>
      %dma_wait3A_359 = arith.constant 0 : i32
      %dma_wait3A_360 = tpu.memref_slice %arg8[%dma_wait3A_353, %dma_wait3A_359] : memref<8x128xi32, #tpu.memory_space<vmem>> -> memref<1x128xi32, #tpu.memory_space<vmem>>
      %dma_wait3A_361 = tpu.memref_squeeze %dma_wait3A_360 : memref<1x128xi32, #tpu.memory_space<vmem>> -> memref<128xi32, #tpu.memory_space<vmem>>
      %dma_wait3A_362 = arith.constant 0 : i32
      %dma_wait3A_363 = arith.constant 0 : i32
      %dma_wait3A_364 = tpu.memref_slice %arg10[%dma_wait3A_362, %dma_wait3A_363] : memref<10112x128xf32, #tpu.memory_space<vmem_shared>> -> memref<10112x128xf32, #tpu.memory_space<vmem_shared>>
      %dma_wait3A_365 = tpu.memref_slice %arg12[%dma_wait3A_354] : memref<2x!tpu.dma_semaphore, #tpu.memory_space<semaphore_mem>> -> memref<1x!tpu.dma_semaphore, #tpu.memory_space<semaphore_mem>>
      %dma_wait3A_366 = tpu.memref_squeeze %dma_wait3A_365 : memref<1x!tpu.dma_semaphore, #tpu.memory_space<semaphore_mem>> -> memref<!tpu.dma_semaphore, #tpu.memory_space<semaphore_mem>>
      tpu.wait_indirect_dma semaphore(%dma_wait3A_366 : memref<!tpu.dma_semaphore, #tpu.memory_space<semaphore_mem>>) src(%dma_wait3A_358 : memref<128x128xf32, #tpu.memory_space<vmem>>) dst(%dma_wait3A_364 : memref<10112x128xf32, #tpu.memory_space<vmem_shared>>)
      %dma_start3A_367 = arith.constant 2 : i32
      %dma_start3A_368 = arith.constant 0 : i32
      %dma_start3A_369 = arith.constant 0 : i32
      %dma_start3A_370 = arith.constant 0 : i32
      %dma_start3A_371 = arith.constant 0 : i32
      %dma_start3A_372 = tpu.memref_slice %arg9[%dma_start3A_368, %dma_start3A_370, %dma_start3A_371] : memref<2x128x128xf32, #tpu.memory_space<vmem>> -> memref<1x128x128xf32, #tpu.memory_space<vmem>>
      %dma_start3A_373 = tpu.memref_squeeze %dma_start3A_372 : memref<1x128x128xf32, #tpu.memory_space<vmem>> -> memref<128x128xf32, #tpu.memory_space<vmem>>
      %dma_start3A_374 = arith.constant 0 : i32
      %dma_start3A_375 = tpu.memref_slice %arg7[%dma_start3A_367, %dma_start3A_374] : memref<8x128xi32, #tpu.memory_space<vmem>> -> memref<1x128xi32, #tpu.memory_space<vmem>>
      %dma_start3A_376 = tpu.memref_squeeze %dma_start3A_375 : memref<1x128xi32, #tpu.memory_space<vmem>> -> memref<128xi32, #tpu.memory_space<vmem>>
      %dma_start3A_377 = arith.constant 0 : i32
      %dma_start3A_378 = arith.constant 0 : i32
      %dma_start3A_379 = tpu.memref_slice %arg2[%dma_start3A_377, %dma_start3A_378] : memref<10112x128xf32, #tpu.memory_space<hbm>> -> memref<10112x128xf32, #tpu.memory_space<hbm>>
      %dma_start3A_380 = tpu.memref_slice %arg11[%dma_start3A_369] : memref<2x!tpu.dma_semaphore, #tpu.memory_space<semaphore_mem>> -> memref<1x!tpu.dma_semaphore, #tpu.memory_space<semaphore_mem>>
      %dma_start3A_381 = tpu.memref_squeeze %dma_start3A_380 : memref<1x!tpu.dma_semaphore, #tpu.memory_space<semaphore_mem>> -> memref<!tpu.dma_semaphore, #tpu.memory_space<semaphore_mem>>
      tpu.enqueue_indirect_dma source(%dma_start3A_379 : memref<10112x128xf32, #tpu.memory_space<hbm>>) target(%dma_start3A_373 : memref<128x128xf32, #tpu.memory_space<vmem>>) offsets(%dma_start3A_376 : memref<128xi32, #tpu.memory_space<vmem>>) semaphore(%dma_start3A_381 : memref<!tpu.dma_semaphore, #tpu.memory_space<semaphore_mem>>)
      %dma_start3A_382 = arith.constant 3 : i32
      %dma_start3A_383 = arith.constant 1 : i32
      %dma_start3A_384 = arith.constant 1 : i32
      %dma_start3A_385 = arith.constant 0 : i32
      %dma_start3A_386 = arith.constant 0 : i32
      %dma_start3A_387 = tpu.memref_slice %arg9[%dma_start3A_383, %dma_start3A_385, %dma_start3A_386] : memref<2x128x128xf32, #tpu.memory_space<vmem>> -> memref<1x128x128xf32, #tpu.memory_space<vmem>>
      %dma_start3A_388 = tpu.memref_squeeze %dma_start3A_387 : memref<1x128x128xf32, #tpu.memory_space<vmem>> -> memref<128x128xf32, #tpu.memory_space<vmem>>
      %dma_start3A_389 = arith.constant 0 : i32
      %dma_start3A_390 = tpu.memref_slice %arg7[%dma_start3A_382, %dma_start3A_389] : memref<8x128xi32, #tpu.memory_space<vmem>> -> memref<1x128xi32, #tpu.memory_space<vmem>>
      %dma_start3A_391 = tpu.memref_squeeze %dma_start3A_390 : memref<1x128xi32, #tpu.memory_space<vmem>> -> memref<128xi32, #tpu.memory_space<vmem>>
      %dma_start3A_392 = arith.constant 0 : i32
      %dma_start3A_393 = arith.constant 0 : i32
      %dma_start3A_394 = tpu.memref_slice %arg2[%dma_start3A_392, %dma_start3A_393] : memref<10112x128xf32, #tpu.memory_space<hbm>> -> memref<10112x128xf32, #tpu.memory_space<hbm>>
      %dma_start3A_395 = tpu.memref_slice %arg11[%dma_start3A_384] : memref<2x!tpu.dma_semaphore, #tpu.memory_space<semaphore_mem>> -> memref<1x!tpu.dma_semaphore, #tpu.memory_space<semaphore_mem>>
      %dma_start3A_396 = tpu.memref_squeeze %dma_start3A_395 : memref<1x!tpu.dma_semaphore, #tpu.memory_space<semaphore_mem>> -> memref<!tpu.dma_semaphore, #tpu.memory_space<semaphore_mem>>
      tpu.enqueue_indirect_dma source(%dma_start3A_394 : memref<10112x128xf32, #tpu.memory_space<hbm>>) target(%dma_start3A_388 : memref<128x128xf32, #tpu.memory_space<vmem>>) offsets(%dma_start3A_391 : memref<128xi32, #tpu.memory_space<vmem>>) semaphore(%dma_start3A_396 : memref<!tpu.dma_semaphore, #tpu.memory_space<semaphore_mem>>)
      %dma_wait3A_397 = arith.constant 2 : i32
      %dma_wait3A_398 = arith.constant 0 : i32
      %dma_wait3A_399 = arith.constant 0 : i32
      %dma_wait3A_400 = arith.constant 0 : i32
      %dma_wait3A_401 = arith.constant 0 : i32
      %dma_wait3A_402 = tpu.memref_slice %arg9[%dma_wait3A_398, %dma_wait3A_400, %dma_wait3A_401] : memref<2x128x128xf32, #tpu.memory_space<vmem>> -> memref<1x128x128xf32, #tpu.memory_space<vmem>>
      %dma_wait3A_403 = tpu.memref_squeeze %dma_wait3A_402 : memref<1x128x128xf32, #tpu.memory_space<vmem>> -> memref<128x128xf32, #tpu.memory_space<vmem>>
      %dma_wait3A_404 = arith.constant 0 : i32
      %dma_wait3A_405 = tpu.memref_slice %arg7[%dma_wait3A_397, %dma_wait3A_404] : memref<8x128xi32, #tpu.memory_space<vmem>> -> memref<1x128xi32, #tpu.memory_space<vmem>>
      %dma_wait3A_406 = tpu.memref_squeeze %dma_wait3A_405 : memref<1x128xi32, #tpu.memory_space<vmem>> -> memref<128xi32, #tpu.memory_space<vmem>>
      %dma_wait3A_407 = arith.constant 0 : i32
      %dma_wait3A_408 = arith.constant 0 : i32
      %dma_wait3A_409 = tpu.memref_slice %arg2[%dma_wait3A_407, %dma_wait3A_408] : memref<10112x128xf32, #tpu.memory_space<hbm>> -> memref<10112x128xf32, #tpu.memory_space<hbm>>
      %dma_wait3A_410 = tpu.memref_slice %arg11[%dma_wait3A_399] : memref<2x!tpu.dma_semaphore, #tpu.memory_space<semaphore_mem>> -> memref<1x!tpu.dma_semaphore, #tpu.memory_space<semaphore_mem>>
      %dma_wait3A_411 = tpu.memref_squeeze %dma_wait3A_410 : memref<1x!tpu.dma_semaphore, #tpu.memory_space<semaphore_mem>> -> memref<!tpu.dma_semaphore, #tpu.memory_space<semaphore_mem>>
      tpu.wait_indirect_dma semaphore(%dma_wait3A_411 : memref<!tpu.dma_semaphore, #tpu.memory_space<semaphore_mem>>) src(%dma_wait3A_409 : memref<10112x128xf32, #tpu.memory_space<hbm>>) dst(%dma_wait3A_403 : memref<128x128xf32, #tpu.memory_space<vmem>>)
      %dma_start3A_412 = arith.constant 0 : i32
      %dma_start3A_413 = arith.constant 2 : i32
      %dma_start3A_414 = arith.constant 0 : i32
      %dma_start3A_415 = arith.constant 0 : i32
      %dma_start3A_416 = arith.constant 0 : i32
      %dma_start3A_417 = tpu.memref_slice %arg9[%dma_start3A_412, %dma_start3A_415, %dma_start3A_416] : memref<2x128x128xf32, #tpu.memory_space<vmem>> -> memref<1x128x128xf32, #tpu.memory_space<vmem>>
      %dma_start3A_418 = tpu.memref_squeeze %dma_start3A_417 : memref<1x128x128xf32, #tpu.memory_space<vmem>> -> memref<128x128xf32, #tpu.memory_space<vmem>>
      %dma_start3A_419 = arith.constant 0 : i32
      %dma_start3A_420 = tpu.memref_slice %arg8[%dma_start3A_413, %dma_start3A_419] : memref<8x128xi32, #tpu.memory_space<vmem>> -> memref<1x128xi32, #tpu.memory_space<vmem>>
      %dma_start3A_421 = tpu.memref_squeeze %dma_start3A_420 : memref<1x128xi32, #tpu.memory_space<vmem>> -> memref<128xi32, #tpu.memory_space<vmem>>
      %dma_start3A_422 = arith.constant 0 : i32
      %dma_start3A_423 = arith.constant 0 : i32
      %dma_start3A_424 = tpu.memref_slice %arg10[%dma_start3A_422, %dma_start3A_423] : memref<10112x128xf32, #tpu.memory_space<vmem_shared>> -> memref<10112x128xf32, #tpu.memory_space<vmem_shared>>
      %dma_start3A_425 = tpu.memref_slice %arg12[%dma_start3A_414] : memref<2x!tpu.dma_semaphore, #tpu.memory_space<semaphore_mem>> -> memref<1x!tpu.dma_semaphore, #tpu.memory_space<semaphore_mem>>
      %dma_start3A_426 = tpu.memref_squeeze %dma_start3A_425 : memref<1x!tpu.dma_semaphore, #tpu.memory_space<semaphore_mem>> -> memref<!tpu.dma_semaphore, #tpu.memory_space<semaphore_mem>>
      tpu.enqueue_indirect_dma source(%dma_start3A_418 : memref<128x128xf32, #tpu.memory_space<vmem>>) target(%dma_start3A_424 : memref<10112x128xf32, #tpu.memory_space<vmem_shared>>) offsets(%dma_start3A_421 : memref<128xi32, #tpu.memory_space<vmem>>) semaphore(%dma_start3A_426 : memref<!tpu.dma_semaphore, #tpu.memory_space<semaphore_mem>>) {add = true}
      %dma_wait3A_427 = arith.constant 3 : i32
      %dma_wait3A_428 = arith.constant 1 : i32
      %dma_wait3A_429 = arith.constant 1 : i32
      %dma_wait3A_430 = arith.constant 0 : i32
      %dma_wait3A_431 = arith.constant 0 : i32
      %dma_wait3A_432 = tpu.memref_slice %arg9[%dma_wait3A_428, %dma_wait3A_430, %dma_wait3A_431] : memref<2x128x128xf32, #tpu.memory_space<vmem>> -> memref<1x128x128xf32, #tpu.memory_space<vmem>>
      %dma_wait3A_433 = tpu.memref_squeeze %dma_wait3A_432 : memref<1x128x128xf32, #tpu.memory_space<vmem>> -> memref<128x128xf32, #tpu.memory_space<vmem>>
      %dma_wait3A_434 = arith.constant 0 : i32
      %dma_wait3A_435 = tpu.memref_slice %arg7[%dma_wait3A_427, %dma_wait3A_434] : memref<8x128xi32, #tpu.memory_space<vmem>> -> memref<1x128xi32, #tpu.memory_space<vmem>>
      %dma_wait3A_436 = tpu.memref_squeeze %dma_wait3A_435 : memref<1x128xi32, #tpu.memory_space<vmem>> -> memref<128xi32, #tpu.memory_space<vmem>>
      %dma_wait3A_437 = arith.constant 0 : i32
      %dma_wait3A_438 = arith.constant 0 : i32
      %dma_wait3A_439 = tpu.memref_slice %arg2[%dma_wait3A_437, %dma_wait3A_438] : memref<10112x128xf32, #tpu.memory_space<hbm>> -> memref<10112x128xf32, #tpu.memory_space<hbm>>
      %dma_wait3A_440 = tpu.memref_slice %arg11[%dma_wait3A_429] : memref<2x!tpu.dma_semaphore, #tpu.memory_space<semaphore_mem>> -> memref<1x!tpu.dma_semaphore, #tpu.memory_space<semaphore_mem>>
      %dma_wait3A_441 = tpu.memref_squeeze %dma_wait3A_440 : memref<1x!tpu.dma_semaphore, #tpu.memory_space<semaphore_mem>> -> memref<!tpu.dma_semaphore, #tpu.memory_space<semaphore_mem>>
      tpu.wait_indirect_dma semaphore(%dma_wait3A_441 : memref<!tpu.dma_semaphore, #tpu.memory_space<semaphore_mem>>) src(%dma_wait3A_439 : memref<10112x128xf32, #tpu.memory_space<hbm>>) dst(%dma_wait3A_433 : memref<128x128xf32, #tpu.memory_space<vmem>>)
      %dma_start3A_442 = arith.constant 1 : i32
      %dma_start3A_443 = arith.constant 3 : i32
      %dma_start3A_444 = arith.constant 1 : i32
      %dma_start3A_445 = arith.constant 0 : i32
      %dma_start3A_446 = arith.constant 0 : i32
      %dma_start3A_447 = tpu.memref_slice %arg9[%dma_start3A_442, %dma_start3A_445, %dma_start3A_446] : memref<2x128x128xf32, #tpu.memory_space<vmem>> -> memref<1x128x128xf32, #tpu.memory_space<vmem>>
      %dma_start3A_448 = tpu.memref_squeeze %dma_start3A_447 : memref<1x128x128xf32, #tpu.memory_space<vmem>> -> memref<128x128xf32, #tpu.memory_space<vmem>>
      %dma_start3A_449 = arith.constant 0 : i32
      %dma_start3A_450 = tpu.memref_slice %arg8[%dma_start3A_443, %dma_start3A_449] : memref<8x128xi32, #tpu.memory_space<vmem>> -> memref<1x128xi32, #tpu.memory_space<vmem>>
      %dma_start3A_451 = tpu.memref_squeeze %dma_start3A_450 : memref<1x128xi32, #tpu.memory_space<vmem>> -> memref<128xi32, #tpu.memory_space<vmem>>
      %dma_start3A_452 = arith.constant 0 : i32
      %dma_start3A_453 = arith.constant 0 : i32
      %dma_start3A_454 = tpu.memref_slice %arg10[%dma_start3A_452, %dma_start3A_453] : memref<10112x128xf32, #tpu.memory_space<vmem_shared>> -> memref<10112x128xf32, #tpu.memory_space<vmem_shared>>
      %dma_start3A_455 = tpu.memref_slice %arg12[%dma_start3A_444] : memref<2x!tpu.dma_semaphore, #tpu.memory_space<semaphore_mem>> -> memref<1x!tpu.dma_semaphore, #tpu.memory_space<semaphore_mem>>
      %dma_start3A_456 = tpu.memref_squeeze %dma_start3A_455 : memref<1x!tpu.dma_semaphore, #tpu.memory_space<semaphore_mem>> -> memref<!tpu.dma_semaphore, #tpu.memory_space<semaphore_mem>>
      tpu.enqueue_indirect_dma source(%dma_start3A_448 : memref<128x128xf32, #tpu.memory_space<vmem>>) target(%dma_start3A_454 : memref<10112x128xf32, #tpu.memory_space<vmem_shared>>) offsets(%dma_start3A_451 : memref<128xi32, #tpu.memory_space<vmem>>) semaphore(%dma_start3A_456 : memref<!tpu.dma_semaphore, #tpu.memory_space<semaphore_mem>>) {add = true}
      %dma_wait3A_457 = arith.constant 0 : i32
      %dma_wait3A_458 = arith.constant 2 : i32
      %dma_wait3A_459 = arith.constant 0 : i32
      %dma_wait3A_460 = arith.constant 0 : i32
      %dma_wait3A_461 = arith.constant 0 : i32
      %dma_wait3A_462 = tpu.memref_slice %arg9[%dma_wait3A_457, %dma_wait3A_460, %dma_wait3A_461] : memref<2x128x128xf32, #tpu.memory_space<vmem>> -> memref<1x128x128xf32, #tpu.memory_space<vmem>>
      %dma_wait3A_463 = tpu.memref_squeeze %dma_wait3A_462 : memref<1x128x128xf32, #tpu.memory_space<vmem>> -> memref<128x128xf32, #tpu.memory_space<vmem>>
      %dma_wait3A_464 = arith.constant 0 : i32
      %dma_wait3A_465 = tpu.memref_slice %arg8[%dma_wait3A_458, %dma_wait3A_464] : memref<8x128xi32, #tpu.memory_space<vmem>> -> memref<1x128xi32, #tpu.memory_space<vmem>>
      %dma_wait3A_466 = tpu.memref_squeeze %dma_wait3A_465 : memref<1x128xi32, #tpu.memory_space<vmem>> -> memref<128xi32, #tpu.memory_space<vmem>>
      %dma_wait3A_467 = arith.constant 0 : i32
      %dma_wait3A_468 = arith.constant 0 : i32
      %dma_wait3A_469 = tpu.memref_slice %arg10[%dma_wait3A_467, %dma_wait3A_468] : memref<10112x128xf32, #tpu.memory_space<vmem_shared>> -> memref<10112x128xf32, #tpu.memory_space<vmem_shared>>
      %dma_wait3A_470 = tpu.memref_slice %arg12[%dma_wait3A_459] : memref<2x!tpu.dma_semaphore, #tpu.memory_space<semaphore_mem>> -> memref<1x!tpu.dma_semaphore, #tpu.memory_space<semaphore_mem>>
      %dma_wait3A_471 = tpu.memref_squeeze %dma_wait3A_470 : memref<1x!tpu.dma_semaphore, #tpu.memory_space<semaphore_mem>> -> memref<!tpu.dma_semaphore, #tpu.memory_space<semaphore_mem>>
      tpu.wait_indirect_dma semaphore(%dma_wait3A_471 : memref<!tpu.dma_semaphore, #tpu.memory_space<semaphore_mem>>) src(%dma_wait3A_463 : memref<128x128xf32, #tpu.memory_space<vmem>>) dst(%dma_wait3A_469 : memref<10112x128xf32, #tpu.memory_space<vmem_shared>>)
      %dma_wait3A_472 = arith.constant 1 : i32
      %dma_wait3A_473 = arith.constant 3 : i32
      %dma_wait3A_474 = arith.constant 1 : i32
      %dma_wait3A_475 = arith.constant 0 : i32
      %dma_wait3A_476 = arith.constant 0 : i32
      %dma_wait3A_477 = tpu.memref_slice %arg9[%dma_wait3A_472, %dma_wait3A_475, %dma_wait3A_476] : memref<2x128x128xf32, #tpu.memory_space<vmem>> -> memref<1x128x128xf32, #tpu.memory_space<vmem>>
      %dma_wait3A_478 = tpu.memref_squeeze %dma_wait3A_477 : memref<1x128x128xf32, #tpu.memory_space<vmem>> -> memref<128x128xf32, #tpu.memory_space<vmem>>
      %dma_wait3A_479 = arith.constant 0 : i32
      %dma_wait3A_480 = tpu.memref_slice %arg8[%dma_wait3A_473, %dma_wait3A_479] : memref<8x128xi32, #tpu.memory_space<vmem>> -> memref<1x128xi32, #tpu.memory_space<vmem>>
      %dma_wait3A_481 = tpu.memref_squeeze %dma_wait3A_480 : memref<1x128xi32, #tpu.memory_space<vmem>> -> memref<128xi32, #tpu.memory_space<vmem>>
      %dma_wait3A_482 = arith.constant 0 : i32
      %dma_wait3A_483 = arith.constant 0 : i32
      %dma_wait3A_484 = tpu.memref_slice %arg10[%dma_wait3A_482, %dma_wait3A_483] : memref<10112x128xf32, #tpu.memory_space<vmem_shared>> -> memref<10112x128xf32, #tpu.memory_space<vmem_shared>>
      %dma_wait3A_485 = tpu.memref_slice %arg12[%dma_wait3A_474] : memref<2x!tpu.dma_semaphore, #tpu.memory_space<semaphore_mem>> -> memref<1x!tpu.dma_semaphore, #tpu.memory_space<semaphore_mem>>
      %dma_wait3A_486 = tpu.memref_squeeze %dma_wait3A_485 : memref<1x!tpu.dma_semaphore, #tpu.memory_space<semaphore_mem>> -> memref<!tpu.dma_semaphore, #tpu.memory_space<semaphore_mem>>
      tpu.wait_indirect_dma semaphore(%dma_wait3A_486 : memref<!tpu.dma_semaphore, #tpu.memory_space<semaphore_mem>>) src(%dma_wait3A_478 : memref<128x128xf32, #tpu.memory_space<vmem>>) dst(%dma_wait3A_484 : memref<10112x128xf32, #tpu.memory_space<vmem_shared>>)
      %dma_start3A_487 = arith.constant 4 : i32
      %dma_start3A_488 = arith.constant 0 : i32
      %dma_start3A_489 = arith.constant 0 : i32
      %dma_start3A_490 = arith.constant 0 : i32
      %dma_start3A_491 = arith.constant 0 : i32
      %dma_start3A_492 = tpu.memref_slice %arg9[%dma_start3A_488, %dma_start3A_490, %dma_start3A_491] : memref<2x128x128xf32, #tpu.memory_space<vmem>> -> memref<1x128x128xf32, #tpu.memory_space<vmem>>
      %dma_start3A_493 = tpu.memref_squeeze %dma_start3A_492 : memref<1x128x128xf32, #tpu.memory_space<vmem>> -> memref<128x128xf32, #tpu.memory_space<vmem>>
      %dma_start3A_494 = arith.constant 0 : i32
      %dma_start3A_495 = tpu.memref_slice %arg7[%dma_start3A_487, %dma_start3A_494] : memref<8x128xi32, #tpu.memory_space<vmem>> -> memref<1x128xi32, #tpu.memory_space<vmem>>
      %dma_start3A_496 = tpu.memref_squeeze %dma_start3A_495 : memref<1x128xi32, #tpu.memory_space<vmem>> -> memref<128xi32, #tpu.memory_space<vmem>>
      %dma_start3A_497 = arith.constant 0 : i32
      %dma_start3A_498 = arith.constant 0 : i32
      %dma_start3A_499 = tpu.memref_slice %arg2[%dma_start3A_497, %dma_start3A_498] : memref<10112x128xf32, #tpu.memory_space<hbm>> -> memref<10112x128xf32, #tpu.memory_space<hbm>>
      %dma_start3A_500 = tpu.memref_slice %arg11[%dma_start3A_489] : memref<2x!tpu.dma_semaphore, #tpu.memory_space<semaphore_mem>> -> memref<1x!tpu.dma_semaphore, #tpu.memory_space<semaphore_mem>>
      %dma_start3A_501 = tpu.memref_squeeze %dma_start3A_500 : memref<1x!tpu.dma_semaphore, #tpu.memory_space<semaphore_mem>> -> memref<!tpu.dma_semaphore, #tpu.memory_space<semaphore_mem>>
      tpu.enqueue_indirect_dma source(%dma_start3A_499 : memref<10112x128xf32, #tpu.memory_space<hbm>>) target(%dma_start3A_493 : memref<128x128xf32, #tpu.memory_space<vmem>>) offsets(%dma_start3A_496 : memref<128xi32, #tpu.memory_space<vmem>>) semaphore(%dma_start3A_501 : memref<!tpu.dma_semaphore, #tpu.memory_space<semaphore_mem>>)
      %dma_start3A_502 = arith.constant 5 : i32
      %dma_start3A_503 = arith.constant 1 : i32
      %dma_start3A_504 = arith.constant 1 : i32
      %dma_start3A_505 = arith.constant 0 : i32
      %dma_start3A_506 = arith.constant 0 : i32
      %dma_start3A_507 = tpu.memref_slice %arg9[%dma_start3A_503, %dma_start3A_505, %dma_start3A_506] : memref<2x128x128xf32, #tpu.memory_space<vmem>> -> memref<1x128x128xf32, #tpu.memory_space<vmem>>
      %dma_start3A_508 = tpu.memref_squeeze %dma_start3A_507 : memref<1x128x128xf32, #tpu.memory_space<vmem>> -> memref<128x128xf32, #tpu.memory_space<vmem>>
      %dma_start3A_509 = arith.constant 0 : i32
      %dma_start3A_510 = tpu.memref_slice %arg7[%dma_start3A_502, %dma_start3A_509] : memref<8x128xi32, #tpu.memory_space<vmem>> -> memref<1x128xi32, #tpu.memory_space<vmem>>
      %dma_start3A_511 = tpu.memref_squeeze %dma_start3A_510 : memref<1x128xi32, #tpu.memory_space<vmem>> -> memref<128xi32, #tpu.memory_space<vmem>>
      %dma_start3A_512 = arith.constant 0 : i32
      %dma_start3A_513 = arith.constant 0 : i32
      %dma_start3A_514 = tpu.memref_slice %arg2[%dma_start3A_512, %dma_start3A_513] : memref<10112x128xf32, #tpu.memory_space<hbm>> -> memref<10112x128xf32, #tpu.memory_space<hbm>>
      %dma_start3A_515 = tpu.memref_slice %arg11[%dma_start3A_504] : memref<2x!tpu.dma_semaphore, #tpu.memory_space<semaphore_mem>> -> memref<1x!tpu.dma_semaphore, #tpu.memory_space<semaphore_mem>>
      %dma_start3A_516 = tpu.memref_squeeze %dma_start3A_515 : memref<1x!tpu.dma_semaphore, #tpu.memory_space<semaphore_mem>> -> memref<!tpu.dma_semaphore, #tpu.memory_space<semaphore_mem>>
      tpu.enqueue_indirect_dma source(%dma_start3A_514 : memref<10112x128xf32, #tpu.memory_space<hbm>>) target(%dma_start3A_508 : memref<128x128xf32, #tpu.memory_space<vmem>>) offsets(%dma_start3A_511 : memref<128xi32, #tpu.memory_space<vmem>>) semaphore(%dma_start3A_516 : memref<!tpu.dma_semaphore, #tpu.memory_space<semaphore_mem>>)
      %dma_wait3A_517 = arith.constant 4 : i32
      %dma_wait3A_518 = arith.constant 0 : i32
      %dma_wait3A_519 = arith.constant 0 : i32
      %dma_wait3A_520 = arith.constant 0 : i32
      %dma_wait3A_521 = arith.constant 0 : i32
      %dma_wait3A_522 = tpu.memref_slice %arg9[%dma_wait3A_518, %dma_wait3A_520, %dma_wait3A_521] : memref<2x128x128xf32, #tpu.memory_space<vmem>> -> memref<1x128x128xf32, #tpu.memory_space<vmem>>
      %dma_wait3A_523 = tpu.memref_squeeze %dma_wait3A_522 : memref<1x128x128xf32, #tpu.memory_space<vmem>> -> memref<128x128xf32, #tpu.memory_space<vmem>>
      %dma_wait3A_524 = arith.constant 0 : i32
      %dma_wait3A_525 = tpu.memref_slice %arg7[%dma_wait3A_517, %dma_wait3A_524] : memref<8x128xi32, #tpu.memory_space<vmem>> -> memref<1x128xi32, #tpu.memory_space<vmem>>
      %dma_wait3A_526 = tpu.memref_squeeze %dma_wait3A_525 : memref<1x128xi32, #tpu.memory_space<vmem>> -> memref<128xi32, #tpu.memory_space<vmem>>
      %dma_wait3A_527 = arith.constant 0 : i32
      %dma_wait3A_528 = arith.constant 0 : i32
      %dma_wait3A_529 = tpu.memref_slice %arg2[%dma_wait3A_527, %dma_wait3A_528] : memref<10112x128xf32, #tpu.memory_space<hbm>> -> memref<10112x128xf32, #tpu.memory_space<hbm>>
      %dma_wait3A_530 = tpu.memref_slice %arg11[%dma_wait3A_519] : memref<2x!tpu.dma_semaphore, #tpu.memory_space<semaphore_mem>> -> memref<1x!tpu.dma_semaphore, #tpu.memory_space<semaphore_mem>>
      %dma_wait3A_531 = tpu.memref_squeeze %dma_wait3A_530 : memref<1x!tpu.dma_semaphore, #tpu.memory_space<semaphore_mem>> -> memref<!tpu.dma_semaphore, #tpu.memory_space<semaphore_mem>>
      tpu.wait_indirect_dma semaphore(%dma_wait3A_531 : memref<!tpu.dma_semaphore, #tpu.memory_space<semaphore_mem>>) src(%dma_wait3A_529 : memref<10112x128xf32, #tpu.memory_space<hbm>>) dst(%dma_wait3A_523 : memref<128x128xf32, #tpu.memory_space<vmem>>)
      %dma_start3A_532 = arith.constant 0 : i32
      %dma_start3A_533 = arith.constant 4 : i32
      %dma_start3A_534 = arith.constant 0 : i32
      %dma_start3A_535 = arith.constant 0 : i32
      %dma_start3A_536 = arith.constant 0 : i32
      %dma_start3A_537 = tpu.memref_slice %arg9[%dma_start3A_532, %dma_start3A_535, %dma_start3A_536] : memref<2x128x128xf32, #tpu.memory_space<vmem>> -> memref<1x128x128xf32, #tpu.memory_space<vmem>>
      %dma_start3A_538 = tpu.memref_squeeze %dma_start3A_537 : memref<1x128x128xf32, #tpu.memory_space<vmem>> -> memref<128x128xf32, #tpu.memory_space<vmem>>
      %dma_start3A_539 = arith.constant 0 : i32
      %dma_start3A_540 = tpu.memref_slice %arg8[%dma_start3A_533, %dma_start3A_539] : memref<8x128xi32, #tpu.memory_space<vmem>> -> memref<1x128xi32, #tpu.memory_space<vmem>>
      %dma_start3A_541 = tpu.memref_squeeze %dma_start3A_540 : memref<1x128xi32, #tpu.memory_space<vmem>> -> memref<128xi32, #tpu.memory_space<vmem>>
      %dma_start3A_542 = arith.constant 0 : i32
      %dma_start3A_543 = arith.constant 0 : i32
      %dma_start3A_544 = tpu.memref_slice %arg10[%dma_start3A_542, %dma_start3A_543] : memref<10112x128xf32, #tpu.memory_space<vmem_shared>> -> memref<10112x128xf32, #tpu.memory_space<vmem_shared>>
      %dma_start3A_545 = tpu.memref_slice %arg12[%dma_start3A_534] : memref<2x!tpu.dma_semaphore, #tpu.memory_space<semaphore_mem>> -> memref<1x!tpu.dma_semaphore, #tpu.memory_space<semaphore_mem>>
      %dma_start3A_546 = tpu.memref_squeeze %dma_start3A_545 : memref<1x!tpu.dma_semaphore, #tpu.memory_space<semaphore_mem>> -> memref<!tpu.dma_semaphore, #tpu.memory_space<semaphore_mem>>
      tpu.enqueue_indirect_dma source(%dma_start3A_538 : memref<128x128xf32, #tpu.memory_space<vmem>>) target(%dma_start3A_544 : memref<10112x128xf32, #tpu.memory_space<vmem_shared>>) offsets(%dma_start3A_541 : memref<128xi32, #tpu.memory_space<vmem>>) semaphore(%dma_start3A_546 : memref<!tpu.dma_semaphore, #tpu.memory_space<semaphore_mem>>) {add = true}
      %dma_wait3A_547 = arith.constant 5 : i32
      %dma_wait3A_548 = arith.constant 1 : i32
      %dma_wait3A_549 = arith.constant 1 : i32
      %dma_wait3A_550 = arith.constant 0 : i32
      %dma_wait3A_551 = arith.constant 0 : i32
      %dma_wait3A_552 = tpu.memref_slice %arg9[%dma_wait3A_548, %dma_wait3A_550, %dma_wait3A_551] : memref<2x128x128xf32, #tpu.memory_space<vmem>> -> memref<1x128x128xf32, #tpu.memory_space<vmem>>
      %dma_wait3A_553 = tpu.memref_squeeze %dma_wait3A_552 : memref<1x128x128xf32, #tpu.memory_space<vmem>> -> memref<128x128xf32, #tpu.memory_space<vmem>>
      %dma_wait3A_554 = arith.constant 0 : i32
      %dma_wait3A_555 = tpu.memref_slice %arg7[%dma_wait3A_547, %dma_wait3A_554] : memref<8x128xi32, #tpu.memory_space<vmem>> -> memref<1x128xi32, #tpu.memory_space<vmem>>
      %dma_wait3A_556 = tpu.memref_squeeze %dma_wait3A_555 : memref<1x128xi32, #tpu.memory_space<vmem>> -> memref<128xi32, #tpu.memory_space<vmem>>
      %dma_wait3A_557 = arith.constant 0 : i32
      %dma_wait3A_558 = arith.constant 0 : i32
      %dma_wait3A_559 = tpu.memref_slice %arg2[%dma_wait3A_557, %dma_wait3A_558] : memref<10112x128xf32, #tpu.memory_space<hbm>> -> memref<10112x128xf32, #tpu.memory_space<hbm>>
      %dma_wait3A_560 = tpu.memref_slice %arg11[%dma_wait3A_549] : memref<2x!tpu.dma_semaphore, #tpu.memory_space<semaphore_mem>> -> memref<1x!tpu.dma_semaphore, #tpu.memory_space<semaphore_mem>>
      %dma_wait3A_561 = tpu.memref_squeeze %dma_wait3A_560 : memref<1x!tpu.dma_semaphore, #tpu.memory_space<semaphore_mem>> -> memref<!tpu.dma_semaphore, #tpu.memory_space<semaphore_mem>>
      tpu.wait_indirect_dma semaphore(%dma_wait3A_561 : memref<!tpu.dma_semaphore, #tpu.memory_space<semaphore_mem>>) src(%dma_wait3A_559 : memref<10112x128xf32, #tpu.memory_space<hbm>>) dst(%dma_wait3A_553 : memref<128x128xf32, #tpu.memory_space<vmem>>)
      %dma_start3A_562 = arith.constant 1 : i32
      %dma_start3A_563 = arith.constant 5 : i32
      %dma_start3A_564 = arith.constant 1 : i32
      %dma_start3A_565 = arith.constant 0 : i32
      %dma_start3A_566 = arith.constant 0 : i32
      %dma_start3A_567 = tpu.memref_slice %arg9[%dma_start3A_562, %dma_start3A_565, %dma_start3A_566] : memref<2x128x128xf32, #tpu.memory_space<vmem>> -> memref<1x128x128xf32, #tpu.memory_space<vmem>>
      %dma_start3A_568 = tpu.memref_squeeze %dma_start3A_567 : memref<1x128x128xf32, #tpu.memory_space<vmem>> -> memref<128x128xf32, #tpu.memory_space<vmem>>
      %dma_start3A_569 = arith.constant 0 : i32
      %dma_start3A_570 = tpu.memref_slice %arg8[%dma_start3A_563, %dma_start3A_569] : memref<8x128xi32, #tpu.memory_space<vmem>> -> memref<1x128xi32, #tpu.memory_space<vmem>>
      %dma_start3A_571 = tpu.memref_squeeze %dma_start3A_570 : memref<1x128xi32, #tpu.memory_space<vmem>> -> memref<128xi32, #tpu.memory_space<vmem>>
      %dma_start3A_572 = arith.constant 0 : i32
      %dma_start3A_573 = arith.constant 0 : i32
      %dma_start3A_574 = tpu.memref_slice %arg10[%dma_start3A_572, %dma_start3A_573] : memref<10112x128xf32, #tpu.memory_space<vmem_shared>> -> memref<10112x128xf32, #tpu.memory_space<vmem_shared>>
      %dma_start3A_575 = tpu.memref_slice %arg12[%dma_start3A_564] : memref<2x!tpu.dma_semaphore, #tpu.memory_space<semaphore_mem>> -> memref<1x!tpu.dma_semaphore, #tpu.memory_space<semaphore_mem>>
      %dma_start3A_576 = tpu.memref_squeeze %dma_start3A_575 : memref<1x!tpu.dma_semaphore, #tpu.memory_space<semaphore_mem>> -> memref<!tpu.dma_semaphore, #tpu.memory_space<semaphore_mem>>
      tpu.enqueue_indirect_dma source(%dma_start3A_568 : memref<128x128xf32, #tpu.memory_space<vmem>>) target(%dma_start3A_574 : memref<10112x128xf32, #tpu.memory_space<vmem_shared>>) offsets(%dma_start3A_571 : memref<128xi32, #tpu.memory_space<vmem>>) semaphore(%dma_start3A_576 : memref<!tpu.dma_semaphore, #tpu.memory_space<semaphore_mem>>) {add = true}
      %dma_wait3A_577 = arith.constant 0 : i32
      %dma_wait3A_578 = arith.constant 4 : i32
      %dma_wait3A_579 = arith.constant 0 : i32
      %dma_wait3A_580 = arith.constant 0 : i32
      %dma_wait3A_581 = arith.constant 0 : i32
      %dma_wait3A_582 = tpu.memref_slice %arg9[%dma_wait3A_577, %dma_wait3A_580, %dma_wait3A_581] : memref<2x128x128xf32, #tpu.memory_space<vmem>> -> memref<1x128x128xf32, #tpu.memory_space<vmem>>
      %dma_wait3A_583 = tpu.memref_squeeze %dma_wait3A_582 : memref<1x128x128xf32, #tpu.memory_space<vmem>> -> memref<128x128xf32, #tpu.memory_space<vmem>>
      %dma_wait3A_584 = arith.constant 0 : i32
      %dma_wait3A_585 = tpu.memref_slice %arg8[%dma_wait3A_578, %dma_wait3A_584] : memref<8x128xi32, #tpu.memory_space<vmem>> -> memref<1x128xi32, #tpu.memory_space<vmem>>
      %dma_wait3A_586 = tpu.memref_squeeze %dma_wait3A_585 : memref<1x128xi32, #tpu.memory_space<vmem>> -> memref<128xi32, #tpu.memory_space<vmem>>
      %dma_wait3A_587 = arith.constant 0 : i32
      %dma_wait3A_588 = arith.constant 0 : i32
      %dma_wait3A_589 = tpu.memref_slice %arg10[%dma_wait3A_587, %dma_wait3A_588] : memref<10112x128xf32, #tpu.memory_space<vmem_shared>> -> memref<10112x128xf32, #tpu.memory_space<vmem_shared>>
      %dma_wait3A_590 = tpu.memref_slice %arg12[%dma_wait3A_579] : memref<2x!tpu.dma_semaphore, #tpu.memory_space<semaphore_mem>> -> memref<1x!tpu.dma_semaphore, #tpu.memory_space<semaphore_mem>>
      %dma_wait3A_591 = tpu.memref_squeeze %dma_wait3A_590 : memref<1x!tpu.dma_semaphore, #tpu.memory_space<semaphore_mem>> -> memref<!tpu.dma_semaphore, #tpu.memory_space<semaphore_mem>>
      tpu.wait_indirect_dma semaphore(%dma_wait3A_591 : memref<!tpu.dma_semaphore, #tpu.memory_space<semaphore_mem>>) src(%dma_wait3A_583 : memref<128x128xf32, #tpu.memory_space<vmem>>) dst(%dma_wait3A_589 : memref<10112x128xf32, #tpu.memory_space<vmem_shared>>)
      %dma_wait3A_592 = arith.constant 1 : i32
      %dma_wait3A_593 = arith.constant 5 : i32
      %dma_wait3A_594 = arith.constant 1 : i32
      %dma_wait3A_595 = arith.constant 0 : i32
      %dma_wait3A_596 = arith.constant 0 : i32
      %dma_wait3A_597 = tpu.memref_slice %arg9[%dma_wait3A_592, %dma_wait3A_595, %dma_wait3A_596] : memref<2x128x128xf32, #tpu.memory_space<vmem>> -> memref<1x128x128xf32, #tpu.memory_space<vmem>>
      %dma_wait3A_598 = tpu.memref_squeeze %dma_wait3A_597 : memref<1x128x128xf32, #tpu.memory_space<vmem>> -> memref<128x128xf32, #tpu.memory_space<vmem>>
      %dma_wait3A_599 = arith.constant 0 : i32
      %dma_wait3A_600 = tpu.memref_slice %arg8[%dma_wait3A_593, %dma_wait3A_599] : memref<8x128xi32, #tpu.memory_space<vmem>> -> memref<1x128xi32, #tpu.memory_space<vmem>>
      %dma_wait3A_601 = tpu.memref_squeeze %dma_wait3A_600 : memref<1x128xi32, #tpu.memory_space<vmem>> -> memref<128xi32, #tpu.memory_space<vmem>>
      %dma_wait3A_602 = arith.constant 0 : i32
      %dma_wait3A_603 = arith.constant 0 : i32
      %dma_wait3A_604 = tpu.memref_slice %arg10[%dma_wait3A_602, %dma_wait3A_603] : memref<10112x128xf32, #tpu.memory_space<vmem_shared>> -> memref<10112x128xf32, #tpu.memory_space<vmem_shared>>
      %dma_wait3A_605 = tpu.memref_slice %arg12[%dma_wait3A_594] : memref<2x!tpu.dma_semaphore, #tpu.memory_space<semaphore_mem>> -> memref<1x!tpu.dma_semaphore, #tpu.memory_space<semaphore_mem>>
      %dma_wait3A_606 = tpu.memref_squeeze %dma_wait3A_605 : memref<1x!tpu.dma_semaphore, #tpu.memory_space<semaphore_mem>> -> memref<!tpu.dma_semaphore, #tpu.memory_space<semaphore_mem>>
      tpu.wait_indirect_dma semaphore(%dma_wait3A_606 : memref<!tpu.dma_semaphore, #tpu.memory_space<semaphore_mem>>) src(%dma_wait3A_598 : memref<128x128xf32, #tpu.memory_space<vmem>>) dst(%dma_wait3A_604 : memref<10112x128xf32, #tpu.memory_space<vmem_shared>>)
      %dma_start3A_607 = arith.constant 6 : i32
      %dma_start3A_608 = arith.constant 0 : i32
      %dma_start3A_609 = arith.constant 0 : i32
      %dma_start3A_610 = arith.constant 0 : i32
      %dma_start3A_611 = arith.constant 0 : i32
      %dma_start3A_612 = tpu.memref_slice %arg9[%dma_start3A_608, %dma_start3A_610, %dma_start3A_611] : memref<2x128x128xf32, #tpu.memory_space<vmem>> -> memref<1x128x128xf32, #tpu.memory_space<vmem>>
      %dma_start3A_613 = tpu.memref_squeeze %dma_start3A_612 : memref<1x128x128xf32, #tpu.memory_space<vmem>> -> memref<128x128xf32, #tpu.memory_space<vmem>>
      %dma_start3A_614 = arith.constant 0 : i32
      %dma_start3A_615 = tpu.memref_slice %arg7[%dma_start3A_607, %dma_start3A_614] : memref<8x128xi32, #tpu.memory_space<vmem>> -> memref<1x128xi32, #tpu.memory_space<vmem>>
      %dma_start3A_616 = tpu.memref_squeeze %dma_start3A_615 : memref<1x128xi32, #tpu.memory_space<vmem>> -> memref<128xi32, #tpu.memory_space<vmem>>
      %dma_start3A_617 = arith.constant 0 : i32
      %dma_start3A_618 = arith.constant 0 : i32
      %dma_start3A_619 = tpu.memref_slice %arg2[%dma_start3A_617, %dma_start3A_618] : memref<10112x128xf32, #tpu.memory_space<hbm>> -> memref<10112x128xf32, #tpu.memory_space<hbm>>
      %dma_start3A_620 = tpu.memref_slice %arg11[%dma_start3A_609] : memref<2x!tpu.dma_semaphore, #tpu.memory_space<semaphore_mem>> -> memref<1x!tpu.dma_semaphore, #tpu.memory_space<semaphore_mem>>
      %dma_start3A_621 = tpu.memref_squeeze %dma_start3A_620 : memref<1x!tpu.dma_semaphore, #tpu.memory_space<semaphore_mem>> -> memref<!tpu.dma_semaphore, #tpu.memory_space<semaphore_mem>>
      tpu.enqueue_indirect_dma source(%dma_start3A_619 : memref<10112x128xf32, #tpu.memory_space<hbm>>) target(%dma_start3A_613 : memref<128x128xf32, #tpu.memory_space<vmem>>) offsets(%dma_start3A_616 : memref<128xi32, #tpu.memory_space<vmem>>) semaphore(%dma_start3A_621 : memref<!tpu.dma_semaphore, #tpu.memory_space<semaphore_mem>>)
      %dma_start3A_622 = arith.constant 7 : i32
      %dma_start3A_623 = arith.constant 1 : i32
      %dma_start3A_624 = arith.constant 1 : i32
      %dma_start3A_625 = arith.constant 0 : i32
      %dma_start3A_626 = arith.constant 0 : i32
      %dma_start3A_627 = tpu.memref_slice %arg9[%dma_start3A_623, %dma_start3A_625, %dma_start3A_626] : memref<2x128x128xf32, #tpu.memory_space<vmem>> -> memref<1x128x128xf32, #tpu.memory_space<vmem>>
      %dma_start3A_628 = tpu.memref_squeeze %dma_start3A_627 : memref<1x128x128xf32, #tpu.memory_space<vmem>> -> memref<128x128xf32, #tpu.memory_space<vmem>>
      %dma_start3A_629 = arith.constant 0 : i32
      %dma_start3A_630 = tpu.memref_slice %arg7[%dma_start3A_622, %dma_start3A_629] : memref<8x128xi32, #tpu.memory_space<vmem>> -> memref<1x128xi32, #tpu.memory_space<vmem>>
      %dma_start3A_631 = tpu.memref_squeeze %dma_start3A_630 : memref<1x128xi32, #tpu.memory_space<vmem>> -> memref<128xi32, #tpu.memory_space<vmem>>
      %dma_start3A_632 = arith.constant 0 : i32
      %dma_start3A_633 = arith.constant 0 : i32
      %dma_start3A_634 = tpu.memref_slice %arg2[%dma_start3A_632, %dma_start3A_633] : memref<10112x128xf32, #tpu.memory_space<hbm>> -> memref<10112x128xf32, #tpu.memory_space<hbm>>
      %dma_start3A_635 = tpu.memref_slice %arg11[%dma_start3A_624] : memref<2x!tpu.dma_semaphore, #tpu.memory_space<semaphore_mem>> -> memref<1x!tpu.dma_semaphore, #tpu.memory_space<semaphore_mem>>
      %dma_start3A_636 = tpu.memref_squeeze %dma_start3A_635 : memref<1x!tpu.dma_semaphore, #tpu.memory_space<semaphore_mem>> -> memref<!tpu.dma_semaphore, #tpu.memory_space<semaphore_mem>>
      tpu.enqueue_indirect_dma source(%dma_start3A_634 : memref<10112x128xf32, #tpu.memory_space<hbm>>) target(%dma_start3A_628 : memref<128x128xf32, #tpu.memory_space<vmem>>) offsets(%dma_start3A_631 : memref<128xi32, #tpu.memory_space<vmem>>) semaphore(%dma_start3A_636 : memref<!tpu.dma_semaphore, #tpu.memory_space<semaphore_mem>>)
      %dma_wait3A_637 = arith.constant 6 : i32
      %dma_wait3A_638 = arith.constant 0 : i32
      %dma_wait3A_639 = arith.constant 0 : i32
      %dma_wait3A_640 = arith.constant 0 : i32
      %dma_wait3A_641 = arith.constant 0 : i32
      %dma_wait3A_642 = tpu.memref_slice %arg9[%dma_wait3A_638, %dma_wait3A_640, %dma_wait3A_641] : memref<2x128x128xf32, #tpu.memory_space<vmem>> -> memref<1x128x128xf32, #tpu.memory_space<vmem>>
      %dma_wait3A_643 = tpu.memref_squeeze %dma_wait3A_642 : memref<1x128x128xf32, #tpu.memory_space<vmem>> -> memref<128x128xf32, #tpu.memory_space<vmem>>
      %dma_wait3A_644 = arith.constant 0 : i32
      %dma_wait3A_645 = tpu.memref_slice %arg7[%dma_wait3A_637, %dma_wait3A_644] : memref<8x128xi32, #tpu.memory_space<vmem>> -> memref<1x128xi32, #tpu.memory_space<vmem>>
      %dma_wait3A_646 = tpu.memref_squeeze %dma_wait3A_645 : memref<1x128xi32, #tpu.memory_space<vmem>> -> memref<128xi32, #tpu.memory_space<vmem>>
      %dma_wait3A_647 = arith.constant 0 : i32
      %dma_wait3A_648 = arith.constant 0 : i32
      %dma_wait3A_649 = tpu.memref_slice %arg2[%dma_wait3A_647, %dma_wait3A_648] : memref<10112x128xf32, #tpu.memory_space<hbm>> -> memref<10112x128xf32, #tpu.memory_space<hbm>>
      %dma_wait3A_650 = tpu.memref_slice %arg11[%dma_wait3A_639] : memref<2x!tpu.dma_semaphore, #tpu.memory_space<semaphore_mem>> -> memref<1x!tpu.dma_semaphore, #tpu.memory_space<semaphore_mem>>
      %dma_wait3A_651 = tpu.memref_squeeze %dma_wait3A_650 : memref<1x!tpu.dma_semaphore, #tpu.memory_space<semaphore_mem>> -> memref<!tpu.dma_semaphore, #tpu.memory_space<semaphore_mem>>
      tpu.wait_indirect_dma semaphore(%dma_wait3A_651 : memref<!tpu.dma_semaphore, #tpu.memory_space<semaphore_mem>>) src(%dma_wait3A_649 : memref<10112x128xf32, #tpu.memory_space<hbm>>) dst(%dma_wait3A_643 : memref<128x128xf32, #tpu.memory_space<vmem>>)
      %dma_start3A_652 = arith.constant 0 : i32
      %dma_start3A_653 = arith.constant 6 : i32
      %dma_start3A_654 = arith.constant 0 : i32
      %dma_start3A_655 = arith.constant 0 : i32
      %dma_start3A_656 = arith.constant 0 : i32
      %dma_start3A_657 = tpu.memref_slice %arg9[%dma_start3A_652, %dma_start3A_655, %dma_start3A_656] : memref<2x128x128xf32, #tpu.memory_space<vmem>> -> memref<1x128x128xf32, #tpu.memory_space<vmem>>
      %dma_start3A_658 = tpu.memref_squeeze %dma_start3A_657 : memref<1x128x128xf32, #tpu.memory_space<vmem>> -> memref<128x128xf32, #tpu.memory_space<vmem>>
      %dma_start3A_659 = arith.constant 0 : i32
      %dma_start3A_660 = tpu.memref_slice %arg8[%dma_start3A_653, %dma_start3A_659] : memref<8x128xi32, #tpu.memory_space<vmem>> -> memref<1x128xi32, #tpu.memory_space<vmem>>
      %dma_start3A_661 = tpu.memref_squeeze %dma_start3A_660 : memref<1x128xi32, #tpu.memory_space<vmem>> -> memref<128xi32, #tpu.memory_space<vmem>>
      %dma_start3A_662 = arith.constant 0 : i32
      %dma_start3A_663 = arith.constant 0 : i32
      %dma_start3A_664 = tpu.memref_slice %arg10[%dma_start3A_662, %dma_start3A_663] : memref<10112x128xf32, #tpu.memory_space<vmem_shared>> -> memref<10112x128xf32, #tpu.memory_space<vmem_shared>>
      %dma_start3A_665 = tpu.memref_slice %arg12[%dma_start3A_654] : memref<2x!tpu.dma_semaphore, #tpu.memory_space<semaphore_mem>> -> memref<1x!tpu.dma_semaphore, #tpu.memory_space<semaphore_mem>>
      %dma_start3A_666 = tpu.memref_squeeze %dma_start3A_665 : memref<1x!tpu.dma_semaphore, #tpu.memory_space<semaphore_mem>> -> memref<!tpu.dma_semaphore, #tpu.memory_space<semaphore_mem>>
      tpu.enqueue_indirect_dma source(%dma_start3A_658 : memref<128x128xf32, #tpu.memory_space<vmem>>) target(%dma_start3A_664 : memref<10112x128xf32, #tpu.memory_space<vmem_shared>>) offsets(%dma_start3A_661 : memref<128xi32, #tpu.memory_space<vmem>>) semaphore(%dma_start3A_666 : memref<!tpu.dma_semaphore, #tpu.memory_space<semaphore_mem>>) {add = true}
      %dma_wait3A_667 = arith.constant 7 : i32
      %dma_wait3A_668 = arith.constant 1 : i32
      %dma_wait3A_669 = arith.constant 1 : i32
      %dma_wait3A_670 = arith.constant 0 : i32
      %dma_wait3A_671 = arith.constant 0 : i32
      %dma_wait3A_672 = tpu.memref_slice %arg9[%dma_wait3A_668, %dma_wait3A_670, %dma_wait3A_671] : memref<2x128x128xf32, #tpu.memory_space<vmem>> -> memref<1x128x128xf32, #tpu.memory_space<vmem>>
      %dma_wait3A_673 = tpu.memref_squeeze %dma_wait3A_672 : memref<1x128x128xf32, #tpu.memory_space<vmem>> -> memref<128x128xf32, #tpu.memory_space<vmem>>
      %dma_wait3A_674 = arith.constant 0 : i32
      %dma_wait3A_675 = tpu.memref_slice %arg7[%dma_wait3A_667, %dma_wait3A_674] : memref<8x128xi32, #tpu.memory_space<vmem>> -> memref<1x128xi32, #tpu.memory_space<vmem>>
      %dma_wait3A_676 = tpu.memref_squeeze %dma_wait3A_675 : memref<1x128xi32, #tpu.memory_space<vmem>> -> memref<128xi32, #tpu.memory_space<vmem>>
      %dma_wait3A_677 = arith.constant 0 : i32
      %dma_wait3A_678 = arith.constant 0 : i32
      %dma_wait3A_679 = tpu.memref_slice %arg2[%dma_wait3A_677, %dma_wait3A_678] : memref<10112x128xf32, #tpu.memory_space<hbm>> -> memref<10112x128xf32, #tpu.memory_space<hbm>>
      %dma_wait3A_680 = tpu.memref_slice %arg11[%dma_wait3A_669] : memref<2x!tpu.dma_semaphore, #tpu.memory_space<semaphore_mem>> -> memref<1x!tpu.dma_semaphore, #tpu.memory_space<semaphore_mem>>
      %dma_wait3A_681 = tpu.memref_squeeze %dma_wait3A_680 : memref<1x!tpu.dma_semaphore, #tpu.memory_space<semaphore_mem>> -> memref<!tpu.dma_semaphore, #tpu.memory_space<semaphore_mem>>
      tpu.wait_indirect_dma semaphore(%dma_wait3A_681 : memref<!tpu.dma_semaphore, #tpu.memory_space<semaphore_mem>>) src(%dma_wait3A_679 : memref<10112x128xf32, #tpu.memory_space<hbm>>) dst(%dma_wait3A_673 : memref<128x128xf32, #tpu.memory_space<vmem>>)
      %dma_start3A_682 = arith.constant 1 : i32
      %dma_start3A_683 = arith.constant 7 : i32
      %dma_start3A_684 = arith.constant 1 : i32
      %dma_start3A_685 = arith.constant 0 : i32
      %dma_start3A_686 = arith.constant 0 : i32
      %dma_start3A_687 = tpu.memref_slice %arg9[%dma_start3A_682, %dma_start3A_685, %dma_start3A_686] : memref<2x128x128xf32, #tpu.memory_space<vmem>> -> memref<1x128x128xf32, #tpu.memory_space<vmem>>
      %dma_start3A_688 = tpu.memref_squeeze %dma_start3A_687 : memref<1x128x128xf32, #tpu.memory_space<vmem>> -> memref<128x128xf32, #tpu.memory_space<vmem>>
      %dma_start3A_689 = arith.constant 0 : i32
      %dma_start3A_690 = tpu.memref_slice %arg8[%dma_start3A_683, %dma_start3A_689] : memref<8x128xi32, #tpu.memory_space<vmem>> -> memref<1x128xi32, #tpu.memory_space<vmem>>
      %dma_start3A_691 = tpu.memref_squeeze %dma_start3A_690 : memref<1x128xi32, #tpu.memory_space<vmem>> -> memref<128xi32, #tpu.memory_space<vmem>>
      %dma_start3A_692 = arith.constant 0 : i32
      %dma_start3A_693 = arith.constant 0 : i32
      %dma_start3A_694 = tpu.memref_slice %arg10[%dma_start3A_692, %dma_start3A_693] : memref<10112x128xf32, #tpu.memory_space<vmem_shared>> -> memref<10112x128xf32, #tpu.memory_space<vmem_shared>>
      %dma_start3A_695 = tpu.memref_slice %arg12[%dma_start3A_684] : memref<2x!tpu.dma_semaphore, #tpu.memory_space<semaphore_mem>> -> memref<1x!tpu.dma_semaphore, #tpu.memory_space<semaphore_mem>>
      %dma_start3A_696 = tpu.memref_squeeze %dma_start3A_695 : memref<1x!tpu.dma_semaphore, #tpu.memory_space<semaphore_mem>> -> memref<!tpu.dma_semaphore, #tpu.memory_space<semaphore_mem>>
      tpu.enqueue_indirect_dma source(%dma_start3A_688 : memref<128x128xf32, #tpu.memory_space<vmem>>) target(%dma_start3A_694 : memref<10112x128xf32, #tpu.memory_space<vmem_shared>>) offsets(%dma_start3A_691 : memref<128xi32, #tpu.memory_space<vmem>>) semaphore(%dma_start3A_696 : memref<!tpu.dma_semaphore, #tpu.memory_space<semaphore_mem>>) {add = true}
      %dma_wait3A_697 = arith.constant 0 : i32
      %dma_wait3A_698 = arith.constant 6 : i32
      %dma_wait3A_699 = arith.constant 0 : i32
      %dma_wait3A_700 = arith.constant 0 : i32
      %dma_wait3A_701 = arith.constant 0 : i32
      %dma_wait3A_702 = tpu.memref_slice %arg9[%dma_wait3A_697, %dma_wait3A_700, %dma_wait3A_701] : memref<2x128x128xf32, #tpu.memory_space<vmem>> -> memref<1x128x128xf32, #tpu.memory_space<vmem>>
      %dma_wait3A_703 = tpu.memref_squeeze %dma_wait3A_702 : memref<1x128x128xf32, #tpu.memory_space<vmem>> -> memref<128x128xf32, #tpu.memory_space<vmem>>
      %dma_wait3A_704 = arith.constant 0 : i32
      %dma_wait3A_705 = tpu.memref_slice %arg8[%dma_wait3A_698, %dma_wait3A_704] : memref<8x128xi32, #tpu.memory_space<vmem>> -> memref<1x128xi32, #tpu.memory_space<vmem>>
      %dma_wait3A_706 = tpu.memref_squeeze %dma_wait3A_705 : memref<1x128xi32, #tpu.memory_space<vmem>> -> memref<128xi32, #tpu.memory_space<vmem>>
      %dma_wait3A_707 = arith.constant 0 : i32
      %dma_wait3A_708 = arith.constant 0 : i32
      %dma_wait3A_709 = tpu.memref_slice %arg10[%dma_wait3A_707, %dma_wait3A_708] : memref<10112x128xf32, #tpu.memory_space<vmem_shared>> -> memref<10112x128xf32, #tpu.memory_space<vmem_shared>>
      %dma_wait3A_710 = tpu.memref_slice %arg12[%dma_wait3A_699] : memref<2x!tpu.dma_semaphore, #tpu.memory_space<semaphore_mem>> -> memref<1x!tpu.dma_semaphore, #tpu.memory_space<semaphore_mem>>
      %dma_wait3A_711 = tpu.memref_squeeze %dma_wait3A_710 : memref<1x!tpu.dma_semaphore, #tpu.memory_space<semaphore_mem>> -> memref<!tpu.dma_semaphore, #tpu.memory_space<semaphore_mem>>
      tpu.wait_indirect_dma semaphore(%dma_wait3A_711 : memref<!tpu.dma_semaphore, #tpu.memory_space<semaphore_mem>>) src(%dma_wait3A_703 : memref<128x128xf32, #tpu.memory_space<vmem>>) dst(%dma_wait3A_709 : memref<10112x128xf32, #tpu.memory_space<vmem_shared>>)
      %dma_wait3A_712 = arith.constant 1 : i32
      %dma_wait3A_713 = arith.constant 7 : i32
      %dma_wait3A_714 = arith.constant 1 : i32
      %dma_wait3A_715 = arith.constant 0 : i32
      %dma_wait3A_716 = arith.constant 0 : i32
      %dma_wait3A_717 = tpu.memref_slice %arg9[%dma_wait3A_712, %dma_wait3A_715, %dma_wait3A_716] : memref<2x128x128xf32, #tpu.memory_space<vmem>> -> memref<1x128x128xf32, #tpu.memory_space<vmem>>
      %dma_wait3A_718 = tpu.memref_squeeze %dma_wait3A_717 : memref<1x128x128xf32, #tpu.memory_space<vmem>> -> memref<128x128xf32, #tpu.memory_space<vmem>>
      %dma_wait3A_719 = arith.constant 0 : i32
      %dma_wait3A_720 = tpu.memref_slice %arg8[%dma_wait3A_713, %dma_wait3A_719] : memref<8x128xi32, #tpu.memory_space<vmem>> -> memref<1x128xi32, #tpu.memory_space<vmem>>
      %dma_wait3A_721 = tpu.memref_squeeze %dma_wait3A_720 : memref<1x128xi32, #tpu.memory_space<vmem>> -> memref<128xi32, #tpu.memory_space<vmem>>
      %dma_wait3A_722 = arith.constant 0 : i32
      %dma_wait3A_723 = arith.constant 0 : i32
      %dma_wait3A_724 = tpu.memref_slice %arg10[%dma_wait3A_722, %dma_wait3A_723] : memref<10112x128xf32, #tpu.memory_space<vmem_shared>> -> memref<10112x128xf32, #tpu.memory_space<vmem_shared>>
      %dma_wait3A_725 = tpu.memref_slice %arg12[%dma_wait3A_714] : memref<2x!tpu.dma_semaphore, #tpu.memory_space<semaphore_mem>> -> memref<1x!tpu.dma_semaphore, #tpu.memory_space<semaphore_mem>>
      %dma_wait3A_726 = tpu.memref_squeeze %dma_wait3A_725 : memref<1x!tpu.dma_semaphore, #tpu.memory_space<semaphore_mem>> -> memref<!tpu.dma_semaphore, #tpu.memory_space<semaphore_mem>>
      tpu.wait_indirect_dma semaphore(%dma_wait3A_726 : memref<!tpu.dma_semaphore, #tpu.memory_space<semaphore_mem>>) src(%dma_wait3A_718 : memref<128x128xf32, #tpu.memory_space<vmem>>) dst(%dma_wait3A_724 : memref<10112x128xf32, #tpu.memory_space<vmem_shared>>)
    }
    %scan3A_174 = arith.constant 10 : i32
    %barrier3A_175 = arith.constant 0 : index
    tpu.barrier barrier_id(%barrier3A_175)
    %add3A_176 = arith.constant 0 : i32
    %add3A_177 = arith.addi %mul3A_2, %add3A_176 : i32
    %run_scoped3A_178 = arith.constant 0 : i32
    "tpu.region"() ({
      %run_scoped3A_206 = tpu.sem_alloc : memref<!tpu.dma_semaphore, #tpu.memory_space<semaphore_mem>>
      %dma_start3A_207 = arith.constant 0 : i32
      %dma_start3A_208 = arith.constant 0 : i32
      %dma_start3A_209 = tpu.memref_slice %arg9[%run_scoped3A_178, %dma_start3A_207, %dma_start3A_208] : memref<2x128x128xf32, #tpu.memory_space<vmem>> -> memref<1x128x128xf32, #tpu.memory_space<vmem>>
      %dma_start3A_210 = tpu.memref_squeeze %dma_start3A_209 : memref<1x128x128xf32, #tpu.memory_space<vmem>> -> memref<128x128xf32, #tpu.memory_space<vmem>>
      %dma_start3A_211 = arith.constant 0 : i32
      %dma_start3A_212 = tpu.memref_slice %arg10[%add3A_177, %dma_start3A_211] : memref<10112x128xf32, #tpu.memory_space<vmem_shared>> -> memref<128x128xf32, #tpu.memory_space<vmem_shared>>
      %dma_start3A_213 = arith.constant 0 : i32
      %dma_start3A_214 = arith.constant 0 : i32
      %dma_start3A_215 = tpu.memref_slice %arg9[%run_scoped3A_178, %dma_start3A_213, %dma_start3A_214] : memref<2x128x128xf32, #tpu.memory_space<vmem>> -> memref<1x128x128xf32, #tpu.memory_space<vmem>>
      %dma_start3A_216 = tpu.memref_squeeze %dma_start3A_215 : memref<1x128x128xf32, #tpu.memory_space<vmem>> -> memref<128x128xf32, #tpu.memory_space<vmem>>
      %dma_start3A_217 = arith.constant 0 : i32
      %dma_start3A_218 = tpu.memref_slice %arg10[%add3A_177, %dma_start3A_217] : memref<10112x128xf32, #tpu.memory_space<vmem_shared>> -> memref<128x128xf32, #tpu.memory_space<vmem_shared>>
      tpu.enqueue_dma source(%dma_start3A_218 : memref<128x128xf32, #tpu.memory_space<vmem_shared>>) target(%dma_start3A_216 : memref<128x128xf32, #tpu.memory_space<vmem>>) target_semaphore(%run_scoped3A_206 : memref<!tpu.dma_semaphore, #tpu.memory_space<semaphore_mem>>)
      %dma_wait3A_219 = arith.constant 0 : i32
      %dma_wait3A_220 = arith.constant 0 : i32
      %dma_wait3A_221 = tpu.memref_slice %arg9[%run_scoped3A_178, %dma_wait3A_219, %dma_wait3A_220] : memref<2x128x128xf32, #tpu.memory_space<vmem>> -> memref<1x128x128xf32, #tpu.memory_space<vmem>>
      %dma_wait3A_222 = tpu.memref_squeeze %dma_wait3A_221 : memref<1x128x128xf32, #tpu.memory_space<vmem>> -> memref<128x128xf32, #tpu.memory_space<vmem>>
      %dma_wait3A_223 = arith.constant 0 : i32
      %dma_wait3A_224 = tpu.memref_slice %arg10[%add3A_177, %dma_wait3A_223] : memref<10112x128xf32, #tpu.memory_space<vmem_shared>> -> memref<128x128xf32, #tpu.memory_space<vmem_shared>>
      %dma_wait3A_225 = arith.constant 0 : i32
      %dma_wait3A_226 = arith.constant 0 : i32
      %dma_wait3A_227 = tpu.memref_slice %arg9[%run_scoped3A_178, %dma_wait3A_225, %dma_wait3A_226] : memref<2x128x128xf32, #tpu.memory_space<vmem>> -> memref<1x128x128xf32, #tpu.memory_space<vmem>>
      %dma_wait3A_228 = tpu.memref_squeeze %dma_wait3A_227 : memref<1x128x128xf32, #tpu.memory_space<vmem>> -> memref<128x128xf32, #tpu.memory_space<vmem>>
      %dma_wait3A_229 = arith.constant 0 : i32
      %dma_wait3A_230 = tpu.memref_slice %arg10[%add3A_177, %dma_wait3A_229] : memref<10112x128xf32, #tpu.memory_space<vmem_shared>> -> memref<128x128xf32, #tpu.memory_space<vmem_shared>>
      tpu.wait_dma2 semaphore(%run_scoped3A_206 : memref<!tpu.dma_semaphore, #tpu.memory_space<semaphore_mem>>) src(%dma_wait3A_230 : memref<128x128xf32, #tpu.memory_space<vmem_shared>>) dst(%dma_wait3A_228 : memref<128x128xf32, #tpu.memory_space<vmem>>)
      tpu.yield
    }) : () -> ()
    %add3A_179 = arith.constant 0 : i32
    %add3A_180 = arith.addi %mul3A_2, %add3A_179 : i32
    %run_scoped3A_181 = arith.constant 0 : i32
    "tpu.region"() ({
      %run_scoped3A_206 = tpu.sem_alloc : memref<!tpu.dma_semaphore, #tpu.memory_space<semaphore_mem>>
      %dma_start3A_207 = arith.constant 0 : i32
      %dma_start3A_208 = arith.constant 0 : i32
      %dma_start3A_209 = tpu.memref_slice %arg9[%run_scoped3A_181, %dma_start3A_207, %dma_start3A_208] : memref<2x128x128xf32, #tpu.memory_space<vmem>> -> memref<1x128x128xf32, #tpu.memory_space<vmem>>
      %dma_start3A_210 = tpu.memref_squeeze %dma_start3A_209 : memref<1x128x128xf32, #tpu.memory_space<vmem>> -> memref<128x128xf32, #tpu.memory_space<vmem>>
      %dma_start3A_211 = arith.constant 0 : i32
      %dma_start3A_212 = tpu.memref_slice %arg6[%arg0, %add3A_180, %dma_start3A_211] : memref<2x10112x128xf32, #tpu.memory_space<hbm>> -> memref<1x128x128xf32, #tpu.memory_space<hbm>>
      %dma_start3A_213 = tpu.memref_squeeze %dma_start3A_212 : memref<1x128x128xf32, #tpu.memory_space<hbm>> -> memref<128x128xf32, #tpu.memory_space<hbm>>
      %dma_start3A_214 = arith.constant 0 : i32
      %dma_start3A_215 = tpu.memref_slice %arg6[%arg0, %add3A_180, %dma_start3A_214] : memref<2x10112x128xf32, #tpu.memory_space<hbm>> -> memref<1x128x128xf32, #tpu.memory_space<hbm>>
      %dma_start3A_216 = tpu.memref_squeeze %dma_start3A_215 : memref<1x128x128xf32, #tpu.memory_space<hbm>> -> memref<128x128xf32, #tpu.memory_space<hbm>>
      %dma_start3A_217 = arith.constant 0 : i32
      %dma_start3A_218 = arith.constant 0 : i32
      %dma_start3A_219 = tpu.memref_slice %arg9[%run_scoped3A_181, %dma_start3A_217, %dma_start3A_218] : memref<2x128x128xf32, #tpu.memory_space<vmem>> -> memref<1x128x128xf32, #tpu.memory_space<vmem>>
      %dma_start3A_220 = tpu.memref_squeeze %dma_start3A_219 : memref<1x128x128xf32, #tpu.memory_space<vmem>> -> memref<128x128xf32, #tpu.memory_space<vmem>>
      tpu.enqueue_dma source(%dma_start3A_220 : memref<128x128xf32, #tpu.memory_space<vmem>>) target(%dma_start3A_216 : memref<128x128xf32, #tpu.memory_space<hbm>>) target_semaphore(%run_scoped3A_206 : memref<!tpu.dma_semaphore, #tpu.memory_space<semaphore_mem>>)
      %dma_wait3A_221 = arith.constant 0 : i32
      %dma_wait3A_222 = arith.constant 0 : i32
      %dma_wait3A_223 = tpu.memref_slice %arg9[%run_scoped3A_181, %dma_wait3A_221, %dma_wait3A_222] : memref<2x128x128xf32, #tpu.memory_space<vmem>> -> memref<1x128x128xf32, #tpu.memory_space<vmem>>
      %dma_wait3A_224 = tpu.memref_squeeze %dma_wait3A_223 : memref<1x128x128xf32, #tpu.memory_space<vmem>> -> memref<128x128xf32, #tpu.memory_space<vmem>>
      %dma_wait3A_225 = arith.constant 0 : i32
      %dma_wait3A_226 = tpu.memref_slice %arg6[%arg0, %add3A_180, %dma_wait3A_225] : memref<2x10112x128xf32, #tpu.memory_space<hbm>> -> memref<1x128x128xf32, #tpu.memory_space<hbm>>
      %dma_wait3A_227 = tpu.memref_squeeze %dma_wait3A_226 : memref<1x128x128xf32, #tpu.memory_space<hbm>> -> memref<128x128xf32, #tpu.memory_space<hbm>>
      %dma_wait3A_228 = arith.constant 0 : i32
      %dma_wait3A_229 = tpu.memref_slice %arg6[%arg0, %add3A_180, %dma_wait3A_228] : memref<2x10112x128xf32, #tpu.memory_space<hbm>> -> memref<1x128x128xf32, #tpu.memory_space<hbm>>
      %dma_wait3A_230 = tpu.memref_squeeze %dma_wait3A_229 : memref<1x128x128xf32, #tpu.memory_space<hbm>> -> memref<128x128xf32, #tpu.memory_space<hbm>>
      %dma_wait3A_231 = arith.constant 0 : i32
      %dma_wait3A_232 = arith.constant 0 : i32
      %dma_wait3A_233 = tpu.memref_slice %arg9[%run_scoped3A_181, %dma_wait3A_231, %dma_wait3A_232] : memref<2x128x128xf32, #tpu.memory_space<vmem>> -> memref<1x128x128xf32, #tpu.memory_space<vmem>>
      %dma_wait3A_234 = tpu.memref_squeeze %dma_wait3A_233 : memref<1x128x128xf32, #tpu.memory_space<vmem>> -> memref<128x128xf32, #tpu.memory_space<vmem>>
      tpu.wait_dma2 semaphore(%run_scoped3A_206 : memref<!tpu.dma_semaphore, #tpu.memory_space<semaphore_mem>>) src(%dma_wait3A_234 : memref<128x128xf32, #tpu.memory_space<vmem>>) dst(%dma_wait3A_230 : memref<128x128xf32, #tpu.memory_space<hbm>>)
      tpu.yield
    }) : () -> ()
    %add3A_182 = arith.constant 128 : i32
    %add3A_183 = arith.addi %mul3A_2, %add3A_182 : i32
    %run_scoped3A_184 = arith.constant 0 : i32
    "tpu.region"() ({
      %run_scoped3A_206 = tpu.sem_alloc : memref<!tpu.dma_semaphore, #tpu.memory_space<semaphore_mem>>
      %dma_start3A_207 = arith.constant 0 : i32
      %dma_start3A_208 = arith.constant 0 : i32
      %dma_start3A_209 = tpu.memref_slice %arg9[%run_scoped3A_184, %dma_start3A_207, %dma_start3A_208] : memref<2x128x128xf32, #tpu.memory_space<vmem>> -> memref<1x128x128xf32, #tpu.memory_space<vmem>>
      %dma_start3A_210 = tpu.memref_squeeze %dma_start3A_209 : memref<1x128x128xf32, #tpu.memory_space<vmem>> -> memref<128x128xf32, #tpu.memory_space<vmem>>
      %dma_start3A_211 = arith.constant 0 : i32
      %dma_start3A_212 = tpu.memref_slice %arg10[%add3A_183, %dma_start3A_211] : memref<10112x128xf32, #tpu.memory_space<vmem_shared>> -> memref<128x128xf32, #tpu.memory_space<vmem_shared>>
      %dma_start3A_213 = arith.constant 0 : i32
      %dma_start3A_214 = arith.constant 0 : i32
      %dma_start3A_215 = tpu.memref_slice %arg9[%run_scoped3A_184, %dma_start3A_213, %dma_start3A_214] : memref<2x128x128xf32, #tpu.memory_space<vmem>> -> memref<1x128x128xf32, #tpu.memory_space<vmem>>
      %dma_start3A_216 = tpu.memref_squeeze %dma_start3A_215 : memref<1x128x128xf32, #tpu.memory_space<vmem>> -> memref<128x128xf32, #tpu.memory_space<vmem>>
      %dma_start3A_217 = arith.constant 0 : i32
      %dma_start3A_218 = tpu.memref_slice %arg10[%add3A_183, %dma_start3A_217] : memref<10112x128xf32, #tpu.memory_space<vmem_shared>> -> memref<128x128xf32, #tpu.memory_space<vmem_shared>>
      tpu.enqueue_dma source(%dma_start3A_218 : memref<128x128xf32, #tpu.memory_space<vmem_shared>>) target(%dma_start3A_216 : memref<128x128xf32, #tpu.memory_space<vmem>>) target_semaphore(%run_scoped3A_206 : memref<!tpu.dma_semaphore, #tpu.memory_space<semaphore_mem>>)
      %dma_wait3A_219 = arith.constant 0 : i32
      %dma_wait3A_220 = arith.constant 0 : i32
      %dma_wait3A_221 = tpu.memref_slice %arg9[%run_scoped3A_184, %dma_wait3A_219, %dma_wait3A_220] : memref<2x128x128xf32, #tpu.memory_space<vmem>> -> memref<1x128x128xf32, #tpu.memory_space<vmem>>
      %dma_wait3A_222 = tpu.memref_squeeze %dma_wait3A_221 : memref<1x128x128xf32, #tpu.memory_space<vmem>> -> memref<128x128xf32, #tpu.memory_space<vmem>>
      %dma_wait3A_223 = arith.constant 0 : i32
      %dma_wait3A_224 = tpu.memref_slice %arg10[%add3A_183, %dma_wait3A_223] : memref<10112x128xf32, #tpu.memory_space<vmem_shared>> -> memref<128x128xf32, #tpu.memory_space<vmem_shared>>
      %dma_wait3A_225 = arith.constant 0 : i32
      %dma_wait3A_226 = arith.constant 0 : i32
      %dma_wait3A_227 = tpu.memref_slice %arg9[%run_scoped3A_184, %dma_wait3A_225, %dma_wait3A_226] : memref<2x128x128xf32, #tpu.memory_space<vmem>> -> memref<1x128x128xf32, #tpu.memory_space<vmem>>
      %dma_wait3A_228 = tpu.memref_squeeze %dma_wait3A_227 : memref<1x128x128xf32, #tpu.memory_space<vmem>> -> memref<128x128xf32, #tpu.memory_space<vmem>>
      %dma_wait3A_229 = arith.constant 0 : i32
      %dma_wait3A_230 = tpu.memref_slice %arg10[%add3A_183, %dma_wait3A_229] : memref<10112x128xf32, #tpu.memory_space<vmem_shared>> -> memref<128x128xf32, #tpu.memory_space<vmem_shared>>
      tpu.wait_dma2 semaphore(%run_scoped3A_206 : memref<!tpu.dma_semaphore, #tpu.memory_space<semaphore_mem>>) src(%dma_wait3A_230 : memref<128x128xf32, #tpu.memory_space<vmem_shared>>) dst(%dma_wait3A_228 : memref<128x128xf32, #tpu.memory_space<vmem>>)
      tpu.yield
    }) : () -> ()
    %add3A_185 = arith.constant 128 : i32
    %add3A_186 = arith.addi %mul3A_2, %add3A_185 : i32
    %run_scoped3A_187 = arith.constant 0 : i32
    "tpu.region"() ({
      %run_scoped3A_206 = tpu.sem_alloc : memref<!tpu.dma_semaphore, #tpu.memory_space<semaphore_mem>>
      %dma_start3A_207 = arith.constant 0 : i32
      %dma_start3A_208 = arith.constant 0 : i32
      %dma_start3A_209 = tpu.memref_slice %arg9[%run_scoped3A_187, %dma_start3A_207, %dma_start3A_208] : memref<2x128x128xf32, #tpu.memory_space<vmem>> -> memref<1x128x128xf32, #tpu.memory_space<vmem>>
      %dma_start3A_210 = tpu.memref_squeeze %dma_start3A_209 : memref<1x128x128xf32, #tpu.memory_space<vmem>> -> memref<128x128xf32, #tpu.memory_space<vmem>>
      %dma_start3A_211 = arith.constant 0 : i32
      %dma_start3A_212 = tpu.memref_slice %arg6[%arg0, %add3A_186, %dma_start3A_211] : memref<2x10112x128xf32, #tpu.memory_space<hbm>> -> memref<1x128x128xf32, #tpu.memory_space<hbm>>
      %dma_start3A_213 = tpu.memref_squeeze %dma_start3A_212 : memref<1x128x128xf32, #tpu.memory_space<hbm>> -> memref<128x128xf32, #tpu.memory_space<hbm>>
      %dma_start3A_214 = arith.constant 0 : i32
      %dma_start3A_215 = tpu.memref_slice %arg6[%arg0, %add3A_186, %dma_start3A_214] : memref<2x10112x128xf32, #tpu.memory_space<hbm>> -> memref<1x128x128xf32, #tpu.memory_space<hbm>>
      %dma_start3A_216 = tpu.memref_squeeze %dma_start3A_215 : memref<1x128x128xf32, #tpu.memory_space<hbm>> -> memref<128x128xf32, #tpu.memory_space<hbm>>
      %dma_start3A_217 = arith.constant 0 : i32
      %dma_start3A_218 = arith.constant 0 : i32
      %dma_start3A_219 = tpu.memref_slice %arg9[%run_scoped3A_187, %dma_start3A_217, %dma_start3A_218] : memref<2x128x128xf32, #tpu.memory_space<vmem>> -> memref<1x128x128xf32, #tpu.memory_space<vmem>>
      %dma_start3A_220 = tpu.memref_squeeze %dma_start3A_219 : memref<1x128x128xf32, #tpu.memory_space<vmem>> -> memref<128x128xf32, #tpu.memory_space<vmem>>
      tpu.enqueue_dma source(%dma_start3A_220 : memref<128x128xf32, #tpu.memory_space<vmem>>) target(%dma_start3A_216 : memref<128x128xf32, #tpu.memory_space<hbm>>) target_semaphore(%run_scoped3A_206 : memref<!tpu.dma_semaphore, #tpu.memory_space<semaphore_mem>>)
      %dma_wait3A_221 = arith.constant 0 : i32
      %dma_wait3A_222 = arith.constant 0 : i32
      %dma_wait3A_223 = tpu.memref_slice %arg9[%run_scoped3A_187, %dma_wait3A_221, %dma_wait3A_222] : memref<2x128x128xf32, #tpu.memory_space<vmem>> -> memref<1x128x128xf32, #tpu.memory_space<vmem>>
      %dma_wait3A_224 = tpu.memref_squeeze %dma_wait3A_223 : memref<1x128x128xf32, #tpu.memory_space<vmem>> -> memref<128x128xf32, #tpu.memory_space<vmem>>
      %dma_wait3A_225 = arith.constant 0 : i32
      %dma_wait3A_226 = tpu.memref_slice %arg6[%arg0, %add3A_186, %dma_wait3A_225] : memref<2x10112x128xf32, #tpu.memory_space<hbm>> -> memref<1x128x128xf32, #tpu.memory_space<hbm>>
      %dma_wait3A_227 = tpu.memref_squeeze %dma_wait3A_226 : memref<1x128x128xf32, #tpu.memory_space<hbm>> -> memref<128x128xf32, #tpu.memory_space<hbm>>
      %dma_wait3A_228 = arith.constant 0 : i32
      %dma_wait3A_229 = tpu.memref_slice %arg6[%arg0, %add3A_186, %dma_wait3A_228] : memref<2x10112x128xf32, #tpu.memory_space<hbm>> -> memref<1x128x128xf32, #tpu.memory_space<hbm>>
      %dma_wait3A_230 = tpu.memref_squeeze %dma_wait3A_229 : memref<1x128x128xf32, #tpu.memory_space<hbm>> -> memref<128x128xf32, #tpu.memory_space<hbm>>
      %dma_wait3A_231 = arith.constant 0 : i32
      %dma_wait3A_232 = arith.constant 0 : i32
      %dma_wait3A_233 = tpu.memref_slice %arg9[%run_scoped3A_187, %dma_wait3A_231, %dma_wait3A_232] : memref<2x128x128xf32, #tpu.memory_space<vmem>> -> memref<1x128x128xf32, #tpu.memory_space<vmem>>
      %dma_wait3A_234 = tpu.memref_squeeze %dma_wait3A_233 : memref<1x128x128xf32, #tpu.memory_space<vmem>> -> memref<128x128xf32, #tpu.memory_space<vmem>>
      tpu.wait_dma2 semaphore(%run_scoped3A_206 : memref<!tpu.dma_semaphore, #tpu.memory_space<semaphore_mem>>) src(%dma_wait3A_234 : memref<128x128xf32, #tpu.memory_space<vmem>>) dst(%dma_wait3A_230 : memref<128x128xf32, #tpu.memory_space<hbm>>)
      tpu.yield
    }) : () -> ()
    %add3A_188 = arith.constant 256 : i32
    %add3A_189 = arith.addi %mul3A_2, %add3A_188 : i32
    %run_scoped3A_190 = arith.constant 0 : i32
    "tpu.region"() ({
      %run_scoped3A_206 = tpu.sem_alloc : memref<!tpu.dma_semaphore, #tpu.memory_space<semaphore_mem>>
      %dma_start3A_207 = arith.constant 0 : i32
      %dma_start3A_208 = arith.constant 0 : i32
      %dma_start3A_209 = tpu.memref_slice %arg9[%run_scoped3A_190, %dma_start3A_207, %dma_start3A_208] : memref<2x128x128xf32, #tpu.memory_space<vmem>> -> memref<1x128x128xf32, #tpu.memory_space<vmem>>
      %dma_start3A_210 = tpu.memref_squeeze %dma_start3A_209 : memref<1x128x128xf32, #tpu.memory_space<vmem>> -> memref<128x128xf32, #tpu.memory_space<vmem>>
      %dma_start3A_211 = arith.constant 0 : i32
      %dma_start3A_212 = tpu.memref_slice %arg10[%add3A_189, %dma_start3A_211] : memref<10112x128xf32, #tpu.memory_space<vmem_shared>> -> memref<128x128xf32, #tpu.memory_space<vmem_shared>>
      %dma_start3A_213 = arith.constant 0 : i32
      %dma_start3A_214 = arith.constant 0 : i32
      %dma_start3A_215 = tpu.memref_slice %arg9[%run_scoped3A_190, %dma_start3A_213, %dma_start3A_214] : memref<2x128x128xf32, #tpu.memory_space<vmem>> -> memref<1x128x128xf32, #tpu.memory_space<vmem>>
      %dma_start3A_216 = tpu.memref_squeeze %dma_start3A_215 : memref<1x128x128xf32, #tpu.memory_space<vmem>> -> memref<128x128xf32, #tpu.memory_space<vmem>>
      %dma_start3A_217 = arith.constant 0 : i32
      %dma_start3A_218 = tpu.memref_slice %arg10[%add3A_189, %dma_start3A_217] : memref<10112x128xf32, #tpu.memory_space<vmem_shared>> -> memref<128x128xf32, #tpu.memory_space<vmem_shared>>
      tpu.enqueue_dma source(%dma_start3A_218 : memref<128x128xf32, #tpu.memory_space<vmem_shared>>) target(%dma_start3A_216 : memref<128x128xf32, #tpu.memory_space<vmem>>) target_semaphore(%run_scoped3A_206 : memref<!tpu.dma_semaphore, #tpu.memory_space<semaphore_mem>>)
      %dma_wait3A_219 = arith.constant 0 : i32
      %dma_wait3A_220 = arith.constant 0 : i32
      %dma_wait3A_221 = tpu.memref_slice %arg9[%run_scoped3A_190, %dma_wait3A_219, %dma_wait3A_220] : memref<2x128x128xf32, #tpu.memory_space<vmem>> -> memref<1x128x128xf32, #tpu.memory_space<vmem>>
      %dma_wait3A_222 = tpu.memref_squeeze %dma_wait3A_221 : memref<1x128x128xf32, #tpu.memory_space<vmem>> -> memref<128x128xf32, #tpu.memory_space<vmem>>
      %dma_wait3A_223 = arith.constant 0 : i32
      %dma_wait3A_224 = tpu.memref_slice %arg10[%add3A_189, %dma_wait3A_223] : memref<10112x128xf32, #tpu.memory_space<vmem_shared>> -> memref<128x128xf32, #tpu.memory_space<vmem_shared>>
      %dma_wait3A_225 = arith.constant 0 : i32
      %dma_wait3A_226 = arith.constant 0 : i32
      %dma_wait3A_227 = tpu.memref_slice %arg9[%run_scoped3A_190, %dma_wait3A_225, %dma_wait3A_226] : memref<2x128x128xf32, #tpu.memory_space<vmem>> -> memref<1x128x128xf32, #tpu.memory_space<vmem>>
      %dma_wait3A_228 = tpu.memref_squeeze %dma_wait3A_227 : memref<1x128x128xf32, #tpu.memory_space<vmem>> -> memref<128x128xf32, #tpu.memory_space<vmem>>
      %dma_wait3A_229 = arith.constant 0 : i32
      %dma_wait3A_230 = tpu.memref_slice %arg10[%add3A_189, %dma_wait3A_229] : memref<10112x128xf32, #tpu.memory_space<vmem_shared>> -> memref<128x128xf32, #tpu.memory_space<vmem_shared>>
      tpu.wait_dma2 semaphore(%run_scoped3A_206 : memref<!tpu.dma_semaphore, #tpu.memory_space<semaphore_mem>>) src(%dma_wait3A_230 : memref<128x128xf32, #tpu.memory_space<vmem_shared>>) dst(%dma_wait3A_228 : memref<128x128xf32, #tpu.memory_space<vmem>>)
      tpu.yield
    }) : () -> ()
    %add3A_191 = arith.constant 256 : i32
    %add3A_192 = arith.addi %mul3A_2, %add3A_191 : i32
    %run_scoped3A_193 = arith.constant 0 : i32
    "tpu.region"() ({
      %run_scoped3A_206 = tpu.sem_alloc : memref<!tpu.dma_semaphore, #tpu.memory_space<semaphore_mem>>
      %dma_start3A_207 = arith.constant 0 : i32
      %dma_start3A_208 = arith.constant 0 : i32
      %dma_start3A_209 = tpu.memref_slice %arg9[%run_scoped3A_193, %dma_start3A_207, %dma_start3A_208] : memref<2x128x128xf32, #tpu.memory_space<vmem>> -> memref<1x128x128xf32, #tpu.memory_space<vmem>>
      %dma_start3A_210 = tpu.memref_squeeze %dma_start3A_209 : memref<1x128x128xf32, #tpu.memory_space<vmem>> -> memref<128x128xf32, #tpu.memory_space<vmem>>
      %dma_start3A_211 = arith.constant 0 : i32
      %dma_start3A_212 = tpu.memref_slice %arg6[%arg0, %add3A_192, %dma_start3A_211] : memref<2x10112x128xf32, #tpu.memory_space<hbm>> -> memref<1x128x128xf32, #tpu.memory_space<hbm>>
      %dma_start3A_213 = tpu.memref_squeeze %dma_start3A_212 : memref<1x128x128xf32, #tpu.memory_space<hbm>> -> memref<128x128xf32, #tpu.memory_space<hbm>>
      %dma_start3A_214 = arith.constant 0 : i32
      %dma_start3A_215 = tpu.memref_slice %arg6[%arg0, %add3A_192, %dma_start3A_214] : memref<2x10112x128xf32, #tpu.memory_space<hbm>> -> memref<1x128x128xf32, #tpu.memory_space<hbm>>
      %dma_start3A_216 = tpu.memref_squeeze %dma_start3A_215 : memref<1x128x128xf32, #tpu.memory_space<hbm>> -> memref<128x128xf32, #tpu.memory_space<hbm>>
      %dma_start3A_217 = arith.constant 0 : i32
      %dma_start3A_218 = arith.constant 0 : i32
      %dma_start3A_219 = tpu.memref_slice %arg9[%run_scoped3A_193, %dma_start3A_217, %dma_start3A_218] : memref<2x128x128xf32, #tpu.memory_space<vmem>> -> memref<1x128x128xf32, #tpu.memory_space<vmem>>
      %dma_start3A_220 = tpu.memref_squeeze %dma_start3A_219 : memref<1x128x128xf32, #tpu.memory_space<vmem>> -> memref<128x128xf32, #tpu.memory_space<vmem>>
      tpu.enqueue_dma source(%dma_start3A_220 : memref<128x128xf32, #tpu.memory_space<vmem>>) target(%dma_start3A_216 : memref<128x128xf32, #tpu.memory_space<hbm>>) target_semaphore(%run_scoped3A_206 : memref<!tpu.dma_semaphore, #tpu.memory_space<semaphore_mem>>)
      %dma_wait3A_221 = arith.constant 0 : i32
      %dma_wait3A_222 = arith.constant 0 : i32
      %dma_wait3A_223 = tpu.memref_slice %arg9[%run_scoped3A_193, %dma_wait3A_221, %dma_wait3A_222] : memref<2x128x128xf32, #tpu.memory_space<vmem>> -> memref<1x128x128xf32, #tpu.memory_space<vmem>>
      %dma_wait3A_224 = tpu.memref_squeeze %dma_wait3A_223 : memref<1x128x128xf32, #tpu.memory_space<vmem>> -> memref<128x128xf32, #tpu.memory_space<vmem>>
      %dma_wait3A_225 = arith.constant 0 : i32
      %dma_wait3A_226 = tpu.memref_slice %arg6[%arg0, %add3A_192, %dma_wait3A_225] : memref<2x10112x128xf32, #tpu.memory_space<hbm>> -> memref<1x128x128xf32, #tpu.memory_space<hbm>>
      %dma_wait3A_227 = tpu.memref_squeeze %dma_wait3A_226 : memref<1x128x128xf32, #tpu.memory_space<hbm>> -> memref<128x128xf32, #tpu.memory_space<hbm>>
      %dma_wait3A_228 = arith.constant 0 : i32
      %dma_wait3A_229 = tpu.memref_slice %arg6[%arg0, %add3A_192, %dma_wait3A_228] : memref<2x10112x128xf32, #tpu.memory_space<hbm>> -> memref<1x128x128xf32, #tpu.memory_space<hbm>>
      %dma_wait3A_230 = tpu.memref_squeeze %dma_wait3A_229 : memref<1x128x128xf32, #tpu.memory_space<hbm>> -> memref<128x128xf32, #tpu.memory_space<hbm>>
      %dma_wait3A_231 = arith.constant 0 : i32
      %dma_wait3A_232 = arith.constant 0 : i32
      %dma_wait3A_233 = tpu.memref_slice %arg9[%run_scoped3A_193, %dma_wait3A_231, %dma_wait3A_232] : memref<2x128x128xf32, #tpu.memory_space<vmem>> -> memref<1x128x128xf32, #tpu.memory_space<vmem>>
      %dma_wait3A_234 = tpu.memref_squeeze %dma_wait3A_233 : memref<1x128x128xf32, #tpu.memory_space<vmem>> -> memref<128x128xf32, #tpu.memory_space<vmem>>
      tpu.wait_dma2 semaphore(%run_scoped3A_206 : memref<!tpu.dma_semaphore, #tpu.memory_space<semaphore_mem>>) src(%dma_wait3A_234 : memref<128x128xf32, #tpu.memory_space<vmem>>) dst(%dma_wait3A_230 : memref<128x128xf32, #tpu.memory_space<hbm>>)
      tpu.yield
    }) : () -> ()
    %add3A_194 = arith.constant 384 : i32
    %add3A_195 = arith.addi %mul3A_2, %add3A_194 : i32
    %run_scoped3A_196 = arith.constant 0 : i32
    "tpu.region"() ({
      %run_scoped3A_206 = tpu.sem_alloc : memref<!tpu.dma_semaphore, #tpu.memory_space<semaphore_mem>>
      %dma_start3A_207 = arith.constant 0 : i32
      %dma_start3A_208 = arith.constant 0 : i32
      %dma_start3A_209 = tpu.memref_slice %arg9[%run_scoped3A_196, %dma_start3A_207, %dma_start3A_208] : memref<2x128x128xf32, #tpu.memory_space<vmem>> -> memref<1x128x128xf32, #tpu.memory_space<vmem>>
      %dma_start3A_210 = tpu.memref_squeeze %dma_start3A_209 : memref<1x128x128xf32, #tpu.memory_space<vmem>> -> memref<128x128xf32, #tpu.memory_space<vmem>>
      %dma_start3A_211 = arith.constant 0 : i32
      %dma_start3A_212 = tpu.memref_slice %arg10[%add3A_195, %dma_start3A_211] : memref<10112x128xf32, #tpu.memory_space<vmem_shared>> -> memref<128x128xf32, #tpu.memory_space<vmem_shared>>
      %dma_start3A_213 = arith.constant 0 : i32
      %dma_start3A_214 = arith.constant 0 : i32
      %dma_start3A_215 = tpu.memref_slice %arg9[%run_scoped3A_196, %dma_start3A_213, %dma_start3A_214] : memref<2x128x128xf32, #tpu.memory_space<vmem>> -> memref<1x128x128xf32, #tpu.memory_space<vmem>>
      %dma_start3A_216 = tpu.memref_squeeze %dma_start3A_215 : memref<1x128x128xf32, #tpu.memory_space<vmem>> -> memref<128x128xf32, #tpu.memory_space<vmem>>
      %dma_start3A_217 = arith.constant 0 : i32
      %dma_start3A_218 = tpu.memref_slice %arg10[%add3A_195, %dma_start3A_217] : memref<10112x128xf32, #tpu.memory_space<vmem_shared>> -> memref<128x128xf32, #tpu.memory_space<vmem_shared>>
      tpu.enqueue_dma source(%dma_start3A_218 : memref<128x128xf32, #tpu.memory_space<vmem_shared>>) target(%dma_start3A_216 : memref<128x128xf32, #tpu.memory_space<vmem>>) target_semaphore(%run_scoped3A_206 : memref<!tpu.dma_semaphore, #tpu.memory_space<semaphore_mem>>)
      %dma_wait3A_219 = arith.constant 0 : i32
      %dma_wait3A_220 = arith.constant 0 : i32
      %dma_wait3A_221 = tpu.memref_slice %arg9[%run_scoped3A_196, %dma_wait3A_219, %dma_wait3A_220] : memref<2x128x128xf32, #tpu.memory_space<vmem>> -> memref<1x128x128xf32, #tpu.memory_space<vmem>>
      %dma_wait3A_222 = tpu.memref_squeeze %dma_wait3A_221 : memref<1x128x128xf32, #tpu.memory_space<vmem>> -> memref<128x128xf32, #tpu.memory_space<vmem>>
      %dma_wait3A_223 = arith.constant 0 : i32
      %dma_wait3A_224 = tpu.memref_slice %arg10[%add3A_195, %dma_wait3A_223] : memref<10112x128xf32, #tpu.memory_space<vmem_shared>> -> memref<128x128xf32, #tpu.memory_space<vmem_shared>>
      %dma_wait3A_225 = arith.constant 0 : i32
      %dma_wait3A_226 = arith.constant 0 : i32
      %dma_wait3A_227 = tpu.memref_slice %arg9[%run_scoped3A_196, %dma_wait3A_225, %dma_wait3A_226] : memref<2x128x128xf32, #tpu.memory_space<vmem>> -> memref<1x128x128xf32, #tpu.memory_space<vmem>>
      %dma_wait3A_228 = tpu.memref_squeeze %dma_wait3A_227 : memref<1x128x128xf32, #tpu.memory_space<vmem>> -> memref<128x128xf32, #tpu.memory_space<vmem>>
      %dma_wait3A_229 = arith.constant 0 : i32
      %dma_wait3A_230 = tpu.memref_slice %arg10[%add3A_195, %dma_wait3A_229] : memref<10112x128xf32, #tpu.memory_space<vmem_shared>> -> memref<128x128xf32, #tpu.memory_space<vmem_shared>>
      tpu.wait_dma2 semaphore(%run_scoped3A_206 : memref<!tpu.dma_semaphore, #tpu.memory_space<semaphore_mem>>) src(%dma_wait3A_230 : memref<128x128xf32, #tpu.memory_space<vmem_shared>>) dst(%dma_wait3A_228 : memref<128x128xf32, #tpu.memory_space<vmem>>)
      tpu.yield
    }) : () -> ()
    %add3A_197 = arith.constant 384 : i32
    %add3A_198 = arith.addi %mul3A_2, %add3A_197 : i32
    %run_scoped3A_199 = arith.constant 0 : i32
    "tpu.region"() ({
      %run_scoped3A_206 = tpu.sem_alloc : memref<!tpu.dma_semaphore, #tpu.memory_space<semaphore_mem>>
      %dma_start3A_207 = arith.constant 0 : i32
      %dma_start3A_208 = arith.constant 0 : i32
      %dma_start3A_209 = tpu.memref_slice %arg9[%run_scoped3A_199, %dma_start3A_207, %dma_start3A_208] : memref<2x128x128xf32, #tpu.memory_space<vmem>> -> memref<1x128x128xf32, #tpu.memory_space<vmem>>
      %dma_start3A_210 = tpu.memref_squeeze %dma_start3A_209 : memref<1x128x128xf32, #tpu.memory_space<vmem>> -> memref<128x128xf32, #tpu.memory_space<vmem>>
      %dma_start3A_211 = arith.constant 0 : i32
      %dma_start3A_212 = tpu.memref_slice %arg6[%arg0, %add3A_198, %dma_start3A_211] : memref<2x10112x128xf32, #tpu.memory_space<hbm>> -> memref<1x128x128xf32, #tpu.memory_space<hbm>>
      %dma_start3A_213 = tpu.memref_squeeze %dma_start3A_212 : memref<1x128x128xf32, #tpu.memory_space<hbm>> -> memref<128x128xf32, #tpu.memory_space<hbm>>
      %dma_start3A_214 = arith.constant 0 : i32
      %dma_start3A_215 = tpu.memref_slice %arg6[%arg0, %add3A_198, %dma_start3A_214] : memref<2x10112x128xf32, #tpu.memory_space<hbm>> -> memref<1x128x128xf32, #tpu.memory_space<hbm>>
      %dma_start3A_216 = tpu.memref_squeeze %dma_start3A_215 : memref<1x128x128xf32, #tpu.memory_space<hbm>> -> memref<128x128xf32, #tpu.memory_space<hbm>>
      %dma_start3A_217 = arith.constant 0 : i32
      %dma_start3A_218 = arith.constant 0 : i32
      %dma_start3A_219 = tpu.memref_slice %arg9[%run_scoped3A_199, %dma_start3A_217, %dma_start3A_218] : memref<2x128x128xf32, #tpu.memory_space<vmem>> -> memref<1x128x128xf32, #tpu.memory_space<vmem>>
      %dma_start3A_220 = tpu.memref_squeeze %dma_start3A_219 : memref<1x128x128xf32, #tpu.memory_space<vmem>> -> memref<128x128xf32, #tpu.memory_space<vmem>>
      tpu.enqueue_dma source(%dma_start3A_220 : memref<128x128xf32, #tpu.memory_space<vmem>>) target(%dma_start3A_216 : memref<128x128xf32, #tpu.memory_space<hbm>>) target_semaphore(%run_scoped3A_206 : memref<!tpu.dma_semaphore, #tpu.memory_space<semaphore_mem>>)
      %dma_wait3A_221 = arith.constant 0 : i32
      %dma_wait3A_222 = arith.constant 0 : i32
      %dma_wait3A_223 = tpu.memref_slice %arg9[%run_scoped3A_199, %dma_wait3A_221, %dma_wait3A_222] : memref<2x128x128xf32, #tpu.memory_space<vmem>> -> memref<1x128x128xf32, #tpu.memory_space<vmem>>
      %dma_wait3A_224 = tpu.memref_squeeze %dma_wait3A_223 : memref<1x128x128xf32, #tpu.memory_space<vmem>> -> memref<128x128xf32, #tpu.memory_space<vmem>>
      %dma_wait3A_225 = arith.constant 0 : i32
      %dma_wait3A_226 = tpu.memref_slice %arg6[%arg0, %add3A_198, %dma_wait3A_225] : memref<2x10112x128xf32, #tpu.memory_space<hbm>> -> memref<1x128x128xf32, #tpu.memory_space<hbm>>
      %dma_wait3A_227 = tpu.memref_squeeze %dma_wait3A_226 : memref<1x128x128xf32, #tpu.memory_space<hbm>> -> memref<128x128xf32, #tpu.memory_space<hbm>>
      %dma_wait3A_228 = arith.constant 0 : i32
      %dma_wait3A_229 = tpu.memref_slice %arg6[%arg0, %add3A_198, %dma_wait3A_228] : memref<2x10112x128xf32, #tpu.memory_space<hbm>> -> memref<1x128x128xf32, #tpu.memory_space<hbm>>
      %dma_wait3A_230 = tpu.memref_squeeze %dma_wait3A_229 : memref<1x128x128xf32, #tpu.memory_space<hbm>> -> memref<128x128xf32, #tpu.memory_space<hbm>>
      %dma_wait3A_231 = arith.constant 0 : i32
      %dma_wait3A_232 = arith.constant 0 : i32
      %dma_wait3A_233 = tpu.memref_slice %arg9[%run_scoped3A_199, %dma_wait3A_231, %dma_wait3A_232] : memref<2x128x128xf32, #tpu.memory_space<vmem>> -> memref<1x128x128xf32, #tpu.memory_space<vmem>>
      %dma_wait3A_234 = tpu.memref_squeeze %dma_wait3A_233 : memref<1x128x128xf32, #tpu.memory_space<vmem>> -> memref<128x128xf32, #tpu.memory_space<vmem>>
      tpu.wait_dma2 semaphore(%run_scoped3A_206 : memref<!tpu.dma_semaphore, #tpu.memory_space<semaphore_mem>>) src(%dma_wait3A_234 : memref<128x128xf32, #tpu.memory_space<vmem>>) dst(%dma_wait3A_230 : memref<128x128xf32, #tpu.memory_space<hbm>>)
      tpu.yield
    }) : () -> ()
    %add3A_200 = arith.constant 512 : i32
    %add3A_201 = arith.addi %mul3A_2, %add3A_200 : i32
    %run_scoped3A_202 = arith.constant 0 : i32
    "tpu.region"() ({
      %run_scoped3A_206 = tpu.sem_alloc : memref<!tpu.dma_semaphore, #tpu.memory_space<semaphore_mem>>
      %dma_start3A_207 = arith.constant 0 : i32
      %dma_start3A_208 = arith.constant 0 : i32
      %dma_start3A_209 = tpu.memref_slice %arg9[%run_scoped3A_202, %dma_start3A_207, %dma_start3A_208] : memref<2x128x128xf32, #tpu.memory_space<vmem>> -> memref<1x120x128xf32, #tpu.memory_space<vmem>>
      %dma_start3A_210 = tpu.memref_squeeze %dma_start3A_209 : memref<1x120x128xf32, #tpu.memory_space<vmem>> -> memref<120x128xf32, #tpu.memory_space<vmem>>
      %dma_start3A_211 = arith.constant 0 : i32
      %dma_start3A_212 = tpu.memref_slice %arg10[%add3A_201, %dma_start3A_211] : memref<10112x128xf32, #tpu.memory_space<vmem_shared>> -> memref<120x128xf32, #tpu.memory_space<vmem_shared>>
      %dma_start3A_213 = arith.constant 0 : i32
      %dma_start3A_214 = arith.constant 0 : i32
      %dma_start3A_215 = tpu.memref_slice %arg9[%run_scoped3A_202, %dma_start3A_213, %dma_start3A_214] : memref<2x128x128xf32, #tpu.memory_space<vmem>> -> memref<1x120x128xf32, #tpu.memory_space<vmem>>
      %dma_start3A_216 = tpu.memref_squeeze %dma_start3A_215 : memref<1x120x128xf32, #tpu.memory_space<vmem>> -> memref<120x128xf32, #tpu.memory_space<vmem>>
      %dma_start3A_217 = arith.constant 0 : i32
      %dma_start3A_218 = tpu.memref_slice %arg10[%add3A_201, %dma_start3A_217] : memref<10112x128xf32, #tpu.memory_space<vmem_shared>> -> memref<120x128xf32, #tpu.memory_space<vmem_shared>>
      tpu.enqueue_dma source(%dma_start3A_218 : memref<120x128xf32, #tpu.memory_space<vmem_shared>>) target(%dma_start3A_216 : memref<120x128xf32, #tpu.memory_space<vmem>>) target_semaphore(%run_scoped3A_206 : memref<!tpu.dma_semaphore, #tpu.memory_space<semaphore_mem>>)
      %dma_wait3A_219 = arith.constant 0 : i32
      %dma_wait3A_220 = arith.constant 0 : i32
      %dma_wait3A_221 = tpu.memref_slice %arg9[%run_scoped3A_202, %dma_wait3A_219, %dma_wait3A_220] : memref<2x128x128xf32, #tpu.memory_space<vmem>> -> memref<1x120x128xf32, #tpu.memory_space<vmem>>
      %dma_wait3A_222 = tpu.memref_squeeze %dma_wait3A_221 : memref<1x120x128xf32, #tpu.memory_space<vmem>> -> memref<120x128xf32, #tpu.memory_space<vmem>>
      %dma_wait3A_223 = arith.constant 0 : i32
      %dma_wait3A_224 = tpu.memref_slice %arg10[%add3A_201, %dma_wait3A_223] : memref<10112x128xf32, #tpu.memory_space<vmem_shared>> -> memref<120x128xf32, #tpu.memory_space<vmem_shared>>
      %dma_wait3A_225 = arith.constant 0 : i32
      %dma_wait3A_226 = arith.constant 0 : i32
      %dma_wait3A_227 = tpu.memref_slice %arg9[%run_scoped3A_202, %dma_wait3A_225, %dma_wait3A_226] : memref<2x128x128xf32, #tpu.memory_space<vmem>> -> memref<1x120x128xf32, #tpu.memory_space<vmem>>
      %dma_wait3A_228 = tpu.memref_squeeze %dma_wait3A_227 : memref<1x120x128xf32, #tpu.memory_space<vmem>> -> memref<120x128xf32, #tpu.memory_space<vmem>>
      %dma_wait3A_229 = arith.constant 0 : i32
      %dma_wait3A_230 = tpu.memref_slice %arg10[%add3A_201, %dma_wait3A_229] : memref<10112x128xf32, #tpu.memory_space<vmem_shared>> -> memref<120x128xf32, #tpu.memory_space<vmem_shared>>
      tpu.wait_dma2 semaphore(%run_scoped3A_206 : memref<!tpu.dma_semaphore, #tpu.memory_space<semaphore_mem>>) src(%dma_wait3A_230 : memref<120x128xf32, #tpu.memory_space<vmem_shared>>) dst(%dma_wait3A_228 : memref<120x128xf32, #tpu.memory_space<vmem>>)
      tpu.yield
    }) : () -> ()
    %add3A_203 = arith.constant 512 : i32
    %add3A_204 = arith.addi %mul3A_2, %add3A_203 : i32
    %run_scoped3A_205 = arith.constant 0 : i32
    "tpu.region"() ({
      %run_scoped3A_206 = tpu.sem_alloc : memref<!tpu.dma_semaphore, #tpu.memory_space<semaphore_mem>>
      %dma_start3A_207 = arith.constant 0 : i32
      %dma_start3A_208 = arith.constant 0 : i32
      %dma_start3A_209 = tpu.memref_slice %arg9[%run_scoped3A_205, %dma_start3A_207, %dma_start3A_208] : memref<2x128x128xf32, #tpu.memory_space<vmem>> -> memref<1x120x128xf32, #tpu.memory_space<vmem>>
      %dma_start3A_210 = tpu.memref_squeeze %dma_start3A_209 : memref<1x120x128xf32, #tpu.memory_space<vmem>> -> memref<120x128xf32, #tpu.memory_space<vmem>>
      %dma_start3A_211 = arith.constant 0 : i32
      %dma_start3A_212 = tpu.memref_slice %arg6[%arg0, %add3A_204, %dma_start3A_211] : memref<2x10112x128xf32, #tpu.memory_space<hbm>> -> memref<1x120x128xf32, #tpu.memory_space<hbm>>
      %dma_start3A_213 = tpu.memref_squeeze %dma_start3A_212 : memref<1x120x128xf32, #tpu.memory_space<hbm>> -> memref<120x128xf32, #tpu.memory_space<hbm>>
      %dma_start3A_214 = arith.constant 0 : i32
      %dma_start3A_215 = tpu.memref_slice %arg6[%arg0, %add3A_204, %dma_start3A_214] : memref<2x10112x128xf32, #tpu.memory_space<hbm>> -> memref<1x120x128xf32, #tpu.memory_space<hbm>>
      %dma_start3A_216 = tpu.memref_squeeze %dma_start3A_215 : memref<1x120x128xf32, #tpu.memory_space<hbm>> -> memref<120x128xf32, #tpu.memory_space<hbm>>
      %dma_start3A_217 = arith.constant 0 : i32
      %dma_start3A_218 = arith.constant 0 : i32
      %dma_start3A_219 = tpu.memref_slice %arg9[%run_scoped3A_205, %dma_start3A_217, %dma_start3A_218] : memref<2x128x128xf32, #tpu.memory_space<vmem>> -> memref<1x120x128xf32, #tpu.memory_space<vmem>>
      %dma_start3A_220 = tpu.memref_squeeze %dma_start3A_219 : memref<1x120x128xf32, #tpu.memory_space<vmem>> -> memref<120x128xf32, #tpu.memory_space<vmem>>
      tpu.enqueue_dma source(%dma_start3A_220 : memref<120x128xf32, #tpu.memory_space<vmem>>) target(%dma_start3A_216 : memref<120x128xf32, #tpu.memory_space<hbm>>) target_semaphore(%run_scoped3A_206 : memref<!tpu.dma_semaphore, #tpu.memory_space<semaphore_mem>>)
      %dma_wait3A_221 = arith.constant 0 : i32
      %dma_wait3A_222 = arith.constant 0 : i32
      %dma_wait3A_223 = tpu.memref_slice %arg9[%run_scoped3A_205, %dma_wait3A_221, %dma_wait3A_222] : memref<2x128x128xf32, #tpu.memory_space<vmem>> -> memref<1x120x128xf32, #tpu.memory_space<vmem>>
      %dma_wait3A_224 = tpu.memref_squeeze %dma_wait3A_223 : memref<1x120x128xf32, #tpu.memory_space<vmem>> -> memref<120x128xf32, #tpu.memory_space<vmem>>
      %dma_wait3A_225 = arith.constant 0 : i32
      %dma_wait3A_226 = tpu.memref_slice %arg6[%arg0, %add3A_204, %dma_wait3A_225] : memref<2x10112x128xf32, #tpu.memory_space<hbm>> -> memref<1x120x128xf32, #tpu.memory_space<hbm>>
      %dma_wait3A_227 = tpu.memref_squeeze %dma_wait3A_226 : memref<1x120x128xf32, #tpu.memory_space<hbm>> -> memref<120x128xf32, #tpu.memory_space<hbm>>
      %dma_wait3A_228 = arith.constant 0 : i32
      %dma_wait3A_229 = tpu.memref_slice %arg6[%arg0, %add3A_204, %dma_wait3A_228] : memref<2x10112x128xf32, #tpu.memory_space<hbm>> -> memref<1x120x128xf32, #tpu.memory_space<hbm>>
      %dma_wait3A_230 = tpu.memref_squeeze %dma_wait3A_229 : memref<1x120x128xf32, #tpu.memory_space<hbm>> -> memref<120x128xf32, #tpu.memory_space<hbm>>
      %dma_wait3A_231 = arith.constant 0 : i32
      %dma_wait3A_232 = arith.constant 0 : i32
      %dma_wait3A_233 = tpu.memref_slice %arg9[%run_scoped3A_205, %dma_wait3A_231, %dma_wait3A_232] : memref<2x128x128xf32, #tpu.memory_space<vmem>> -> memref<1x120x128xf32, #tpu.memory_space<vmem>>
      %dma_wait3A_234 = tpu.memref_squeeze %dma_wait3A_233 : memref<1x120x128xf32, #tpu.memory_space<vmem>> -> memref<120x128xf32, #tpu.memory_space<vmem>>
      tpu.wait_dma2 semaphore(%run_scoped3A_206 : memref<!tpu.dma_semaphore, #tpu.memory_space<semaphore_mem>>) src(%dma_wait3A_234 : memref<120x128xf32, #tpu.memory_space<vmem>>) dst(%dma_wait3A_230 : memref<120x128xf32, #tpu.memory_space<hbm>>)
      tpu.yield
    }) : () -> ()
    return
  }
}

module attributes {stable_mosaic.version = 14 : i64} {
  func.func @_norm_body(%arg0: memref<10112xf32, #tpu.memory_space<vmem>>, %arg1: memref<10112xf32, #tpu.memory_space<vmem>>, %arg2: memref<10112xf32, #tpu.memory_space<vmem>>, %arg3: memref<10112xf32, #tpu.memory_space<vmem>>, %arg4: memref<10112xf32, #tpu.memory_space<vmem>>, %arg5: memref<10112xf32, #tpu.memory_space<vmem>>) attributes {dimension_semantics = [], scalar_prefetch = 0 : i64, scratch_operands = 0 : i64, tpu.core_type = #tpu.core_type<tc>} {
    %get3A = arith.constant 0 : index
    %get3A_0 = vector.load %arg0[%get3A] : memref<10112xf32, #tpu.memory_space<vmem>>, vector<10112xf32>
    %get3A_1 = arith.constant 0 : index
    %get3A_2 = vector.load %arg2[%get3A_1] : memref<10112xf32, #tpu.memory_space<vmem>>, vector<10112xf32>
    %add3A = arith.addf %get3A_0, %get3A_2 : vector<10112xf32>
    %max3A = arith.constant 1.000000e+00 : f32
    %max3A_3 = vector.broadcast %max3A : f32 to vector<10112xf32>
    %max3A_4 = arith.maximumf %add3A, %max3A_3 : vector<10112xf32>
    %rsqrt3A = math.rsqrt %max3A_4 : vector<10112xf32>
    %swap3A = arith.constant 0 : index
    %swap3A_5 = vector.load %arg4[%swap3A] : memref<10112xf32, #tpu.memory_space<vmem>>, vector<10112xf32>
    tpu.vector_store %arg4[%swap3A], %rsqrt3A {strides = array<i32>} : memref<10112xf32, #tpu.memory_space<vmem>>, vector<10112xf32>,
    %get3A_6 = arith.constant 0 : index
    %get3A_7 = vector.load %arg1[%get3A_6] : memref<10112xf32, #tpu.memory_space<vmem>>, vector<10112xf32>
    %get3A_8 = arith.constant 0 : index
    %get3A_9 = vector.load %arg3[%get3A_8] : memref<10112xf32, #tpu.memory_space<vmem>>, vector<10112xf32>
    %add3A_10 = arith.addf %get3A_7, %get3A_9 : vector<10112xf32>
    %max3A_11 = arith.constant 1.000000e+00 : f32
    %max3A_12 = vector.broadcast %max3A_11 : f32 to vector<10112xf32>
    %max3A_13 = arith.maximumf %add3A_10, %max3A_12 : vector<10112xf32>
    %rsqrt3A_14 = math.rsqrt %max3A_13 : vector<10112xf32>
    %swap3A_15 = arith.constant 0 : index
    %swap3A_16 = vector.load %arg5[%swap3A_15] : memref<10112xf32, #tpu.memory_space<vmem>>, vector<10112xf32>
    tpu.vector_store %arg5[%swap3A_15], %rsqrt3A_14 {strides = array<i32>} : memref<10112xf32, #tpu.memory_space<vmem>>, vector<10112xf32>,
    return
  }
}

module attributes {stable_mosaic.version = 14 : i64} {
  func.func @_mm1_body(%arg0: memref<10112x128xf32, #tpu.memory_space<vmem>>, %arg1: memref<128x128xf32, #tpu.memory_space<vmem>>, %arg2: memref<10112x1xf32, #tpu.memory_space<vmem>>, %arg3: memref<10112x128xf32, #tpu.memory_space<vmem>>) attributes {dimension_semantics = [], scalar_prefetch = 0 : i64, scratch_operands = 0 : i64, tpu.core_type = #tpu.core_type<tc>} {
    %get3A = arith.constant 0 : index
    %get3A_0 = arith.constant 0 : index
    %get3A_1 = vector.load %arg0[%get3A, %get3A_0] : memref<10112x128xf32, #tpu.memory_space<vmem>>, vector<10112x128xf32>
    %get3A_2 = arith.constant 0 : index
    %get3A_3 = arith.constant 0 : index
    %get3A_4 = vector.load %arg1[%get3A_2, %get3A_3] : memref<128x128xf32, #tpu.memory_space<vmem>>, vector<128x128xf32>
    %dot_general3A = arith.constant dense<0.000000e+00> : vector<10112x128xf32>
    %dot_general3A_5 = tpu.matmul %get3A_1, %get3A_4, %dot_general3A {dimension_numbers = #tpu.dot_dimension_numbers<[1], [0], [0], [1], [0, 0, 1, 1], [], []>, transpose_lhs_hint = false} : vector<10112x128xf32>, vector<128x128xf32>, vector<10112x128xf32> -> vector<10112x128xf32>
    %get3A_6 = arith.constant 0 : index
    %get3A_7 = arith.constant 0 : index
    %get3A_8 = vector.load %arg2[%get3A_6, %get3A_7] : memref<10112x1xf32, #tpu.memory_space<vmem>>, vector<10112x1xf32>
    %mul3A = vector.broadcast %get3A_8 : vector<10112x1xf32> to vector<10112x128xf32>
    %mul3A_9 = arith.mulf %dot_general3A_5, %mul3A : vector<10112x128xf32>
    %swap3A = arith.constant 0 : index
    %swap3A_10 = arith.constant 0 : index
    %swap3A_11 = vector.load %arg3[%swap3A, %swap3A_10] : memref<10112x128xf32, #tpu.memory_space<vmem>>, vector<10112x128xf32>
    tpu.vector_store %arg3[%swap3A, %swap3A_10], %mul3A_9 {strides = array<i32>} : memref<10112x128xf32, #tpu.memory_space<vmem>>, vector<10112x128xf32>,
    return
  }
}

module attributes {stable_mosaic.version = 14 : i64} {
  func.func @_mm2_body(%arg0: memref<2x10112x128xf32, #tpu.memory_space<vmem>>, %arg1: memref<10112x1xf32, #tpu.memory_space<vmem>>, %arg2: memref<1x128xf32, #tpu.memory_space<vmem>>, %arg3: memref<128x128xf32, #tpu.memory_space<vmem>>, %arg4: memref<10112x1xf32, #tpu.memory_space<vmem>>, %arg5: memref<10112x128xf32, #tpu.memory_space<vmem>>) attributes {dimension_semantics = [], scalar_prefetch = 0 : i64, scratch_operands = 0 : i64, tpu.core_type = #tpu.core_type<tc>} {
    %get3A = arith.constant 0 : index
    %get3A_0 = arith.constant 0 : index
    %get3A_1 = arith.constant 0 : index
    %get3A_2 = vector.load %arg0[%get3A, %get3A_0, %get3A_1] : memref<2x10112x128xf32, #tpu.memory_space<vmem>>, vector<1x10112x128xf32>
    %get3A_3 = vector.shape_cast %get3A_2 : vector<1x10112x128xf32> to vector<10112x128xf32>
    %get3A_4 = arith.constant 1 : index
    %get3A_5 = arith.constant 0 : index
    %get3A_6 = arith.constant 0 : index
    %get3A_7 = vector.load %arg0[%get3A_4, %get3A_5, %get3A_6] : memref<2x10112x128xf32, #tpu.memory_space<vmem>>, vector<1x10112x128xf32>
    %get3A_8 = vector.shape_cast %get3A_7 : vector<1x10112x128xf32> to vector<10112x128xf32>
    %add3A = arith.addf %get3A_3, %get3A_8 : vector<10112x128xf32>
    %get3A_9 = arith.constant 0 : index
    %get3A_10 = arith.constant 0 : index
    %get3A_11 = vector.load %arg1[%get3A_9, %get3A_10] : memref<10112x1xf32, #tpu.memory_space<vmem>>, vector<10112x1xf32>
    %mul3A = vector.broadcast %get3A_11 : vector<10112x1xf32> to vector<10112x128xf32>
    %mul3A_12 = arith.mulf %add3A, %mul3A : vector<10112x128xf32>
    %get3A_13 = arith.constant 0 : index
    %get3A_14 = arith.constant 0 : index
    %get3A_15 = vector.load %arg2[%get3A_13, %get3A_14] : memref<1x128xf32, #tpu.memory_space<vmem>>, vector<1x128xf32>
    %add3A_16 = vector.broadcast %get3A_15 : vector<1x128xf32> to vector<10112x128xf32>
    %add3A_17 = arith.addf %mul3A_12, %add3A_16 : vector<10112x128xf32>
    %get3A_18 = arith.constant 0 : index
    %get3A_19 = arith.constant 0 : index
    %get3A_20 = vector.load %arg3[%get3A_18, %get3A_19] : memref<128x128xf32, #tpu.memory_space<vmem>>, vector<128x128xf32>
    %dot_general3A = arith.constant dense<0.000000e+00> : vector<10112x128xf32>
    %dot_general3A_21 = tpu.matmul %add3A_17, %get3A_20, %dot_general3A {dimension_numbers = #tpu.dot_dimension_numbers<[1], [0], [0], [1], [0, 0, 1, 1], [], []>, transpose_lhs_hint = false} : vector<10112x128xf32>, vector<128x128xf32>, vector<10112x128xf32> -> vector<10112x128xf32>
    %get3A_22 = arith.constant 0 : index
    %get3A_23 = arith.constant 0 : index
    %get3A_24 = vector.load %arg4[%get3A_22, %get3A_23] : memref<10112x1xf32, #tpu.memory_space<vmem>>, vector<10112x1xf32>
    %mul3A_25 = vector.broadcast %get3A_24 : vector<10112x1xf32> to vector<10112x128xf32>
    %mul3A_26 = arith.mulf %dot_general3A_21, %mul3A_25 : vector<10112x128xf32>
    %swap3A = arith.constant 0 : index
    %swap3A_27 = arith.constant 0 : index
    %swap3A_28 = vector.load %arg5[%swap3A, %swap3A_27] : memref<10112x128xf32, #tpu.memory_space<vmem>>, vector<10112x128xf32>
    tpu.vector_store %arg5[%swap3A, %swap3A_27], %mul3A_26 {strides = array<i32>} : memref<10112x128xf32, #tpu.memory_space<vmem>>, vector<10112x128xf32>,
    return
  }
}

module attributes {stable_mosaic.version = 14 : i64} {
  func.func @_fin_body(%arg0: memref<2x10112x128xf32, #tpu.memory_space<vmem>>, %arg1: memref<10112x1xf32, #tpu.memory_space<vmem>>, %arg2: memref<1x128xf32, #tpu.memory_space<vmem>>, %arg3: memref<10112x128xf32, #tpu.memory_space<vmem>>) attributes {dimension_semantics = [], scalar_prefetch = 0 : i64, scratch_operands = 0 : i64, tpu.core_type = #tpu.core_type<tc>} {
    %get3A = arith.constant 0 : index
    %get3A_0 = arith.constant 0 : index
    %get3A_1 = arith.constant 0 : index
    %get3A_2 = vector.load %arg0[%get3A, %get3A_0, %get3A_1] : memref<2x10112x128xf32, #tpu.memory_space<vmem>>, vector<1x10112x128xf32>
    %get3A_3 = vector.shape_cast %get3A_2 : vector<1x10112x128xf32> to vector<10112x128xf32>
    %get3A_4 = arith.constant 1 : index
    %get3A_5 = arith.constant 0 : index
    %get3A_6 = arith.constant 0 : index
    %get3A_7 = vector.load %arg0[%get3A_4, %get3A_5, %get3A_6] : memref<2x10112x128xf32, #tpu.memory_space<vmem>>, vector<1x10112x128xf32>
    %get3A_8 = vector.shape_cast %get3A_7 : vector<1x10112x128xf32> to vector<10112x128xf32>
    %add3A = arith.addf %get3A_3, %get3A_8 : vector<10112x128xf32>
    %get3A_9 = arith.constant 0 : index
    %get3A_10 = arith.constant 0 : index
    %get3A_11 = vector.load %arg1[%get3A_9, %get3A_10] : memref<10112x1xf32, #tpu.memory_space<vmem>>, vector<10112x1xf32>
    %mul3A = vector.broadcast %get3A_11 : vector<10112x1xf32> to vector<10112x128xf32>
    %mul3A_12 = arith.mulf %add3A, %mul3A : vector<10112x128xf32>
    %get3A_13 = arith.constant 0 : index
    %get3A_14 = arith.constant 0 : index
    %get3A_15 = vector.load %arg2[%get3A_13, %get3A_14] : memref<1x128xf32, #tpu.memory_space<vmem>>, vector<1x128xf32>
    %add3A_16 = vector.broadcast %get3A_15 : vector<1x128xf32> to vector<10112x128xf32>
    %add3A_17 = arith.addf %mul3A_12, %add3A_16 : vector<10112x128xf32>
    %swap3A = arith.constant 0 : index
    %swap3A_18 = arith.constant 0 : index
    %swap3A_19 = vector.load %arg3[%swap3A, %swap3A_18] : memref<10112x128xf32, #tpu.memory_space<vmem>>, vector<10112x128xf32>
    tpu.vector_store %arg3[%swap3A, %swap3A_18], %add3A_17 {strides = array<i32>} : memref<10112x128xf32, #tpu.memory_space<vmem>>, vector<10112x128xf32>,
    return
  }
}

</mosaic_0001>

<sc_bundles>
// kernel: kernel.12.cloned.1.call-start
scs
__scs_entry_jumppad:
0x0: {  	(pc) =	sbr.rel $0x88, $3  }
0x1: {  	(tag) =	ssettag $0x0;
	lr =	simm.s32 $0x1  }
0x2: {  	[smem:$0x3F9B] =	sst lr;
	_ =	strace $0xD0000000  }
0x3: {  	_ = 	snop  }
0x4: {  	_ = 	snop  }
0x5: {  	_ = 	snop  }
0x6: {  	_ = 	snop  }
0x7: {  	_ = 	snop  }
__scs_overlays_trampoline_lowered:
0x8: {  	[smem:$0x3FAA] =	sst s0  }
0x9: {  	[smem:$0x3FAB] =	sst s1  }
0xa: {  	[smem:$0x3FAC] =	sst s2  }
0xb: {  	[smem:$0x3FAD] =	sst s3  }
0xc: {  	[smem:$0x3FAE] =	sst s4  }
0xd: {  	[smem:$0x3FAF] =	sst s5  }
0xe: {  	[smem:$0x3FB0] =	sst s6  }
0xf: {  	[smem:$0x3FB1] =	sst s7  }
0x10: {  	[smem:$0x3FB2] =	sst s8  }
0x11: {  	[smem:$0x3FB3] =	sst s9;
	s0 =	simm.s32 @!p0 $0x0  }
0x12: {  	s1 =	sld [smem:$0x3F99];
	s0 =	simm.s32 @p0 $0x1  }
0x13: {  	[smem:$0x3FB4] =	sst s0;
	s0 =	simm.s32 @!p1 $0x0  }
0x14: {  	s2 =	sld [smem:$0x3F98];
	s0 =	simm.s32 @p1 $0x1  }
0x15: {  	[smem:$0x3FB5] =	sst s0;
	s0 =	simm.s32 @!p2 $0x0  }
0x16: {  	s3 =	sld [smem:$0x3FDB];
	s0 =	simm.s32 @p2 $0x1  }
0x17: {  	s4 =	simm.s32 $0x1BF5;
	[smem:$0x3FB7] =	sst s0  }
0x18: {  	s0 =	sld [smem:$0x3F9A];
	_ =	swait.ge [sflag:s4], $0x0  }
0x19: {  	s7 =	sld [smem:$0x3F9B]  }
0x1a: {  	s8 =	sadd.s32 $0xFFFFE003, lr  }
0x1b: {  	s9 =	sadd.s32 $0xFFFFFEF7, lr;
	s5 =	simm.s32 $0xFFFFFFFF;
	p2 =	slt.u32 s8, $0xFFFFF086  }
0x1c: {  	p1 =	slt.u32 s9, $0xF7A;
	s5 =	simm.s32 @!p2 $0x0  }
0x1d: {  	s5 =	simm.s32 @p1 $0x1;
	p0 =	seq.s32 s7, s2  }
0x1e: {  	s7 =	smul.u32 @!p0 $0xF7A, s2;
	p2 =	seq.s32 @!p0 s5, $0x0  }
0x1f: {  	s9 =	smul.u32 $0xF7A, s1;
	s8 =	simm.s32 @!p0 $0x1BF5;
	p2 =	por !p2, p0  }
0x20: {  	[sflag:s8] =	ssyncset.s32 @!p0 $0xFFFFF086;
	s6 =	sadd.s32 @!p0 s3, s7;
	s7 =	simm.s32 @!p0 $0x108  }
0x21: {  	s3 =	sadd.s32 s3, s9;
	s6 =	sadd.s32 @!p0 $0x88, s6;
	s7 =	simm.s32 @p2 $0x1082  }
0x22: {  	[simem:s7], [sflag:s8] =	dma.local @!p0 [hbm:s6], $0xF7A  }
0x23: {  	s9 =	sor.u32 $0xD0000000, s2;
	s6 =	simm.s32 $0x108;
	_ =	swait.ge @!p0 [sflag:s8], $0x0  }
0x24: {  	s3 =	sadd.s32 $0x88, s3;
	s6 =	simm.s32 @!p1 $0x1082;
	[sflag:s4] =	ssyncset.s32 $0xFFFFF086  }
0x25: {  	[simem:s6], [sflag:s4] =	dma.local [hbm:s3], $0xF7A  }
0x26: {  	[smem:$0x3F9B] =	sst s1;
	(tag) =	ssettag s2;
	_ =	strace s9  }
0x27: {  	s1 =	sld [smem:$0x3FAB]  }
0x28: {  	s2 =	sld [smem:$0x3FAC]  }
0x29: {  	s4 =	sld [smem:$0x3FAE]  }
0x2a: {  	p0 =	seq.s32 s5, $0x0;
	s5 =	sld [smem:$0x3FAF]  }
0x2b: {  	s6 =	sld [smem:$0x3FB0]  }
0x2c: {  	s7 =	sld [smem:$0x3FB1]  }
0x2d: {  	s3 =	simm.s32 $0x108;
	s8 =	sld [smem:$0x3FB2]  }
0x2e: {  	s3 =	simm.s32 @!p0 $0x1082;
	s9 =	sld [smem:$0x3FB3]  }
0x2f: {  	lr =	sadd.s32 s0, s3;
	s0 =	sld [smem:$0x3FAA]  }
0x30: {  	s3 =	sld [smem:$0x3FAD]  }
0x31: {  	[smem:$0x3FB6] =	sst s10  }
0x32: {  	s10 =	sld [smem:$0x3FB4];
	_ =	sdelay $0x3  }
0x33: {  	p0 =	seq.s32 s10, $0x1;
	s10 =	sld [smem:$0x3FB6];
	_ =	sdelay $0x3  }
0x34: {  	[smem:$0x3FB6] =	sst s10  }
0x35: {  	s10 =	sld [smem:$0x3FB5];
	_ =	sdelay $0x3  }
0x36: {  	p1 =	seq.s32 s10, $0x1;
	s10 =	sld [smem:$0x3FB6];
	_ =	sdelay $0x3  }
0x37: {  	[smem:$0x3FB6] =	sst s10  }
0x38: {  	s10 =	sld [smem:$0x3FB7]  }
0x39: {  	_ = 	snop;
	(pc) =	sbr.ind lr, $3  }
0x3a: {  	_ = 	snop  }
0x3b: {  	_ = 	snop  }
0x3c: {  	p2 =	seq.s32 s10, $0x1;
	s10 =	sld [smem:$0x3FB6]  }
0x3d: {  	_ =	shalt  }
0x3e: {  	_ =	shalt  }
0x3f: {  	_ =	shalt  }
0x40: {  	_ =	shalt  }
0x41: {  	_ =	shalt  }
0x42: {  	_ =	shalt  }
0x43: {  	_ =	shalt  }
0x44: {  	_ =	shalt  }
0x45: {  	_ =	shalt  }
0x46: {  	_ =	shalt  }
0x47: {  	_ =	shalt  }
0x48: {  	_ =	shalt  }
0x49: {  	_ =	shalt  }
0x4a: {  	_ =	shalt  }
0x4b: {  	_ =	shalt  }
0x4c: {  	_ =	shalt  }
0x4d: {  	_ =	shalt  }
0x4e: {  	_ =	shalt  }
0x4f: {  	_ =	shalt  }
0x50: {  	_ =	shalt  }
0x51: {  	_ =	shalt  }
0x52: {  	_ =	shalt  }
0x53: {  	_ =	shalt  }
0x54: {  	_ =	shalt  }
0x55: {  	_ =	shalt  }
0x56: {  	_ =	shalt  }
0x57: {  	_ =	shalt  }
0x58: {  	_ =	shalt  }
0x59: {  	_ =	shalt  }
0x5a: {  	_ =	shalt  }
0x5b: {  	_ =	shalt  }
0x5c: {  	_ =	shalt  }
0x5d: {  	_ =	shalt  }
0x5e: {  	_ =	shalt  }
0x5f: {  	_ =	shalt  }
0x60: {  	_ =	shalt  }
0x61: {  	_ =	shalt  }
0x62: {  	_ =	shalt  }
0x63: {  	_ =	shalt  }
0x64: {  	_ =	shalt  }
0x65: {  	_ =	shalt  }
0x66: {  	_ =	shalt  }
0x67: {  	_ =	shalt  }
0x68: {  	_ =	shalt  }
0x69: {  	_ =	shalt  }
0x6a: {  	_ =	shalt  }
0x6b: {  	_ =	shalt  }
0x6c: {  	_ =	shalt  }
0x6d: {  	_ =	shalt  }
0x6e: {  	_ =	shalt  }
0x6f: {  	_ =	shalt  }
0x70: {  	_ =	shalt  }
0x71: {  	_ =	shalt  }
0x72: {  	_ =	shalt  }
0x73: {  	_ =	shalt  }
0x74: {  	_ =	shalt  }
0x75: {  	_ =	shalt  }
0x76: {  	_ =	shalt  }
0x77: {  	_ =	shalt  }
0x78: {  	_ =	shalt  }
0x79: {  	_ =	shalt  }
0x7a: {  	_ =	shalt  }
0x7b: {  	_ =	shalt  }
0x7c: {  	_ =	shalt  }
0x7d: {  	_ =	shalt  }
0x7e: {  	_ =	shalt  }
0x7f: {  	_ =	shalt  }
0x80: {  	_ =	shalt  }
0x81: {  	_ =	shalt  }
0x82: {  	_ =	shalt  }
0x83: {  	_ =	shalt  }
0x84: {  	_ =	shalt  }
0x85: {  	_ =	shalt  }
0x86: {  	_ =	shalt  }
0x87: {  	_ =	shalt  }
.Lfunc_end0:
.L_simem_size_0:
called_computation.1_lowered:
.L_overlay_start_0:
0x88: {  	s2 =	sld [smem:$0x3FD9]  }
0x89: {  	s3 =	sld [smem:$0x3FFE];
	_ =	sdelay $0x1  }
0x8a: {  	s1 =	srdreg.scid  }
0x8b: {  	s0 =	sand.u32 $0x1, s1  }
0x8c: {  	s17 =	sshll.u32 s0, $0xA;
	s2 =	sadd.s32 s3, s2  }
0x8d: {  	s2 =	sadd.s32 s2, s17  }
0x8e: {  	[smem:$0x3FC2] =	sst s2  }
0x8f: {  	_ = 	snop  }
0x90: {  	s2 =	sld [smem:$0x3FD0];
	(tm) =	ssettm $0x1  }
0x91: {  	s18 =	sld [smem:$0x3FFB];
	_ =	sdelay $0x3  }
0x92: {  	_ =	strace s18  }
0x93: {  	s3 =	sld [smem:$0x3FFC];
	_ =	sdelay $0x3  }
0x94: {  	_ =	strace s3  }
0x95: {  	s3 =	sld [smem:$0x3FFD];
	_ =	sdelay $0x3  }
0x96: {  	_ =	strace s3  }
0x97: {  	_ =	strace $0x8FFFFFFF  }
0x98: {  	s19 =	sld [smem:$0x3FDB];
	_ =	sdelay $0x1  }
0x99: {  	s4 =	simm.s32 $_scs_section_size  }
0x9a: {  	s5 =	simm.s32 $_size__tile_overlayer_lowered;
	s6 =	simm.s32 $_tile_overlayer_lowered  }
0x9b: {  	s22 =	simm.s32 $0x1BFF;
	s21 =	sshll.u32 s6, $0x1;
	s3 =	sadd.s32 s4, s19  }
0x9c: {  	s7 =	simm.s32 $0x0;
	s20 =	sshll.u32 s5, $0x1;
	s5 =	sadd.s32 s21, s3  }
0x9d: {  	[timem:s7], [sflag:s22] =	dma.local [hbm:s5], s20  }
0x9e: {  	_ =	swait.ge [sflag:s22], s20  }
0x9f: {  	s4 =	ssub.s32 $0x0, s20;
	[sflag:s22] =	ssyncset.done $0x0  }
0xa0: {  	[sflag:s22] =	ssyncadd.s32 s4;
	_ =	sdelay $0x1  }
0xa1: {  	s23 =	simm.s32 $0x1B8B  }
0xa2: {  	_ =	swait.ge [sflag:s23], $0x1  }
0xa3: {  	[sflag:s23] =	ssyncset.done $0x0  }
0xa4: {  	s25 =	simm.s32 $0x1B8E;
	s24 =	sld [smem:$0x3FFE];
	[sflag:s23] =	ssyncadd.s32 $0xFFFFFFFF  }
0xa5: {  	s26 =	simm.s32 $execute0_lowered;
	[smem:$0x3FD2] =	sst s25  }
0xa6: {  	s5 =	sshll.u32 s26, $0x1;
	_ =	strace $0x80000049;
	[dreg:$0x1] =	wrdreg $0xFFFFFFFF  }
0xa7: {  	s28 =	simm.s32 $_size_execute0_lowered;
	s3 =	sadd.s32 s3, s5;
	[dreg:$0x0] =	wrdreg $0x0  }
0xa8: {  	s5 =	sshll.u32 s28, $0x1;
	[dreg:$0x2] =	wrdreg s3  }
0xa9: {  	[dreg:$0x3] =	wrdreg s5  }
0xaa: {  	[dreg:$0x4] =	wrdreg $0xC0  }
0xab: {  	_ =	task [dreg:s7], $0x5FFFF  }
0xac: {  	[dreg:$0x1] =	wrdreg $0xFFFFFFFF  }
0xad: {  	[dreg:$0x0] =	wrdreg $0x60  }
0xae: {  	[dreg:$0x2] =	wrdreg s24  }
0xaf: {  	[dreg:$0x3] =	wrdreg s2  }
0xb0: {  	[dreg:$0x4] =	wrdreg $0x88000  }
0xb1: {  	[dreg:$0x5] =	wrdreg $0x9  }
0xb2: {  	_ =	task.clear_ibuf [dreg:s7], $0x6FFFF;
	_ =	strace $0x90000049  }
0xb3: {  	s29 =	simm.s32 $0x9;
	_ =	strace $0x8000004B  }
0xb4: {  	_ =	swait.ge [sflag:s29], $0x1  }
0xb5: {  	[sflag:s29] =	ssyncadd.s32 $0xFFFFFFFF  }
0xb6: {  	_ =	strace $0x9000004B  }
0xb7: {  	_ =	sfence  }
0xb8: {  	s30 =	sld [smem:$0x0];
	_ =	sdelay $0x2  }
0xb9: {  	s31 =	sshll.u32 s1, $0xD;
	s1 =	sshrl.u32 s1, $0x2  }
0xba: {  	s3 =	sand.u32 $0x4000, s31;
	s1 =	sadd.s32 s1, s30  }
0xbb: {  	s0 =	sor.u32 s3, s0;
	s1 =	sshll.u32 s1, $0x11  }
0xbc: {  	s0 =	sor.u32 s1, s0  }
0xbd: {  	s0 =	sadd.s32 $0x8F2B, s0  }
0xbe: {  	[sflag:s0] =	ssyncadd.remote.s32 $0x1  }
0xbf: {  	_ =	sfence.sel $0xFFFF  }
0xc0: {  	[dreg:$0x0] =	wrdreg $0xFFFFFFFF;
	(pc) =	sbr.abs _section_cstart, $3  }
0xc1: {  	[dreg:$0x1] =	wrdreg $0xFFFFFFFF  }
0xc2: {  	_ =	task.clear_ibuf [dreg:s7], $0x2FFFF;
	_ =	strace $0x9FFFFFFF  }
0xc3: {  	(tm) =	ssettm $0x7FFFFFFF  }
tec
execute0_lowered:
.L_overlay_start_1:
0x0: {  	(tag) =	ssettag $0x1  }
0x1: {  	s0 =	rddreg [dreg:$0x0]  }
0x2: {  	s1 =	srdreg.scid;
	s5 =	rddreg [dreg:$0x1]  }
0x3: {  	s11 =	stileid.u32;
	s2 =	rddreg [dreg:$0x2]  }
0x4: {  	s3 =	simm.s32 $0x0;
	s20 =	simm.s32 $0x5;
	s21 =	simm.s32 $0x400  }
0x5: {  	s22 =	simm.s32 $0x6;
	s29 =	simm.s32 $0x3;
	s6 =	smul.u32 $0x2800, s11  }
0x6: {  	s30 =	simm.s32 $0x4;
	s19 =	simm.s32 $0x0;
	s9 =	smul.u32 $0x4F000, s11  }
0x7: {  	s1 =	sand.u32 $0x1, s1;
	[smem:$0x7FF] =	sst s3;
	s11 =	smul.u32 $0x13C00, s11  }
0x8: {  	s10 =	sadd.s32 $0x34200, s0;
	s4 =	smul.u32 $0x28000, s1;
	_ =	strace $0x8000004A  }
0x9: {  	s8 =	ssub.s32 $0x2, s1;
	[dreg:$0x5] =	wrdreg s10;
	s1 =	smul.u32 $0x13C000, s1  }
0xa: {  	[dreg:$0x11] =	wrdreg s19;
	s23 =	sshrl.u32 s8, $0x1;
	s9 =	sshrl.u32 s9, $0x2  }
0xb: {  	s24 =	sadd.s32 $0x4000, s11;
	s26 =	sadd.s32 $0x8000, s11;
	s12 =	sadd.s32 $0xC000, s11  }
0xc: {  	s6 =	sadd.s32 s6, s4;
	s4 =	sadd.s32 $0xCA00, s0;
	s8 =	ssub.s32 s8, s23  }
0xd: {  	s28 =	sadd.s32 s9, s2;
	s25 =	sadd.s32 s24, s2;
	s31 =	sadd.s32 s26, s2  }
0xe: {  	s14 =	sadd.s32 s12, s2;
	s13 =	sadd.s32 s11, s1;
	s11 =	sadd.s32 $0x10000, s11  }
0xf: {  	s9 =	sadd.s32 s1, s24;
	s16 =	sadd.s32 s1, s12;
	s23 =	simm.s32 $0x80  }
0x10: {  	s24 =	simm.s32 $0x4800;
	s12 =	simm.s32 $0x280;
	s6 =	sshrl.u32 s6, $0x3  }
0x11: {  	[dreg:$0x7] =	wrdreg s25;
	s13 =	sshrl.u32 s13, $0x3;
	s15 =	sadd.s32 s11, s2  }
0x12: {  	s9 =	sshrl.u32 s9, $0x3;
	s10 =	sshrl.u32 s16, $0x3;
	s17 =	smax.u32 s8, $0x1  }
0x13: {  	s25 =	simm.s32 $0x1;
	s16 =	simm.s32 $0x380;
	[dreg:$0x6] =	wrdreg s28  }
0x14: {  	[dreg:$0x8] =	wrdreg s31;
	s7 =	sadd.s32 s6, s0;
	s0 =	sadd.s32 $0x34A00, s0  }
0x15: {  	[dreg:$0x10] =	wrdreg s17;
	s17 =	sadd.s32 s6, s5;
	s5 =	simm.s32 $0x580  }
0x16: {  	s6 =	simm.s32 $0x700;
	s13 =	sadd.s32 s0, s13;
	s9 =	sadd.s32 s0, s9  }
0x17: {  	s10 =	sadd.s32 s0, s10;
	s18 =	sadd.s32 $0x2A00, s7;
	[dreg:$0xb] =	wrdreg s13  }
0x18: {  	s7 =	simm.s32 $0x780;
	[dreg:$0xc] =	wrdreg s9;
	s13 =	sadd.s32 s1, s26  }
0x19: {  	s1 =	sadd.s32 s1, s11;
	[dreg:$0xe] =	wrdreg s10;
	s10 =	smov.u32 s15  }
0x1a: {  	[dreg:$0x4] =	wrdreg s18;
	s18 =	simm.s32 $0x800;
	s26 =	simm.s32 $0x2  }
0x1b: {  	s11 =	simm.s32 $0x200;
	s15 =	simm.s32 $0x300;
	s9 =	sshrl.u32 s13, $0x3  }
0x1c: {  	s1 =	sshrl.u32 s1, $0x3;
	[dreg:$0xa] =	wrdreg s10;
	s9 =	sadd.s32 s0, s9  }
0x1d: {  	s13 =	simm.s32 $0x600;
	s0 =	sadd.s32 s0, s1;
	[dreg:$0xd] =	wrdreg s9  }
0x1e: {  	s1 =	simm.s32 $0x180;
	s9 =	smov.u32 s14;
	[dreg:$0xf] =	wrdreg s0  }
0x1f: {  	s0 =	simm.s32 $0x500;
	s14 =	simm.s32 $0x680;
	[dreg:$0x9] =	wrdreg s9  }
.LBB2_1:
0x20: {  	s19 =	simm.s32 $0x7;
	s8 =	rddreg [dreg:$0x5]  }
0x21: {  	[tilespmem:s18], [sflag:$0x7] =	stream.linear.gather [hbm4b:s8+s3], $0x4000, $0x38;
	[tilespmem:$0x1C400] =	vst v63  }
0x22: {  	_ =	swait.ge [sflag:s19], $0x4000  }
0x23: {  	[sflag:s19] =	ssyncset.done $0x0  }
0x24: {  	[sflag:s19] =	ssyncadd.s32 $0xFFFFC000  }
0x25: {  	[spmem:s28] =	stream.linear.scatter [tilespmem:s18], [sflag:$0x5], $0x4000, $0x38;
	[tilespmem:$0x1C400] =	vst v63  }
0x26: {  	s28 =	rddreg [dreg:$0x7]  }
0x27: {  	[spmem:s28] =	stream.linear.scatter [tilespmem:s18], [sflag:$0x5], $0x4000, $0x38;
	[tilespmem:$0x1C400] =	vst v63  }
0x28: {  	_ = 	snop  }
0x29: {  	[spmem:s31] =	stream.linear.scatter [tilespmem:s18], [sflag:$0x5], $0x4000, $0x38;
	[tilespmem:$0x1C400] =	vst v63  }
0x2a: {  	_ = 	snop  }
0x2b: {  	[spmem:s9] =	stream.linear.scatter [tilespmem:s18], [sflag:$0x5], $0x4000, $0x38;
	[tilespmem:$0x1C400] =	vst v63  }
0x2c: {  	_ = 	snop  }
0x2d: {  	[spmem:s10] =	stream.linear.scatter [tilespmem:s18], [sflag:$0x5], $0x3C00, $0x38;
	[tilespmem:$0x1C400] =	vst v63  }
0x2e: {  	_ =	swait.ge [sflag:s20], $0x4000  }
0x2f: {  	[sflag:s20] =	ssyncset.done $0x0  }
0x30: {  	[sflag:s20] =	ssyncadd.s32 $0xFFFFC000  }
0x31: {  	_ =	swait.ge [sflag:s20], $0x4000  }
0x32: {  	[sflag:s20] =	ssyncset.done $0x0  }
0x33: {  	[sflag:s20] =	ssyncadd.s32 $0xFFFFC000  }
0x34: {  	_ =	swait.ge [sflag:s20], $0x4000  }
0x35: {  	[sflag:s20] =	ssyncset.done $0x0  }
0x36: {  	[sflag:s20] =	ssyncadd.s32 $0xFFFFC000  }
0x37: {  	_ =	swait.ge [sflag:s20], $0x4000  }
0x38: {  	[sflag:s20] =	ssyncset.done $0x0  }
0x39: {  	[sflag:s20] =	ssyncadd.s32 $0xFFFFC000  }
0x3a: {  	_ =	swait.ge [sflag:s20], $0x3C00  }
0x3b: {  	[sflag:s20] =	ssyncset.done $0x0  }
0x3c: {  	[sflag:s20] =	ssyncadd.s32 $0xFFFFC400  }
0x3d: {  	[bflag:$0x0] =	sbarrier.arrive $0xFFFF  }
0x3e: {  	s19 =	sadd.s32 $0x0, s17;
	s10 =	rddreg [dreg:$0x4]  }
0x3f: {  	[tilespmem:s3], [sflag:$0x5] =	stream.linear.gather [hbm4b:s19+s3], $0x400, $0x38;
	[tilespmem:$0x1C400] =	vst v63  }
0x40: {  	s8 =	sadd.s32 $0x0, s10  }
0x41: {  	[tilespmem:s21], [sflag:$0x6] =	stream.linear.gather [hbm4b:s8+s3], $0x400, $0x38;
	[tilespmem:$0x1C400] =	vst v63  }
0x42: {  	_ =	swait.ge [sflag:s20], $0x400  }
0x43: {  	[sflag:s20] =	ssyncset.done $0x0  }
0x44: {  	[sflag:s20] =	ssyncadd.s32 $0xFFFFFC00  }
0x45: {  	_ =	swait.ge [sflag:s22], $0x400  }
0x46: {  	[sflag:s22] =	ssyncset.done $0x0  }
0x47: {  	[sflag:s22] =	ssyncadd.s32 $0xFFFFFC00  }
0x48: {  	[tilespmem:s18], [sflag:$0x1] =	stream.indirect.gather [hbm4b:s4+s23], $0x80, s3, s23, $0xb8;
	[tilespmem:$0x1C400] =	vst v63  }
0x49: {  	_ = 	snop  }
0x4a: {  	[tilespmem:s24], [sflag:$0x2] =	stream.indirect.gather [hbm4b:s4+s23], $0x80, s23, s23, $0xb8;
	[tilespmem:$0x1C400] =	vst v63  }
0x4b: {  	_ =	swait.ge [sflag:s25], $0x4000  }
0x4c: {  	[sflag:s25] =	ssyncset.done $0x0  }
0x4d: {  	[sflag:s25] =	ssyncadd.s32 $0xFFFFC000  }
0x4e: {  	[spmem:s2] =	stream.indirect.scatter.add.f32 [tilespmem:s18], [sflag:$0x3], $0x80, s21, s23, $0xb8;
	[tilespmem:$0x1C400] =	vst v63  }
0x4f: {  	_ =	swait.ge [sflag:s26], $0x4000  }
0x50: {  	[sflag:s26] =	ssyncset.done $0x0  }
0x51: {  	s28 =	simm.s32 $0x480;
	[sflag:s26] =	ssyncadd.s32 $0xFFFFC000  }
0x52: {  	[spmem:s2] =	stream.indirect.scatter.add.f32 [tilespmem:s24], [sflag:$0x4], $0x80, s28, s23, $0xb8;
	[tilespmem:$0x1C400] =	vst v63  }
0x53: {  	_ =	swait.ge [sflag:s29], $0x4000  }
0x54: {  	[sflag:s29] =	ssyncset.done $0x0  }
0x55: {  	[sflag:s29] =	ssyncadd.s32 $0xFFFFC000  }
0x56: {  	_ =	swait.ge [sflag:s30], $0x4000  }
0x57: {  	[sflag:s30] =	ssyncset.done $0x0  }
0x58: {  	s31 =	simm.s32 $0x100;
	[sflag:s30] =	ssyncadd.s32 $0xFFFFC000  }
0x59: {  	[tilespmem:s18], [sflag:$0x1] =	stream.indirect.gather [hbm4b:s4+s23], $0x80, s31, s23, $0xb8;
	[tilespmem:$0x1C400] =	vst v63  }
0x5a: {  	_ = 	snop  }
0x5b: {  	[tilespmem:s24], [sflag:$0x2] =	stream.indirect.gather [hbm4b:s4+s23], $0x80, s1, s23, $0xb8;
	[tilespmem:$0x1C400] =	vst v63  }
0x5c: {  	_ =	swait.ge [sflag:s25], $0x4000  }
0x5d: {  	[sflag:s25] =	ssyncset.done $0x0  }
0x5e: {  	[sflag:s25] =	ssyncadd.s32 $0xFFFFC000  }
0x5f: {  	[spmem:s2] =	stream.indirect.scatter.add.f32 [tilespmem:s18], [sflag:$0x3], $0x80, s0, s23, $0xb8;
	[tilespmem:$0x1C400] =	vst v63  }
0x60: {  	_ =	swait.ge [sflag:s26], $0x4000  }
0x61: {  	[sflag:s26] =	ssyncset.done $0x0  }
0x62: {  	[sflag:s26] =	ssyncadd.s32 $0xFFFFC000  }
0x63: {  	[spmem:s2] =	stream.indirect.scatter.add.f32 [tilespmem:s24], [sflag:$0x4], $0x80, s5, s23, $0xb8;
	[tilespmem:$0x1C400] =	vst v63  }
0x64: {  	_ =	swait.ge [sflag:s29], $0x4000  }
0x65: {  	[sflag:s29] =	ssyncset.done $0x0  }
0x66: {  	[sflag:s29] =	ssyncadd.s32 $0xFFFFC000  }
0x67: {  	_ =	swait.ge [sflag:s30], $0x4000  }
0x68: {  	[sflag:s30] =	ssyncset.done $0x0  }
0x69: {  	[sflag:s30] =	ssyncadd.s32 $0xFFFFC000  }
0x6a: {  	[tilespmem:s18], [sflag:$0x1] =	stream.indirect.gather [hbm4b:s4+s23], $0x80, s11, s23, $0xb8;
	[tilespmem:$0x1C400] =	vst v63  }
0x6b: {  	_ = 	snop  }
0x6c: {  	[tilespmem:s24], [sflag:$0x2] =	stream.indirect.gather [hbm4b:s4+s23], $0x80, s12, s23, $0xb8;
	[tilespmem:$0x1C400] =	vst v63  }
0x6d: {  	_ =	swait.ge [sflag:s25], $0x4000  }
0x6e: {  	[sflag:s25] =	ssyncset.done $0x0  }
0x6f: {  	[sflag:s25] =	ssyncadd.s32 $0xFFFFC000  }
0x70: {  	[spmem:s2] =	stream.indirect.scatter.add.f32 [tilespmem:s18], [sflag:$0x3], $0x80, s13, s23, $0xb8;
	[tilespmem:$0x1C400] =	vst v63  }
0x71: {  	_ =	swait.ge [sflag:s26], $0x4000  }
0x72: {  	[sflag:s26] =	ssyncset.done $0x0  }
0x73: {  	[sflag:s26] =	ssyncadd.s32 $0xFFFFC000  }
0x74: {  	[spmem:s2] =	stream.indirect.scatter.add.f32 [tilespmem:s24], [sflag:$0x4], $0x80, s14, s23, $0xb8;
	[tilespmem:$0x1C400] =	vst v63  }
0x75: {  	_ =	swait.ge [sflag:s29], $0x4000  }
0x76: {  	[sflag:s29] =	ssyncset.done $0x0  }
0x77: {  	[sflag:s29] =	ssyncadd.s32 $0xFFFFC000  }
0x78: {  	_ =	swait.ge [sflag:s30], $0x4000  }
0x79: {  	[sflag:s30] =	ssyncset.done $0x0  }
0x7a: {  	[sflag:s30] =	ssyncadd.s32 $0xFFFFC000  }
0x7b: {  	[tilespmem:s18], [sflag:$0x1] =	stream.indirect.gather [hbm4b:s4+s23], $0x80, s15, s23, $0xb8;
	[tilespmem:$0x1C400] =	vst v63  }
0x7c: {  	_ = 	snop  }
0x7d: {  	[tilespmem:s24], [sflag:$0x2] =	stream.indirect.gather [hbm4b:s4+s23], $0x80, s16, s23, $0xb8;
	[tilespmem:$0x1C400] =	vst v63  }
0x7e: {  	_ =	swait.ge [sflag:s25], $0x4000  }
0x7f: {  	[sflag:s25] =	ssyncset.done $0x0  }
0x80: {  	[sflag:s25] =	ssyncadd.s32 $0xFFFFC000  }
0x81: {  	[spmem:s2] =	stream.indirect.scatter.add.f32 [tilespmem:s18], [sflag:$0x3], $0x80, s6, s23, $0xb8;
	[tilespmem:$0x1C400] =	vst v63  }
0x82: {  	_ =	swait.ge [sflag:s26], $0x4000  }
0x83: {  	[sflag:s26] =	ssyncset.done $0x0  }
0x84: {  	[sflag:s26] =	ssyncadd.s32 $0xFFFFC000  }
0x85: {  	[spmem:s2] =	stream.indirect.scatter.add.f32 [tilespmem:s24], [sflag:$0x4], $0x80, s7, s23, $0xb8;
	[tilespmem:$0x1C400] =	vst v63  }
0x86: {  	_ =	swait.ge [sflag:s29], $0x4000  }
0x87: {  	[sflag:s29] =	ssyncset.done $0x0  }
0x88: {  	[sflag:s29] =	ssyncadd.s32 $0xFFFFC000  }
0x89: {  	s9 =	simm.s32 $0x80;
	_ =	swait.ge [sflag:s30], $0x4000  }
0x8a: {  	s10 =	simm.s32 $0x100;
	s8 =	rddreg [dreg:$0x4];
	[sflag:s30] =	ssyncset.done $0x0  }
.LBB2_2:
0x8b: {  	s28 =	sadd.s32 s9, s17;
	[sflag:s30] =	ssyncadd.s32 $0xFFFFC000  }
0x8c: {  	[tilespmem:s3], [sflag:$0x5] =	stream.linear.gather [hbm4b:s28+s3], $0x400, $0x38;
	[tilespmem:$0x1C400] =	vst v63  }
0x8d: {  	s8 =	sadd.s32 s9, s8  }
0x8e: {  	[tilespmem:s21], [sflag:$0x6] =	stream.linear.gather [hbm4b:s8+s3], $0x400, $0x38;
	[tilespmem:$0x1C400] =	vst v63  }
0x8f: {  	_ =	swait.ge [sflag:s20], $0x400  }
0x90: {  	[sflag:s20] =	ssyncset.done $0x0  }
0x91: {  	[sflag:s20] =	ssyncadd.s32 $0xFFFFFC00  }
0x92: {  	_ =	swait.ge [sflag:s22], $0x400  }
0x93: {  	[sflag:s22] =	ssyncset.done $0x0  }
0x94: {  	[sflag:s22] =	ssyncadd.s32 $0xFFFFFC00  }
0x95: {  	[tilespmem:s18], [sflag:$0x1] =	stream.indirect.gather [hbm4b:s4+s23], $0x80, s3, s23, $0xb8;
	[tilespmem:$0x1C400] =	vst v63  }
0x96: {  	_ = 	snop  }
0x97: {  	[tilespmem:s24], [sflag:$0x2] =	stream.indirect.gather [hbm4b:s4+s23], $0x80, s23, s23, $0xb8;
	[tilespmem:$0x1C400] =	vst v63  }
0x98: {  	_ =	swait.ge [sflag:s25], $0x4000  }
0x99: {  	[sflag:s25] =	ssyncset.done $0x0  }
0x9a: {  	[sflag:s25] =	ssyncadd.s32 $0xFFFFC000  }
0x9b: {  	[spmem:s2] =	stream.indirect.scatter.add.f32 [tilespmem:s18], [sflag:$0x3], $0x80, s21, s23, $0xb8;
	[tilespmem:$0x1C400] =	vst v63  }
0x9c: {  	_ =	swait.ge [sflag:s26], $0x4000  }
0x9d: {  	[sflag:s26] =	ssyncset.done $0x0  }
0x9e: {  	s28 =	simm.s32 $0x480;
	[sflag:s26] =	ssyncadd.s32 $0xFFFFC000  }
0x9f: {  	[spmem:s2] =	stream.indirect.scatter.add.f32 [tilespmem:s24], [sflag:$0x4], $0x80, s28, s23, $0xb8;
	[tilespmem:$0x1C400] =	vst v63  }
0xa0: {  	_ =	swait.ge [sflag:s29], $0x4000  }
0xa1: {  	[sflag:s29] =	ssyncset.done $0x0  }
0xa2: {  	[sflag:s29] =	ssyncadd.s32 $0xFFFFC000  }
0xa3: {  	_ =	swait.ge [sflag:s30], $0x4000  }
0xa4: {  	s31 =	smov.u32 s10;
	[sflag:s30] =	ssyncset.done $0x0  }
0xa5: {  	s9 =	smov.u32 s31;
	s31 =	simm.s32 $0x100;
	[sflag:s30] =	ssyncadd.s32 $0xFFFFC000  }
0xa6: {  	[tilespmem:s18], [sflag:$0x1] =	stream.indirect.gather [hbm4b:s4+s23], $0x80, s31, s23, $0xb8;
	[tilespmem:$0x1C400] =	vst v63  }
0xa7: {  	_ = 	snop  }
0xa8: {  	[tilespmem:s24], [sflag:$0x2] =	stream.indirect.gather [hbm4b:s4+s23], $0x80, s1, s23, $0xb8;
	[tilespmem:$0x1C400] =	vst v63  }
0xa9: {  	_ =	swait.ge [sflag:s25], $0x4000  }
0xaa: {  	[sflag:s25] =	ssyncset.done $0x0  }
0xab: {  	[sflag:s25] =	ssyncadd.s32 $0xFFFFC000  }
0xac: {  	[spmem:s2] =	stream.indirect.scatter.add.f32 [tilespmem:s18], [sflag:$0x3], $0x80, s0, s23, $0xb8;
	[tilespmem:$0x1C400] =	vst v63  }
0xad: {  	_ =	swait.ge [sflag:s26], $0x4000  }
0xae: {  	[sflag:s26] =	ssyncset.done $0x0  }
0xaf: {  	[sflag:s26] =	ssyncadd.s32 $0xFFFFC000  }
0xb0: {  	[spmem:s2] =	stream.indirect.scatter.add.f32 [tilespmem:s24], [sflag:$0x4], $0x80, s5, s23, $0xb8;
	[tilespmem:$0x1C400] =	vst v63  }
0xb1: {  	_ =	swait.ge [sflag:s29], $0x4000  }
0xb2: {  	[sflag:s29] =	ssyncset.done $0x0  }
0xb3: {  	[sflag:s29] =	ssyncadd.s32 $0xFFFFC000  }
0xb4: {  	_ =	swait.ge [sflag:s30], $0x4000  }
0xb5: {  	[sflag:s30] =	ssyncset.done $0x0  }
0xb6: {  	[sflag:s30] =	ssyncadd.s32 $0xFFFFC000  }
0xb7: {  	[tilespmem:s18], [sflag:$0x1] =	stream.indirect.gather [hbm4b:s4+s23], $0x80, s11, s23, $0xb8;
	[tilespmem:$0x1C400] =	vst v63  }
0xb8: {  	_ = 	snop  }
0xb9: {  	[tilespmem:s24], [sflag:$0x2] =	stream.indirect.gather [hbm4b:s4+s23], $0x80, s12, s23, $0xb8;
	[tilespmem:$0x1C400] =	vst v63  }
0xba: {  	_ =	swait.ge [sflag:s25], $0x4000  }
0xbb: {  	[sflag:s25] =	ssyncset.done $0x0  }
0xbc: {  	[sflag:s25] =	ssyncadd.s32 $0xFFFFC000  }
0xbd: {  	[spmem:s2] =	stream.indirect.scatter.add.f32 [tilespmem:s18], [sflag:$0x3], $0x80, s13, s23, $0xb8;
	[tilespmem:$0x1C400] =	vst v63  }
0xbe: {  	_ =	swait.ge [sflag:s26], $0x4000  }
0xbf: {  	[sflag:s26] =	ssyncset.done $0x0  }
0xc0: {  	[sflag:s26] =	ssyncadd.s32 $0xFFFFC000  }
0xc1: {  	[spmem:s2] =	stream.indirect.scatter.add.f32 [tilespmem:s24], [sflag:$0x4], $0x80, s14, s23, $0xb8;
	[tilespmem:$0x1C400] =	vst v63  }
0xc2: {  	_ =	swait.ge [sflag:s29], $0x4000  }
0xc3: {  	[sflag:s29] =	ssyncset.done $0x0  }
0xc4: {  	[sflag:s29] =	ssyncadd.s32 $0xFFFFC000  }
0xc5: {  	_ =	swait.ge [sflag:s30], $0x4000  }
0xc6: {  	[sflag:s30] =	ssyncset.done $0x0  }
0xc7: {  	[sflag:s30] =	ssyncadd.s32 $0xFFFFC000  }
0xc8: {  	[tilespmem:s18], [sflag:$0x1] =	stream.indirect.gather [hbm4b:s4+s23], $0x80, s15, s23, $0xb8;
	[tilespmem:$0x1C400] =	vst v63  }
0xc9: {  	_ = 	snop  }
0xca: {  	[tilespmem:s24], [sflag:$0x2] =	stream.indirect.gather [hbm4b:s4+s23], $0x80, s16, s23, $0xb8;
	[tilespmem:$0x1C400] =	vst v63  }
0xcb: {  	_ =	swait.ge [sflag:s25], $0x4000  }
0xcc: {  	[sflag:s25] =	ssyncset.done $0x0  }
0xcd: {  	[sflag:s25] =	ssyncadd.s32 $0xFFFFC000  }
0xce: {  	[spmem:s2] =	stream.indirect.scatter.add.f32 [tilespmem:s18], [sflag:$0x3], $0x80, s6, s23, $0xb8;
	[tilespmem:$0x1C400] =	vst v63  }
0xcf: {  	_ =	swait.ge [sflag:s26], $0x4000  }
0xd0: {  	[sflag:s26] =	ssyncset.done $0x0  }
0xd1: {  	p0 =	sne.s32 s10, $0x480;
	[sflag:s26] =	ssyncadd.s32 $0xFFFFC000  }
0xd2: {  	[spmem:s2] =	stream.indirect.scatter.add.f32 [tilespmem:s24], [sflag:$0x4], $0x80, s7, s23, $0xb8;
	[tilespmem:$0x1C400] =	vst v63  }
.Ltmp0:
0xd3: {  	_ =	swait.ge [sflag:s29], $0x4000;
	(pc) =	sbr.rel @p0 .LBB2_2-.Ltmp0, $4  }
0xd4: {  	[sflag:s29] =	ssyncset.done $0x0  }
0xd5: {  	[sflag:s29] =	ssyncadd.s32 $0xFFFFC000  }
0xd6: {  	s19 =	sadd.s32 $0x80, s10;
	_ =	swait.ge [sflag:s30], $0x4000  }
0xd7: {  	s10 =	smov.u32 s19;
	s8 =	rddreg [dreg:$0x4];
	[sflag:s30] =	ssyncset.done $0x0  }
0xd8: {  	s10 =	sadd.s32 s9, s17;
	[sflag:s30] =	ssyncadd.s32 $0xFFFFC000  }
0xd9: {  	[tilespmem:s3], [sflag:$0x5] =	stream.linear.gather [hbm4b:s10+s3], $0x400, $0x38;
	[tilespmem:$0x1C400] =	vst v63  }
0xda: {  	s8 =	sadd.s32 s9, s8  }
0xdb: {  	[tilespmem:s21], [sflag:$0x6] =	stream.linear.gather [hbm4b:s8+s3], $0x400, $0x38;
	[tilespmem:$0x1C400] =	vst v63  }
0xdc: {  	_ =	swait.ge [sflag:s20], $0x400  }
0xdd: {  	[sflag:s20] =	ssyncset.done $0x0  }
0xde: {  	[sflag:s20] =	ssyncadd.s32 $0xFFFFFC00  }
0xdf: {  	_ =	swait.ge [sflag:s22], $0x400  }
0xe0: {  	[sflag:s22] =	ssyncset.done $0x0  }
0xe1: {  	[sflag:s22] =	ssyncadd.s32 $0xFFFFFC00  }
0xe2: {  	[tilespmem:s18], [sflag:$0x1] =	stream.indirect.gather [hbm4b:s4+s23], $0x80, s3, s23, $0xb8;
	[tilespmem:$0x1C400] =	vst v63  }
0xe3: {  	_ = 	snop  }
0xe4: {  	[tilespmem:s24], [sflag:$0x2] =	stream.indirect.gather [hbm4b:s4+s23], $0x80, s23, s23, $0xb8;
	[tilespmem:$0x1C400] =	vst v63  }
0xe5: {  	_ =	swait.ge [sflag:s25], $0x4000  }
0xe6: {  	[sflag:s25] =	ssyncset.done $0x0  }
0xe7: {  	[sflag:s25] =	ssyncadd.s32 $0xFFFFC000  }
0xe8: {  	[spmem:s2] =	stream.indirect.scatter.add.f32 [tilespmem:s18], [sflag:$0x3], $0x80, s21, s23, $0xb8;
	[tilespmem:$0x1C400] =	vst v63  }
0xe9: {  	_ =	swait.ge [sflag:s26], $0x4000  }
0xea: {  	[sflag:s26] =	ssyncset.done $0x0  }
0xeb: {  	s10 =	simm.s32 $0x480;
	[sflag:s26] =	ssyncadd.s32 $0xFFFFC000  }
0xec: {  	[spmem:s2] =	stream.indirect.scatter.add.f32 [tilespmem:s24], [sflag:$0x4], $0x80, s10, s23, $0xb8;
	[tilespmem:$0x1C400] =	vst v63  }
0xed: {  	_ =	swait.ge [sflag:s29], $0x4000  }
0xee: {  	[sflag:s29] =	ssyncset.done $0x0  }
0xef: {  	[sflag:s29] =	ssyncadd.s32 $0xFFFFC000  }
0xf0: {  	_ =	swait.ge [sflag:s30], $0x4000  }
0xf1: {  	[sflag:s30] =	ssyncset.done $0x0  }
0xf2: {  	s19 =	simm.s32 $0x100;
	[sflag:s30] =	ssyncadd.s32 $0xFFFFC000  }
0xf3: {  	[tilespmem:s18], [sflag:$0x1] =	stream.indirect.gather [hbm4b:s4+s23], $0x80, s19, s23, $0xb8;
	[tilespmem:$0x1C400] =	vst v63  }
0xf4: {  	_ = 	snop  }
0xf5: {  	[tilespmem:s24], [sflag:$0x2] =	stream.indirect.gather [hbm4b:s4+s23], $0x80, s1, s23, $0xb8;
	[tilespmem:$0x1C400] =	vst v63  }
0xf6: {  	_ =	swait.ge [sflag:s25], $0x4000  }
0xf7: {  	[sflag:s25] =	ssyncset.done $0x0  }
0xf8: {  	[sflag:s25] =	ssyncadd.s32 $0xFFFFC000  }
0xf9: {  	[spmem:s2] =	stream.indirect.scatter.add.f32 [tilespmem:s18], [sflag:$0x3], $0x80, s0, s23, $0xb8;
	[tilespmem:$0x1C400] =	vst v63  }
0xfa: {  	_ =	swait.ge [sflag:s26], $0x4000  }
0xfb: {  	[sflag:s26] =	ssyncset.done $0x0  }
0xfc: {  	[sflag:s26] =	ssyncadd.s32 $0xFFFFC000  }
0xfd: {  	[spmem:s2] =	stream.indirect.scatter.add.f32 [tilespmem:s24], [sflag:$0x4], $0x80, s5, s23, $0xb8;
	[tilespmem:$0x1C400] =	vst v63  }
0xfe: {  	_ =	swait.ge [sflag:s29], $0x4000  }
0xff: {  	[sflag:s29] =	ssyncset.done $0x0  }
0x100: {  	[sflag:s29] =	ssyncadd.s32 $0xFFFFC000  }
0x101: {  	_ =	swait.ge [sflag:s30], $0x4000  }
0x102: {  	[sflag:s30] =	ssyncset.done $0x0  }
0x103: {  	[sflag:s30] =	ssyncadd.s32 $0xFFFFC000  }
0x104: {  	[tilespmem:s18], [sflag:$0x1] =	stream.indirect.gather [hbm4b:s4+s23], $0x80, s11, s23, $0xb8;
	[tilespmem:$0x1C400] =	vst v63  }
0x105: {  	_ = 	snop  }
0x106: {  	[tilespmem:s24], [sflag:$0x2] =	stream.indirect.gather [hbm4b:s4+s23], $0x80, s12, s23, $0xb8;
	[tilespmem:$0x1C400] =	vst v63  }
0x107: {  	_ =	swait.ge [sflag:s25], $0x4000  }
0x108: {  	[sflag:s25] =	ssyncset.done $0x0  }
0x109: {  	[sflag:s25] =	ssyncadd.s32 $0xFFFFC000  }
0x10a: {  	[spmem:s2] =	stream.indirect.scatter.add.f32 [tilespmem:s18], [sflag:$0x3], $0x80, s13, s23, $0xb8;
	[tilespmem:$0x1C400] =	vst v63  }
0x10b: {  	_ =	swait.ge [sflag:s26], $0x4000  }
0x10c: {  	[sflag:s26] =	ssyncset.done $0x0  }
0x10d: {  	[sflag:s26] =	ssyncadd.s32 $0xFFFFC000  }
0x10e: {  	[spmem:s2] =	stream.indirect.scatter.add.f32 [tilespmem:s24], [sflag:$0x4], $0x80, s14, s23, $0xb8;
	[tilespmem:$0x1C400] =	vst v63  }
0x10f: {  	_ =	swait.ge [sflag:s29], $0x4000  }
0x110: {  	[sflag:s29] =	ssyncset.done $0x0  }
0x111: {  	[sflag:s29] =	ssyncadd.s32 $0xFFFFC000  }
0x112: {  	_ =	swait.ge [sflag:s30], $0x4000  }
0x113: {  	[sflag:s30] =	ssyncset.done $0x0  }
0x114: {  	[sflag:s30] =	ssyncadd.s32 $0xFFFFC000  }
0x115: {  	[tilespmem:s18], [sflag:$0x1] =	stream.indirect.gather [hbm4b:s4+s23], $0x80, s15, s23, $0xb8;
	[tilespmem:$0x1C400] =	vst v63  }
0x116: {  	_ = 	snop  }
0x117: {  	[tilespmem:s24], [sflag:$0x2] =	stream.indirect.gather [hbm4b:s4+s23], $0x80, s16, s23, $0xb8;
	[tilespmem:$0x1C400] =	vst v63  }
0x118: {  	_ =	swait.ge [sflag:s25], $0x4000  }
0x119: {  	[sflag:s25] =	ssyncset.done $0x0  }
0x11a: {  	[sflag:s25] =	ssyncadd.s32 $0xFFFFC000  }
0x11b: {  	[spmem:s2] =	stream.indirect.scatter.add.f32 [tilespmem:s18], [sflag:$0x3], $0x80, s6, s23, $0xb8;
	[tilespmem:$0x1C400] =	vst v63  }
0x11c: {  	_ =	swait.ge [sflag:s26], $0x4000  }
0x11d: {  	[sflag:s26] =	ssyncset.done $0x0  }
0x11e: {  	[sflag:s26] =	ssyncadd.s32 $0xFFFFC000  }
0x11f: {  	[spmem:s2] =	stream.indirect.scatter.add.f32 [tilespmem:s24], [sflag:$0x4], $0x80, s7, s23, $0xb8;
	[tilespmem:$0x1C400] =	vst v63  }
0x120: {  	_ =	swait.ge [sflag:s29], $0x4000  }
0x121: {  	[sflag:s29] =	ssyncset.done $0x0  }
0x122: {  	[sflag:s29] =	ssyncadd.s32 $0xFFFFC000  }
0x123: {  	_ =	swait.ge [sflag:s30], $0x4000  }
0x124: {  	[sflag:s30] =	ssyncset.done $0x0  }
0x125: {  	[sflag:s30] =	ssyncadd.s32 $0xFFFFC000  }
0x126: {  	[bflag:$0x0] =	sbarrier.arrive $0xFFFF  }
0x127: {  	s19 =	simm.s32 $0x7;
	s9 =	rddreg [dreg:$0x6]  }
0x128: {  	[tilespmem:s18], [sflag:$0x7] =	stream.linear.gather [spmem:s9], $0x4000, $0x38;
	[tilespmem:$0x1C400] =	vst v63  }
0x129: {  	_ =	swait.ge [sflag:s19], $0x4000  }
0x12a: {  	[sflag:s19] =	ssyncset.done $0x0  }
0x12b: {  	s10 =	rddreg [dreg:$0xb];
	[sflag:s19] =	ssyncadd.s32 $0xFFFFC000  }
0x12c: {  	[hbm4b:s10+s3] =	stream.linear.scatter [tilespmem:s18], [sflag:$0x7], $0x4000, $0x38;
	[tilespmem:$0x1C400] =	vst v63  }
0x12d: {  	_ =	swait.ge [sflag:s19], $0x4000  }
0x12e: {  	[sflag:s19] =	ssyncset.done $0x0  }
0x12f: {  	s9 =	rddreg [dreg:$0x7];
	[sflag:s19] =	ssyncadd.s32 $0xFFFFC000  }
0x130: {  	[tilespmem:s18], [sflag:$0x7] =	stream.linear.gather [spmem:s9], $0x4000, $0x38;
	[tilespmem:$0x1C400] =	vst v63  }
0x131: {  	_ =	swait.ge [sflag:s19], $0x4000  }
0x132: {  	[sflag:s19] =	ssyncset.done $0x0  }
0x133: {  	s10 =	rddreg [dreg:$0xc];
	[sflag:s19] =	ssyncadd.s32 $0xFFFFC000  }
0x134: {  	[hbm4b:s10+s3] =	stream.linear.scatter [tilespmem:s18], [sflag:$0x7], $0x4000, $0x38;
	[tilespmem:$0x1C400] =	vst v63  }
0x135: {  	_ =	swait.ge [sflag:s19], $0x4000  }
0x136: {  	[sflag:s19] =	ssyncset.done $0x0  }
0x137: {  	s31 =	rddreg [dreg:$0x8];
	[sflag:s19] =	ssyncadd.s32 $0xFFFFC000  }
0x138: {  	[tilespmem:s18], [sflag:$0x7] =	stream.linear.gather [spmem:s31], $0x4000, $0x38;
	[tilespmem:$0x1C400] =	vst v63  }
0x139: {  	_ =	swait.ge [sflag:s19], $0x4000  }
0x13a: {  	[sflag:s19] =	ssyncset.done $0x0  }
0x13b: {  	s9 =	rddreg [dreg:$0xd];
	[sflag:s19] =	ssyncadd.s32 $0xFFFFC000  }
0x13c: {  	[hbm4b:s9+s3] =	stream.linear.scatter [tilespmem:s18], [sflag:$0x7], $0x4000, $0x38;
	[tilespmem:$0x1C400] =	vst v63  }
0x13d: {  	_ =	swait.ge [sflag:s19], $0x4000  }
0x13e: {  	[sflag:s19] =	ssyncset.done $0x0  }
0x13f: {  	s9 =	rddreg [dreg:$0x9];
	[sflag:s19] =	ssyncadd.s32 $0xFFFFC000  }
0x140: {  	[tilespmem:s18], [sflag:$0x7] =	stream.linear.gather [spmem:s9], $0x4000, $0x38;
	[tilespmem:$0x1C400] =	vst v63  }
0x141: {  	_ =	swait.ge [sflag:s19], $0x4000  }
0x142: {  	[sflag:s19] =	ssyncset.done $0x0  }
0x143: {  	s10 =	rddreg [dreg:$0xe];
	[sflag:s19] =	ssyncadd.s32 $0xFFFFC000  }
0x144: {  	[hbm4b:s10+s3] =	stream.linear.scatter [tilespmem:s18], [sflag:$0x7], $0x4000, $0x38;
	[tilespmem:$0x1C400] =	vst v63  }
0x145: {  	_ =	swait.ge [sflag:s19], $0x4000  }
0x146: {  	[sflag:s19] =	ssyncset.done $0x0  }
0x147: {  	s10 =	rddreg [dreg:$0xa];
	[sflag:s19] =	ssyncadd.s32 $0xFFFFC000  }
0x148: {  	[tilespmem:s18], [sflag:$0x7] =	stream.linear.gather [spmem:s10], $0x3C00, $0x38;
	[tilespmem:$0x1C400] =	vst v63  }
0x149: {  	_ =	swait.ge [sflag:s19], $0x3C00  }
0x14a: {  	[sflag:s19] =	ssyncset.done $0x0  }
0x14b: {  	s8 =	rddreg [dreg:$0xf];
	[sflag:s19] =	ssyncadd.s32 $0xFFFFC400  }
0x14c: {  	[hbm4b:s8+s3] =	stream.linear.scatter [tilespmem:s18], [sflag:$0x7], $0x3C00, $0x38;
	[tilespmem:$0x1C400] =	vst v63  }
0x14d: {  	_ =	swait.ge [sflag:s19], $0x3C00  }
0x14e: {  	s28 =	rddreg [dreg:$0x11]  }
0x14f: {  	[sflag:s19] =	ssyncset.done $0x0;
	s19 =	rddreg [dreg:$0x10];
	s28 =	sadd.s32 $0x1, s28  }
0x150: {  	p0 =	sne.s32 s28, s19  }
.Ltmp1:
0x151: {  	_ = 	snop;
	(pc) =	sbr.rel @p0 .LBB2_1-.Ltmp1, $3  }
0x152: {  	_ =	sdelay $0x1  }
0x153: {  	[dreg:$0x11] =	wrdreg s28;
	s19 =	simm.s32 $0x7  }
0x154: {  	s28 =	rddreg [dreg:$0x6];
	[sflag:s19] =	ssyncadd.s32 $0xFFFFC400  }
0x155: {  	_ =	sfence.sel $0x180000  }
0x156: {  	[bflag:$0x0] =	sbarrier.arrive $0xFFFF  }
0x157: {  	_ =	strace $0x9000004A  }
0x158: {  	s0 =	stileid.u32;
	[bflag:$0x2] =	sbarrier.arrive $0xFFFF  }
0x159: {  	p0 =	sne.s32 s0, $0x0;
	s0 =	rddreg [dreg:$0x3]  }
0x15a: {  	s0 =	sadd.s32 @!p0 $0x100000, s0  }
0x15b: {  	[sflag:s0] =	ssyncadd.tile.s32 @!p0 $0x1;
	_ =	shalt  }
.Lfunc_end2:
_tile_overlayer_lowered:
.L_overlay_start_2:
0x15c: {  	(tag) =	ssettag $0x2  }
0x15d: {  	s0 =	rddreg [dreg:$0x0];
	s2 =	stileid.u32  }
0x15e: {  	s1 =	rddreg [dreg:$0x1];
	p0 =	sne.s32 s2, $0x0  }
0x15f: {  	s3 =	rddreg [dreg:$0x2];
	[bflag:$0x3] =	sbarrier.arrive $0xFFFF;
	s2 =	simm.s32 @!p0 $0x1C07  }
0x160: {  	[timem:s3], [sflag:s2] =	dma.local @!p0 [hbm:s0], s1  }
0x161: {  	s0 =	simm.s32 @!p0 $0x7  }
0x162: {  	_ =	swait.ge @!p0 [sflag:s0], s1  }
0x163: {  	s1 =	ssub.s32 @!p0 $0x0, s1;
	[sflag:s0] =	ssyncset.done @!p0 $0x0  }
0x164: {  	[sflag:s0] =	ssyncadd.s32 @!p0 s1  }
0x165: {  	[bflag:$0x3] =	sbarrier.arrive $0xFFFF  }
0x166: {  	_ =	shalt  }

// kernel: kernel.15.cloned.1.call-start
scs
__scs_entry_jumppad:
0x0: {  	(pc) =	sbr.rel $0x88, $3  }
0x1: {  	(tag) =	ssettag $0x0;
	lr =	simm.s32 $0x1  }
0x2: {  	[smem:$0x3F9B] =	sst lr;
	_ =	strace $0xD0000000  }
0x3: {  	_ = 	snop  }
0x4: {  	_ = 	snop  }
0x5: {  	_ = 	snop  }
0x6: {  	_ = 	snop  }
0x7: {  	_ = 	snop  }
__scs_overlays_trampoline_lowered:
0x8: {  	[smem:$0x3FAA] =	sst s0  }
0x9: {  	[smem:$0x3FAB] =	sst s1  }
0xa: {  	[smem:$0x3FAC] =	sst s2  }
0xb: {  	[smem:$0x3FAD] =	sst s3  }
0xc: {  	[smem:$0x3FAE] =	sst s4  }
0xd: {  	[smem:$0x3FAF] =	sst s5  }
0xe: {  	[smem:$0x3FB0] =	sst s6  }
0xf: {  	[smem:$0x3FB1] =	sst s7  }
0x10: {  	[smem:$0x3FB2] =	sst s8  }
0x11: {  	[smem:$0x3FB3] =	sst s9;
	s0 =	simm.s32 @!p0 $0x0  }
0x12: {  	s1 =	sld [smem:$0x3F99];
	s0 =	simm.s32 @p0 $0x1  }
0x13: {  	[smem:$0x3FB4] =	sst s0;
	s0 =	simm.s32 @!p1 $0x0  }
0x14: {  	s2 =	sld [smem:$0x3F98];
	s0 =	simm.s32 @p1 $0x1  }
0x15: {  	[smem:$0x3FB5] =	sst s0;
	s0 =	simm.s32 @!p2 $0x0  }
0x16: {  	s3 =	sld [smem:$0x3FDB];
	s0 =	simm.s32 @p2 $0x1  }
0x17: {  	s4 =	simm.s32 $0x1BF5;
	[smem:$0x3FB7] =	sst s0  }
0x18: {  	s0 =	sld [smem:$0x3F9A];
	_ =	swait.ge [sflag:s4], $0x0  }
0x19: {  	s7 =	sld [smem:$0x3F9B]  }
0x1a: {  	s8 =	sadd.s32 $0xFFFFE003, lr  }
0x1b: {  	s9 =	sadd.s32 $0xFFFFFEF7, lr;
	s5 =	simm.s32 $0xFFFFFFFF;
	p2 =	slt.u32 s8, $0xFFFFF086  }
0x1c: {  	p1 =	slt.u32 s9, $0xF7A;
	s5 =	simm.s32 @!p2 $0x0  }
0x1d: {  	s5 =	simm.s32 @p1 $0x1;
	p0 =	seq.s32 s7, s2  }
0x1e: {  	s7 =	smul.u32 @!p0 $0xF7A, s2;
	p2 =	seq.s32 @!p0 s5, $0x0  }
0x1f: {  	s9 =	smul.u32 $0xF7A, s1;
	s8 =	simm.s32 @!p0 $0x1BF5;
	p2 =	por !p2, p0  }
0x20: {  	[sflag:s8] =	ssyncset.s32 @!p0 $0xFFFFF086;
	s6 =	sadd.s32 @!p0 s3, s7;
	s7 =	simm.s32 @!p0 $0x108  }
0x21: {  	s3 =	sadd.s32 s3, s9;
	s6 =	sadd.s32 @!p0 $0x88, s6;
	s7 =	simm.s32 @p2 $0x1082  }
0x22: {  	[simem:s7], [sflag:s8] =	dma.local @!p0 [hbm:s6], $0xF7A  }
0x23: {  	s9 =	sor.u32 $0xD0000000, s2;
	s6 =	simm.s32 $0x108;
	_ =	swait.ge @!p0 [sflag:s8], $0x0  }
0x24: {  	s3 =	sadd.s32 $0x88, s3;
	s6 =	simm.s32 @!p1 $0x1082;
	[sflag:s4] =	ssyncset.s32 $0xFFFFF086  }
0x25: {  	[simem:s6], [sflag:s4] =	dma.local [hbm:s3], $0xF7A  }
0x26: {  	[smem:$0x3F9B] =	sst s1;
	(tag) =	ssettag s2;
	_ =	strace s9  }
0x27: {  	s1 =	sld [smem:$0x3FAB]  }
0x28: {  	s2 =	sld [smem:$0x3FAC]  }
0x29: {  	s4 =	sld [smem:$0x3FAE]  }
0x2a: {  	p0 =	seq.s32 s5, $0x0;
	s5 =	sld [smem:$0x3FAF]  }
0x2b: {  	s6 =	sld [smem:$0x3FB0]  }
0x2c: {  	s7 =	sld [smem:$0x3FB1]  }
0x2d: {  	s3 =	simm.s32 $0x108;
	s8 =	sld [smem:$0x3FB2]  }
0x2e: {  	s3 =	simm.s32 @!p0 $0x1082;
	s9 =	sld [smem:$0x3FB3]  }
0x2f: {  	lr =	sadd.s32 s0, s3;
	s0 =	sld [smem:$0x3FAA]  }
0x30: {  	s3 =	sld [smem:$0x3FAD]  }
0x31: {  	[smem:$0x3FB6] =	sst s10  }
0x32: {  	s10 =	sld [smem:$0x3FB4];
	_ =	sdelay $0x3  }
0x33: {  	p0 =	seq.s32 s10, $0x1;
	s10 =	sld [smem:$0x3FB6];
	_ =	sdelay $0x3  }
0x34: {  	[smem:$0x3FB6] =	sst s10  }
0x35: {  	s10 =	sld [smem:$0x3FB5];
	_ =	sdelay $0x3  }
0x36: {  	p1 =	seq.s32 s10, $0x1;
	s10 =	sld [smem:$0x3FB6];
	_ =	sdelay $0x3  }
0x37: {  	[smem:$0x3FB6] =	sst s10  }
0x38: {  	s10 =	sld [smem:$0x3FB7]  }
0x39: {  	_ = 	snop;
	(pc) =	sbr.ind lr, $3  }
0x3a: {  	_ = 	snop  }
0x3b: {  	_ = 	snop  }
0x3c: {  	p2 =	seq.s32 s10, $0x1;
	s10 =	sld [smem:$0x3FB6]  }
0x3d: {  	_ =	shalt  }
0x3e: {  	_ =	shalt  }
0x3f: {  	_ =	shalt  }
0x40: {  	_ =	shalt  }
0x41: {  	_ =	shalt  }
0x42: {  	_ =	shalt  }
0x43: {  	_ =	shalt  }
0x44: {  	_ =	shalt  }
0x45: {  	_ =	shalt  }
0x46: {  	_ =	shalt  }
0x47: {  	_ =	shalt  }
0x48: {  	_ =	shalt  }
0x49: {  	_ =	shalt  }
0x4a: {  	_ =	shalt  }
0x4b: {  	_ =	shalt  }
0x4c: {  	_ =	shalt  }
0x4d: {  	_ =	shalt  }
0x4e: {  	_ =	shalt  }
0x4f: {  	_ =	shalt  }
0x50: {  	_ =	shalt  }
0x51: {  	_ =	shalt  }
0x52: {  	_ =	shalt  }
0x53: {  	_ =	shalt  }
0x54: {  	_ =	shalt  }
0x55: {  	_ =	shalt  }
0x56: {  	_ =	shalt  }
0x57: {  	_ =	shalt  }
0x58: {  	_ =	shalt  }
0x59: {  	_ =	shalt  }
0x5a: {  	_ =	shalt  }
0x5b: {  	_ =	shalt  }
0x5c: {  	_ =	shalt  }
0x5d: {  	_ =	shalt  }
0x5e: {  	_ =	shalt  }
0x5f: {  	_ =	shalt  }
0x60: {  	_ =	shalt  }
0x61: {  	_ =	shalt  }
0x62: {  	_ =	shalt  }
0x63: {  	_ =	shalt  }
0x64: {  	_ =	shalt  }
0x65: {  	_ =	shalt  }
0x66: {  	_ =	shalt  }
0x67: {  	_ =	shalt  }
0x68: {  	_ =	shalt  }
0x69: {  	_ =	shalt  }
0x6a: {  	_ =	shalt  }
0x6b: {  	_ =	shalt  }
0x6c: {  	_ =	shalt  }
0x6d: {  	_ =	shalt  }
0x6e: {  	_ =	shalt  }
0x6f: {  	_ =	shalt  }
0x70: {  	_ =	shalt  }
0x71: {  	_ =	shalt  }
0x72: {  	_ =	shalt  }
0x73: {  	_ =	shalt  }
0x74: {  	_ =	shalt  }
0x75: {  	_ =	shalt  }
0x76: {  	_ =	shalt  }
0x77: {  	_ =	shalt  }
0x78: {  	_ =	shalt  }
0x79: {  	_ =	shalt  }
0x7a: {  	_ =	shalt  }
0x7b: {  	_ =	shalt  }
0x7c: {  	_ =	shalt  }
0x7d: {  	_ =	shalt  }
0x7e: {  	_ =	shalt  }
0x7f: {  	_ =	shalt  }
0x80: {  	_ =	shalt  }
0x81: {  	_ =	shalt  }
0x82: {  	_ =	shalt  }
0x83: {  	_ =	shalt  }
0x84: {  	_ =	shalt  }
0x85: {  	_ =	shalt  }
0x86: {  	_ =	shalt  }
0x87: {  	_ =	shalt  }
.Lfunc_end0:
.L_simem_size_0:
called_computation.2_lowered:
.L_overlay_start_0:
0x88: {  	s2 =	sld [smem:$0x3FD9]  }
0x89: {  	s3 =	sld [smem:$0x3FFE];
	_ =	sdelay $0x1  }
0x8a: {  	s1 =	srdreg.scid  }
0x8b: {  	s0 =	sand.u32 $0x1, s1  }
0x8c: {  	s17 =	sshll.u32 s0, $0xA;
	s2 =	sadd.s32 s3, s2  }
0x8d: {  	s2 =	sadd.s32 s2, s17  }
0x8e: {  	[smem:$0x3FC2] =	sst s2  }
0x8f: {  	_ = 	snop  }
0x90: {  	s2 =	sld [smem:$0x3FD0];
	(tm) =	ssettm $0x1  }
0x91: {  	s18 =	sld [smem:$0x3FFB];
	_ =	sdelay $0x3  }
0x92: {  	_ =	strace s18  }
0x93: {  	s3 =	sld [smem:$0x3FFC];
	_ =	sdelay $0x3  }
0x94: {  	_ =	strace s3  }
0x95: {  	s3 =	sld [smem:$0x3FFD];
	_ =	sdelay $0x3  }
0x96: {  	_ =	strace s3  }
0x97: {  	_ =	strace $0x8FFFFFFF  }
0x98: {  	s19 =	sld [smem:$0x3FDB];
	_ =	sdelay $0x1  }
0x99: {  	s4 =	simm.s32 $_scs_section_size  }
0x9a: {  	s5 =	simm.s32 $_size__tile_overlayer_lowered;
	s6 =	simm.s32 $_tile_overlayer_lowered  }
0x9b: {  	s22 =	simm.s32 $0x1BFF;
	s21 =	sshll.u32 s6, $0x1;
	s3 =	sadd.s32 s4, s19  }
0x9c: {  	s7 =	simm.s32 $0x0;
	s20 =	sshll.u32 s5, $0x1;
	s5 =	sadd.s32 s21, s3  }
0x9d: {  	[timem:s7], [sflag:s22] =	dma.local [hbm:s5], s20  }
0x9e: {  	_ =	swait.ge [sflag:s22], s20  }
0x9f: {  	s4 =	ssub.s32 $0x0, s20;
	[sflag:s22] =	ssyncset.done $0x0  }
0xa0: {  	[sflag:s22] =	ssyncadd.s32 s4;
	_ =	sdelay $0x1  }
0xa1: {  	s23 =	simm.s32 $0x1B8B  }
0xa2: {  	_ =	swait.ge [sflag:s23], $0x1  }
0xa3: {  	[sflag:s23] =	ssyncset.done $0x0  }
0xa4: {  	s25 =	simm.s32 $0x1B8E;
	s24 =	sld [smem:$0x3FFE];
	[sflag:s23] =	ssyncadd.s32 $0xFFFFFFFF  }
0xa5: {  	s26 =	simm.s32 $execute0_lowered;
	[smem:$0x3FD2] =	sst s25  }
0xa6: {  	s5 =	sshll.u32 s26, $0x1;
	_ =	strace $0x8000004C;
	[dreg:$0x1] =	wrdreg $0xFFFFFFFF  }
0xa7: {  	s28 =	simm.s32 $_size_execute0_lowered;
	s3 =	sadd.s32 s3, s5;
	[dreg:$0x0] =	wrdreg $0x0  }
0xa8: {  	s5 =	sshll.u32 s28, $0x1;
	[dreg:$0x2] =	wrdreg s3  }
0xa9: {  	[dreg:$0x3] =	wrdreg s5  }
0xaa: {  	[dreg:$0x4] =	wrdreg $0xC0  }
0xab: {  	_ =	task [dreg:s7], $0x5FFFF  }
0xac: {  	[dreg:$0x1] =	wrdreg $0xFFFFFFFF  }
0xad: {  	[dreg:$0x0] =	wrdreg $0x60  }
0xae: {  	[dreg:$0x2] =	wrdreg s24  }
0xaf: {  	[dreg:$0x3] =	wrdreg s2  }
0xb0: {  	[dreg:$0x4] =	wrdreg $0x88000  }
0xb1: {  	[dreg:$0x5] =	wrdreg $0x9  }
0xb2: {  	_ =	task.clear_ibuf [dreg:s7], $0x6FFFF;
	_ =	strace $0x9000004C  }
0xb3: {  	s29 =	simm.s32 $0x9;
	_ =	strace $0x8000004E  }
0xb4: {  	_ =	swait.ge [sflag:s29], $0x1  }
0xb5: {  	[sflag:s29] =	ssyncadd.s32 $0xFFFFFFFF  }
0xb6: {  	_ =	strace $0x9000004E  }
0xb7: {  	_ =	sfence  }
0xb8: {  	s30 =	sld [smem:$0x0];
	_ =	sdelay $0x2  }
0xb9: {  	s31 =	sshll.u32 s1, $0xD;
	s1 =	sshrl.u32 s1, $0x2  }
0xba: {  	s3 =	sand.u32 $0x4000, s31;
	s1 =	sadd.s32 s1, s30  }
0xbb: {  	s0 =	sor.u32 s3, s0;
	s1 =	sshll.u32 s1, $0x11  }
0xbc: {  	s0 =	sor.u32 s1, s0  }
0xbd: {  	s0 =	sadd.s32 $0x8F2B, s0  }
0xbe: {  	[sflag:s0] =	ssyncadd.remote.s32 $0x1  }
0xbf: {  	_ =	sfence.sel $0xFFFF  }
0xc0: {  	[dreg:$0x0] =	wrdreg $0xFFFFFFFF;
	(pc) =	sbr.abs _section_cstart, $3  }
0xc1: {  	[dreg:$0x1] =	wrdreg $0xFFFFFFFF  }
0xc2: {  	_ =	task.clear_ibuf [dreg:s7], $0x2FFFF;
	_ =	strace $0x9FFFFFFF  }
0xc3: {  	(tm) =	ssettm $0x7FFFFFFF  }
tec
execute0_lowered:
.L_overlay_start_1:
0x0: {  	(tag) =	ssettag $0x1  }
0x1: {  	s0 =	rddreg [dreg:$0x0]  }
0x2: {  	s1 =	srdreg.scid;
	s5 =	rddreg [dreg:$0x1]  }
0x3: {  	s11 =	stileid.u32;
	s2 =	rddreg [dreg:$0x2]  }
0x4: {  	s3 =	simm.s32 $0x0;
	s20 =	simm.s32 $0x5;
	s21 =	simm.s32 $0x400  }
0x5: {  	s22 =	simm.s32 $0x6;
	s29 =	simm.s32 $0x3;
	s6 =	smul.u32 $0x2800, s11  }
0x6: {  	s30 =	simm.s32 $0x4;
	s19 =	simm.s32 $0x0;
	s9 =	smul.u32 $0x4F000, s11  }
0x7: {  	s1 =	sand.u32 $0x1, s1;
	[smem:$0x7FF] =	sst s3;
	s11 =	smul.u32 $0x13C00, s11  }
0x8: {  	s10 =	sadd.s32 $0x34200, s0;
	s4 =	smul.u32 $0x28000, s1;
	_ =	strace $0x8000004D  }
0x9: {  	s8 =	ssub.s32 $0x2, s1;
	[dreg:$0x5] =	wrdreg s10;
	s1 =	smul.u32 $0x13C000, s1  }
0xa: {  	[dreg:$0x11] =	wrdreg s19;
	s23 =	sshrl.u32 s8, $0x1;
	s9 =	sshrl.u32 s9, $0x2  }
0xb: {  	s24 =	sadd.s32 $0x4000, s11;
	s26 =	sadd.s32 $0x8000, s11;
	s12 =	sadd.s32 $0xC000, s11  }
0xc: {  	s6 =	sadd.s32 s6, s4;
	s4 =	sadd.s32 $0xCA00, s0;
	s8 =	ssub.s32 s8, s23  }
0xd: {  	s28 =	sadd.s32 s9, s2;
	s25 =	sadd.s32 s24, s2;
	s31 =	sadd.s32 s26, s2  }
0xe: {  	s14 =	sadd.s32 s12, s2;
	s13 =	sadd.s32 s11, s1;
	s11 =	sadd.s32 $0x10000, s11  }
0xf: {  	s9 =	sadd.s32 s1, s24;
	s16 =	sadd.s32 s1, s12;
	s23 =	simm.s32 $0x80  }
0x10: {  	s24 =	simm.s32 $0x4800;
	s12 =	simm.s32 $0x280;
	s6 =	sshrl.u32 s6, $0x3  }
0x11: {  	[dreg:$0x7] =	wrdreg s25;
	s13 =	sshrl.u32 s13, $0x3;
	s15 =	sadd.s32 s11, s2  }
0x12: {  	s9 =	sshrl.u32 s9, $0x3;
	s10 =	sshrl.u32 s16, $0x3;
	s17 =	smax.u32 s8, $0x1  }
0x13: {  	s25 =	simm.s32 $0x1;
	s16 =	simm.s32 $0x380;
	[dreg:$0x6] =	wrdreg s28  }
0x14: {  	[dreg:$0x8] =	wrdreg s31;
	s7 =	sadd.s32 s6, s0;
	s0 =	sadd.s32 $0x34A00, s0  }
0x15: {  	[dreg:$0x10] =	wrdreg s17;
	s17 =	sadd.s32 s6, s5;
	s5 =	simm.s32 $0x580  }
0x16: {  	s6 =	simm.s32 $0x700;
	s13 =	sadd.s32 s0, s13;
	s9 =	sadd.s32 s0, s9  }
0x17: {  	s10 =	sadd.s32 s0, s10;
	s18 =	sadd.s32 $0x2A00, s7;
	[dreg:$0xb] =	wrdreg s13  }
0x18: {  	s7 =	simm.s32 $0x780;
	[dreg:$0xc] =	wrdreg s9;
	s13 =	sadd.s32 s1, s26  }
0x19: {  	s1 =	sadd.s32 s1, s11;
	[dreg:$0xe] =	wrdreg s10;
	s10 =	smov.u32 s15  }
0x1a: {  	[dreg:$0x4] =	wrdreg s18;
	s18 =	simm.s32 $0x800;
	s26 =	simm.s32 $0x2  }
0x1b: {  	s11 =	simm.s32 $0x200;
	s15 =	simm.s32 $0x300;
	s9 =	sshrl.u32 s13, $0x3  }
0x1c: {  	s1 =	sshrl.u32 s1, $0x3;
	[dreg:$0xa] =	wrdreg s10;
	s9 =	sadd.s32 s0, s9  }
0x1d: {  	s13 =	simm.s32 $0x600;
	s0 =	sadd.s32 s0, s1;
	[dreg:$0xd] =	wrdreg s9  }
0x1e: {  	s1 =	simm.s32 $0x180;
	s9 =	smov.u32 s14;
	[dreg:$0xf] =	wrdreg s0  }
0x1f: {  	s0 =	simm.s32 $0x500;
	s14 =	simm.s32 $0x680;
	[dreg:$0x9] =	wrdreg s9  }
.LBB2_1:
0x20: {  	s19 =	simm.s32 $0x7;
	s8 =	rddreg [dreg:$0x5]  }
0x21: {  	[tilespmem:s18], [sflag:$0x7] =	stream.linear.gather [hbm4b:s8+s3], $0x4000, $0x38;
	[tilespmem:$0x1C400] =	vst v63  }
0x22: {  	_ =	swait.ge [sflag:s19], $0x4000  }
0x23: {  	[sflag:s19] =	ssyncset.done $0x0  }
0x24: {  	[sflag:s19] =	ssyncadd.s32 $0xFFFFC000  }
0x25: {  	[spmem:s28] =	stream.linear.scatter [tilespmem:s18], [sflag:$0x5], $0x4000, $0x38;
	[tilespmem:$0x1C400] =	vst v63  }
0x26: {  	s28 =	rddreg [dreg:$0x7]  }
0x27: {  	[spmem:s28] =	stream.linear.scatter [tilespmem:s18], [sflag:$0x5], $0x4000, $0x38;
	[tilespmem:$0x1C400] =	vst v63  }
0x28: {  	_ = 	snop  }
0x29: {  	[spmem:s31] =	stream.linear.scatter [tilespmem:s18], [sflag:$0x5], $0x4000, $0x38;
	[tilespmem:$0x1C400] =	vst v63  }
0x2a: {  	_ = 	snop  }
0x2b: {  	[spmem:s9] =	stream.linear.scatter [tilespmem:s18], [sflag:$0x5], $0x4000, $0x38;
	[tilespmem:$0x1C400] =	vst v63  }
0x2c: {  	_ = 	snop  }
0x2d: {  	[spmem:s10] =	stream.linear.scatter [tilespmem:s18], [sflag:$0x5], $0x3C00, $0x38;
	[tilespmem:$0x1C400] =	vst v63  }
0x2e: {  	_ =	swait.ge [sflag:s20], $0x4000  }
0x2f: {  	[sflag:s20] =	ssyncset.done $0x0  }
0x30: {  	[sflag:s20] =	ssyncadd.s32 $0xFFFFC000  }
0x31: {  	_ =	swait.ge [sflag:s20], $0x4000  }
0x32: {  	[sflag:s20] =	ssyncset.done $0x0  }
0x33: {  	[sflag:s20] =	ssyncadd.s32 $0xFFFFC000  }
0x34: {  	_ =	swait.ge [sflag:s20], $0x4000  }
0x35: {  	[sflag:s20] =	ssyncset.done $0x0  }
0x36: {  	[sflag:s20] =	ssyncadd.s32 $0xFFFFC000  }
0x37: {  	_ =	swait.ge [sflag:s20], $0x4000  }
0x38: {  	[sflag:s20] =	ssyncset.done $0x0  }
0x39: {  	[sflag:s20] =	ssyncadd.s32 $0xFFFFC000  }
0x3a: {  	_ =	swait.ge [sflag:s20], $0x3C00  }
0x3b: {  	[sflag:s20] =	ssyncset.done $0x0  }
0x3c: {  	[sflag:s20] =	ssyncadd.s32 $0xFFFFC400  }
0x3d: {  	[bflag:$0x0] =	sbarrier.arrive $0xFFFF  }
0x3e: {  	s19 =	sadd.s32 $0x0, s17;
	s10 =	rddreg [dreg:$0x4]  }
0x3f: {  	[tilespmem:s3], [sflag:$0x5] =	stream.linear.gather [hbm4b:s19+s3], $0x400, $0x38;
	[tilespmem:$0x1C400] =	vst v63  }
0x40: {  	s8 =	sadd.s32 $0x0, s10  }
0x41: {  	[tilespmem:s21], [sflag:$0x6] =	stream.linear.gather [hbm4b:s8+s3], $0x400, $0x38;
	[tilespmem:$0x1C400] =	vst v63  }
0x42: {  	_ =	swait.ge [sflag:s20], $0x400  }
0x43: {  	[sflag:s20] =	ssyncset.done $0x0  }
0x44: {  	[sflag:s20] =	ssyncadd.s32 $0xFFFFFC00  }
0x45: {  	_ =	swait.ge [sflag:s22], $0x400  }
0x46: {  	[sflag:s22] =	ssyncset.done $0x0  }
0x47: {  	[sflag:s22] =	ssyncadd.s32 $0xFFFFFC00  }
0x48: {  	[tilespmem:s18], [sflag:$0x1] =	stream.indirect.gather [hbm4b:s4+s23], $0x80, s3, s23, $0xb8;
	[tilespmem:$0x1C400] =	vst v63  }
0x49: {  	_ = 	snop  }
0x4a: {  	[tilespmem:s24], [sflag:$0x2] =	stream.indirect.gather [hbm4b:s4+s23], $0x80, s23, s23, $0xb8;
	[tilespmem:$0x1C400] =	vst v63  }
0x4b: {  	_ =	swait.ge [sflag:s25], $0x4000  }
0x4c: {  	[sflag:s25] =	ssyncset.done $0x0  }
0x4d: {  	[sflag:s25] =	ssyncadd.s32 $0xFFFFC000  }
0x4e: {  	[spmem:s2] =	stream.indirect.scatter.add.f32 [tilespmem:s18], [sflag:$0x3], $0x80, s21, s23, $0xb8;
	[tilespmem:$0x1C400] =	vst v63  }
0x4f: {  	_ =	swait.ge [sflag:s26], $0x4000  }
0x50: {  	[sflag:s26] =	ssyncset.done $0x0  }
0x51: {  	s28 =	simm.s32 $0x480;
	[sflag:s26] =	ssyncadd.s32 $0xFFFFC000  }
0x52: {  	[spmem:s2] =	stream.indirect.scatter.add.f32 [tilespmem:s24], [sflag:$0x4], $0x80, s28, s23, $0xb8;
	[tilespmem:$0x1C400] =	vst v63  }
0x53: {  	_ =	swait.ge [sflag:s29], $0x4000  }
0x54: {  	[sflag:s29] =	ssyncset.done $0x0  }
0x55: {  	[sflag:s29] =	ssyncadd.s32 $0xFFFFC000  }
0x56: {  	_ =	swait.ge [sflag:s30], $0x4000  }
0x57: {  	[sflag:s30] =	ssyncset.done $0x0  }
0x58: {  	s31 =	simm.s32 $0x100;
	[sflag:s30] =	ssyncadd.s32 $0xFFFFC000  }
0x59: {  	[tilespmem:s18], [sflag:$0x1] =	stream.indirect.gather [hbm4b:s4+s23], $0x80, s31, s23, $0xb8;
	[tilespmem:$0x1C400] =	vst v63  }
0x5a: {  	_ = 	snop  }
0x5b: {  	[tilespmem:s24], [sflag:$0x2] =	stream.indirect.gather [hbm4b:s4+s23], $0x80, s1, s23, $0xb8;
	[tilespmem:$0x1C400] =	vst v63  }
0x5c: {  	_ =	swait.ge [sflag:s25], $0x4000  }
0x5d: {  	[sflag:s25] =	ssyncset.done $0x0  }
0x5e: {  	[sflag:s25] =	ssyncadd.s32 $0xFFFFC000  }
0x5f: {  	[spmem:s2] =	stream.indirect.scatter.add.f32 [tilespmem:s18], [sflag:$0x3], $0x80, s0, s23, $0xb8;
	[tilespmem:$0x1C400] =	vst v63  }
0x60: {  	_ =	swait.ge [sflag:s26], $0x4000  }
0x61: {  	[sflag:s26] =	ssyncset.done $0x0  }
0x62: {  	[sflag:s26] =	ssyncadd.s32 $0xFFFFC000  }
0x63: {  	[spmem:s2] =	stream.indirect.scatter.add.f32 [tilespmem:s24], [sflag:$0x4], $0x80, s5, s23, $0xb8;
	[tilespmem:$0x1C400] =	vst v63  }
0x64: {  	_ =	swait.ge [sflag:s29], $0x4000  }
0x65: {  	[sflag:s29] =	ssyncset.done $0x0  }
0x66: {  	[sflag:s29] =	ssyncadd.s32 $0xFFFFC000  }
0x67: {  	_ =	swait.ge [sflag:s30], $0x4000  }
0x68: {  	[sflag:s30] =	ssyncset.done $0x0  }
0x69: {  	[sflag:s30] =	ssyncadd.s32 $0xFFFFC000  }
0x6a: {  	[tilespmem:s18], [sflag:$0x1] =	stream.indirect.gather [hbm4b:s4+s23], $0x80, s11, s23, $0xb8;
	[tilespmem:$0x1C400] =	vst v63  }
0x6b: {  	_ = 	snop  }
0x6c: {  	[tilespmem:s24], [sflag:$0x2] =	stream.indirect.gather [hbm4b:s4+s23], $0x80, s12, s23, $0xb8;
	[tilespmem:$0x1C400] =	vst v63  }
0x6d: {  	_ =	swait.ge [sflag:s25], $0x4000  }
0x6e: {  	[sflag:s25] =	ssyncset.done $0x0  }
0x6f: {  	[sflag:s25] =	ssyncadd.s32 $0xFFFFC000  }
0x70: {  	[spmem:s2] =	stream.indirect.scatter.add.f32 [tilespmem:s18], [sflag:$0x3], $0x80, s13, s23, $0xb8;
	[tilespmem:$0x1C400] =	vst v63  }
0x71: {  	_ =	swait.ge [sflag:s26], $0x4000  }
0x72: {  	[sflag:s26] =	ssyncset.done $0x0  }
0x73: {  	[sflag:s26] =	ssyncadd.s32 $0xFFFFC000  }
0x74: {  	[spmem:s2] =	stream.indirect.scatter.add.f32 [tilespmem:s24], [sflag:$0x4], $0x80, s14, s23, $0xb8;
	[tilespmem:$0x1C400] =	vst v63  }
0x75: {  	_ =	swait.ge [sflag:s29], $0x4000  }
0x76: {  	[sflag:s29] =	ssyncset.done $0x0  }
0x77: {  	[sflag:s29] =	ssyncadd.s32 $0xFFFFC000  }
0x78: {  	_ =	swait.ge [sflag:s30], $0x4000  }
0x79: {  	[sflag:s30] =	ssyncset.done $0x0  }
0x7a: {  	[sflag:s30] =	ssyncadd.s32 $0xFFFFC000  }
0x7b: {  	[tilespmem:s18], [sflag:$0x1] =	stream.indirect.gather [hbm4b:s4+s23], $0x80, s15, s23, $0xb8;
	[tilespmem:$0x1C400] =	vst v63  }
0x7c: {  	_ = 	snop  }
0x7d: {  	[tilespmem:s24], [sflag:$0x2] =	stream.indirect.gather [hbm4b:s4+s23], $0x80, s16, s23, $0xb8;
	[tilespmem:$0x1C400] =	vst v63  }
0x7e: {  	_ =	swait.ge [sflag:s25], $0x4000  }
0x7f: {  	[sflag:s25] =	ssyncset.done $0x0  }
0x80: {  	[sflag:s25] =	ssyncadd.s32 $0xFFFFC000  }
0x81: {  	[spmem:s2] =	stream.indirect.scatter.add.f32 [tilespmem:s18], [sflag:$0x3], $0x80, s6, s23, $0xb8;
	[tilespmem:$0x1C400] =	vst v63  }
0x82: {  	_ =	swait.ge [sflag:s26], $0x4000  }
0x83: {  	[sflag:s26] =	ssyncset.done $0x0  }
0x84: {  	[sflag:s26] =	ssyncadd.s32 $0xFFFFC000  }
0x85: {  	[spmem:s2] =	stream.indirect.scatter.add.f32 [tilespmem:s24], [sflag:$0x4], $0x80, s7, s23, $0xb8;
	[tilespmem:$0x1C400] =	vst v63  }
0x86: {  	_ =	swait.ge [sflag:s29], $0x4000  }
0x87: {  	[sflag:s29] =	ssyncset.done $0x0  }
0x88: {  	[sflag:s29] =	ssyncadd.s32 $0xFFFFC000  }
0x89: {  	s9 =	simm.s32 $0x80;
	_ =	swait.ge [sflag:s30], $0x4000  }
0x8a: {  	s10 =	simm.s32 $0x100;
	s8 =	rddreg [dreg:$0x4];
	[sflag:s30] =	ssyncset.done $0x0  }
.LBB2_2:
0x8b: {  	s28 =	sadd.s32 s9, s17;
	[sflag:s30] =	ssyncadd.s32 $0xFFFFC000  }
0x8c: {  	[tilespmem:s3], [sflag:$0x5] =	stream.linear.gather [hbm4b:s28+s3], $0x400, $0x38;
	[tilespmem:$0x1C400] =	vst v63  }
0x8d: {  	s8 =	sadd.s32 s9, s8  }
0x8e: {  	[tilespmem:s21], [sflag:$0x6] =	stream.linear.gather [hbm4b:s8+s3], $0x400, $0x38;
	[tilespmem:$0x1C400] =	vst v63  }
0x8f: {  	_ =	swait.ge [sflag:s20], $0x400  }
0x90: {  	[sflag:s20] =	ssyncset.done $0x0  }
0x91: {  	[sflag:s20] =	ssyncadd.s32 $0xFFFFFC00  }
0x92: {  	_ =	swait.ge [sflag:s22], $0x400  }
0x93: {  	[sflag:s22] =	ssyncset.done $0x0  }
0x94: {  	[sflag:s22] =	ssyncadd.s32 $0xFFFFFC00  }
0x95: {  	[tilespmem:s18], [sflag:$0x1] =	stream.indirect.gather [hbm4b:s4+s23], $0x80, s3, s23, $0xb8;
	[tilespmem:$0x1C400] =	vst v63  }
0x96: {  	_ = 	snop  }
0x97: {  	[tilespmem:s24], [sflag:$0x2] =	stream.indirect.gather [hbm4b:s4+s23], $0x80, s23, s23, $0xb8;
	[tilespmem:$0x1C400] =	vst v63  }
0x98: {  	_ =	swait.ge [sflag:s25], $0x4000  }
0x99: {  	[sflag:s25] =	ssyncset.done $0x0  }
0x9a: {  	[sflag:s25] =	ssyncadd.s32 $0xFFFFC000  }
0x9b: {  	[spmem:s2] =	stream.indirect.scatter.add.f32 [tilespmem:s18], [sflag:$0x3], $0x80, s21, s23, $0xb8;
	[tilespmem:$0x1C400] =	vst v63  }
0x9c: {  	_ =	swait.ge [sflag:s26], $0x4000  }
0x9d: {  	[sflag:s26] =	ssyncset.done $0x0  }
0x9e: {  	s28 =	simm.s32 $0x480;
	[sflag:s26] =	ssyncadd.s32 $0xFFFFC000  }
0x9f: {  	[spmem:s2] =	stream.indirect.scatter.add.f32 [tilespmem:s24], [sflag:$0x4], $0x80, s28, s23, $0xb8;
	[tilespmem:$0x1C400] =	vst v63  }
0xa0: {  	_ =	swait.ge [sflag:s29], $0x4000  }
0xa1: {  	[sflag:s29] =	ssyncset.done $0x0  }
0xa2: {  	[sflag:s29] =	ssyncadd.s32 $0xFFFFC000  }
0xa3: {  	_ =	swait.ge [sflag:s30], $0x4000  }
0xa4: {  	s31 =	smov.u32 s10;
	[sflag:s30] =	ssyncset.done $0x0  }
0xa5: {  	s9 =	smov.u32 s31;
	s31 =	simm.s32 $0x100;
	[sflag:s30] =	ssyncadd.s32 $0xFFFFC000  }
0xa6: {  	[tilespmem:s18], [sflag:$0x1] =	stream.indirect.gather [hbm4b:s4+s23], $0x80, s31, s23, $0xb8;
	[tilespmem:$0x1C400] =	vst v63  }
0xa7: {  	_ = 	snop  }
0xa8: {  	[tilespmem:s24], [sflag:$0x2] =	stream.indirect.gather [hbm4b:s4+s23], $0x80, s1, s23, $0xb8;
	[tilespmem:$0x1C400] =	vst v63  }
0xa9: {  	_ =	swait.ge [sflag:s25], $0x4000  }
0xaa: {  	[sflag:s25] =	ssyncset.done $0x0  }
0xab: {  	[sflag:s25] =	ssyncadd.s32 $0xFFFFC000  }
0xac: {  	[spmem:s2] =	stream.indirect.scatter.add.f32 [tilespmem:s18], [sflag:$0x3], $0x80, s0, s23, $0xb8;
	[tilespmem:$0x1C400] =	vst v63  }
0xad: {  	_ =	swait.ge [sflag:s26], $0x4000  }
0xae: {  	[sflag:s26] =	ssyncset.done $0x0  }
0xaf: {  	[sflag:s26] =	ssyncadd.s32 $0xFFFFC000  }
0xb0: {  	[spmem:s2] =	stream.indirect.scatter.add.f32 [tilespmem:s24], [sflag:$0x4], $0x80, s5, s23, $0xb8;
	[tilespmem:$0x1C400] =	vst v63  }
0xb1: {  	_ =	swait.ge [sflag:s29], $0x4000  }
0xb2: {  	[sflag:s29] =	ssyncset.done $0x0  }
0xb3: {  	[sflag:s29] =	ssyncadd.s32 $0xFFFFC000  }
0xb4: {  	_ =	swait.ge [sflag:s30], $0x4000  }
0xb5: {  	[sflag:s30] =	ssyncset.done $0x0  }
0xb6: {  	[sflag:s30] =	ssyncadd.s32 $0xFFFFC000  }
0xb7: {  	[tilespmem:s18], [sflag:$0x1] =	stream.indirect.gather [hbm4b:s4+s23], $0x80, s11, s23, $0xb8;
	[tilespmem:$0x1C400] =	vst v63  }
0xb8: {  	_ = 	snop  }
0xb9: {  	[tilespmem:s24], [sflag:$0x2] =	stream.indirect.gather [hbm4b:s4+s23], $0x80, s12, s23, $0xb8;
	[tilespmem:$0x1C400] =	vst v63  }
0xba: {  	_ =	swait.ge [sflag:s25], $0x4000  }
0xbb: {  	[sflag:s25] =	ssyncset.done $0x0  }
0xbc: {  	[sflag:s25] =	ssyncadd.s32 $0xFFFFC000  }
0xbd: {  	[spmem:s2] =	stream.indirect.scatter.add.f32 [tilespmem:s18], [sflag:$0x3], $0x80, s13, s23, $0xb8;
	[tilespmem:$0x1C400] =	vst v63  }
0xbe: {  	_ =	swait.ge [sflag:s26], $0x4000  }
0xbf: {  	[sflag:s26] =	ssyncset.done $0x0  }
0xc0: {  	[sflag:s26] =	ssyncadd.s32 $0xFFFFC000  }
0xc1: {  	[spmem:s2] =	stream.indirect.scatter.add.f32 [tilespmem:s24], [sflag:$0x4], $0x80, s14, s23, $0xb8;
	[tilespmem:$0x1C400] =	vst v63  }
0xc2: {  	_ =	swait.ge [sflag:s29], $0x4000  }
0xc3: {  	[sflag:s29] =	ssyncset.done $0x0  }
0xc4: {  	[sflag:s29] =	ssyncadd.s32 $0xFFFFC000  }
0xc5: {  	_ =	swait.ge [sflag:s30], $0x4000  }
0xc6: {  	[sflag:s30] =	ssyncset.done $0x0  }
0xc7: {  	[sflag:s30] =	ssyncadd.s32 $0xFFFFC000  }
0xc8: {  	[tilespmem:s18], [sflag:$0x1] =	stream.indirect.gather [hbm4b:s4+s23], $0x80, s15, s23, $0xb8;
	[tilespmem:$0x1C400] =	vst v63  }
0xc9: {  	_ = 	snop  }
0xca: {  	[tilespmem:s24], [sflag:$0x2] =	stream.indirect.gather [hbm4b:s4+s23], $0x80, s16, s23, $0xb8;
	[tilespmem:$0x1C400] =	vst v63  }
0xcb: {  	_ =	swait.ge [sflag:s25], $0x4000  }
0xcc: {  	[sflag:s25] =	ssyncset.done $0x0  }
0xcd: {  	[sflag:s25] =	ssyncadd.s32 $0xFFFFC000  }
0xce: {  	[spmem:s2] =	stream.indirect.scatter.add.f32 [tilespmem:s18], [sflag:$0x3], $0x80, s6, s23, $0xb8;
	[tilespmem:$0x1C400] =	vst v63  }
0xcf: {  	_ =	swait.ge [sflag:s26], $0x4000  }
0xd0: {  	[sflag:s26] =	ssyncset.done $0x0  }
0xd1: {  	p0 =	sne.s32 s10, $0x480;
	[sflag:s26] =	ssyncadd.s32 $0xFFFFC000  }
0xd2: {  	[spmem:s2] =	stream.indirect.scatter.add.f32 [tilespmem:s24], [sflag:$0x4], $0x80, s7, s23, $0xb8;
	[tilespmem:$0x1C400] =	vst v63  }
.Ltmp0:
0xd3: {  	_ =	swait.ge [sflag:s29], $0x4000;
	(pc) =	sbr.rel @p0 .LBB2_2-.Ltmp0, $4  }
0xd4: {  	[sflag:s29] =	ssyncset.done $0x0  }
0xd5: {  	[sflag:s29] =	ssyncadd.s32 $0xFFFFC000  }
0xd6: {  	s19 =	sadd.s32 $0x80, s10;
	_ =	swait.ge [sflag:s30], $0x4000  }
0xd7: {  	s10 =	smov.u32 s19;
	s8 =	rddreg [dreg:$0x4];
	[sflag:s30] =	ssyncset.done $0x0  }
0xd8: {  	s10 =	sadd.s32 s9, s17;
	[sflag:s30] =	ssyncadd.s32 $0xFFFFC000  }
0xd9: {  	[tilespmem:s3], [sflag:$0x5] =	stream.linear.gather [hbm4b:s10+s3], $0x400, $0x38;
	[tilespmem:$0x1C400] =	vst v63  }
0xda: {  	s8 =	sadd.s32 s9, s8  }
0xdb: {  	[tilespmem:s21], [sflag:$0x6] =	stream.linear.gather [hbm4b:s8+s3], $0x400, $0x38;
	[tilespmem:$0x1C400] =	vst v63  }
0xdc: {  	_ =	swait.ge [sflag:s20], $0x400  }
0xdd: {  	[sflag:s20] =	ssyncset.done $0x0  }
0xde: {  	[sflag:s20] =	ssyncadd.s32 $0xFFFFFC00  }
0xdf: {  	_ =	swait.ge [sflag:s22], $0x400  }
0xe0: {  	[sflag:s22] =	ssyncset.done $0x0  }
0xe1: {  	[sflag:s22] =	ssyncadd.s32 $0xFFFFFC00  }
0xe2: {  	[tilespmem:s18], [sflag:$0x1] =	stream.indirect.gather [hbm4b:s4+s23], $0x80, s3, s23, $0xb8;
	[tilespmem:$0x1C400] =	vst v63  }
0xe3: {  	_ = 	snop  }
0xe4: {  	[tilespmem:s24], [sflag:$0x2] =	stream.indirect.gather [hbm4b:s4+s23], $0x80, s23, s23, $0xb8;
	[tilespmem:$0x1C400] =	vst v63  }
0xe5: {  	_ =	swait.ge [sflag:s25], $0x4000  }
0xe6: {  	[sflag:s25] =	ssyncset.done $0x0  }
0xe7: {  	[sflag:s25] =	ssyncadd.s32 $0xFFFFC000  }
0xe8: {  	[spmem:s2] =	stream.indirect.scatter.add.f32 [tilespmem:s18], [sflag:$0x3], $0x80, s21, s23, $0xb8;
	[tilespmem:$0x1C400] =	vst v63  }
0xe9: {  	_ =	swait.ge [sflag:s26], $0x4000  }
0xea: {  	[sflag:s26] =	ssyncset.done $0x0  }
0xeb: {  	s10 =	simm.s32 $0x480;
	[sflag:s26] =	ssyncadd.s32 $0xFFFFC000  }
0xec: {  	[spmem:s2] =	stream.indirect.scatter.add.f32 [tilespmem:s24], [sflag:$0x4], $0x80, s10, s23, $0xb8;
	[tilespmem:$0x1C400] =	vst v63  }
0xed: {  	_ =	swait.ge [sflag:s29], $0x4000  }
0xee: {  	[sflag:s29] =	ssyncset.done $0x0  }
0xef: {  	[sflag:s29] =	ssyncadd.s32 $0xFFFFC000  }
0xf0: {  	_ =	swait.ge [sflag:s30], $0x4000  }
0xf1: {  	[sflag:s30] =	ssyncset.done $0x0  }
0xf2: {  	s19 =	simm.s32 $0x100;
	[sflag:s30] =	ssyncadd.s32 $0xFFFFC000  }
0xf3: {  	[tilespmem:s18], [sflag:$0x1] =	stream.indirect.gather [hbm4b:s4+s23], $0x80, s19, s23, $0xb8;
	[tilespmem:$0x1C400] =	vst v63  }
0xf4: {  	_ = 	snop  }
0xf5: {  	[tilespmem:s24], [sflag:$0x2] =	stream.indirect.gather [hbm4b:s4+s23], $0x80, s1, s23, $0xb8;
	[tilespmem:$0x1C400] =	vst v63  }
0xf6: {  	_ =	swait.ge [sflag:s25], $0x4000  }
0xf7: {  	[sflag:s25] =	ssyncset.done $0x0  }
0xf8: {  	[sflag:s25] =	ssyncadd.s32 $0xFFFFC000  }
0xf9: {  	[spmem:s2] =	stream.indirect.scatter.add.f32 [tilespmem:s18], [sflag:$0x3], $0x80, s0, s23, $0xb8;
	[tilespmem:$0x1C400] =	vst v63  }
0xfa: {  	_ =	swait.ge [sflag:s26], $0x4000  }
0xfb: {  	[sflag:s26] =	ssyncset.done $0x0  }
0xfc: {  	[sflag:s26] =	ssyncadd.s32 $0xFFFFC000  }
0xfd: {  	[spmem:s2] =	stream.indirect.scatter.add.f32 [tilespmem:s24], [sflag:$0x4], $0x80, s5, s23, $0xb8;
	[tilespmem:$0x1C400] =	vst v63  }
0xfe: {  	_ =	swait.ge [sflag:s29], $0x4000  }
0xff: {  	[sflag:s29] =	ssyncset.done $0x0  }
0x100: {  	[sflag:s29] =	ssyncadd.s32 $0xFFFFC000  }
0x101: {  	_ =	swait.ge [sflag:s30], $0x4000  }
0x102: {  	[sflag:s30] =	ssyncset.done $0x0  }
0x103: {  	[sflag:s30] =	ssyncadd.s32 $0xFFFFC000  }
0x104: {  	[tilespmem:s18], [sflag:$0x1] =	stream.indirect.gather [hbm4b:s4+s23], $0x80, s11, s23, $0xb8;
	[tilespmem:$0x1C400] =	vst v63  }
0x105: {  	_ = 	snop  }
0x106: {  	[tilespmem:s24], [sflag:$0x2] =	stream.indirect.gather [hbm4b:s4+s23], $0x80, s12, s23, $0xb8;
	[tilespmem:$0x1C400] =	vst v63  }
0x107: {  	_ =	swait.ge [sflag:s25], $0x4000  }
0x108: {  	[sflag:s25] =	ssyncset.done $0x0  }
0x109: {  	[sflag:s25] =	ssyncadd.s32 $0xFFFFC000  }
0x10a: {  	[spmem:s2] =	stream.indirect.scatter.add.f32 [tilespmem:s18], [sflag:$0x3], $0x80, s13, s23, $0xb8;
	[tilespmem:$0x1C400] =	vst v63  }
0x10b: {  	_ =	swait.ge [sflag:s26], $0x4000  }
0x10c: {  	[sflag:s26] =	ssyncset.done $0x0  }
0x10d: {  	[sflag:s26] =	ssyncadd.s32 $0xFFFFC000  }
0x10e: {  	[spmem:s2] =	stream.indirect.scatter.add.f32 [tilespmem:s24], [sflag:$0x4], $0x80, s14, s23, $0xb8;
	[tilespmem:$0x1C400] =	vst v63  }
0x10f: {  	_ =	swait.ge [sflag:s29], $0x4000  }
0x110: {  	[sflag:s29] =	ssyncset.done $0x0  }
0x111: {  	[sflag:s29] =	ssyncadd.s32 $0xFFFFC000  }
0x112: {  	_ =	swait.ge [sflag:s30], $0x4000  }
0x113: {  	[sflag:s30] =	ssyncset.done $0x0  }
0x114: {  	[sflag:s30] =	ssyncadd.s32 $0xFFFFC000  }
0x115: {  	[tilespmem:s18], [sflag:$0x1] =	stream.indirect.gather [hbm4b:s4+s23], $0x80, s15, s23, $0xb8;
	[tilespmem:$0x1C400] =	vst v63  }
0x116: {  	_ = 	snop  }
0x117: {  	[tilespmem:s24], [sflag:$0x2] =	stream.indirect.gather [hbm4b:s4+s23], $0x80, s16, s23, $0xb8;
	[tilespmem:$0x1C400] =	vst v63  }
0x118: {  	_ =	swait.ge [sflag:s25], $0x4000  }
0x119: {  	[sflag:s25] =	ssyncset.done $0x0  }
0x11a: {  	[sflag:s25] =	ssyncadd.s32 $0xFFFFC000  }
0x11b: {  	[spmem:s2] =	stream.indirect.scatter.add.f32 [tilespmem:s18], [sflag:$0x3], $0x80, s6, s23, $0xb8;
	[tilespmem:$0x1C400] =	vst v63  }
0x11c: {  	_ =	swait.ge [sflag:s26], $0x4000  }
0x11d: {  	[sflag:s26] =	ssyncset.done $0x0  }
0x11e: {  	[sflag:s26] =	ssyncadd.s32 $0xFFFFC000  }
0x11f: {  	[spmem:s2] =	stream.indirect.scatter.add.f32 [tilespmem:s24], [sflag:$0x4], $0x80, s7, s23, $0xb8;
	[tilespmem:$0x1C400] =	vst v63  }
0x120: {  	_ =	swait.ge [sflag:s29], $0x4000  }
0x121: {  	[sflag:s29] =	ssyncset.done $0x0  }
0x122: {  	[sflag:s29] =	ssyncadd.s32 $0xFFFFC000  }
0x123: {  	_ =	swait.ge [sflag:s30], $0x4000  }
0x124: {  	[sflag:s30] =	ssyncset.done $0x0  }
0x125: {  	[sflag:s30] =	ssyncadd.s32 $0xFFFFC000  }
0x126: {  	[bflag:$0x0] =	sbarrier.arrive $0xFFFF  }
0x127: {  	s19 =	simm.s32 $0x7;
	s9 =	rddreg [dreg:$0x6]  }
0x128: {  	[tilespmem:s18], [sflag:$0x7] =	stream.linear.gather [spmem:s9], $0x4000, $0x38;
	[tilespmem:$0x1C400] =	vst v63  }
0x129: {  	_ =	swait.ge [sflag:s19], $0x4000  }
0x12a: {  	[sflag:s19] =	ssyncset.done $0x0  }
0x12b: {  	s10 =	rddreg [dreg:$0xb];
	[sflag:s19] =	ssyncadd.s32 $0xFFFFC000  }
0x12c: {  	[hbm4b:s10+s3] =	stream.linear.scatter [tilespmem:s18], [sflag:$0x7], $0x4000, $0x38;
	[tilespmem:$0x1C400] =	vst v63  }
0x12d: {  	_ =	swait.ge [sflag:s19], $0x4000  }
0x12e: {  	[sflag:s19] =	ssyncset.done $0x0  }
0x12f: {  	s9 =	rddreg [dreg:$0x7];
	[sflag:s19] =	ssyncadd.s32 $0xFFFFC000  }
0x130: {  	[tilespmem:s18], [sflag:$0x7] =	stream.linear.gather [spmem:s9], $0x4000, $0x38;
	[tilespmem:$0x1C400] =	vst v63  }
0x131: {  	_ =	swait.ge [sflag:s19], $0x4000  }
0x132: {  	[sflag:s19] =	ssyncset.done $0x0  }
0x133: {  	s10 =	rddreg [dreg:$0xc];
	[sflag:s19] =	ssyncadd.s32 $0xFFFFC000  }
0x134: {  	[hbm4b:s10+s3] =	stream.linear.scatter [tilespmem:s18], [sflag:$0x7], $0x4000, $0x38;
	[tilespmem:$0x1C400] =	vst v63  }
0x135: {  	_ =	swait.ge [sflag:s19], $0x4000  }
0x136: {  	[sflag:s19] =	ssyncset.done $0x0  }
0x137: {  	s31 =	rddreg [dreg:$0x8];
	[sflag:s19] =	ssyncadd.s32 $0xFFFFC000  }
0x138: {  	[tilespmem:s18], [sflag:$0x7] =	stream.linear.gather [spmem:s31], $0x4000, $0x38;
	[tilespmem:$0x1C400] =	vst v63  }
0x139: {  	_ =	swait.ge [sflag:s19], $0x4000  }
0x13a: {  	[sflag:s19] =	ssyncset.done $0x0  }
0x13b: {  	s9 =	rddreg [dreg:$0xd];
	[sflag:s19] =	ssyncadd.s32 $0xFFFFC000  }
0x13c: {  	[hbm4b:s9+s3] =	stream.linear.scatter [tilespmem:s18], [sflag:$0x7], $0x4000, $0x38;
	[tilespmem:$0x1C400] =	vst v63  }
0x13d: {  	_ =	swait.ge [sflag:s19], $0x4000  }
0x13e: {  	[sflag:s19] =	ssyncset.done $0x0  }
0x13f: {  	s9 =	rddreg [dreg:$0x9];
	[sflag:s19] =	ssyncadd.s32 $0xFFFFC000  }
0x140: {  	[tilespmem:s18], [sflag:$0x7] =	stream.linear.gather [spmem:s9], $0x4000, $0x38;
	[tilespmem:$0x1C400] =	vst v63  }
0x141: {  	_ =	swait.ge [sflag:s19], $0x4000  }
0x142: {  	[sflag:s19] =	ssyncset.done $0x0  }
0x143: {  	s10 =	rddreg [dreg:$0xe];
	[sflag:s19] =	ssyncadd.s32 $0xFFFFC000  }
0x144: {  	[hbm4b:s10+s3] =	stream.linear.scatter [tilespmem:s18], [sflag:$0x7], $0x4000, $0x38;
	[tilespmem:$0x1C400] =	vst v63  }
0x145: {  	_ =	swait.ge [sflag:s19], $0x4000  }
0x146: {  	[sflag:s19] =	ssyncset.done $0x0  }
0x147: {  	s10 =	rddreg [dreg:$0xa];
	[sflag:s19] =	ssyncadd.s32 $0xFFFFC000  }
0x148: {  	[tilespmem:s18], [sflag:$0x7] =	stream.linear.gather [spmem:s10], $0x3C00, $0x38;
	[tilespmem:$0x1C400] =	vst v63  }
0x149: {  	_ =	swait.ge [sflag:s19], $0x3C00  }
0x14a: {  	[sflag:s19] =	ssyncset.done $0x0  }
0x14b: {  	s8 =	rddreg [dreg:$0xf];
	[sflag:s19] =	ssyncadd.s32 $0xFFFFC400  }
0x14c: {  	[hbm4b:s8+s3] =	stream.linear.scatter [tilespmem:s18], [sflag:$0x7], $0x3C00, $0x38;
	[tilespmem:$0x1C400] =	vst v63  }
0x14d: {  	_ =	swait.ge [sflag:s19], $0x3C00  }
0x14e: {  	s28 =	rddreg [dreg:$0x11]  }
0x14f: {  	[sflag:s19] =	ssyncset.done $0x0;
	s19 =	rddreg [dreg:$0x10];
	s28 =	sadd.s32 $0x1, s28  }
0x150: {  	p0 =	sne.s32 s28, s19  }
.Ltmp1:
0x151: {  	_ = 	snop;
	(pc) =	sbr.rel @p0 .LBB2_1-.Ltmp1, $3  }
0x152: {  	_ =	sdelay $0x1  }
0x153: {  	[dreg:$0x11] =	wrdreg s28;
	s19 =	simm.s32 $0x7  }
0x154: {  	s28 =	rddreg [dreg:$0x6];
	[sflag:s19] =	ssyncadd.s32 $0xFFFFC400  }
0x155: {  	_ =	sfence.sel $0x180000  }
0x156: {  	[bflag:$0x0] =	sbarrier.arrive $0xFFFF  }
0x157: {  	_ =	strace $0x9000004D  }
0x158: {  	s0 =	stileid.u32;
	[bflag:$0x2] =	sbarrier.arrive $0xFFFF  }
0x159: {  	p0 =	sne.s32 s0, $0x0;
	s0 =	rddreg [dreg:$0x3]  }
0x15a: {  	s0 =	sadd.s32 @!p0 $0x100000, s0  }
0x15b: {  	[sflag:s0] =	ssyncadd.tile.s32 @!p0 $0x1;
	_ =	shalt  }
.Lfunc_end2:
_tile_overlayer_lowered:
.L_overlay_start_2:
0x15c: {  	(tag) =	ssettag $0x2  }
0x15d: {  	s0 =	rddreg [dreg:$0x0];
	s2 =	stileid.u32  }
0x15e: {  	s1 =	rddreg [dreg:$0x1];
	p0 =	sne.s32 s2, $0x0  }
0x15f: {  	s3 =	rddreg [dreg:$0x2];
	[bflag:$0x3] =	sbarrier.arrive $0xFFFF;
	s2 =	simm.s32 @!p0 $0x1C07  }
0x160: {  	[timem:s3], [sflag:s2] =	dma.local @!p0 [hbm:s0], s1  }
0x161: {  	s0 =	simm.s32 @!p0 $0x7  }
0x162: {  	_ =	swait.ge @!p0 [sflag:s0], s1  }
0x163: {  	s1 =	ssub.s32 @!p0 $0x0, s1;
	[sflag:s0] =	ssyncset.done @!p0 $0x0  }
0x164: {  	[sflag:s0] =	ssyncadd.s32 @!p0 s1  }
0x165: {  	[bflag:$0x3] =	sbarrier.arrive $0xFFFF  }
0x166: {  	_ =	shalt  }

// kernel: kernel.9.cloned.1.call-start
scs
__scs_entry_jumppad:
0x0: {  	(pc) =	sbr.rel $0x88, $3  }
0x1: {  	(tag) =	ssettag $0x0;
	lr =	simm.s32 $0x1  }
0x2: {  	[smem:$0x3F9B] =	sst lr;
	_ =	strace $0xD0000000  }
0x3: {  	_ = 	snop  }
0x4: {  	_ = 	snop  }
0x5: {  	_ = 	snop  }
0x6: {  	_ = 	snop  }
0x7: {  	_ = 	snop  }
__scs_overlays_trampoline_lowered:
0x8: {  	[smem:$0x3FAA] =	sst s0  }
0x9: {  	[smem:$0x3FAB] =	sst s1  }
0xa: {  	[smem:$0x3FAC] =	sst s2  }
0xb: {  	[smem:$0x3FAD] =	sst s3  }
0xc: {  	[smem:$0x3FAE] =	sst s4  }
0xd: {  	[smem:$0x3FAF] =	sst s5  }
0xe: {  	[smem:$0x3FB0] =	sst s6  }
0xf: {  	[smem:$0x3FB1] =	sst s7  }
0x10: {  	[smem:$0x3FB2] =	sst s8  }
0x11: {  	[smem:$0x3FB3] =	sst s9;
	s0 =	simm.s32 @!p0 $0x0  }
0x12: {  	s1 =	sld [smem:$0x3F99];
	s0 =	simm.s32 @p0 $0x1  }
0x13: {  	[smem:$0x3FB4] =	sst s0;
	s0 =	simm.s32 @!p1 $0x0  }
0x14: {  	s2 =	sld [smem:$0x3F98];
	s0 =	simm.s32 @p1 $0x1  }
0x15: {  	[smem:$0x3FB5] =	sst s0;
	s0 =	simm.s32 @!p2 $0x0  }
0x16: {  	s3 =	sld [smem:$0x3FDB];
	s0 =	simm.s32 @p2 $0x1  }
0x17: {  	s4 =	simm.s32 $0x1BF5;
	[smem:$0x3FB7] =	sst s0  }
0x18: {  	s0 =	sld [smem:$0x3F9A];
	_ =	swait.ge [sflag:s4], $0x0  }
0x19: {  	s7 =	sld [smem:$0x3F9B]  }
0x1a: {  	s8 =	sadd.s32 $0xFFFFE003, lr  }
0x1b: {  	s9 =	sadd.s32 $0xFFFFFEF7, lr;
	s5 =	simm.s32 $0xFFFFFFFF;
	p2 =	slt.u32 s8, $0xFFFFF086  }
0x1c: {  	p1 =	slt.u32 s9, $0xF7A;
	s5 =	simm.s32 @!p2 $0x0  }
0x1d: {  	s5 =	simm.s32 @p1 $0x1;
	p0 =	seq.s32 s7, s2  }
0x1e: {  	s7 =	smul.u32 @!p0 $0xF7A, s2;
	p2 =	seq.s32 @!p0 s5, $0x0  }
0x1f: {  	s9 =	smul.u32 $0xF7A, s1;
	s8 =	simm.s32 @!p0 $0x1BF5;
	p2 =	por !p2, p0  }
0x20: {  	[sflag:s8] =	ssyncset.s32 @!p0 $0xFFFFF086;
	s6 =	sadd.s32 @!p0 s3, s7;
	s7 =	simm.s32 @!p0 $0x108  }
0x21: {  	s3 =	sadd.s32 s3, s9;
	s6 =	sadd.s32 @!p0 $0x88, s6;
	s7 =	simm.s32 @p2 $0x1082  }
0x22: {  	[simem:s7], [sflag:s8] =	dma.local @!p0 [hbm:s6], $0xF7A  }
0x23: {  	s9 =	sor.u32 $0xD0000000, s2;
	s6 =	simm.s32 $0x108;
	_ =	swait.ge @!p0 [sflag:s8], $0x0  }
0x24: {  	s3 =	sadd.s32 $0x88, s3;
	s6 =	simm.s32 @!p1 $0x1082;
	[sflag:s4] =	ssyncset.s32 $0xFFFFF086  }
0x25: {  	[simem:s6], [sflag:s4] =	dma.local [hbm:s3], $0xF7A  }
0x26: {  	[smem:$0x3F9B] =	sst s1;
	(tag) =	ssettag s2;
	_ =	strace s9  }
0x27: {  	s1 =	sld [smem:$0x3FAB]  }
0x28: {  	s2 =	sld [smem:$0x3FAC]  }
0x29: {  	s4 =	sld [smem:$0x3FAE]  }
0x2a: {  	p0 =	seq.s32 s5, $0x0;
	s5 =	sld [smem:$0x3FAF]  }
0x2b: {  	s6 =	sld [smem:$0x3FB0]  }
0x2c: {  	s7 =	sld [smem:$0x3FB1]  }
0x2d: {  	s3 =	simm.s32 $0x108;
	s8 =	sld [smem:$0x3FB2]  }
0x2e: {  	s3 =	simm.s32 @!p0 $0x1082;
	s9 =	sld [smem:$0x3FB3]  }
0x2f: {  	lr =	sadd.s32 s0, s3;
	s0 =	sld [smem:$0x3FAA]  }
0x30: {  	s3 =	sld [smem:$0x3FAD]  }
0x31: {  	[smem:$0x3FB6] =	sst s10  }
0x32: {  	s10 =	sld [smem:$0x3FB4];
	_ =	sdelay $0x3  }
0x33: {  	p0 =	seq.s32 s10, $0x1;
	s10 =	sld [smem:$0x3FB6];
	_ =	sdelay $0x3  }
0x34: {  	[smem:$0x3FB6] =	sst s10  }
0x35: {  	s10 =	sld [smem:$0x3FB5];
	_ =	sdelay $0x3  }
0x36: {  	p1 =	seq.s32 s10, $0x1;
	s10 =	sld [smem:$0x3FB6];
	_ =	sdelay $0x3  }
0x37: {  	[smem:$0x3FB6] =	sst s10  }
0x38: {  	s10 =	sld [smem:$0x3FB7]  }
0x39: {  	_ = 	snop;
	(pc) =	sbr.ind lr, $3  }
0x3a: {  	_ = 	snop  }
0x3b: {  	_ = 	snop  }
0x3c: {  	p2 =	seq.s32 s10, $0x1;
	s10 =	sld [smem:$0x3FB6]  }
0x3d: {  	_ =	shalt  }
0x3e: {  	_ =	shalt  }
0x3f: {  	_ =	shalt  }
0x40: {  	_ =	shalt  }
0x41: {  	_ =	shalt  }
0x42: {  	_ =	shalt  }
0x43: {  	_ =	shalt  }
0x44: {  	_ =	shalt  }
0x45: {  	_ =	shalt  }
0x46: {  	_ =	shalt  }
0x47: {  	_ =	shalt  }
0x48: {  	_ =	shalt  }
0x49: {  	_ =	shalt  }
0x4a: {  	_ =	shalt  }
0x4b: {  	_ =	shalt  }
0x4c: {  	_ =	shalt  }
0x4d: {  	_ =	shalt  }
0x4e: {  	_ =	shalt  }
0x4f: {  	_ =	shalt  }
0x50: {  	_ =	shalt  }
0x51: {  	_ =	shalt  }
0x52: {  	_ =	shalt  }
0x53: {  	_ =	shalt  }
0x54: {  	_ =	shalt  }
0x55: {  	_ =	shalt  }
0x56: {  	_ =	shalt  }
0x57: {  	_ =	shalt  }
0x58: {  	_ =	shalt  }
0x59: {  	_ =	shalt  }
0x5a: {  	_ =	shalt  }
0x5b: {  	_ =	shalt  }
0x5c: {  	_ =	shalt  }
0x5d: {  	_ =	shalt  }
0x5e: {  	_ =	shalt  }
0x5f: {  	_ =	shalt  }
0x60: {  	_ =	shalt  }
0x61: {  	_ =	shalt  }
0x62: {  	_ =	shalt  }
0x63: {  	_ =	shalt  }
0x64: {  	_ =	shalt  }
0x65: {  	_ =	shalt  }
0x66: {  	_ =	shalt  }
0x67: {  	_ =	shalt  }
0x68: {  	_ =	shalt  }
0x69: {  	_ =	shalt  }
0x6a: {  	_ =	shalt  }
0x6b: {  	_ =	shalt  }
0x6c: {  	_ =	shalt  }
0x6d: {  	_ =	shalt  }
0x6e: {  	_ =	shalt  }
0x6f: {  	_ =	shalt  }
0x70: {  	_ =	shalt  }
0x71: {  	_ =	shalt  }
0x72: {  	_ =	shalt  }
0x73: {  	_ =	shalt  }
0x74: {  	_ =	shalt  }
0x75: {  	_ =	shalt  }
0x76: {  	_ =	shalt  }
0x77: {  	_ =	shalt  }
0x78: {  	_ =	shalt  }
0x79: {  	_ =	shalt  }
0x7a: {  	_ =	shalt  }
0x7b: {  	_ =	shalt  }
0x7c: {  	_ =	shalt  }
0x7d: {  	_ =	shalt  }
0x7e: {  	_ =	shalt  }
0x7f: {  	_ =	shalt  }
0x80: {  	_ =	shalt  }
0x81: {  	_ =	shalt  }
0x82: {  	_ =	shalt  }
0x83: {  	_ =	shalt  }
0x84: {  	_ =	shalt  }
0x85: {  	_ =	shalt  }
0x86: {  	_ =	shalt  }
0x87: {  	_ =	shalt  }
.Lfunc_end0:
.L_simem_size_0:
called_computation_lowered:
.L_overlay_start_0:
0x88: {  	s2 =	sld [smem:$0x3FD9]  }
0x89: {  	s3 =	sld [smem:$0x3FFE];
	_ =	sdelay $0x1  }
0x8a: {  	s1 =	srdreg.scid  }
0x8b: {  	s0 =	sand.u32 $0x1, s1  }
0x8c: {  	s17 =	sshll.u32 s0, $0xA;
	s2 =	sadd.s32 s3, s2  }
0x8d: {  	s2 =	sadd.s32 s2, s17  }
0x8e: {  	[smem:$0x3FC2] =	sst s2  }
0x8f: {  	_ = 	snop  }
0x90: {  	s2 =	sld [smem:$0x3FD0];
	(tm) =	ssettm $0x1  }
0x91: {  	s18 =	sld [smem:$0x3FFB];
	_ =	sdelay $0x3  }
0x92: {  	_ =	strace s18  }
0x93: {  	s3 =	sld [smem:$0x3FFC];
	_ =	sdelay $0x3  }
0x94: {  	_ =	strace s3  }
0x95: {  	s3 =	sld [smem:$0x3FFD];
	_ =	sdelay $0x3  }
0x96: {  	_ =	strace s3  }
0x97: {  	_ =	strace $0x8FFFFFFF  }
0x98: {  	s19 =	sld [smem:$0x3FDB];
	_ =	sdelay $0x1  }
0x99: {  	s4 =	simm.s32 $_scs_section_size  }
0x9a: {  	s5 =	simm.s32 $_size__tile_overlayer_lowered;
	s6 =	simm.s32 $_tile_overlayer_lowered  }
0x9b: {  	s22 =	simm.s32 $0x1BFF;
	s21 =	sshll.u32 s6, $0x1;
	s3 =	sadd.s32 s4, s19  }
0x9c: {  	s7 =	simm.s32 $0x0;
	s20 =	sshll.u32 s5, $0x1;
	s5 =	sadd.s32 s21, s3  }
0x9d: {  	[timem:s7], [sflag:s22] =	dma.local [hbm:s5], s20  }
0x9e: {  	_ =	swait.ge [sflag:s22], s20  }
0x9f: {  	s4 =	ssub.s32 $0x0, s20;
	[sflag:s22] =	ssyncset.done $0x0  }
0xa0: {  	[sflag:s22] =	ssyncadd.s32 s4;
	_ =	sdelay $0x1  }
0xa1: {  	s23 =	simm.s32 $0x1B8B  }
0xa2: {  	_ =	swait.ge [sflag:s23], $0x1  }
0xa3: {  	[sflag:s23] =	ssyncset.done $0x0  }
0xa4: {  	s25 =	simm.s32 $0x1B8E;
	s24 =	sld [smem:$0x3FFE];
	[sflag:s23] =	ssyncadd.s32 $0xFFFFFFFF  }
0xa5: {  	s26 =	simm.s32 $execute0_lowered;
	[smem:$0x3FD2] =	sst s25  }
0xa6: {  	s5 =	sshll.u32 s26, $0x1;
	_ =	strace $0x80000046;
	[dreg:$0x1] =	wrdreg $0xFFFFFFFF  }
0xa7: {  	s28 =	simm.s32 $_size_execute0_lowered;
	s3 =	sadd.s32 s3, s5;
	[dreg:$0x0] =	wrdreg $0x0  }
0xa8: {  	s5 =	sshll.u32 s28, $0x1;
	[dreg:$0x2] =	wrdreg s3  }
0xa9: {  	[dreg:$0x3] =	wrdreg s5  }
0xaa: {  	[dreg:$0x4] =	wrdreg $0xC0  }
0xab: {  	_ =	task [dreg:s7], $0x5FFFF  }
0xac: {  	[dreg:$0x1] =	wrdreg $0xFFFFFFFF  }
0xad: {  	[dreg:$0x0] =	wrdreg $0x60  }
0xae: {  	[dreg:$0x2] =	wrdreg s2  }
0xaf: {  	[dreg:$0x3] =	wrdreg s24  }
0xb0: {  	[dreg:$0x4] =	wrdreg $0x53000  }
0xb1: {  	[dreg:$0x5] =	wrdreg $0x55780  }
0xb2: {  	[dreg:$0x6] =	wrdreg $0x9  }
0xb3: {  	_ =	task.clear_ibuf [dreg:s7], $0x7FFFF;
	_ =	strace $0x90000046  }
0xb4: {  	s29 =	simm.s32 $0x9;
	_ =	strace $0x80000048  }
0xb5: {  	_ =	swait.ge [sflag:s29], $0x1  }
0xb6: {  	[sflag:s29] =	ssyncadd.s32 $0xFFFFFFFF  }
0xb7: {  	_ =	strace $0x90000048  }
0xb8: {  	_ =	sfence  }
0xb9: {  	s30 =	sld [smem:$0x0];
	_ =	sdelay $0x2  }
0xba: {  	s31 =	sshll.u32 s1, $0xD;
	s1 =	sshrl.u32 s1, $0x2  }
0xbb: {  	s3 =	sand.u32 $0x4000, s31;
	s1 =	sadd.s32 s1, s30  }
0xbc: {  	s0 =	sor.u32 s3, s0;
	s1 =	sshll.u32 s1, $0x11  }
0xbd: {  	s0 =	sor.u32 s1, s0  }
0xbe: {  	s0 =	sadd.s32 $0x8F2B, s0  }
0xbf: {  	[sflag:s0] =	ssyncadd.remote.s32 $0x1  }
0xc0: {  	_ =	sfence.sel $0xFFFF  }
0xc1: {  	[dreg:$0x0] =	wrdreg $0xFFFFFFFF;
	(pc) =	sbr.abs _section_cstart, $3  }
0xc2: {  	[dreg:$0x1] =	wrdreg $0xFFFFFFFF  }
0xc3: {  	_ =	task.clear_ibuf [dreg:s7], $0x2FFFF;
	_ =	strace $0x9FFFFFFF  }
0xc4: {  	(tm) =	ssettm $0x7FFFFFFF  }
0xc5: {  	_ =	shalt  }
tec
execute0_lowered:
.L_overlay_start_1:
0x0: {  	(tag) =	ssettag $0x1  }
0x1: {  	s9 =	rddreg [dreg:$0x0]  }
0x2: {  	s7 =	rddreg [dreg:$0x1]  }
0x3: {  	s0 =	srdreg.scid;
	s2 =	rddreg [dreg:$0x2]  }
0x4: {  	s3 =	rddreg [dreg:$0x3];
	s4 =	simm.s32 $0x0;
	s19 =	simm.s32 $0x1  }
0x5: {  	s20 =	simm.s32 $0x0;
	s11 =	sand.u32 $0x1, s0;
	s0 =	stileid.u32  }
0x6: {  	[smem:$0x7FF] =	sst s4;
	s6 =	sadd.s32 $0xCA00, s7;
	s13 =	sadd.s32 $0xCE00, s7  }
0x7: {  	s14 =	sadd.s32 $0xD400, s7;
	s17 =	sadd.s32 $0xDA00, s7;
	s18 =	sadd.s32 $0xE000, s7  }
0x8: {  	s1 =	sshll.u32 s11, $0x4;
	s8 =	ssub.s32 $0x2, s11;
	s16 =	smul.u32 $0x278, s0  }
0x9: {  	p0 =	seq.s32 s11, $0x1;
	s5 =	sor.u32 s0, s1;
	s1 =	rddreg [dreg:$0x4]  }
0xa: {  	_ =	strace $0x80000047;
	s15 =	sshrl.u32 s8, $0x1;
	s13 =	smov.u32 @p0 s17  }
0xb: {  	s14 =	smov.u32 @p0 s18;
	s17 =	simm.s32 $0x2800;
	s18 =	simm.s32 $0x80  }
0xc: {  	s10 =	smul.u32 $0x500, s5;
	s5 =	sadd.s32 $0xCC00, s7;
	s15 =	ssub.s32 s8, s15  }
0xd: {  	s8 =	sadd.s32 s16, s3;
	s11 =	smax.u32 s15, $0x1;
	s15 =	simm.s32 $0x2  }
0xe: {  	s12 =	sadd.s32 s10, s7;
	s7 =	sadd.s32 s16, s2;
	s16 =	sshrl.u32 s16, $0x3  }
0xf: {  	s9 =	sadd.s32 s9, s10;
	s10 =	sadd.s32 $0x2A00, s12;
	s12 =	sadd.s32 s13, s16  }
0x10: {  	s13 =	sadd.s32 s14, s16;
	s14 =	simm.s32 $0x5000;
	s16 =	simm.s32 $0x5080  }
.LBB2_1:
0x11: {  	[tilespmem:s14], [sflag:$0x2] =	stream.linear.gather [hbm4b:s5+s4], $0x80, $0x38;
	[tilespmem:$0x57F0] =	vst v63  }
0x12: {  	_ =	swait.ge [sflag:s15], $0x80  }
0x13: {  	[sflag:s15] =	ssyncset.done $0x0  }
0x14: {  	[sflag:s15] =	ssyncadd.s32 $0xFFFFFF80  }
0x15: {  	[tilespmem:s16], [sflag:$0x2] =	stream.linear.gather [hbm4b:s6+s4], $0x280, $0x38;
	[tilespmem:$0x57F0] =	vst v63  }
0x16: {  	_ =	swait.ge [sflag:s15], $0x280  }
0x17: {  	[sflag:s15] =	ssyncset.done $0x0  }
0x18: {  	[sflag:s15] =	ssyncadd.s32 $0xFFFFFD80  }
0x19: {  	[spmem:s7] =	stream.linear.scatter [tilespmem:s16], [sflag:$0x2], $0x278, $0x38;
	[tilespmem:$0x57F0] =	vst v63  }
0x1a: {  	_ =	swait.ge [sflag:s15], $0x278  }
0x1b: {  	[sflag:s15] =	ssyncset.done $0x0  }
0x1c: {  	[sflag:s15] =	ssyncadd.s32 $0xFFFFFD88  }
0x1d: {  	[spmem:s8] =	stream.linear.scatter [tilespmem:s16], [sflag:$0x2], $0x278, $0x38;
	[tilespmem:$0x57F0] =	vst v63  }
0x1e: {  	_ =	swait.ge [sflag:s15], $0x278  }
0x1f: {  	[sflag:s15] =	ssyncset.done $0x0  }
0x20: {  	[sflag:s15] =	ssyncadd.s32 $0xFFFFFD88  }
0x21: {  	[bflag:$0x0] =	sbarrier.arrive $0xFFFF  }
0x22: {  	[tilespmem:s4], [sflag:$0x2] =	stream.linear.gather [hbm4b:s9+s4], $0x2800, $0x38;
	[tilespmem:$0x57F0] =	vst v63  }
0x23: {  	_ =	swait.ge [sflag:s15], $0x2800  }
0x24: {  	[sflag:s15] =	ssyncset.done $0x0  }
0x25: {  	[sflag:s15] =	ssyncadd.s32 $0xFFFFD800  }
0x26: {  	[tilespmem:s17], [sflag:$0x2] =	stream.linear.gather [hbm4b:s10+s4], $0x2800, $0x38;
	[tilespmem:$0x57F0] =	vst v63  }
0x27: {  	_ =	swait.ge [sflag:s15], $0x2800  }
0x28: {  	[sflag:s15] =	ssyncset.done $0x0  }
0x29: {  	s21 =	simm.s32 $0x0;
	[sflag:s15] =	ssyncadd.s32 $0xFFFFD800  }
0x2a: {  	[spmem:s2] =	stream.indirect.scatter.add.f32 [tilespmem:s14], [sflag:$0x1], $0x1, s21, s18, $0xb8;
	[tilespmem:$0x57F0] =	vst v63  }
0x2b: {  	s24 =	simm.s32 $0x2800  }
0x2c: {  	[spmem:s3] =	stream.indirect.scatter.add.f32 [tilespmem:s14], [sflag:$0x1], $0x1, s24, s18, $0xb8;
	[tilespmem:$0x57F0] =	vst v63  }
0x2d: {  	s25 =	simm.s32 $0x80  }
0x2e: {  	[spmem:s2] =	stream.indirect.scatter.add.f32 [tilespmem:s14], [sflag:$0x1], $0x1, s25, s18, $0xb8;
	[tilespmem:$0x57F0] =	vst v63  }
0x2f: {  	s26 =	simm.s32 $0x2880  }
0x30: {  	[spmem:s3] =	stream.indirect.scatter.add.f32 [tilespmem:s14], [sflag:$0x1], $0x1, s26, s18, $0xb8;
	[tilespmem:$0x57F0] =	vst v63  }
0x31: {  	s28 =	simm.s32 $0x100  }
0x32: {  	[spmem:s2] =	stream.indirect.scatter.add.f32 [tilespmem:s14], [sflag:$0x1], $0x1, s28, s18, $0xb8;
	[tilespmem:$0x57F0] =	vst v63  }
0x33: {  	s29 =	simm.s32 $0x2900  }
0x34: {  	[spmem:s3] =	stream.indirect.scatter.add.f32 [tilespmem:s14], [sflag:$0x1], $0x1, s29, s18, $0xb8;
	[tilespmem:$0x57F0] =	vst v63  }
0x35: {  	s30 =	simm.s32 $0x180  }
0x36: {  	[spmem:s2] =	stream.indirect.scatter.add.f32 [tilespmem:s14], [sflag:$0x1], $0x1, s30, s18, $0xb8;
	[tilespmem:$0x57F0] =	vst v63  }
0x37: {  	s31 =	simm.s32 $0x2980  }
0x38: {  	[spmem:s3] =	stream.indirect.scatter.add.f32 [tilespmem:s14], [sflag:$0x1], $0x1, s31, s18, $0xb8;
	[tilespmem:$0x57F0] =	vst v63  }
0x39: {  	_ =	swait.ge [sflag:s19], $0x80  }
0x3a: {  	[sflag:s19] =	ssyncset.done $0x0  }
0x3b: {  	[sflag:s19] =	ssyncadd.s32 $0xFFFFFF80  }
0x3c: {  	_ =	swait.ge [sflag:s19], $0x80  }
0x3d: {  	[sflag:s19] =	ssyncset.done $0x0  }
0x3e: {  	[sflag:s19] =	ssyncadd.s32 $0xFFFFFF80  }
0x3f: {  	_ =	swait.ge [sflag:s19], $0x80  }
0x40: {  	[sflag:s19] =	ssyncset.done $0x0  }
0x41: {  	[sflag:s19] =	ssyncadd.s32 $0xFFFFFF80  }
0x42: {  	_ =	swait.ge [sflag:s19], $0x80  }
0x43: {  	[sflag:s19] =	ssyncset.done $0x0  }
0x44: {  	[sflag:s19] =	ssyncadd.s32 $0xFFFFFF80  }
0x45: {  	_ =	swait.ge [sflag:s19], $0x80  }
0x46: {  	[sflag:s19] =	ssyncset.done $0x0  }
0x47: {  	[sflag:s19] =	ssyncadd.s32 $0xFFFFFF80  }
0x48: {  	_ =	swait.ge [sflag:s19], $0x80  }
0x49: {  	[sflag:s19] =	ssyncset.done $0x0  }
0x4a: {  	[sflag:s19] =	ssyncadd.s32 $0xFFFFFF80  }
0x4b: {  	_ =	swait.ge [sflag:s19], $0x80  }
0x4c: {  	[sflag:s19] =	ssyncset.done $0x0  }
0x4d: {  	[sflag:s19] =	ssyncadd.s32 $0xFFFFFF80  }
0x4e: {  	_ =	swait.ge [sflag:s19], $0x80  }
0x4f: {  	s23 =	simm.s32 $0x1000;
	s21 =	simm.s32 $0x800;
	[sflag:s19] =	ssyncset.done $0x0  }
.LBB2_2:
0x50: {  	s24 =	sshra.s32 s21, $0x2  }
0x51: {  	[sflag:s19] =	ssyncadd.s32 $0xFFFFFF80;
	s21 =	smov.u32 s23;
	s22 =	sadd.s32 $0x800, s23  }
0x52: {  	[spmem:s2] =	stream.indirect.scatter.add.f32 [tilespmem:s14], [sflag:$0x1], $0x1, s24, s18, $0xb8;
	[tilespmem:$0x57F0] =	vst v63  }
0x53: {  	p0 =	sne.s32 s23, $0x9800;
	s23 =	sadd.s32 $0x2800, s24  }
0x54: {  	[spmem:s3] =	stream.indirect.scatter.add.f32 [tilespmem:s14], [sflag:$0x1], $0x1, s23, s18, $0xb8;
	[tilespmem:$0x57F0] =	vst v63  }
0x55: {  	s23 =	sadd.s32 $0x80, s24  }
0x56: {  	[spmem:s2] =	stream.indirect.scatter.add.f32 [tilespmem:s14], [sflag:$0x1], $0x1, s23, s18, $0xb8;
	[tilespmem:$0x57F0] =	vst v63  }
0x57: {  	s23 =	sadd.s32 $0x2880, s24  }
0x58: {  	[spmem:s3] =	stream.indirect.scatter.add.f32 [tilespmem:s14], [sflag:$0x1], $0x1, s23, s18, $0xb8;
	[tilespmem:$0x57F0] =	vst v63  }
0x59: {  	s23 =	sadd.s32 $0x100, s24  }
0x5a: {  	[spmem:s2] =	stream.indirect.scatter.add.f32 [tilespmem:s14], [sflag:$0x1], $0x1, s23, s18, $0xb8;
	[tilespmem:$0x57F0] =	vst v63  }
0x5b: {  	s23 =	sadd.s32 $0x2900, s24  }
0x5c: {  	[spmem:s3] =	stream.indirect.scatter.add.f32 [tilespmem:s14], [sflag:$0x1], $0x1, s23, s18, $0xb8;
	[tilespmem:$0x57F0] =	vst v63  }
0x5d: {  	s23 =	sadd.s32 $0x180, s24  }
0x5e: {  	[spmem:s2] =	stream.indirect.scatter.add.f32 [tilespmem:s14], [sflag:$0x1], $0x1, s23, s18, $0xb8;
	[tilespmem:$0x57F0] =	vst v63  }
0x5f: {  	s23 =	sadd.s32 $0x2980, s24  }
0x60: {  	[spmem:s3] =	stream.indirect.scatter.add.f32 [tilespmem:s14], [sflag:$0x1], $0x1, s23, s18, $0xb8;
	[tilespmem:$0x57F0] =	vst v63  }
0x61: {  	_ =	swait.ge [sflag:s19], $0x80  }
0x62: {  	[sflag:s19] =	ssyncset.done $0x0  }
0x63: {  	[sflag:s19] =	ssyncadd.s32 $0xFFFFFF80  }
0x64: {  	_ =	swait.ge [sflag:s19], $0x80  }
0x65: {  	[sflag:s19] =	ssyncset.done $0x0  }
0x66: {  	[sflag:s19] =	ssyncadd.s32 $0xFFFFFF80  }
0x67: {  	_ =	swait.ge [sflag:s19], $0x80  }
0x68: {  	[sflag:s19] =	ssyncset.done $0x0  }
0x69: {  	[sflag:s19] =	ssyncadd.s32 $0xFFFFFF80  }
0x6a: {  	_ =	swait.ge [sflag:s19], $0x80  }
0x6b: {  	[sflag:s19] =	ssyncset.done $0x0  }
0x6c: {  	[sflag:s19] =	ssyncadd.s32 $0xFFFFFF80  }
0x6d: {  	_ =	swait.ge [sflag:s19], $0x80  }
0x6e: {  	[sflag:s19] =	ssyncset.done $0x0  }
0x6f: {  	[sflag:s19] =	ssyncadd.s32 $0xFFFFFF80  }
0x70: {  	_ =	swait.ge [sflag:s19], $0x80  }
0x71: {  	[sflag:s19] =	ssyncset.done $0x0  }
0x72: {  	[sflag:s19] =	ssyncadd.s32 $0xFFFFFF80  }
.Ltmp0:
0x73: {  	_ =	swait.ge [sflag:s19], $0x80;
	(pc) =	sbr.rel @p0 .LBB2_2-.Ltmp0, $4  }
0x74: {  	[sflag:s19] =	ssyncset.done $0x0  }
0x75: {  	[sflag:s19] =	ssyncadd.s32 $0xFFFFFF80  }
0x76: {  	_ =	swait.ge [sflag:s19], $0x80  }
0x77: {  	s23 =	smov.u32 s22;
	[sflag:s19] =	ssyncset.done $0x0  }
0x78: {  	s21 =	sshra.s32 s21, $0x2;
	[sflag:s19] =	ssyncadd.s32 $0xFFFFFF80  }
0x79: {  	[spmem:s2] =	stream.indirect.scatter.add.f32 [tilespmem:s14], [sflag:$0x1], $0x1, s21, s18, $0xb8;
	[tilespmem:$0x57F0] =	vst v63  }
0x7a: {  	s22 =	sadd.s32 $0x2800, s21  }
0x7b: {  	[spmem:s3] =	stream.indirect.scatter.add.f32 [tilespmem:s14], [sflag:$0x1], $0x1, s22, s18, $0xb8;
	[tilespmem:$0x57F0] =	vst v63  }
0x7c: {  	s26 =	sadd.s32 $0x80, s21  }
0x7d: {  	[spmem:s2] =	stream.indirect.scatter.add.f32 [tilespmem:s14], [sflag:$0x1], $0x1, s26, s18, $0xb8;
	[tilespmem:$0x57F0] =	vst v63  }
0x7e: {  	s28 =	sadd.s32 $0x2880, s21  }
0x7f: {  	[spmem:s3] =	stream.indirect.scatter.add.f32 [tilespmem:s14], [sflag:$0x1], $0x1, s28, s18, $0xb8;
	[tilespmem:$0x57F0] =	vst v63  }
0x80: {  	s29 =	sadd.s32 $0x100, s21  }
0x81: {  	[spmem:s2] =	stream.indirect.scatter.add.f32 [tilespmem:s14], [sflag:$0x1], $0x1, s29, s18, $0xb8;
	[tilespmem:$0x57F0] =	vst v63  }
0x82: {  	s30 =	sadd.s32 $0x2900, s21  }
0x83: {  	[spmem:s3] =	stream.indirect.scatter.add.f32 [tilespmem:s14], [sflag:$0x1], $0x1, s30, s18, $0xb8;
	[tilespmem:$0x57F0] =	vst v63  }
0x84: {  	s31 =	sadd.s32 $0x180, s21  }
0x85: {  	[spmem:s2] =	stream.indirect.scatter.add.f32 [tilespmem:s14], [sflag:$0x1], $0x1, s31, s18, $0xb8;
	[tilespmem:$0x57F0] =	vst v63  }
0x86: {  	s21 =	sadd.s32 $0x2980, s21  }
0x87: {  	[spmem:s3] =	stream.indirect.scatter.add.f32 [tilespmem:s14], [sflag:$0x1], $0x1, s21, s18, $0xb8;
	[tilespmem:$0x57F0] =	vst v63  }
0x88: {  	_ =	swait.ge [sflag:s19], $0x80  }
0x89: {  	[sflag:s19] =	ssyncset.done $0x0  }
0x8a: {  	[sflag:s19] =	ssyncadd.s32 $0xFFFFFF80  }
0x8b: {  	_ =	swait.ge [sflag:s19], $0x80  }
0x8c: {  	[sflag:s19] =	ssyncset.done $0x0  }
0x8d: {  	[sflag:s19] =	ssyncadd.s32 $0xFFFFFF80  }
0x8e: {  	_ =	swait.ge [sflag:s19], $0x80  }
0x8f: {  	[sflag:s19] =	ssyncset.done $0x0  }
0x90: {  	[sflag:s19] =	ssyncadd.s32 $0xFFFFFF80  }
0x91: {  	_ =	swait.ge [sflag:s19], $0x80  }
0x92: {  	[sflag:s19] =	ssyncset.done $0x0  }
0x93: {  	[sflag:s19] =	ssyncadd.s32 $0xFFFFFF80  }
0x94: {  	_ =	swait.ge [sflag:s19], $0x80  }
0x95: {  	[sflag:s19] =	ssyncset.done $0x0  }
0x96: {  	[sflag:s19] =	ssyncadd.s32 $0xFFFFFF80  }
0x97: {  	_ =	swait.ge [sflag:s19], $0x80  }
0x98: {  	[sflag:s19] =	ssyncset.done $0x0  }
0x99: {  	[sflag:s19] =	ssyncadd.s32 $0xFFFFFF80  }
0x9a: {  	_ =	swait.ge [sflag:s19], $0x80  }
0x9b: {  	[sflag:s19] =	ssyncset.done $0x0  }
0x9c: {  	[sflag:s19] =	ssyncadd.s32 $0xFFFFFF80  }
0x9d: {  	_ =	swait.ge [sflag:s19], $0x80  }
0x9e: {  	[sflag:s19] =	ssyncset.done $0x0  }
0x9f: {  	[sflag:s19] =	ssyncadd.s32 $0xFFFFFF80  }
0xa0: {  	[bflag:$0x0] =	sbarrier.arrive $0xFFFF  }
0xa1: {  	[tilespmem:s16], [sflag:$0x2] =	stream.linear.gather [spmem:s7], $0x278, $0x38;
	[tilespmem:$0x57F0] =	vst v63  }
0xa2: {  	_ =	swait.ge [sflag:s15], $0x278  }
0xa3: {  	[sflag:s15] =	ssyncset.done $0x0  }
0xa4: {  	[sflag:s15] =	ssyncadd.s32 $0xFFFFFD88  }
0xa5: {  	[hbm4b:s12+s4] =	stream.linear.scatter [tilespmem:s16], [sflag:$0x2], $0x278, $0x38;
	[tilespmem:$0x57F0] =	vst v63  }
0xa6: {  	_ =	swait.ge [sflag:s15], $0x278  }
0xa7: {  	[sflag:s15] =	ssyncset.done $0x0  }
0xa8: {  	[sflag:s15] =	ssyncadd.s32 $0xFFFFFD88  }
0xa9: {  	[tilespmem:s16], [sflag:$0x2] =	stream.linear.gather [spmem:s8], $0x278, $0x38;
	[tilespmem:$0x57F0] =	vst v63  }
0xaa: {  	s20 =	sadd.s32 $0x1, s20;
	_ =	swait.ge [sflag:s15], $0x278  }
0xab: {  	p0 =	sne.s32 s20, s11;
	[sflag:s15] =	ssyncset.done $0x0  }
.Ltmp1:
0xac: {  	[sflag:s15] =	ssyncadd.s32 $0xFFFFFD88;
	(pc) =	sbr.rel @p0 .LBB2_1-.Ltmp1, $4  }
0xad: {  	[hbm4b:s13+s4] =	stream.linear.scatter [tilespmem:s16], [sflag:$0x2], $0x278, $0x38;
	[tilespmem:$0x57F0] =	vst v63  }
0xae: {  	_ =	swait.ge [sflag:s15], $0x278  }
0xaf: {  	[sflag:s15] =	ssyncset.done $0x0  }
0xb0: {  	[sflag:s15] =	ssyncadd.s32 $0xFFFFFD88  }
0xb1: {  	_ =	sfence.sel $0x180000  }
0xb2: {  	[bflag:$0x0] =	sbarrier.arrive $0xFFFF  }
0xb3: {  	p0 =	sne.s32 s0, $0x0;
	_ =	strace $0x90000047  }
0xb4: {  	s0 =	sadd.s32 @!p0 $0x100000, s1;
	[bflag:$0x2] =	sbarrier.arrive $0xFFFF  }
0xb5: {  	[sflag:s0] =	ssyncadd.tile.s32 @!p0 $0x1;
	_ =	shalt  }
.Lfunc_end2:
_tile_overlayer_lowered:
.L_overlay_start_2:
0xb6: {  	(tag) =	ssettag $0x2  }
0xb7: {  	s0 =	rddreg [dreg:$0x0];
	s2 =	stileid.u32  }
0xb8: {  	s1 =	rddreg [dreg:$0x1];
	p0 =	sne.s32 s2, $0x0  }
0xb9: {  	s3 =	rddreg [dreg:$0x2];
	[bflag:$0x3] =	sbarrier.arrive $0xFFFF;
	s2 =	simm.s32 @!p0 $0x1C02  }
0xba: {  	[timem:s3], [sflag:s2] =	dma.local @!p0 [hbm:s0], s1  }
0xbb: {  	s0 =	simm.s32 @!p0 $0x2  }
0xbc: {  	_ =	swait.ge @!p0 [sflag:s0], s1  }
0xbd: {  	s1 =	ssub.s32 @!p0 $0x0, s1;
	[sflag:s0] =	ssyncset.done @!p0 $0x0  }
0xbe: {  	[sflag:s0] =	ssyncadd.s32 @!p0 s1  }
0xbf: {  	[bflag:$0x3] =	sbarrier.arrive $0xFFFF  }
0xc0: {  	_ =	shalt  }

</sc_bundles>
